<compile_context>
chip_gen: v7x
topology: tpu7x:2x2x1
jax: 0.10.2.dev20260603
libtpu: 0.0.44.dev20260713+nightly
codegen_flags: <defaults>
</compile_context>

<pallas_src>
import functools

import jax
import jax.numpy as jnp
from jax import lax
from jax.experimental import pallas as pl
from jax.experimental.pallas import tpu as pltpu
from jax.experimental.pallas import tpu_sc as plsc


def _rdot(a, b):
    return lax.dot_general(a.astype(jnp.bfloat16), b.astype(jnp.bfloat16),
                           (((1,), (0,)), ((), ())),
                           preferred_element_type=jnp.float32)


def _bdot(a, b):
    return lax.dot_general(a.astype(jnp.bfloat16), b.astype(jnp.bfloat16),
                           (((0,), (0,)), ((), ())),
                           preferred_element_type=jnp.float32)


def _fe_body(nblocks, pts_ref, w_in_ref, b_in_ref, w_blk_ref, b_blk_ref,
             feats_ref, gmax_ref, psq_ref):
    j = pl.program_id(1)
    x = pts_ref[0]
    psq_ref[0] = jnp.sum(x * x, axis=1, keepdims=True)
    f = jnp.maximum(_rdot(x, w_in_ref[...]) + b_in_ref[...], 0.0)
    fs = [f]
    for i in range(nblocks):
        f = jnp.maximum(_rdot(f, w_blk_ref[i]) + b_blk_ref[i], 0.0)
        fs.append(f)
    feats_ref[0] = jnp.concatenate(fs, axis=1)
    m = jnp.max(f, axis=0, keepdims=True)

    @pl.when(j == 0)
    def _():
        gmax_ref[0] = m

    @pl.when(j != 0)
    def _():
        gmax_ref[0] = jnp.maximum(gmax_ref[0], m)


def _knn_body(n, k, pts_ref, q_ref, psq_ref, gi_ref, ws_ref):
    b = pl.program_id(0)
    p = pts_ref[0]
    q = q_ref[0]
    psq = psq_ref[0]
    qsq = jnp.sum(q * q, axis=0, keepdims=True)
    pq = _bdot(p, q)
    d2 = (qsq - 2.0 * pq) + psq
    iota = lax.broadcasted_iota(jnp.int32, d2.shape, 0)

    rows = []
    vals = []
    for _ in range(k):
        v = jnp.min(d2, axis=0, keepdims=True)
        m = d2 == v
        i = jnp.min(jnp.where(m, iota, n), axis=0, keepdims=True)
        d2 = jnp.where(m, jnp.inf, d2)
        rows.append(i)
        vals.append(v)

    ws = [1.0 / (jnp.maximum(v, 0.0) + 1e-8) for v in vals]
    wsum = ws[0] + ws[1] + ws[2]
    ws = [w / wsum for w in ws]
    gi = jnp.concatenate(rows, axis=0) + b * n
    gi_ref[...] = gi[:, None, None, :]
    ws_ref[...] = jnp.concatenate(ws, axis=0)[:, None, None, :]


def _sc_interp_body(qpw, ch, d, table_ref, gi_ref, ws_ref, out_ref,
                    i0, i1, i2, w0, w1, w2,
                    ra0, ra1, ra2, rb0, rb1, rb2,
                    ob, sema, semb):
    wid = lax.axis_index("s") * 2 + lax.axis_index("c")
    nq = qpw * 32
    half = qpw // 2
    nch = half // ch
    ii = [i0, i1, i2]
    ww = [w0, w1, w2]
    rra, rrb = [ra0, ra1, ra2], [rb0, rb1, rb2]

    for h in range(2):
        hb = wid * qpw + h * half
        for kk in range(3):
            pltpu.sync_copy(gi_ref.at[pl.ds(kk * nq + hb, half)], ii[kk])
            pltpu.sync_copy(ws_ref.at[pl.ds(kk * nq + hb, half)], ww[kk])

        def fetch(ci, rr, sem):
            qo = ci * ch
            for kk in range(3):
                pltpu.async_copy(table_ref.at[ii[kk].at[pl.ds(qo, ch)]],
                                 rr[kk], sem)

        def drain(ci, rr, sem):
            qo = ci * ch
            for kk in range(3):
                pltpu.make_async_copy(
                    table_ref.at[ii[kk].at[pl.ds(qo, ch)]],
                    rr[kk], sem).wait()

        def compute(ci, rr, hb=hb):
            qo = ci * ch
            r0, r1, r2 = rr

            def per_query(qi, carry2):
                a0 = w0[qo + qi, :]
                a1 = w1[qo + qi, :]
                a2 = w2[qo + qi, :]
                for v in range(d // 16):
                    sl = pl.ds(v * 16, 16)
                    acc = (r0[qi, sl] * a0 + r1[qi, sl] * a1
                           + r2[qi, sl] * a2)
                    ob[qi, sl] = acc
                return carry2

            lax.fori_loop(0, ch, per_query, 0)
            pltpu.sync_copy(ob, out_ref.at[pl.ds(hb + qo, ch)])

        fetch(0, rra, sema)

        def outer(g, carry, fetch=fetch, drain=drain, compute=compute):
            c0 = 2 * g
            c1 = 2 * g + 1
            fetch(c1, rrb, semb)
            drain(c0, rra, sema)
            compute(c0, rra)

            @pl.when(g < nch // 2 - 1)
            def _():
                fetch(c0 + 2, rra, sema)

            drain(c1, rrb, semb)
            compute(c1, rrb)
            return carry

        lax.fori_loop(0, nch // 2, outer, 0)


def _reg_body(interp_ref, q_ref, gmax_ref, wr1q_ref, wr1l_ref, wr1g_ref,
              wr2_ref, wr3_ref, br1_ref, br2_ref, br3_ref, out_ref):
    interp = interp_ref[...]
    h1 = (_rdot(interp, wr1l_ref[...])
          + _rdot(q_ref[0], wr1q_ref[...])
          + _rdot(gmax_ref[0], wr1g_ref[...])
          + br1_ref[...])
    h1 = jnp.maximum(h1, 0.0)
    h2 = jnp.maximum(_rdot(h1, wr2_ref[...]) + br2_ref[...], 0.0)
    h2b = h2.astype(jnp.bfloat16).astype(jnp.float32)
    w3 = wr3_ref[...].astype(jnp.bfloat16).astype(jnp.float32)
    out_ref[...] = (jnp.sum(h2b * w3, axis=1, keepdims=True)
                    + br3_ref[...])


def _full(shape):
    nd = len(shape)
    return pl.BlockSpec(shape, lambda *_: (0,) * nd)


@jax.jit
def kernel(original_pts, query_pts, W_in, b_in, W_blk, b_blk,
           Wr1, br1, Wr2, br2, Wr3, br3):
    B, _, N = original_pts.shape
    M = query_pts.shape[2]
    C = W_in.shape[1]
    BN = W_blk.shape[0]
    H = Wr1.shape[1]
    K = 3
    C4 = (BN + 1) * C

    NB = 1024
    MB = 2048
    MB3 = 512
    NW = 32
    CH = 8
    QPW = (B * M) // NW

    pts_t = original_pts.transpose(0, 2, 1)

    feats, gmax, psq = pl.pallas_call(
        functools.partial(_fe_body, BN),
        grid=(B, N // NB),
        in_specs=[
            pl.BlockSpec((1, NB, 3), lambda b, j: (b, j, 0)),
            _full((3, C)),
            _full((1, C)),
            _full((BN, C, C)),
            _full((BN, 1, C)),
        ],
        out_specs=[
            pl.BlockSpec((1, NB, C4), lambda b, j: (b, j, 0)),
            pl.BlockSpec((1, 1, C), lambda b, j: (b, 0, 0)),
            pl.BlockSpec((1, NB, 1), lambda b, j: (b, j, 0)),
        ],
        out_shape=[
            jax.ShapeDtypeStruct((B, N, C4), jnp.float32),
            jax.ShapeDtypeStruct((B, 1, C), jnp.float32),
            jax.ShapeDtypeStruct((B, N, 1), jnp.float32),
        ],
    )(pts_t, W_in, b_in.reshape(1, C), W_blk, b_blk.reshape(BN, 1, C))

    gi4, ws4 = pl.pallas_call(
        functools.partial(_knn_body, N, K),
        grid=(B, M // MB),
        in_specs=[
            pl.BlockSpec((1, 3, N), lambda b, j: (b, 0, 0)),
            pl.BlockSpec((1, 3, MB), lambda b, j: (b, 0, j)),
            pl.BlockSpec((1, N, 1), lambda b, j: (b, 0, 0)),
        ],
        out_specs=[
            pl.BlockSpec((K, 1, 1, MB), lambda b, j: (0, b, 0, j)),
            pl.BlockSpec((K, 1, 1, MB), lambda b, j: (0, b, 0, j)),
        ],
        out_shape=[
            jax.ShapeDtypeStruct((K, B, 1, M), jnp.int32),
            jax.ShapeDtypeStruct((K, B, 1, M), jnp.float32),
        ],
    )(original_pts, query_pts, psq)

    feats_flat = feats.reshape(B * N, C4)
    gi_flat = gi4.reshape(K * B * M)
    ws_exp = jnp.broadcast_to(ws4.reshape(K * B * M)[:, None],
                              (K * B * M, 16))

    mesh = plsc.VectorSubcoreMesh(core_axis_name="c", subcore_axis_name="s")
    sc_interp = functools.partial(
        pl.kernel,
        mesh=mesh,
        out_type=jax.ShapeDtypeStruct((B * M, C4), jnp.float32),
        scratch_types=(
            [pltpu.VMEM((QPW // 2,), jnp.int32)] * 3
            + [pltpu.VMEM((QPW // 2, 16), jnp.float32)] * 3
            + [pltpu.VMEM((CH, C4), jnp.float32)] * 7
            + [pltpu.SemaphoreType.DMA, pltpu.SemaphoreType.DMA]
        ),
    )(functools.partial(_sc_interp_body, QPW, CH, C4))
    interp = sc_interp(feats_flat, gi_flat, ws_exp)

    q_t = query_pts.transpose(0, 2, 1)
    Wr1q = Wr1[:3]
    Wr1l = Wr1[3:3 + C4]
    Wr1g = Wr1[3 + C4:]
    jb = M // MB3

    out = pl.pallas_call(
        _reg_body,
        grid=(B, jb),
        in_specs=[
            pl.BlockSpec((MB3, C4), lambda b, j: (b * jb + j, 0)),
            pl.BlockSpec((1, MB3, 3), lambda b, j: (b, j, 0)),
            pl.BlockSpec((1, 1, C), lambda b, j: (b, 0, 0)),
            _full((3, H)),
            _full((C4, H)),
            _full((C, H)),
            _full((H, H)),
            _full((1, H)),
            _full((1, H)),
            _full((1, H)),
            _full((1, 1)),
        ],
        out_specs=pl.BlockSpec((MB3, 1), lambda b, j: (b * jb + j, 0)),
        out_shape=jax.ShapeDtypeStruct((B * M, 1), jnp.float32),
    )(interp, q_t, gmax, Wr1q, Wr1l, Wr1g, Wr2,
      Wr3.reshape(1, H), br1.reshape(1, H), br2.reshape(1, H),
      br3.reshape(1, 1))

    return out.reshape(B, 1, M)

# --- scband reference (transcript-rebuilt; emitter-appended) ---
"""Pipeline reference for scband-p2-pnet-17781164606027 (READ-ONLY COPY).

The authoritative reference and input builder live on the scoring server;
editing this copy changes nothing except your own understanding.
"""

import jax, jax.numpy as jnp
import numpy as np

B, N, M, C = 4, 4096, 4096, 128
BLOCK_NUM = 3
H = 256
K = 3
C_IN = 3 + (BLOCK_NUM + 1) * C + C


def setup_inputs(seed: int = 0):
    key = jax.random.key(seed)
    ks = [jax.random.fold_in(key, i) for i in range(12)]
    s = lambda k, shape, scale: jax.random.normal(k, shape, dtype=jnp.float32) * scale
    return {
        "original_pts": jax.random.normal(ks[0], (B, 3, N), dtype=jnp.float32),
        "query_pts": jax.random.normal(ks[1], (B, 3, M), dtype=jnp.float32),
        "W_in": s(ks[2], (3, C), 0.5),
        "b_in": jnp.zeros((C,), jnp.float32),
        "W_blk": s(ks[3], (BLOCK_NUM, C, C), 0.08),
        "b_blk": jnp.zeros((BLOCK_NUM, C), jnp.float32),
        "Wr1": s(ks[4], (C_IN, H), 0.05),
        "br1": jnp.zeros((H,), jnp.float32),
        "Wr2": s(ks[5], (H, H), 0.08),
        "br2": jnp.zeros((H,), jnp.float32),
        "Wr3": s(ks[6], (H, 1), 0.08),
        "br3": jnp.zeros((1,), jnp.float32),
    }


def _forward(original_pts, query_pts, W_in, b_in, W_blk, b_blk, Wr1, br1, Wr2, br2, Wr3, br3):
    # FeatureExtractor: pointwise MLP blocks over original points
    x = original_pts.transpose(0, 2, 1)  # (B, N, 3)
    f = jax.nn.relu(x @ W_in + b_in)     # (B, N, C)
    feats = [f]
    for i in range(BLOCK_NUM):
        f = jax.nn.relu(f @ W_blk[i] + b_blk[i])
        feats.append(f)
    global_feats = jnp.max(f, axis=1)    # (B, C)  max-pool over points

    # kNN retrieval: squared distances from each query to all original points
    q = query_pts.transpose(0, 2, 1)     # (B, M, 3)
    p = original_pts.transpose(0, 2, 1)  # (B, N, 3)
    d2 = (jnp.sum(q * q, axis=-1, keepdims=True)
          - 2.0 * (q @ p.transpose(0, 2, 1))
          + jnp.sum(p * p, axis=-1)[:, None, :])  # (B, M, N)
    neg_vals, idx = jax.lax.top_k(-d2, K)          # (B, M, K)
    knn_d2 = jnp.maximum(-neg_vals, 0.0)
    w = 1.0 / (knn_d2 + 1e-8)
    w = w / jnp.sum(w, axis=-1, keepdims=True)     # inverse-distance weights

    # WeightLayer per feature level: gather kNN feats and interpolate
    idx_flat = idx.reshape(B, M * K)
    interp = []
    for ft in feats:
        g = jnp.take_along_axis(ft, idx_flat[:, :, None], axis=1)  # (B, M*K, C)
        g = g.reshape(B, M, K, C)
        interp.append(jnp.sum(g * w[..., None], axis=2))           # (B, M, C)
    agg_local = jnp.concatenate(interp, axis=-1)                   # (B, M, (BLOCK_NUM+1)*C)

    gfeat = jnp.broadcast_to(global_feats[:, None, :], (B, M, C))
    agg = jnp.concatenate([q, agg_local, gfeat], axis=-1)          # (B, M, C_IN)

    # P2PRegressor MLP
    h = jax.nn.relu(agg @ Wr1 + br1)
    h = jax.nn.relu(h @ Wr2 + br2)
    p2p = h @ Wr3 + br3                                            # (B, M, 1)
    return p2p.transpose(0, 2, 1)                                  # (B, 1, M)


def reference(original_pts, query_pts, W_in, b_in, W_blk, b_blk, Wr1, br1, Wr2, br2, Wr3, br3):
    return _forward(original_pts, query_pts, W_in, b_in, W_blk, b_blk, Wr1, br1, Wr2, br2, Wr3, br3)

if __name__ == "__main__":
    import jax
    _d = setup_inputs()
    print(jax.jit(kernel)(*tuple(_d.values())))

</pallas_src>

<mosaic_0001>
#map = affine_map<(d0, d1) -> (0, 0)>
#map1 = affine_map<(d0, d1) -> (0)>
module attributes {stable_mosaic.version = 14 : i64} {
  func.func @_sc_interp_body(%arg0: i32, %arg1: i32, %arg2: memref<16384x512xf32, #tpu.memory_space<hbm>>, %arg3: memref<49152xi32, #tpu.memory_space<hbm>>, %arg4: memref<49152x16xf32, #tpu.memory_space<hbm>>, %arg5: memref<16384x512xf32, #tpu.memory_space<hbm>>, %arg6: memref<256xi32, #tpu.memory_space<vmem>>, %arg7: memref<256xi32, #tpu.memory_space<vmem>>, %arg8: memref<256xi32, #tpu.memory_space<vmem>>, %arg9: memref<256x16xf32, #tpu.memory_space<vmem>>, %arg10: memref<256x16xf32, #tpu.memory_space<vmem>>, %arg11: memref<256x16xf32, #tpu.memory_space<vmem>>, %arg12: memref<8x512xf32, #tpu.memory_space<vmem>>, %arg13: memref<8x512xf32, #tpu.memory_space<vmem>>, %arg14: memref<8x512xf32, #tpu.memory_space<vmem>>, %arg15: memref<8x512xf32, #tpu.memory_space<vmem>>, %arg16: memref<8x512xf32, #tpu.memory_space<vmem>>, %arg17: memref<8x512xf32, #tpu.memory_space<vmem>>, %arg18: memref<8x512xf32, #tpu.memory_space<vmem>>, %arg19: memref<!tpu.dma_semaphore, #tpu.memory_space<semaphore_mem>>, %arg20: memref<!tpu.dma_semaphore, #tpu.memory_space<semaphore_mem>>) attributes {dimension_semantics = [#tpu.dimension_semantics<core_parallel>, #tpu.dimension_semantics<subcore_parallel>], iteration_bounds = array<i64: 2, 16>, scalar_prefetch = 0 : i64, scratch_operands = 15 : i64, tpu.core_type = #tpu.core_type<sc_vector_subcore>, window_params = [{transform_indices = #map}, {transform_indices = #map1}, {transform_indices = #map}, {transform_indices = #map}]} {
    %mul3A = arith.constant 2 : i32
    %mul3A_0 = arith.muli %arg1, %mul3A : i32
    %add3A = arith.addi %mul3A_0, %arg0 : i32
    %mul3A_1 = arith.constant 512 : i32
    %mul3A_2 = arith.muli %add3A, %mul3A_1 : i32
    %add3A_3 = arith.constant 0 : i32
    %add3A_4 = arith.addi %mul3A_2, %add3A_3 : i32
    %add3A_5 = arith.constant 0 : i32
    %add3A_6 = arith.addi %add3A_5, %add3A_4 : i32
    "tpu.region"() ({
      %run_scoped3A = tpu.sem_alloc : memref<!tpu.dma_semaphore, #tpu.memory_space<semaphore_mem>>
      %dma_start3A_73 = tpu.memref_slice %arg3[%add3A_6] : memref<49152xi32, #tpu.memory_space<hbm>> -> memref<256xi32, #tpu.memory_space<hbm>>
      %dma_start3A_74 = tpu.memref_slice %arg3[%add3A_6] : memref<49152xi32, #tpu.memory_space<hbm>> -> memref<256xi32, #tpu.memory_space<hbm>>
      tpu.enqueue_dma source(%dma_start3A_74 : memref<256xi32, #tpu.memory_space<hbm>>) target(%arg6 : memref<256xi32, #tpu.memory_space<vmem>>) target_semaphore(%run_scoped3A : memref<!tpu.dma_semaphore, #tpu.memory_space<semaphore_mem>>)
      %dma_wait3A = tpu.memref_slice %arg3[%add3A_6] : memref<49152xi32, #tpu.memory_space<hbm>> -> memref<256xi32, #tpu.memory_space<hbm>>
      %dma_wait3A_75 = tpu.memref_slice %arg3[%add3A_6] : memref<49152xi32, #tpu.memory_space<hbm>> -> memref<256xi32, #tpu.memory_space<hbm>>
      tpu.wait_dma2 semaphore(%run_scoped3A : memref<!tpu.dma_semaphore, #tpu.memory_space<semaphore_mem>>) src(%dma_wait3A_75 : memref<256xi32, #tpu.memory_space<hbm>>) dst(%arg6 : memref<256xi32, #tpu.memory_space<vmem>>)
      tpu.yield
    }) : () -> ()
    %add3A_7 = arith.constant 0 : i32
    %add3A_8 = arith.addi %add3A_7, %add3A_4 : i32
    "tpu.region"() ({
      %run_scoped3A = tpu.sem_alloc : memref<!tpu.dma_semaphore, #tpu.memory_space<semaphore_mem>>
      %dma_start3A_73 = arith.constant 0 : i32
      %dma_start3A_74 = tpu.memref_slice %arg4[%add3A_8, %dma_start3A_73] : memref<49152x16xf32, #tpu.memory_space<hbm>> -> memref<256x16xf32, #tpu.memory_space<hbm>>
      %dma_start3A_75 = arith.constant 0 : i32
      %dma_start3A_76 = tpu.memref_slice %arg4[%add3A_8, %dma_start3A_75] : memref<49152x16xf32, #tpu.memory_space<hbm>> -> memref<256x16xf32, #tpu.memory_space<hbm>>
      tpu.enqueue_dma source(%dma_start3A_76 : memref<256x16xf32, #tpu.memory_space<hbm>>) target(%arg9 : memref<256x16xf32, #tpu.memory_space<vmem>>) target_semaphore(%run_scoped3A : memref<!tpu.dma_semaphore, #tpu.memory_space<semaphore_mem>>)
      %dma_wait3A = arith.constant 0 : i32
      %dma_wait3A_77 = tpu.memref_slice %arg4[%add3A_8, %dma_wait3A] : memref<49152x16xf32, #tpu.memory_space<hbm>> -> memref<256x16xf32, #tpu.memory_space<hbm>>
      %dma_wait3A_78 = arith.constant 0 : i32
      %dma_wait3A_79 = tpu.memref_slice %arg4[%add3A_8, %dma_wait3A_78] : memref<49152x16xf32, #tpu.memory_space<hbm>> -> memref<256x16xf32, #tpu.memory_space<hbm>>
      tpu.wait_dma2 semaphore(%run_scoped3A : memref<!tpu.dma_semaphore, #tpu.memory_space<semaphore_mem>>) src(%dma_wait3A_79 : memref<256x16xf32, #tpu.memory_space<hbm>>) dst(%arg9 : memref<256x16xf32, #tpu.memory_space<vmem>>)
      tpu.yield
    }) : () -> ()
    %add3A_9 = arith.constant 16384 : i32
    %add3A_10 = arith.addi %add3A_9, %add3A_4 : i32
    "tpu.region"() ({
      %run_scoped3A = tpu.sem_alloc : memref<!tpu.dma_semaphore, #tpu.memory_space<semaphore_mem>>
      %dma_start3A_73 = tpu.memref_slice %arg3[%add3A_10] : memref<49152xi32, #tpu.memory_space<hbm>> -> memref<256xi32, #tpu.memory_space<hbm>>
      %dma_start3A_74 = tpu.memref_slice %arg3[%add3A_10] : memref<49152xi32, #tpu.memory_space<hbm>> -> memref<256xi32, #tpu.memory_space<hbm>>
      tpu.enqueue_dma source(%dma_start3A_74 : memref<256xi32, #tpu.memory_space<hbm>>) target(%arg7 : memref<256xi32, #tpu.memory_space<vmem>>) target_semaphore(%run_scoped3A : memref<!tpu.dma_semaphore, #tpu.memory_space<semaphore_mem>>)
      %dma_wait3A = tpu.memref_slice %arg3[%add3A_10] : memref<49152xi32, #tpu.memory_space<hbm>> -> memref<256xi32, #tpu.memory_space<hbm>>
      %dma_wait3A_75 = tpu.memref_slice %arg3[%add3A_10] : memref<49152xi32, #tpu.memory_space<hbm>> -> memref<256xi32, #tpu.memory_space<hbm>>
      tpu.wait_dma2 semaphore(%run_scoped3A : memref<!tpu.dma_semaphore, #tpu.memory_space<semaphore_mem>>) src(%dma_wait3A_75 : memref<256xi32, #tpu.memory_space<hbm>>) dst(%arg7 : memref<256xi32, #tpu.memory_space<vmem>>)
      tpu.yield
    }) : () -> ()
    %add3A_11 = arith.constant 16384 : i32
    %add3A_12 = arith.addi %add3A_11, %add3A_4 : i32
    "tpu.region"() ({
      %run_scoped3A = tpu.sem_alloc : memref<!tpu.dma_semaphore, #tpu.memory_space<semaphore_mem>>
      %dma_start3A_73 = arith.constant 0 : i32
      %dma_start3A_74 = tpu.memref_slice %arg4[%add3A_12, %dma_start3A_73] : memref<49152x16xf32, #tpu.memory_space<hbm>> -> memref<256x16xf32, #tpu.memory_space<hbm>>
      %dma_start3A_75 = arith.constant 0 : i32
      %dma_start3A_76 = tpu.memref_slice %arg4[%add3A_12, %dma_start3A_75] : memref<49152x16xf32, #tpu.memory_space<hbm>> -> memref<256x16xf32, #tpu.memory_space<hbm>>
      tpu.enqueue_dma source(%dma_start3A_76 : memref<256x16xf32, #tpu.memory_space<hbm>>) target(%arg10 : memref<256x16xf32, #tpu.memory_space<vmem>>) target_semaphore(%run_scoped3A : memref<!tpu.dma_semaphore, #tpu.memory_space<semaphore_mem>>)
      %dma_wait3A = arith.constant 0 : i32
      %dma_wait3A_77 = tpu.memref_slice %arg4[%add3A_12, %dma_wait3A] : memref<49152x16xf32, #tpu.memory_space<hbm>> -> memref<256x16xf32, #tpu.memory_space<hbm>>
      %dma_wait3A_78 = arith.constant 0 : i32
      %dma_wait3A_79 = tpu.memref_slice %arg4[%add3A_12, %dma_wait3A_78] : memref<49152x16xf32, #tpu.memory_space<hbm>> -> memref<256x16xf32, #tpu.memory_space<hbm>>
      tpu.wait_dma2 semaphore(%run_scoped3A : memref<!tpu.dma_semaphore, #tpu.memory_space<semaphore_mem>>) src(%dma_wait3A_79 : memref<256x16xf32, #tpu.memory_space<hbm>>) dst(%arg10 : memref<256x16xf32, #tpu.memory_space<vmem>>)
      tpu.yield
    }) : () -> ()
    %add3A_13 = arith.constant 32768 : i32
    %add3A_14 = arith.addi %add3A_13, %add3A_4 : i32
    "tpu.region"() ({
      %run_scoped3A = tpu.sem_alloc : memref<!tpu.dma_semaphore, #tpu.memory_space<semaphore_mem>>
      %dma_start3A_73 = tpu.memref_slice %arg3[%add3A_14] : memref<49152xi32, #tpu.memory_space<hbm>> -> memref<256xi32, #tpu.memory_space<hbm>>
      %dma_start3A_74 = tpu.memref_slice %arg3[%add3A_14] : memref<49152xi32, #tpu.memory_space<hbm>> -> memref<256xi32, #tpu.memory_space<hbm>>
      tpu.enqueue_dma source(%dma_start3A_74 : memref<256xi32, #tpu.memory_space<hbm>>) target(%arg8 : memref<256xi32, #tpu.memory_space<vmem>>) target_semaphore(%run_scoped3A : memref<!tpu.dma_semaphore, #tpu.memory_space<semaphore_mem>>)
      %dma_wait3A = tpu.memref_slice %arg3[%add3A_14] : memref<49152xi32, #tpu.memory_space<hbm>> -> memref<256xi32, #tpu.memory_space<hbm>>
      %dma_wait3A_75 = tpu.memref_slice %arg3[%add3A_14] : memref<49152xi32, #tpu.memory_space<hbm>> -> memref<256xi32, #tpu.memory_space<hbm>>
      tpu.wait_dma2 semaphore(%run_scoped3A : memref<!tpu.dma_semaphore, #tpu.memory_space<semaphore_mem>>) src(%dma_wait3A_75 : memref<256xi32, #tpu.memory_space<hbm>>) dst(%arg8 : memref<256xi32, #tpu.memory_space<vmem>>)
      tpu.yield
    }) : () -> ()
    %add3A_15 = arith.constant 32768 : i32
    %add3A_16 = arith.addi %add3A_15, %add3A_4 : i32
    "tpu.region"() ({
      %run_scoped3A = tpu.sem_alloc : memref<!tpu.dma_semaphore, #tpu.memory_space<semaphore_mem>>
      %dma_start3A_73 = arith.constant 0 : i32
      %dma_start3A_74 = tpu.memref_slice %arg4[%add3A_16, %dma_start3A_73] : memref<49152x16xf32, #tpu.memory_space<hbm>> -> memref<256x16xf32, #tpu.memory_space<hbm>>
      %dma_start3A_75 = arith.constant 0 : i32
      %dma_start3A_76 = tpu.memref_slice %arg4[%add3A_16, %dma_start3A_75] : memref<49152x16xf32, #tpu.memory_space<hbm>> -> memref<256x16xf32, #tpu.memory_space<hbm>>
      tpu.enqueue_dma source(%dma_start3A_76 : memref<256x16xf32, #tpu.memory_space<hbm>>) target(%arg11 : memref<256x16xf32, #tpu.memory_space<vmem>>) target_semaphore(%run_scoped3A : memref<!tpu.dma_semaphore, #tpu.memory_space<semaphore_mem>>)
      %dma_wait3A = arith.constant 0 : i32
      %dma_wait3A_77 = tpu.memref_slice %arg4[%add3A_16, %dma_wait3A] : memref<49152x16xf32, #tpu.memory_space<hbm>> -> memref<256x16xf32, #tpu.memory_space<hbm>>
      %dma_wait3A_78 = arith.constant 0 : i32
      %dma_wait3A_79 = tpu.memref_slice %arg4[%add3A_16, %dma_wait3A_78] : memref<49152x16xf32, #tpu.memory_space<hbm>> -> memref<256x16xf32, #tpu.memory_space<hbm>>
      tpu.wait_dma2 semaphore(%run_scoped3A : memref<!tpu.dma_semaphore, #tpu.memory_space<semaphore_mem>>) src(%dma_wait3A_79 : memref<256x16xf32, #tpu.memory_space<hbm>>) dst(%arg11 : memref<256x16xf32, #tpu.memory_space<vmem>>)
      tpu.yield
    }) : () -> ()
    %dma_start3A = arith.constant 0 : i32
    %dma_start3A_17 = tpu.memref_slice %arg6[%dma_start3A] : memref<256xi32, #tpu.memory_space<vmem>> -> memref<8xi32, #tpu.memory_space<vmem>>
    %dma_start3A_18 = arith.constant 0 : i32
    %dma_start3A_19 = arith.constant 0 : i32
    %dma_start3A_20 = tpu.memref_slice %arg2[%dma_start3A_18, %dma_start3A_19] : memref<16384x512xf32, #tpu.memory_space<hbm>> -> memref<16384x512xf32, #tpu.memory_space<hbm>>
    tpu.enqueue_indirect_dma source(%dma_start3A_20 : memref<16384x512xf32, #tpu.memory_space<hbm>>) target(%arg12 : memref<8x512xf32, #tpu.memory_space<vmem>>) offsets(%dma_start3A_17 : memref<8xi32, #tpu.memory_space<vmem>>) semaphore(%arg19 : memref<!tpu.dma_semaphore, #tpu.memory_space<semaphore_mem>>)
    %dma_start3A_21 = arith.constant 0 : i32
    %dma_start3A_22 = tpu.memref_slice %arg7[%dma_start3A_21] : memref<256xi32, #tpu.memory_space<vmem>> -> memref<8xi32, #tpu.memory_space<vmem>>
    %dma_start3A_23 = arith.constant 0 : i32
    %dma_start3A_24 = arith.constant 0 : i32
    %dma_start3A_25 = tpu.memref_slice %arg2[%dma_start3A_23, %dma_start3A_24] : memref<16384x512xf32, #tpu.memory_space<hbm>> -> memref<16384x512xf32, #tpu.memory_space<hbm>>
    tpu.enqueue_indirect_dma source(%dma_start3A_25 : memref<16384x512xf32, #tpu.memory_space<hbm>>) target(%arg13 : memref<8x512xf32, #tpu.memory_space<vmem>>) offsets(%dma_start3A_22 : memref<8xi32, #tpu.memory_space<vmem>>) semaphore(%arg19 : memref<!tpu.dma_semaphore, #tpu.memory_space<semaphore_mem>>)
    %dma_start3A_26 = arith.constant 0 : i32
    %dma_start3A_27 = tpu.memref_slice %arg8[%dma_start3A_26] : memref<256xi32, #tpu.memory_space<vmem>> -> memref<8xi32, #tpu.memory_space<vmem>>
    %dma_start3A_28 = arith.constant 0 : i32
    %dma_start3A_29 = arith.constant 0 : i32
    %dma_start3A_30 = tpu.memref_slice %arg2[%dma_start3A_28, %dma_start3A_29] : memref<16384x512xf32, #tpu.memory_space<hbm>> -> memref<16384x512xf32, #tpu.memory_space<hbm>>
    tpu.enqueue_indirect_dma source(%dma_start3A_30 : memref<16384x512xf32, #tpu.memory_space<hbm>>) target(%arg14 : memref<8x512xf32, #tpu.memory_space<vmem>>) offsets(%dma_start3A_27 : memref<8xi32, #tpu.memory_space<vmem>>) semaphore(%arg19 : memref<!tpu.dma_semaphore, #tpu.memory_space<semaphore_mem>>)
    %scan3A = arith.constant 0 : i32
    %scan3A_31 = arith.constant 0 : i32
    %scan3A_32 = arith.constant 16 : i32
    %scan3A_33 = arith.addi %scan3A_31, %scan3A_32 : i32
    %scan3A_34 = arith.constant 1 : i32
    scf.for %scan3A_73 = %scan3A_31 to %scan3A_33 step %scan3A_34  : i32 {
      %mul3A_74 = arith.constant 2 : i32
      %mul3A_75 = arith.muli %mul3A_74, %scan3A_73 : i32
      %mul3A_76 = arith.constant 2 : i32
      %mul3A_77 = arith.muli %mul3A_76, %scan3A_73 : i32
      %add3A_78 = arith.constant 1 : i32
      %add3A_79 = arith.addi %mul3A_77, %add3A_78 : i32
      %mul3A_80 = arith.constant 8 : i32
      %mul3A_81 = arith.muli %add3A_79, %mul3A_80 : i32
      %dma_start3A_82 = tpu.memref_slice %arg6[%mul3A_81] : memref<256xi32, #tpu.memory_space<vmem>> -> memref<8xi32, #tpu.memory_space<vmem>>
      %dma_start3A_83 = arith.constant 0 : i32
      %dma_start3A_84 = arith.constant 0 : i32
      %dma_start3A_85 = tpu.memref_slice %arg2[%dma_start3A_83, %dma_start3A_84] : memref<16384x512xf32, #tpu.memory_space<hbm>> -> memref<16384x512xf32, #tpu.memory_space<hbm>>
      tpu.enqueue_indirect_dma source(%dma_start3A_85 : memref<16384x512xf32, #tpu.memory_space<hbm>>) target(%arg15 : memref<8x512xf32, #tpu.memory_space<vmem>>) offsets(%dma_start3A_82 : memref<8xi32, #tpu.memory_space<vmem>>) semaphore(%arg20 : memref<!tpu.dma_semaphore, #tpu.memory_space<semaphore_mem>>)
      %dma_start3A_86 = tpu.memref_slice %arg7[%mul3A_81] : memref<256xi32, #tpu.memory_space<vmem>> -> memref<8xi32, #tpu.memory_space<vmem>>
      %dma_start3A_87 = arith.constant 0 : i32
      %dma_start3A_88 = arith.constant 0 : i32
      %dma_start3A_89 = tpu.memref_slice %arg2[%dma_start3A_87, %dma_start3A_88] : memref<16384x512xf32, #tpu.memory_space<hbm>> -> memref<16384x512xf32, #tpu.memory_space<hbm>>
      tpu.enqueue_indirect_dma source(%dma_start3A_89 : memref<16384x512xf32, #tpu.memory_space<hbm>>) target(%arg16 : memref<8x512xf32, #tpu.memory_space<vmem>>) offsets(%dma_start3A_86 : memref<8xi32, #tpu.memory_space<vmem>>) semaphore(%arg20 : memref<!tpu.dma_semaphore, #tpu.memory_space<semaphore_mem>>)
      %dma_start3A_90 = tpu.memref_slice %arg8[%mul3A_81] : memref<256xi32, #tpu.memory_space<vmem>> -> memref<8xi32, #tpu.memory_space<vmem>>
      %dma_start3A_91 = arith.constant 0 : i32
      %dma_start3A_92 = arith.constant 0 : i32
      %dma_start3A_93 = tpu.memref_slice %arg2[%dma_start3A_91, %dma_start3A_92] : memref<16384x512xf32, #tpu.memory_space<hbm>> -> memref<16384x512xf32, #tpu.memory_space<hbm>>
      tpu.enqueue_indirect_dma source(%dma_start3A_93 : memref<16384x512xf32, #tpu.memory_space<hbm>>) target(%arg17 : memref<8x512xf32, #tpu.memory_space<vmem>>) offsets(%dma_start3A_90 : memref<8xi32, #tpu.memory_space<vmem>>) semaphore(%arg20 : memref<!tpu.dma_semaphore, #tpu.memory_space<semaphore_mem>>)
      %mul3A_94 = arith.constant 8 : i32
      %mul3A_95 = arith.muli %mul3A_75, %mul3A_94 : i32
      %dma_wait3A = tpu.memref_slice %arg6[%mul3A_95] : memref<256xi32, #tpu.memory_space<vmem>> -> memref<8xi32, #tpu.memory_space<vmem>>
      %dma_wait3A_96 = arith.constant 0 : i32
      %dma_wait3A_97 = arith.constant 0 : i32
      %dma_wait3A_98 = tpu.memref_slice %arg2[%dma_wait3A_96, %dma_wait3A_97] : memref<16384x512xf32, #tpu.memory_space<hbm>> -> memref<16384x512xf32, #tpu.memory_space<hbm>>
      tpu.wait_indirect_dma semaphore(%arg19 : memref<!tpu.dma_semaphore, #tpu.memory_space<semaphore_mem>>) src(%dma_wait3A_98 : memref<16384x512xf32, #tpu.memory_space<hbm>>) dst(%arg12 : memref<8x512xf32, #tpu.memory_space<vmem>>)
      %dma_wait3A_99 = tpu.memref_slice %arg7[%mul3A_95] : memref<256xi32, #tpu.memory_space<vmem>> -> memref<8xi32, #tpu.memory_space<vmem>>
      %dma_wait3A_100 = arith.constant 0 : i32
      %dma_wait3A_101 = arith.constant 0 : i32
      %dma_wait3A_102 = tpu.memref_slice %arg2[%dma_wait3A_100, %dma_wait3A_101] : memref<16384x512xf32, #tpu.memory_space<hbm>> -> memref<16384x512xf32, #tpu.memory_space<hbm>>
      tpu.wait_indirect_dma semaphore(%arg19 : memref<!tpu.dma_semaphore, #tpu.memory_space<semaphore_mem>>) src(%dma_wait3A_102 : memref<16384x512xf32, #tpu.memory_space<hbm>>) dst(%arg13 : memref<8x512xf32, #tpu.memory_space<vmem>>)
      %dma_wait3A_103 = tpu.memref_slice %arg8[%mul3A_95] : memref<256xi32, #tpu.memory_space<vmem>> -> memref<8xi32, #tpu.memory_space<vmem>>
      %dma_wait3A_104 = arith.constant 0 : i32
      %dma_wait3A_105 = arith.constant 0 : i32
      %dma_wait3A_106 = tpu.memref_slice %arg2[%dma_wait3A_104, %dma_wait3A_105] : memref<16384x512xf32, #tpu.memory_space<hbm>> -> memref<16384x512xf32, #tpu.memory_space<hbm>>
      tpu.wait_indirect_dma semaphore(%arg19 : memref<!tpu.dma_semaphore, #tpu.memory_space<semaphore_mem>>) src(%dma_wait3A_106 : memref<16384x512xf32, #tpu.memory_space<hbm>>) dst(%arg14 : memref<8x512xf32, #tpu.memory_space<vmem>>)
      %mul3A_107 = arith.constant 8 : i32
      %mul3A_108 = arith.muli %mul3A_75, %mul3A_107 : i32
      %scan3A_109 = arith.constant 0 : i32
      %scan3A_110 = arith.constant 0 : i32
      %scan3A_111 = arith.constant 8 : i32
      %scan3A_112 = arith.addi %scan3A_110, %scan3A_111 : i32
      %scan3A_113 = arith.constant 1 : i32
      scf.for %scan3A_141 = %scan3A_110 to %scan3A_112 step %scan3A_113  : i32 {
        %add3A_142 = arith.addi %mul3A_108, %scan3A_141 : i32
        %get3A = arith.index_cast %add3A_142 : i32 to index
        %get3A_143 = arith.constant 0 : index
        %get3A_144 = tpu.vector_load %arg9[%get3A, %get3A_143] {strides = array<i32>} : memref<256x16xf32, #tpu.memory_space<vmem>>, vector<1x16xf32>,
        %get3A_145 = vector.shape_cast %get3A_144 : vector<1x16xf32> to vector<16xf32>
        %add3A_146 = arith.addi %mul3A_108, %scan3A_141 : i32
        %get3A_147 = arith.index_cast %add3A_146 : i32 to index
        %get3A_148 = arith.constant 0 : index
        %get3A_149 = tpu.vector_load %arg10[%get3A_147, %get3A_148] {strides = array<i32>} : memref<256x16xf32, #tpu.memory_space<vmem>>, vector<1x16xf32>,
        %get3A_150 = vector.shape_cast %get3A_149 : vector<1x16xf32> to vector<16xf32>
        %add3A_151 = arith.addi %mul3A_108, %scan3A_141 : i32
        %get3A_152 = arith.index_cast %add3A_151 : i32 to index
        %get3A_153 = arith.constant 0 : index
        %get3A_154 = tpu.vector_load %arg11[%get3A_152, %get3A_153] {strides = array<i32>} : memref<256x16xf32, #tpu.memory_space<vmem>>, vector<1x16xf32>,
        %get3A_155 = vector.shape_cast %get3A_154 : vector<1x16xf32> to vector<16xf32>
        %get3A_156 = arith.index_cast %scan3A_141 : i32 to index
        %get3A_157 = arith.constant 0 : index
        %get3A_158 = tpu.vector_load %arg12[%get3A_156, %get3A_157] {strides = array<i32>} : memref<8x512xf32, #tpu.memory_space<vmem>>, vector<1x16xf32>,
        %get3A_159 = vector.shape_cast %get3A_158 : vector<1x16xf32> to vector<16xf32>
        %mul3A_160 = arith.mulf %get3A_159, %get3A_145 : vector<16xf32>
        %get3A_161 = arith.index_cast %scan3A_141 : i32 to index
        %get3A_162 = arith.constant 0 : index
        %get3A_163 = tpu.vector_load %arg13[%get3A_161, %get3A_162] {strides = array<i32>} : memref<8x512xf32, #tpu.memory_space<vmem>>, vector<1x16xf32>,
        %get3A_164 = vector.shape_cast %get3A_163 : vector<1x16xf32> to vector<16xf32>
        %mul3A_165 = arith.mulf %get3A_164, %get3A_150 : vector<16xf32>
        %add3A_166 = arith.addf %mul3A_160, %mul3A_165 : vector<16xf32>
        %get3A_167 = arith.index_cast %scan3A_141 : i32 to index
        %get3A_168 = arith.constant 0 : index
        %get3A_169 = tpu.vector_load %arg14[%get3A_167, %get3A_168] {strides = array<i32>} : memref<8x512xf32, #tpu.memory_space<vmem>>, vector<1x16xf32>,
        %get3A_170 = vector.shape_cast %get3A_169 : vector<1x16xf32> to vector<16xf32>
        %mul3A_171 = arith.mulf %get3A_170, %get3A_155 : vector<16xf32>
        %add3A_172 = arith.addf %add3A_166, %mul3A_171 : vector<16xf32>
        %swap3A = arith.index_cast %scan3A_141 : i32 to index
        %swap3A_173 = arith.constant 0 : index
        %swap3A_174 = tpu.vector_load %arg18[%swap3A, %swap3A_173] {strides = array<i32>} : memref<8x512xf32, #tpu.memory_space<vmem>>, vector<1x16xf32>,
        %swap3A_175 = vector.shape_cast %swap3A_174 : vector<1x16xf32> to vector<16xf32>
        %swap3A_176 = vector.shape_cast %add3A_172 : vector<16xf32> to vector<1x16xf32>
        tpu.vector_store %arg18[%swap3A, %swap3A_173], %swap3A_176 {strides = array<i32>} : memref<8x512xf32, #tpu.memory_space<vmem>>, vector<1x16xf32>,
        %get3A_177 = arith.index_cast %scan3A_141 : i32 to index
        %get3A_178 = arith.constant 16 : index
        %get3A_179 = tpu.vector_load %arg12[%get3A_177, %get3A_178] {strides = array<i32>} : memref<8x512xf32, #tpu.memory_space<vmem>>, vector<1x16xf32>,
        %get3A_180 = vector.shape_cast %get3A_179 : vector<1x16xf32> to vector<16xf32>
        %mul3A_181 = arith.mulf %get3A_180, %get3A_145 : vector<16xf32>
        %get3A_182 = arith.index_cast %scan3A_141 : i32 to index
        %get3A_183 = arith.constant 16 : index
        %get3A_184 = tpu.vector_load %arg13[%get3A_182, %get3A_183] {strides = array<i32>} : memref<8x512xf32, #tpu.memory_space<vmem>>, vector<1x16xf32>,
        %get3A_185 = vector.shape_cast %get3A_184 : vector<1x16xf32> to vector<16xf32>
        %mul3A_186 = arith.mulf %get3A_185, %get3A_150 : vector<16xf32>
        %add3A_187 = arith.addf %mul3A_181, %mul3A_186 : vector<16xf32>
        %get3A_188 = arith.index_cast %scan3A_141 : i32 to index
        %get3A_189 = arith.constant 16 : index
        %get3A_190 = tpu.vector_load %arg14[%get3A_188, %get3A_189] {strides = array<i32>} : memref<8x512xf32, #tpu.memory_space<vmem>>, vector<1x16xf32>,
        %get3A_191 = vector.shape_cast %get3A_190 : vector<1x16xf32> to vector<16xf32>
        %mul3A_192 = arith.mulf %get3A_191, %get3A_155 : vector<16xf32>
        %add3A_193 = arith.addf %add3A_187, %mul3A_192 : vector<16xf32>
        %swap3A_194 = arith.index_cast %scan3A_141 : i32 to index
        %swap3A_195 = arith.constant 16 : index
        %swap3A_196 = tpu.vector_load %arg18[%swap3A_194, %swap3A_195] {strides = array<i32>} : memref<8x512xf32, #tpu.memory_space<vmem>>, vector<1x16xf32>,
        %swap3A_197 = vector.shape_cast %swap3A_196 : vector<1x16xf32> to vector<16xf32>
        %swap3A_198 = vector.shape_cast %add3A_193 : vector<16xf32> to vector<1x16xf32>
        tpu.vector_store %arg18[%swap3A_194, %swap3A_195], %swap3A_198 {strides = array<i32>} : memref<8x512xf32, #tpu.memory_space<vmem>>, vector<1x16xf32>,
        %get3A_199 = arith.index_cast %scan3A_141 : i32 to index
        %get3A_200 = arith.constant 32 : index
        %get3A_201 = tpu.vector_load %arg12[%get3A_199, %get3A_200] {strides = array<i32>} : memref<8x512xf32, #tpu.memory_space<vmem>>, vector<1x16xf32>,
        %get3A_202 = vector.shape_cast %get3A_201 : vector<1x16xf32> to vector<16xf32>
        %mul3A_203 = arith.mulf %get3A_202, %get3A_145 : vector<16xf32>
        %get3A_204 = arith.index_cast %scan3A_141 : i32 to index
        %get3A_205 = arith.constant 32 : index
        %get3A_206 = tpu.vector_load %arg13[%get3A_204, %get3A_205] {strides = array<i32>} : memref<8x512xf32, #tpu.memory_space<vmem>>, vector<1x16xf32>,
        %get3A_207 = vector.shape_cast %get3A_206 : vector<1x16xf32> to vector<16xf32>
        %mul3A_208 = arith.mulf %get3A_207, %get3A_150 : vector<16xf32>
        %add3A_209 = arith.addf %mul3A_203, %mul3A_208 : vector<16xf32>
        %get3A_210 = arith.index_cast %scan3A_141 : i32 to index
        %get3A_211 = arith.constant 32 : index
        %get3A_212 = tpu.vector_load %arg14[%get3A_210, %get3A_211] {strides = array<i32>} : memref<8x512xf32, #tpu.memory_space<vmem>>, vector<1x16xf32>,
        %get3A_213 = vector.shape_cast %get3A_212 : vector<1x16xf32> to vector<16xf32>
        %mul3A_214 = arith.mulf %get3A_213, %get3A_155 : vector<16xf32>
        %add3A_215 = arith.addf %add3A_209, %mul3A_214 : vector<16xf32>
        %swap3A_216 = arith.index_cast %scan3A_141 : i32 to index
        %swap3A_217 = arith.constant 32 : index
        %swap3A_218 = tpu.vector_load %arg18[%swap3A_216, %swap3A_217] {strides = array<i32>} : memref<8x512xf32, #tpu.memory_space<vmem>>, vector<1x16xf32>,
        %swap3A_219 = vector.shape_cast %swap3A_218 : vector<1x16xf32> to vector<16xf32>
        %swap3A_220 = vector.shape_cast %add3A_215 : vector<16xf32> to vector<1x16xf32>
        tpu.vector_store %arg18[%swap3A_216, %swap3A_217], %swap3A_220 {strides = array<i32>} : memref<8x512xf32, #tpu.memory_space<vmem>>, vector<1x16xf32>,
        %get3A_221 = arith.index_cast %scan3A_141 : i32 to index
        %get3A_222 = arith.constant 48 : index
        %get3A_223 = tpu.vector_load %arg12[%get3A_221, %get3A_222] {strides = array<i32>} : memref<8x512xf32, #tpu.memory_space<vmem>>, vector<1x16xf32>,
        %get3A_224 = vector.shape_cast %get3A_223 : vector<1x16xf32> to vector<16xf32>
        %mul3A_225 = arith.mulf %get3A_224, %get3A_145 : vector<16xf32>
        %get3A_226 = arith.index_cast %scan3A_141 : i32 to index
        %get3A_227 = arith.constant 48 : index
        %get3A_228 = tpu.vector_load %arg13[%get3A_226, %get3A_227] {strides = array<i32>} : memref<8x512xf32, #tpu.memory_space<vmem>>, vector<1x16xf32>,
        %get3A_229 = vector.shape_cast %get3A_228 : vector<1x16xf32> to vector<16xf32>
        %mul3A_230 = arith.mulf %get3A_229, %get3A_150 : vector<16xf32>
        %add3A_231 = arith.addf %mul3A_225, %mul3A_230 : vector<16xf32>
        %get3A_232 = arith.index_cast %scan3A_141 : i32 to index
        %get3A_233 = arith.constant 48 : index
        %get3A_234 = tpu.vector_load %arg14[%get3A_232, %get3A_233] {strides = array<i32>} : memref<8x512xf32, #tpu.memory_space<vmem>>, vector<1x16xf32>,
        %get3A_235 = vector.shape_cast %get3A_234 : vector<1x16xf32> to vector<16xf32>
        %mul3A_236 = arith.mulf %get3A_235, %get3A_155 : vector<16xf32>
        %add3A_237 = arith.addf %add3A_231, %mul3A_236 : vector<16xf32>
        %swap3A_238 = arith.index_cast %scan3A_141 : i32 to index
        %swap3A_239 = arith.constant 48 : index
        %swap3A_240 = tpu.vector_load %arg18[%swap3A_238, %swap3A_239] {strides = array<i32>} : memref<8x512xf32, #tpu.memory_space<vmem>>, vector<1x16xf32>,
        %swap3A_241 = vector.shape_cast %swap3A_240 : vector<1x16xf32> to vector<16xf32>
        %swap3A_242 = vector.shape_cast %add3A_237 : vector<16xf32> to vector<1x16xf32>
        tpu.vector_store %arg18[%swap3A_238, %swap3A_239], %swap3A_242 {strides = array<i32>} : memref<8x512xf32, #tpu.memory_space<vmem>>, vector<1x16xf32>,
        %get3A_243 = arith.index_cast %scan3A_141 : i32 to index
        %get3A_244 = arith.constant 64 : index
        %get3A_245 = tpu.vector_load %arg12[%get3A_243, %get3A_244] {strides = array<i32>} : memref<8x512xf32, #tpu.memory_space<vmem>>, vector<1x16xf32>,
        %get3A_246 = vector.shape_cast %get3A_245 : vector<1x16xf32> to vector<16xf32>
        %mul3A_247 = arith.mulf %get3A_246, %get3A_145 : vector<16xf32>
        %get3A_248 = arith.index_cast %scan3A_141 : i32 to index
        %get3A_249 = arith.constant 64 : index
        %get3A_250 = tpu.vector_load %arg13[%get3A_248, %get3A_249] {strides = array<i32>} : memref<8x512xf32, #tpu.memory_space<vmem>>, vector<1x16xf32>,
        %get3A_251 = vector.shape_cast %get3A_250 : vector<1x16xf32> to vector<16xf32>
        %mul3A_252 = arith.mulf %get3A_251, %get3A_150 : vector<16xf32>
        %add3A_253 = arith.addf %mul3A_247, %mul3A_252 : vector<16xf32>
        %get3A_254 = arith.index_cast %scan3A_141 : i32 to index
        %get3A_255 = arith.constant 64 : index
        %get3A_256 = tpu.vector_load %arg14[%get3A_254, %get3A_255] {strides = array<i32>} : memref<8x512xf32, #tpu.memory_space<vmem>>, vector<1x16xf32>,
        %get3A_257 = vector.shape_cast %get3A_256 : vector<1x16xf32> to vector<16xf32>
        %mul3A_258 = arith.mulf %get3A_257, %get3A_155 : vector<16xf32>
        %add3A_259 = arith.addf %add3A_253, %mul3A_258 : vector<16xf32>
        %swap3A_260 = arith.index_cast %scan3A_141 : i32 to index
        %swap3A_261 = arith.constant 64 : index
        %swap3A_262 = tpu.vector_load %arg18[%swap3A_260, %swap3A_261] {strides = array<i32>} : memref<8x512xf32, #tpu.memory_space<vmem>>, vector<1x16xf32>,
        %swap3A_263 = vector.shape_cast %swap3A_262 : vector<1x16xf32> to vector<16xf32>
        %swap3A_264 = vector.shape_cast %add3A_259 : vector<16xf32> to vector<1x16xf32>
        tpu.vector_store %arg18[%swap3A_260, %swap3A_261], %swap3A_264 {strides = array<i32>} : memref<8x512xf32, #tpu.memory_space<vmem>>, vector<1x16xf32>,
        %get3A_265 = arith.index_cast %scan3A_141 : i32 to index
        %get3A_266 = arith.constant 80 : index
        %get3A_267 = tpu.vector_load %arg12[%get3A_265, %get3A_266] {strides = array<i32>} : memref<8x512xf32, #tpu.memory_space<vmem>>, vector<1x16xf32>,
        %get3A_268 = vector.shape_cast %get3A_267 : vector<1x16xf32> to vector<16xf32>
        %mul3A_269 = arith.mulf %get3A_268, %get3A_145 : vector<16xf32>
        %get3A_270 = arith.index_cast %scan3A_141 : i32 to index
        %get3A_271 = arith.constant 80 : index
        %get3A_272 = tpu.vector_load %arg13[%get3A_270, %get3A_271] {strides = array<i32>} : memref<8x512xf32, #tpu.memory_space<vmem>>, vector<1x16xf32>,
        %get3A_273 = vector.shape_cast %get3A_272 : vector<1x16xf32> to vector<16xf32>
        %mul3A_274 = arith.mulf %get3A_273, %get3A_150 : vector<16xf32>
        %add3A_275 = arith.addf %mul3A_269, %mul3A_274 : vector<16xf32>
        %get3A_276 = arith.index_cast %scan3A_141 : i32 to index
        %get3A_277 = arith.constant 80 : index
        %get3A_278 = tpu.vector_load %arg14[%get3A_276, %get3A_277] {strides = array<i32>} : memref<8x512xf32, #tpu.memory_space<vmem>>, vector<1x16xf32>,
        %get3A_279 = vector.shape_cast %get3A_278 : vector<1x16xf32> to vector<16xf32>
        %mul3A_280 = arith.mulf %get3A_279, %get3A_155 : vector<16xf32>
        %add3A_281 = arith.addf %add3A_275, %mul3A_280 : vector<16xf32>
        %swap3A_282 = arith.index_cast %scan3A_141 : i32 to index
        %swap3A_283 = arith.constant 80 : index
        %swap3A_284 = tpu.vector_load %arg18[%swap3A_282, %swap3A_283] {strides = array<i32>} : memref<8x512xf32, #tpu.memory_space<vmem>>, vector<1x16xf32>,
        %swap3A_285 = vector.shape_cast %swap3A_284 : vector<1x16xf32> to vector<16xf32>
        %swap3A_286 = vector.shape_cast %add3A_281 : vector<16xf32> to vector<1x16xf32>
        tpu.vector_store %arg18[%swap3A_282, %swap3A_283], %swap3A_286 {strides = array<i32>} : memref<8x512xf32, #tpu.memory_space<vmem>>, vector<1x16xf32>,
        %get3A_287 = arith.index_cast %scan3A_141 : i32 to index
        %get3A_288 = arith.constant 96 : index
        %get3A_289 = tpu.vector_load %arg12[%get3A_287, %get3A_288] {strides = array<i32>} : memref<8x512xf32, #tpu.memory_space<vmem>>, vector<1x16xf32>,
        %get3A_290 = vector.shape_cast %get3A_289 : vector<1x16xf32> to vector<16xf32>
        %mul3A_291 = arith.mulf %get3A_290, %get3A_145 : vector<16xf32>
        %get3A_292 = arith.index_cast %scan3A_141 : i32 to index
        %get3A_293 = arith.constant 96 : index
        %get3A_294 = tpu.vector_load %arg13[%get3A_292, %get3A_293] {strides = array<i32>} : memref<8x512xf32, #tpu.memory_space<vmem>>, vector<1x16xf32>,
        %get3A_295 = vector.shape_cast %get3A_294 : vector<1x16xf32> to vector<16xf32>
        %mul3A_296 = arith.mulf %get3A_295, %get3A_150 : vector<16xf32>
        %add3A_297 = arith.addf %mul3A_291, %mul3A_296 : vector<16xf32>
        %get3A_298 = arith.index_cast %scan3A_141 : i32 to index
        %get3A_299 = arith.constant 96 : index
        %get3A_300 = tpu.vector_load %arg14[%get3A_298, %get3A_299] {strides = array<i32>} : memref<8x512xf32, #tpu.memory_space<vmem>>, vector<1x16xf32>,
        %get3A_301 = vector.shape_cast %get3A_300 : vector<1x16xf32> to vector<16xf32>
        %mul3A_302 = arith.mulf %get3A_301, %get3A_155 : vector<16xf32>
        %add3A_303 = arith.addf %add3A_297, %mul3A_302 : vector<16xf32>
        %swap3A_304 = arith.index_cast %scan3A_141 : i32 to index
        %swap3A_305 = arith.constant 96 : index
        %swap3A_306 = tpu.vector_load %arg18[%swap3A_304, %swap3A_305] {strides = array<i32>} : memref<8x512xf32, #tpu.memory_space<vmem>>, vector<1x16xf32>,
        %swap3A_307 = vector.shape_cast %swap3A_306 : vector<1x16xf32> to vector<16xf32>
        %swap3A_308 = vector.shape_cast %add3A_303 : vector<16xf32> to vector<1x16xf32>
        tpu.vector_store %arg18[%swap3A_304, %swap3A_305], %swap3A_308 {strides = array<i32>} : memref<8x512xf32, #tpu.memory_space<vmem>>, vector<1x16xf32>,
        %get3A_309 = arith.index_cast %scan3A_141 : i32 to index
        %get3A_310 = arith.constant 112 : index
        %get3A_311 = tpu.vector_load %arg12[%get3A_309, %get3A_310] {strides = array<i32>} : memref<8x512xf32, #tpu.memory_space<vmem>>, vector<1x16xf32>,
        %get3A_312 = vector.shape_cast %get3A_311 : vector<1x16xf32> to vector<16xf32>
        %mul3A_313 = arith.mulf %get3A_312, %get3A_145 : vector<16xf32>
        %get3A_314 = arith.index_cast %scan3A_141 : i32 to index
        %get3A_315 = arith.constant 112 : index
        %get3A_316 = tpu.vector_load %arg13[%get3A_314, %get3A_315] {strides = array<i32>} : memref<8x512xf32, #tpu.memory_space<vmem>>, vector<1x16xf32>,
        %get3A_317 = vector.shape_cast %get3A_316 : vector<1x16xf32> to vector<16xf32>
        %mul3A_318 = arith.mulf %get3A_317, %get3A_150 : vector<16xf32>
        %add3A_319 = arith.addf %mul3A_313, %mul3A_318 : vector<16xf32>
        %get3A_320 = arith.index_cast %scan3A_141 : i32 to index
        %get3A_321 = arith.constant 112 : index
        %get3A_322 = tpu.vector_load %arg14[%get3A_320, %get3A_321] {strides = array<i32>} : memref<8x512xf32, #tpu.memory_space<vmem>>, vector<1x16xf32>,
        %get3A_323 = vector.shape_cast %get3A_322 : vector<1x16xf32> to vector<16xf32>
        %mul3A_324 = arith.mulf %get3A_323, %get3A_155 : vector<16xf32>
        %add3A_325 = arith.addf %add3A_319, %mul3A_324 : vector<16xf32>
        %swap3A_326 = arith.index_cast %scan3A_141 : i32 to index
        %swap3A_327 = arith.constant 112 : index
        %swap3A_328 = tpu.vector_load %arg18[%swap3A_326, %swap3A_327] {strides = array<i32>} : memref<8x512xf32, #tpu.memory_space<vmem>>, vector<1x16xf32>,
        %swap3A_329 = vector.shape_cast %swap3A_328 : vector<1x16xf32> to vector<16xf32>
        %swap3A_330 = vector.shape_cast %add3A_325 : vector<16xf32> to vector<1x16xf32>
        tpu.vector_store %arg18[%swap3A_326, %swap3A_327], %swap3A_330 {strides = array<i32>} : memref<8x512xf32, #tpu.memory_space<vmem>>, vector<1x16xf32>,
        %get3A_331 = arith.index_cast %scan3A_141 : i32 to index
        %get3A_332 = arith.constant 128 : index
        %get3A_333 = tpu.vector_load %arg12[%get3A_331, %get3A_332] {strides = array<i32>} : memref<8x512xf32, #tpu.memory_space<vmem>>, vector<1x16xf32>,
        %get3A_334 = vector.shape_cast %get3A_333 : vector<1x16xf32> to vector<16xf32>
        %mul3A_335 = arith.mulf %get3A_334, %get3A_145 : vector<16xf32>
        %get3A_336 = arith.index_cast %scan3A_141 : i32 to index
        %get3A_337 = arith.constant 128 : index
        %get3A_338 = tpu.vector_load %arg13[%get3A_336, %get3A_337] {strides = array<i32>} : memref<8x512xf32, #tpu.memory_space<vmem>>, vector<1x16xf32>,
        %get3A_339 = vector.shape_cast %get3A_338 : vector<1x16xf32> to vector<16xf32>
        %mul3A_340 = arith.mulf %get3A_339, %get3A_150 : vector<16xf32>
        %add3A_341 = arith.addf %mul3A_335, %mul3A_340 : vector<16xf32>
        %get3A_342 = arith.index_cast %scan3A_141 : i32 to index
        %get3A_343 = arith.constant 128 : index
        %get3A_344 = tpu.vector_load %arg14[%get3A_342, %get3A_343] {strides = array<i32>} : memref<8x512xf32, #tpu.memory_space<vmem>>, vector<1x16xf32>,
        %get3A_345 = vector.shape_cast %get3A_344 : vector<1x16xf32> to vector<16xf32>
        %mul3A_346 = arith.mulf %get3A_345, %get3A_155 : vector<16xf32>
        %add3A_347 = arith.addf %add3A_341, %mul3A_346 : vector<16xf32>
        %swap3A_348 = arith.index_cast %scan3A_141 : i32 to index
        %swap3A_349 = arith.constant 128 : index
        %swap3A_350 = tpu.vector_load %arg18[%swap3A_348, %swap3A_349] {strides = array<i32>} : memref<8x512xf32, #tpu.memory_space<vmem>>, vector<1x16xf32>,
        %swap3A_351 = vector.shape_cast %swap3A_350 : vector<1x16xf32> to vector<16xf32>
        %swap3A_352 = vector.shape_cast %add3A_347 : vector<16xf32> to vector<1x16xf32>
        tpu.vector_store %arg18[%swap3A_348, %swap3A_349], %swap3A_352 {strides = array<i32>} : memref<8x512xf32, #tpu.memory_space<vmem>>, vector<1x16xf32>,
        %get3A_353 = arith.index_cast %scan3A_141 : i32 to index
        %get3A_354 = arith.constant 144 : index
        %get3A_355 = tpu.vector_load %arg12[%get3A_353, %get3A_354] {strides = array<i32>} : memref<8x512xf32, #tpu.memory_space<vmem>>, vector<1x16xf32>,
        %get3A_356 = vector.shape_cast %get3A_355 : vector<1x16xf32> to vector<16xf32>
        %mul3A_357 = arith.mulf %get3A_356, %get3A_145 : vector<16xf32>
        %get3A_358 = arith.index_cast %scan3A_141 : i32 to index
        %get3A_359 = arith.constant 144 : index
        %get3A_360 = tpu.vector_load %arg13[%get3A_358, %get3A_359] {strides = array<i32>} : memref<8x512xf32, #tpu.memory_space<vmem>>, vector<1x16xf32>,
        %get3A_361 = vector.shape_cast %get3A_360 : vector<1x16xf32> to vector<16xf32>
        %mul3A_362 = arith.mulf %get3A_361, %get3A_150 : vector<16xf32>
        %add3A_363 = arith.addf %mul3A_357, %mul3A_362 : vector<16xf32>
        %get3A_364 = arith.index_cast %scan3A_141 : i32 to index
        %get3A_365 = arith.constant 144 : index
        %get3A_366 = tpu.vector_load %arg14[%get3A_364, %get3A_365] {strides = array<i32>} : memref<8x512xf32, #tpu.memory_space<vmem>>, vector<1x16xf32>,
        %get3A_367 = vector.shape_cast %get3A_366 : vector<1x16xf32> to vector<16xf32>
        %mul3A_368 = arith.mulf %get3A_367, %get3A_155 : vector<16xf32>
        %add3A_369 = arith.addf %add3A_363, %mul3A_368 : vector<16xf32>
        %swap3A_370 = arith.index_cast %scan3A_141 : i32 to index
        %swap3A_371 = arith.constant 144 : index
        %swap3A_372 = tpu.vector_load %arg18[%swap3A_370, %swap3A_371] {strides = array<i32>} : memref<8x512xf32, #tpu.memory_space<vmem>>, vector<1x16xf32>,
        %swap3A_373 = vector.shape_cast %swap3A_372 : vector<1x16xf32> to vector<16xf32>
        %swap3A_374 = vector.shape_cast %add3A_369 : vector<16xf32> to vector<1x16xf32>
        tpu.vector_store %arg18[%swap3A_370, %swap3A_371], %swap3A_374 {strides = array<i32>} : memref<8x512xf32, #tpu.memory_space<vmem>>, vector<1x16xf32>,
        %get3A_375 = arith.index_cast %scan3A_141 : i32 to index
        %get3A_376 = arith.constant 160 : index
        %get3A_377 = tpu.vector_load %arg12[%get3A_375, %get3A_376] {strides = array<i32>} : memref<8x512xf32, #tpu.memory_space<vmem>>, vector<1x16xf32>,
        %get3A_378 = vector.shape_cast %get3A_377 : vector<1x16xf32> to vector<16xf32>
        %mul3A_379 = arith.mulf %get3A_378, %get3A_145 : vector<16xf32>
        %get3A_380 = arith.index_cast %scan3A_141 : i32 to index
        %get3A_381 = arith.constant 160 : index
        %get3A_382 = tpu.vector_load %arg13[%get3A_380, %get3A_381] {strides = array<i32>} : memref<8x512xf32, #tpu.memory_space<vmem>>, vector<1x16xf32>,
        %get3A_383 = vector.shape_cast %get3A_382 : vector<1x16xf32> to vector<16xf32>
        %mul3A_384 = arith.mulf %get3A_383, %get3A_150 : vector<16xf32>
        %add3A_385 = arith.addf %mul3A_379, %mul3A_384 : vector<16xf32>
        %get3A_386 = arith.index_cast %scan3A_141 : i32 to index
        %get3A_387 = arith.constant 160 : index
        %get3A_388 = tpu.vector_load %arg14[%get3A_386, %get3A_387] {strides = array<i32>} : memref<8x512xf32, #tpu.memory_space<vmem>>, vector<1x16xf32>,
        %get3A_389 = vector.shape_cast %get3A_388 : vector<1x16xf32> to vector<16xf32>
        %mul3A_390 = arith.mulf %get3A_389, %get3A_155 : vector<16xf32>
        %add3A_391 = arith.addf %add3A_385, %mul3A_390 : vector<16xf32>
        %swap3A_392 = arith.index_cast %scan3A_141 : i32 to index
        %swap3A_393 = arith.constant 160 : index
        %swap3A_394 = tpu.vector_load %arg18[%swap3A_392, %swap3A_393] {strides = array<i32>} : memref<8x512xf32, #tpu.memory_space<vmem>>, vector<1x16xf32>,
        %swap3A_395 = vector.shape_cast %swap3A_394 : vector<1x16xf32> to vector<16xf32>
        %swap3A_396 = vector.shape_cast %add3A_391 : vector<16xf32> to vector<1x16xf32>
        tpu.vector_store %arg18[%swap3A_392, %swap3A_393], %swap3A_396 {strides = array<i32>} : memref<8x512xf32, #tpu.memory_space<vmem>>, vector<1x16xf32>,
        %get3A_397 = arith.index_cast %scan3A_141 : i32 to index
        %get3A_398 = arith.constant 176 : index
        %get3A_399 = tpu.vector_load %arg12[%get3A_397, %get3A_398] {strides = array<i32>} : memref<8x512xf32, #tpu.memory_space<vmem>>, vector<1x16xf32>,
        %get3A_400 = vector.shape_cast %get3A_399 : vector<1x16xf32> to vector<16xf32>
        %mul3A_401 = arith.mulf %get3A_400, %get3A_145 : vector<16xf32>
        %get3A_402 = arith.index_cast %scan3A_141 : i32 to index
        %get3A_403 = arith.constant 176 : index
        %get3A_404 = tpu.vector_load %arg13[%get3A_402, %get3A_403] {strides = array<i32>} : memref<8x512xf32, #tpu.memory_space<vmem>>, vector<1x16xf32>,
        %get3A_405 = vector.shape_cast %get3A_404 : vector<1x16xf32> to vector<16xf32>
        %mul3A_406 = arith.mulf %get3A_405, %get3A_150 : vector<16xf32>
        %add3A_407 = arith.addf %mul3A_401, %mul3A_406 : vector<16xf32>
        %get3A_408 = arith.index_cast %scan3A_141 : i32 to index
        %get3A_409 = arith.constant 176 : index
        %get3A_410 = tpu.vector_load %arg14[%get3A_408, %get3A_409] {strides = array<i32>} : memref<8x512xf32, #tpu.memory_space<vmem>>, vector<1x16xf32>,
        %get3A_411 = vector.shape_cast %get3A_410 : vector<1x16xf32> to vector<16xf32>
        %mul3A_412 = arith.mulf %get3A_411, %get3A_155 : vector<16xf32>
        %add3A_413 = arith.addf %add3A_407, %mul3A_412 : vector<16xf32>
        %swap3A_414 = arith.index_cast %scan3A_141 : i32 to index
        %swap3A_415 = arith.constant 176 : index
        %swap3A_416 = tpu.vector_load %arg18[%swap3A_414, %swap3A_415] {strides = array<i32>} : memref<8x512xf32, #tpu.memory_space<vmem>>, vector<1x16xf32>,
        %swap3A_417 = vector.shape_cast %swap3A_416 : vector<1x16xf32> to vector<16xf32>
        %swap3A_418 = vector.shape_cast %add3A_413 : vector<16xf32> to vector<1x16xf32>
        tpu.vector_store %arg18[%swap3A_414, %swap3A_415], %swap3A_418 {strides = array<i32>} : memref<8x512xf32, #tpu.memory_space<vmem>>, vector<1x16xf32>,
        %get3A_419 = arith.index_cast %scan3A_141 : i32 to index
        %get3A_420 = arith.constant 192 : index
        %get3A_421 = tpu.vector_load %arg12[%get3A_419, %get3A_420] {strides = array<i32>} : memref<8x512xf32, #tpu.memory_space<vmem>>, vector<1x16xf32>,
        %get3A_422 = vector.shape_cast %get3A_421 : vector<1x16xf32> to vector<16xf32>
        %mul3A_423 = arith.mulf %get3A_422, %get3A_145 : vector<16xf32>
        %get3A_424 = arith.index_cast %scan3A_141 : i32 to index
        %get3A_425 = arith.constant 192 : index
        %get3A_426 = tpu.vector_load %arg13[%get3A_424, %get3A_425] {strides = array<i32>} : memref<8x512xf32, #tpu.memory_space<vmem>>, vector<1x16xf32>,
        %get3A_427 = vector.shape_cast %get3A_426 : vector<1x16xf32> to vector<16xf32>
        %mul3A_428 = arith.mulf %get3A_427, %get3A_150 : vector<16xf32>
        %add3A_429 = arith.addf %mul3A_423, %mul3A_428 : vector<16xf32>
        %get3A_430 = arith.index_cast %scan3A_141 : i32 to index
        %get3A_431 = arith.constant 192 : index
        %get3A_432 = tpu.vector_load %arg14[%get3A_430, %get3A_431] {strides = array<i32>} : memref<8x512xf32, #tpu.memory_space<vmem>>, vector<1x16xf32>,
        %get3A_433 = vector.shape_cast %get3A_432 : vector<1x16xf32> to vector<16xf32>
        %mul3A_434 = arith.mulf %get3A_433, %get3A_155 : vector<16xf32>
        %add3A_435 = arith.addf %add3A_429, %mul3A_434 : vector<16xf32>
        %swap3A_436 = arith.index_cast %scan3A_141 : i32 to index
        %swap3A_437 = arith.constant 192 : index
        %swap3A_438 = tpu.vector_load %arg18[%swap3A_436, %swap3A_437] {strides = array<i32>} : memref<8x512xf32, #tpu.memory_space<vmem>>, vector<1x16xf32>,
        %swap3A_439 = vector.shape_cast %swap3A_438 : vector<1x16xf32> to vector<16xf32>
        %swap3A_440 = vector.shape_cast %add3A_435 : vector<16xf32> to vector<1x16xf32>
        tpu.vector_store %arg18[%swap3A_436, %swap3A_437], %swap3A_440 {strides = array<i32>} : memref<8x512xf32, #tpu.memory_space<vmem>>, vector<1x16xf32>,
        %get3A_441 = arith.index_cast %scan3A_141 : i32 to index
        %get3A_442 = arith.constant 208 : index
        %get3A_443 = tpu.vector_load %arg12[%get3A_441, %get3A_442] {strides = array<i32>} : memref<8x512xf32, #tpu.memory_space<vmem>>, vector<1x16xf32>,
        %get3A_444 = vector.shape_cast %get3A_443 : vector<1x16xf32> to vector<16xf32>
        %mul3A_445 = arith.mulf %get3A_444, %get3A_145 : vector<16xf32>
        %get3A_446 = arith.index_cast %scan3A_141 : i32 to index
        %get3A_447 = arith.constant 208 : index
        %get3A_448 = tpu.vector_load %arg13[%get3A_446, %get3A_447] {strides = array<i32>} : memref<8x512xf32, #tpu.memory_space<vmem>>, vector<1x16xf32>,
        %get3A_449 = vector.shape_cast %get3A_448 : vector<1x16xf32> to vector<16xf32>
        %mul3A_450 = arith.mulf %get3A_449, %get3A_150 : vector<16xf32>
        %add3A_451 = arith.addf %mul3A_445, %mul3A_450 : vector<16xf32>
        %get3A_452 = arith.index_cast %scan3A_141 : i32 to index
        %get3A_453 = arith.constant 208 : index
        %get3A_454 = tpu.vector_load %arg14[%get3A_452, %get3A_453] {strides = array<i32>} : memref<8x512xf32, #tpu.memory_space<vmem>>, vector<1x16xf32>,
        %get3A_455 = vector.shape_cast %get3A_454 : vector<1x16xf32> to vector<16xf32>
        %mul3A_456 = arith.mulf %get3A_455, %get3A_155 : vector<16xf32>
        %add3A_457 = arith.addf %add3A_451, %mul3A_456 : vector<16xf32>
        %swap3A_458 = arith.index_cast %scan3A_141 : i32 to index
        %swap3A_459 = arith.constant 208 : index
        %swap3A_460 = tpu.vector_load %arg18[%swap3A_458, %swap3A_459] {strides = array<i32>} : memref<8x512xf32, #tpu.memory_space<vmem>>, vector<1x16xf32>,
        %swap3A_461 = vector.shape_cast %swap3A_460 : vector<1x16xf32> to vector<16xf32>
        %swap3A_462 = vector.shape_cast %add3A_457 : vector<16xf32> to vector<1x16xf32>
        tpu.vector_store %arg18[%swap3A_458, %swap3A_459], %swap3A_462 {strides = array<i32>} : memref<8x512xf32, #tpu.memory_space<vmem>>, vector<1x16xf32>,
        %get3A_463 = arith.index_cast %scan3A_141 : i32 to index
        %get3A_464 = arith.constant 224 : index
        %get3A_465 = tpu.vector_load %arg12[%get3A_463, %get3A_464] {strides = array<i32>} : memref<8x512xf32, #tpu.memory_space<vmem>>, vector<1x16xf32>,
        %get3A_466 = vector.shape_cast %get3A_465 : vector<1x16xf32> to vector<16xf32>
        %mul3A_467 = arith.mulf %get3A_466, %get3A_145 : vector<16xf32>
        %get3A_468 = arith.index_cast %scan3A_141 : i32 to index
        %get3A_469 = arith.constant 224 : index
        %get3A_470 = tpu.vector_load %arg13[%get3A_468, %get3A_469] {strides = array<i32>} : memref<8x512xf32, #tpu.memory_space<vmem>>, vector<1x16xf32>,
        %get3A_471 = vector.shape_cast %get3A_470 : vector<1x16xf32> to vector<16xf32>
        %mul3A_472 = arith.mulf %get3A_471, %get3A_150 : vector<16xf32>
        %add3A_473 = arith.addf %mul3A_467, %mul3A_472 : vector<16xf32>
        %get3A_474 = arith.index_cast %scan3A_141 : i32 to index
        %get3A_475 = arith.constant 224 : index
        %get3A_476 = tpu.vector_load %arg14[%get3A_474, %get3A_475] {strides = array<i32>} : memref<8x512xf32, #tpu.memory_space<vmem>>, vector<1x16xf32>,
        %get3A_477 = vector.shape_cast %get3A_476 : vector<1x16xf32> to vector<16xf32>
        %mul3A_478 = arith.mulf %get3A_477, %get3A_155 : vector<16xf32>
        %add3A_479 = arith.addf %add3A_473, %mul3A_478 : vector<16xf32>
        %swap3A_480 = arith.index_cast %scan3A_141 : i32 to index
        %swap3A_481 = arith.constant 224 : index
        %swap3A_482 = tpu.vector_load %arg18[%swap3A_480, %swap3A_481] {strides = array<i32>} : memref<8x512xf32, #tpu.memory_space<vmem>>, vector<1x16xf32>,
        %swap3A_483 = vector.shape_cast %swap3A_482 : vector<1x16xf32> to vector<16xf32>
        %swap3A_484 = vector.shape_cast %add3A_479 : vector<16xf32> to vector<1x16xf32>
        tpu.vector_store %arg18[%swap3A_480, %swap3A_481], %swap3A_484 {strides = array<i32>} : memref<8x512xf32, #tpu.memory_space<vmem>>, vector<1x16xf32>,
        %get3A_485 = arith.index_cast %scan3A_141 : i32 to index
        %get3A_486 = arith.constant 240 : index
        %get3A_487 = tpu.vector_load %arg12[%get3A_485, %get3A_486] {strides = array<i32>} : memref<8x512xf32, #tpu.memory_space<vmem>>, vector<1x16xf32>,
        %get3A_488 = vector.shape_cast %get3A_487 : vector<1x16xf32> to vector<16xf32>
        %mul3A_489 = arith.mulf %get3A_488, %get3A_145 : vector<16xf32>
        %get3A_490 = arith.index_cast %scan3A_141 : i32 to index
        %get3A_491 = arith.constant 240 : index
        %get3A_492 = tpu.vector_load %arg13[%get3A_490, %get3A_491] {strides = array<i32>} : memref<8x512xf32, #tpu.memory_space<vmem>>, vector<1x16xf32>,
        %get3A_493 = vector.shape_cast %get3A_492 : vector<1x16xf32> to vector<16xf32>
        %mul3A_494 = arith.mulf %get3A_493, %get3A_150 : vector<16xf32>
        %add3A_495 = arith.addf %mul3A_489, %mul3A_494 : vector<16xf32>
        %get3A_496 = arith.index_cast %scan3A_141 : i32 to index
        %get3A_497 = arith.constant 240 : index
        %get3A_498 = tpu.vector_load %arg14[%get3A_496, %get3A_497] {strides = array<i32>} : memref<8x512xf32, #tpu.memory_space<vmem>>, vector<1x16xf32>,
        %get3A_499 = vector.shape_cast %get3A_498 : vector<1x16xf32> to vector<16xf32>
        %mul3A_500 = arith.mulf %get3A_499, %get3A_155 : vector<16xf32>
        %add3A_501 = arith.addf %add3A_495, %mul3A_500 : vector<16xf32>
        %swap3A_502 = arith.index_cast %scan3A_141 : i32 to index
        %swap3A_503 = arith.constant 240 : index
        %swap3A_504 = tpu.vector_load %arg18[%swap3A_502, %swap3A_503] {strides = array<i32>} : memref<8x512xf32, #tpu.memory_space<vmem>>, vector<1x16xf32>,
        %swap3A_505 = vector.shape_cast %swap3A_504 : vector<1x16xf32> to vector<16xf32>
        %swap3A_506 = vector.shape_cast %add3A_501 : vector<16xf32> to vector<1x16xf32>
        tpu.vector_store %arg18[%swap3A_502, %swap3A_503], %swap3A_506 {strides = array<i32>} : memref<8x512xf32, #tpu.memory_space<vmem>>, vector<1x16xf32>,
        %get3A_507 = arith.index_cast %scan3A_141 : i32 to index
        %get3A_508 = arith.constant 256 : index
        %get3A_509 = tpu.vector_load %arg12[%get3A_507, %get3A_508] {strides = array<i32>} : memref<8x512xf32, #tpu.memory_space<vmem>>, vector<1x16xf32>,
        %get3A_510 = vector.shape_cast %get3A_509 : vector<1x16xf32> to vector<16xf32>
        %mul3A_511 = arith.mulf %get3A_510, %get3A_145 : vector<16xf32>
        %get3A_512 = arith.index_cast %scan3A_141 : i32 to index
        %get3A_513 = arith.constant 256 : index
        %get3A_514 = tpu.vector_load %arg13[%get3A_512, %get3A_513] {strides = array<i32>} : memref<8x512xf32, #tpu.memory_space<vmem>>, vector<1x16xf32>,
        %get3A_515 = vector.shape_cast %get3A_514 : vector<1x16xf32> to vector<16xf32>
        %mul3A_516 = arith.mulf %get3A_515, %get3A_150 : vector<16xf32>
        %add3A_517 = arith.addf %mul3A_511, %mul3A_516 : vector<16xf32>
        %get3A_518 = arith.index_cast %scan3A_141 : i32 to index
        %get3A_519 = arith.constant 256 : index
        %get3A_520 = tpu.vector_load %arg14[%get3A_518, %get3A_519] {strides = array<i32>} : memref<8x512xf32, #tpu.memory_space<vmem>>, vector<1x16xf32>,
        %get3A_521 = vector.shape_cast %get3A_520 : vector<1x16xf32> to vector<16xf32>
        %mul3A_522 = arith.mulf %get3A_521, %get3A_155 : vector<16xf32>
        %add3A_523 = arith.addf %add3A_517, %mul3A_522 : vector<16xf32>
        %swap3A_524 = arith.index_cast %scan3A_141 : i32 to index
        %swap3A_525 = arith.constant 256 : index
        %swap3A_526 = tpu.vector_load %arg18[%swap3A_524, %swap3A_525] {strides = array<i32>} : memref<8x512xf32, #tpu.memory_space<vmem>>, vector<1x16xf32>,
        %swap3A_527 = vector.shape_cast %swap3A_526 : vector<1x16xf32> to vector<16xf32>
        %swap3A_528 = vector.shape_cast %add3A_523 : vector<16xf32> to vector<1x16xf32>
        tpu.vector_store %arg18[%swap3A_524, %swap3A_525], %swap3A_528 {strides = array<i32>} : memref<8x512xf32, #tpu.memory_space<vmem>>, vector<1x16xf32>,
        %get3A_529 = arith.index_cast %scan3A_141 : i32 to index
        %get3A_530 = arith.constant 272 : index
        %get3A_531 = tpu.vector_load %arg12[%get3A_529, %get3A_530] {strides = array<i32>} : memref<8x512xf32, #tpu.memory_space<vmem>>, vector<1x16xf32>,
        %get3A_532 = vector.shape_cast %get3A_531 : vector<1x16xf32> to vector<16xf32>
        %mul3A_533 = arith.mulf %get3A_532, %get3A_145 : vector<16xf32>
        %get3A_534 = arith.index_cast %scan3A_141 : i32 to index
        %get3A_535 = arith.constant 272 : index
        %get3A_536 = tpu.vector_load %arg13[%get3A_534, %get3A_535] {strides = array<i32>} : memref<8x512xf32, #tpu.memory_space<vmem>>, vector<1x16xf32>,
        %get3A_537 = vector.shape_cast %get3A_536 : vector<1x16xf32> to vector<16xf32>
        %mul3A_538 = arith.mulf %get3A_537, %get3A_150 : vector<16xf32>
        %add3A_539 = arith.addf %mul3A_533, %mul3A_538 : vector<16xf32>
        %get3A_540 = arith.index_cast %scan3A_141 : i32 to index
        %get3A_541 = arith.constant 272 : index
        %get3A_542 = tpu.vector_load %arg14[%get3A_540, %get3A_541] {strides = array<i32>} : memref<8x512xf32, #tpu.memory_space<vmem>>, vector<1x16xf32>,
        %get3A_543 = vector.shape_cast %get3A_542 : vector<1x16xf32> to vector<16xf32>
        %mul3A_544 = arith.mulf %get3A_543, %get3A_155 : vector<16xf32>
        %add3A_545 = arith.addf %add3A_539, %mul3A_544 : vector<16xf32>
        %swap3A_546 = arith.index_cast %scan3A_141 : i32 to index
        %swap3A_547 = arith.constant 272 : index
        %swap3A_548 = tpu.vector_load %arg18[%swap3A_546, %swap3A_547] {strides = array<i32>} : memref<8x512xf32, #tpu.memory_space<vmem>>, vector<1x16xf32>,
        %swap3A_549 = vector.shape_cast %swap3A_548 : vector<1x16xf32> to vector<16xf32>
        %swap3A_550 = vector.shape_cast %add3A_545 : vector<16xf32> to vector<1x16xf32>
        tpu.vector_store %arg18[%swap3A_546, %swap3A_547], %swap3A_550 {strides = array<i32>} : memref<8x512xf32, #tpu.memory_space<vmem>>, vector<1x16xf32>,
        %get3A_551 = arith.index_cast %scan3A_141 : i32 to index
        %get3A_552 = arith.constant 288 : index
        %get3A_553 = tpu.vector_load %arg12[%get3A_551, %get3A_552] {strides = array<i32>} : memref<8x512xf32, #tpu.memory_space<vmem>>, vector<1x16xf32>,
        %get3A_554 = vector.shape_cast %get3A_553 : vector<1x16xf32> to vector<16xf32>
        %mul3A_555 = arith.mulf %get3A_554, %get3A_145 : vector<16xf32>
        %get3A_556 = arith.index_cast %scan3A_141 : i32 to index
        %get3A_557 = arith.constant 288 : index
        %get3A_558 = tpu.vector_load %arg13[%get3A_556, %get3A_557] {strides = array<i32>} : memref<8x512xf32, #tpu.memory_space<vmem>>, vector<1x16xf32>,
        %get3A_559 = vector.shape_cast %get3A_558 : vector<1x16xf32> to vector<16xf32>
        %mul3A_560 = arith.mulf %get3A_559, %get3A_150 : vector<16xf32>
        %add3A_561 = arith.addf %mul3A_555, %mul3A_560 : vector<16xf32>
        %get3A_562 = arith.index_cast %scan3A_141 : i32 to index
        %get3A_563 = arith.constant 288 : index
        %get3A_564 = tpu.vector_load %arg14[%get3A_562, %get3A_563] {strides = array<i32>} : memref<8x512xf32, #tpu.memory_space<vmem>>, vector<1x16xf32>,
        %get3A_565 = vector.shape_cast %get3A_564 : vector<1x16xf32> to vector<16xf32>
        %mul3A_566 = arith.mulf %get3A_565, %get3A_155 : vector<16xf32>
        %add3A_567 = arith.addf %add3A_561, %mul3A_566 : vector<16xf32>
        %swap3A_568 = arith.index_cast %scan3A_141 : i32 to index
        %swap3A_569 = arith.constant 288 : index
        %swap3A_570 = tpu.vector_load %arg18[%swap3A_568, %swap3A_569] {strides = array<i32>} : memref<8x512xf32, #tpu.memory_space<vmem>>, vector<1x16xf32>,
        %swap3A_571 = vector.shape_cast %swap3A_570 : vector<1x16xf32> to vector<16xf32>
        %swap3A_572 = vector.shape_cast %add3A_567 : vector<16xf32> to vector<1x16xf32>
        tpu.vector_store %arg18[%swap3A_568, %swap3A_569], %swap3A_572 {strides = array<i32>} : memref<8x512xf32, #tpu.memory_space<vmem>>, vector<1x16xf32>,
        %get3A_573 = arith.index_cast %scan3A_141 : i32 to index
        %get3A_574 = arith.constant 304 : index
        %get3A_575 = tpu.vector_load %arg12[%get3A_573, %get3A_574] {strides = array<i32>} : memref<8x512xf32, #tpu.memory_space<vmem>>, vector<1x16xf32>,
        %get3A_576 = vector.shape_cast %get3A_575 : vector<1x16xf32> to vector<16xf32>
        %mul3A_577 = arith.mulf %get3A_576, %get3A_145 : vector<16xf32>
        %get3A_578 = arith.index_cast %scan3A_141 : i32 to index
        %get3A_579 = arith.constant 304 : index
        %get3A_580 = tpu.vector_load %arg13[%get3A_578, %get3A_579] {strides = array<i32>} : memref<8x512xf32, #tpu.memory_space<vmem>>, vector<1x16xf32>,
        %get3A_581 = vector.shape_cast %get3A_580 : vector<1x16xf32> to vector<16xf32>
        %mul3A_582 = arith.mulf %get3A_581, %get3A_150 : vector<16xf32>
        %add3A_583 = arith.addf %mul3A_577, %mul3A_582 : vector<16xf32>
        %get3A_584 = arith.index_cast %scan3A_141 : i32 to index
        %get3A_585 = arith.constant 304 : index
        %get3A_586 = tpu.vector_load %arg14[%get3A_584, %get3A_585] {strides = array<i32>} : memref<8x512xf32, #tpu.memory_space<vmem>>, vector<1x16xf32>,
        %get3A_587 = vector.shape_cast %get3A_586 : vector<1x16xf32> to vector<16xf32>
        %mul3A_588 = arith.mulf %get3A_587, %get3A_155 : vector<16xf32>
        %add3A_589 = arith.addf %add3A_583, %mul3A_588 : vector<16xf32>
        %swap3A_590 = arith.index_cast %scan3A_141 : i32 to index
        %swap3A_591 = arith.constant 304 : index
        %swap3A_592 = tpu.vector_load %arg18[%swap3A_590, %swap3A_591] {strides = array<i32>} : memref<8x512xf32, #tpu.memory_space<vmem>>, vector<1x16xf32>,
        %swap3A_593 = vector.shape_cast %swap3A_592 : vector<1x16xf32> to vector<16xf32>
        %swap3A_594 = vector.shape_cast %add3A_589 : vector<16xf32> to vector<1x16xf32>
        tpu.vector_store %arg18[%swap3A_590, %swap3A_591], %swap3A_594 {strides = array<i32>} : memref<8x512xf32, #tpu.memory_space<vmem>>, vector<1x16xf32>,
        %get3A_595 = arith.index_cast %scan3A_141 : i32 to index
        %get3A_596 = arith.constant 320 : index
        %get3A_597 = tpu.vector_load %arg12[%get3A_595, %get3A_596] {strides = array<i32>} : memref<8x512xf32, #tpu.memory_space<vmem>>, vector<1x16xf32>,
        %get3A_598 = vector.shape_cast %get3A_597 : vector<1x16xf32> to vector<16xf32>
        %mul3A_599 = arith.mulf %get3A_598, %get3A_145 : vector<16xf32>
        %get3A_600 = arith.index_cast %scan3A_141 : i32 to index
        %get3A_601 = arith.constant 320 : index
        %get3A_602 = tpu.vector_load %arg13[%get3A_600, %get3A_601] {strides = array<i32>} : memref<8x512xf32, #tpu.memory_space<vmem>>, vector<1x16xf32>,
        %get3A_603 = vector.shape_cast %get3A_602 : vector<1x16xf32> to vector<16xf32>
        %mul3A_604 = arith.mulf %get3A_603, %get3A_150 : vector<16xf32>
        %add3A_605 = arith.addf %mul3A_599, %mul3A_604 : vector<16xf32>
        %get3A_606 = arith.index_cast %scan3A_141 : i32 to index
        %get3A_607 = arith.constant 320 : index
        %get3A_608 = tpu.vector_load %arg14[%get3A_606, %get3A_607] {strides = array<i32>} : memref<8x512xf32, #tpu.memory_space<vmem>>, vector<1x16xf32>,
        %get3A_609 = vector.shape_cast %get3A_608 : vector<1x16xf32> to vector<16xf32>
        %mul3A_610 = arith.mulf %get3A_609, %get3A_155 : vector<16xf32>
        %add3A_611 = arith.addf %add3A_605, %mul3A_610 : vector<16xf32>
        %swap3A_612 = arith.index_cast %scan3A_141 : i32 to index
        %swap3A_613 = arith.constant 320 : index
        %swap3A_614 = tpu.vector_load %arg18[%swap3A_612, %swap3A_613] {strides = array<i32>} : memref<8x512xf32, #tpu.memory_space<vmem>>, vector<1x16xf32>,
        %swap3A_615 = vector.shape_cast %swap3A_614 : vector<1x16xf32> to vector<16xf32>
        %swap3A_616 = vector.shape_cast %add3A_611 : vector<16xf32> to vector<1x16xf32>
        tpu.vector_store %arg18[%swap3A_612, %swap3A_613], %swap3A_616 {strides = array<i32>} : memref<8x512xf32, #tpu.memory_space<vmem>>, vector<1x16xf32>,
        %get3A_617 = arith.index_cast %scan3A_141 : i32 to index
        %get3A_618 = arith.constant 336 : index
        %get3A_619 = tpu.vector_load %arg12[%get3A_617, %get3A_618] {strides = array<i32>} : memref<8x512xf32, #tpu.memory_space<vmem>>, vector<1x16xf32>,
        %get3A_620 = vector.shape_cast %get3A_619 : vector<1x16xf32> to vector<16xf32>
        %mul3A_621 = arith.mulf %get3A_620, %get3A_145 : vector<16xf32>
        %get3A_622 = arith.index_cast %scan3A_141 : i32 to index
        %get3A_623 = arith.constant 336 : index
        %get3A_624 = tpu.vector_load %arg13[%get3A_622, %get3A_623] {strides = array<i32>} : memref<8x512xf32, #tpu.memory_space<vmem>>, vector<1x16xf32>,
        %get3A_625 = vector.shape_cast %get3A_624 : vector<1x16xf32> to vector<16xf32>
        %mul3A_626 = arith.mulf %get3A_625, %get3A_150 : vector<16xf32>
        %add3A_627 = arith.addf %mul3A_621, %mul3A_626 : vector<16xf32>
        %get3A_628 = arith.index_cast %scan3A_141 : i32 to index
        %get3A_629 = arith.constant 336 : index
        %get3A_630 = tpu.vector_load %arg14[%get3A_628, %get3A_629] {strides = array<i32>} : memref<8x512xf32, #tpu.memory_space<vmem>>, vector<1x16xf32>,
        %get3A_631 = vector.shape_cast %get3A_630 : vector<1x16xf32> to vector<16xf32>
        %mul3A_632 = arith.mulf %get3A_631, %get3A_155 : vector<16xf32>
        %add3A_633 = arith.addf %add3A_627, %mul3A_632 : vector<16xf32>
        %swap3A_634 = arith.index_cast %scan3A_141 : i32 to index
        %swap3A_635 = arith.constant 336 : index
        %swap3A_636 = tpu.vector_load %arg18[%swap3A_634, %swap3A_635] {strides = array<i32>} : memref<8x512xf32, #tpu.memory_space<vmem>>, vector<1x16xf32>,
        %swap3A_637 = vector.shape_cast %swap3A_636 : vector<1x16xf32> to vector<16xf32>
        %swap3A_638 = vector.shape_cast %add3A_633 : vector<16xf32> to vector<1x16xf32>
        tpu.vector_store %arg18[%swap3A_634, %swap3A_635], %swap3A_638 {strides = array<i32>} : memref<8x512xf32, #tpu.memory_space<vmem>>, vector<1x16xf32>,
        %get3A_639 = arith.index_cast %scan3A_141 : i32 to index
        %get3A_640 = arith.constant 352 : index
        %get3A_641 = tpu.vector_load %arg12[%get3A_639, %get3A_640] {strides = array<i32>} : memref<8x512xf32, #tpu.memory_space<vmem>>, vector<1x16xf32>,
        %get3A_642 = vector.shape_cast %get3A_641 : vector<1x16xf32> to vector<16xf32>
        %mul3A_643 = arith.mulf %get3A_642, %get3A_145 : vector<16xf32>
        %get3A_644 = arith.index_cast %scan3A_141 : i32 to index
        %get3A_645 = arith.constant 352 : index
        %get3A_646 = tpu.vector_load %arg13[%get3A_644, %get3A_645] {strides = array<i32>} : memref<8x512xf32, #tpu.memory_space<vmem>>, vector<1x16xf32>,
        %get3A_647 = vector.shape_cast %get3A_646 : vector<1x16xf32> to vector<16xf32>
        %mul3A_648 = arith.mulf %get3A_647, %get3A_150 : vector<16xf32>
        %add3A_649 = arith.addf %mul3A_643, %mul3A_648 : vector<16xf32>
        %get3A_650 = arith.index_cast %scan3A_141 : i32 to index
        %get3A_651 = arith.constant 352 : index
        %get3A_652 = tpu.vector_load %arg14[%get3A_650, %get3A_651] {strides = array<i32>} : memref<8x512xf32, #tpu.memory_space<vmem>>, vector<1x16xf32>,
        %get3A_653 = vector.shape_cast %get3A_652 : vector<1x16xf32> to vector<16xf32>
        %mul3A_654 = arith.mulf %get3A_653, %get3A_155 : vector<16xf32>
        %add3A_655 = arith.addf %add3A_649, %mul3A_654 : vector<16xf32>
        %swap3A_656 = arith.index_cast %scan3A_141 : i32 to index
        %swap3A_657 = arith.constant 352 : index
        %swap3A_658 = tpu.vector_load %arg18[%swap3A_656, %swap3A_657] {strides = array<i32>} : memref<8x512xf32, #tpu.memory_space<vmem>>, vector<1x16xf32>,
        %swap3A_659 = vector.shape_cast %swap3A_658 : vector<1x16xf32> to vector<16xf32>
        %swap3A_660 = vector.shape_cast %add3A_655 : vector<16xf32> to vector<1x16xf32>
        tpu.vector_store %arg18[%swap3A_656, %swap3A_657], %swap3A_660 {strides = array<i32>} : memref<8x512xf32, #tpu.memory_space<vmem>>, vector<1x16xf32>,
        %get3A_661 = arith.index_cast %scan3A_141 : i32 to index
        %get3A_662 = arith.constant 368 : index
        %get3A_663 = tpu.vector_load %arg12[%get3A_661, %get3A_662] {strides = array<i32>} : memref<8x512xf32, #tpu.memory_space<vmem>>, vector<1x16xf32>,
        %get3A_664 = vector.shape_cast %get3A_663 : vector<1x16xf32> to vector<16xf32>
        %mul3A_665 = arith.mulf %get3A_664, %get3A_145 : vector<16xf32>
        %get3A_666 = arith.index_cast %scan3A_141 : i32 to index
        %get3A_667 = arith.constant 368 : index
        %get3A_668 = tpu.vector_load %arg13[%get3A_666, %get3A_667] {strides = array<i32>} : memref<8x512xf32, #tpu.memory_space<vmem>>, vector<1x16xf32>,
        %get3A_669 = vector.shape_cast %get3A_668 : vector<1x16xf32> to vector<16xf32>
        %mul3A_670 = arith.mulf %get3A_669, %get3A_150 : vector<16xf32>
        %add3A_671 = arith.addf %mul3A_665, %mul3A_670 : vector<16xf32>
        %get3A_672 = arith.index_cast %scan3A_141 : i32 to index
        %get3A_673 = arith.constant 368 : index
        %get3A_674 = tpu.vector_load %arg14[%get3A_672, %get3A_673] {strides = array<i32>} : memref<8x512xf32, #tpu.memory_space<vmem>>, vector<1x16xf32>,
        %get3A_675 = vector.shape_cast %get3A_674 : vector<1x16xf32> to vector<16xf32>
        %mul3A_676 = arith.mulf %get3A_675, %get3A_155 : vector<16xf32>
        %add3A_677 = arith.addf %add3A_671, %mul3A_676 : vector<16xf32>
        %swap3A_678 = arith.index_cast %scan3A_141 : i32 to index
        %swap3A_679 = arith.constant 368 : index
        %swap3A_680 = tpu.vector_load %arg18[%swap3A_678, %swap3A_679] {strides = array<i32>} : memref<8x512xf32, #tpu.memory_space<vmem>>, vector<1x16xf32>,
        %swap3A_681 = vector.shape_cast %swap3A_680 : vector<1x16xf32> to vector<16xf32>
        %swap3A_682 = vector.shape_cast %add3A_677 : vector<16xf32> to vector<1x16xf32>
        tpu.vector_store %arg18[%swap3A_678, %swap3A_679], %swap3A_682 {strides = array<i32>} : memref<8x512xf32, #tpu.memory_space<vmem>>, vector<1x16xf32>,
        %get3A_683 = arith.index_cast %scan3A_141 : i32 to index
        %get3A_684 = arith.constant 384 : index
        %get3A_685 = tpu.vector_load %arg12[%get3A_683, %get3A_684] {strides = array<i32>} : memref<8x512xf32, #tpu.memory_space<vmem>>, vector<1x16xf32>,
        %get3A_686 = vector.shape_cast %get3A_685 : vector<1x16xf32> to vector<16xf32>
        %mul3A_687 = arith.mulf %get3A_686, %get3A_145 : vector<16xf32>
        %get3A_688 = arith.index_cast %scan3A_141 : i32 to index
        %get3A_689 = arith.constant 384 : index
        %get3A_690 = tpu.vector_load %arg13[%get3A_688, %get3A_689] {strides = array<i32>} : memref<8x512xf32, #tpu.memory_space<vmem>>, vector<1x16xf32>,
        %get3A_691 = vector.shape_cast %get3A_690 : vector<1x16xf32> to vector<16xf32>
        %mul3A_692 = arith.mulf %get3A_691, %get3A_150 : vector<16xf32>
        %add3A_693 = arith.addf %mul3A_687, %mul3A_692 : vector<16xf32>
        %get3A_694 = arith.index_cast %scan3A_141 : i32 to index
        %get3A_695 = arith.constant 384 : index
        %get3A_696 = tpu.vector_load %arg14[%get3A_694, %get3A_695] {strides = array<i32>} : memref<8x512xf32, #tpu.memory_space<vmem>>, vector<1x16xf32>,
        %get3A_697 = vector.shape_cast %get3A_696 : vector<1x16xf32> to vector<16xf32>
        %mul3A_698 = arith.mulf %get3A_697, %get3A_155 : vector<16xf32>
        %add3A_699 = arith.addf %add3A_693, %mul3A_698 : vector<16xf32>
        %swap3A_700 = arith.index_cast %scan3A_141 : i32 to index
        %swap3A_701 = arith.constant 384 : index
        %swap3A_702 = tpu.vector_load %arg18[%swap3A_700, %swap3A_701] {strides = array<i32>} : memref<8x512xf32, #tpu.memory_space<vmem>>, vector<1x16xf32>,
        %swap3A_703 = vector.shape_cast %swap3A_702 : vector<1x16xf32> to vector<16xf32>
        %swap3A_704 = vector.shape_cast %add3A_699 : vector<16xf32> to vector<1x16xf32>
        tpu.vector_store %arg18[%swap3A_700, %swap3A_701], %swap3A_704 {strides = array<i32>} : memref<8x512xf32, #tpu.memory_space<vmem>>, vector<1x16xf32>,
        %get3A_705 = arith.index_cast %scan3A_141 : i32 to index
        %get3A_706 = arith.constant 400 : index
        %get3A_707 = tpu.vector_load %arg12[%get3A_705, %get3A_706] {strides = array<i32>} : memref<8x512xf32, #tpu.memory_space<vmem>>, vector<1x16xf32>,
        %get3A_708 = vector.shape_cast %get3A_707 : vector<1x16xf32> to vector<16xf32>
        %mul3A_709 = arith.mulf %get3A_708, %get3A_145 : vector<16xf32>
        %get3A_710 = arith.index_cast %scan3A_141 : i32 to index
        %get3A_711 = arith.constant 400 : index
        %get3A_712 = tpu.vector_load %arg13[%get3A_710, %get3A_711] {strides = array<i32>} : memref<8x512xf32, #tpu.memory_space<vmem>>, vector<1x16xf32>,
        %get3A_713 = vector.shape_cast %get3A_712 : vector<1x16xf32> to vector<16xf32>
        %mul3A_714 = arith.mulf %get3A_713, %get3A_150 : vector<16xf32>
        %add3A_715 = arith.addf %mul3A_709, %mul3A_714 : vector<16xf32>
        %get3A_716 = arith.index_cast %scan3A_141 : i32 to index
        %get3A_717 = arith.constant 400 : index
        %get3A_718 = tpu.vector_load %arg14[%get3A_716, %get3A_717] {strides = array<i32>} : memref<8x512xf32, #tpu.memory_space<vmem>>, vector<1x16xf32>,
        %get3A_719 = vector.shape_cast %get3A_718 : vector<1x16xf32> to vector<16xf32>
        %mul3A_720 = arith.mulf %get3A_719, %get3A_155 : vector<16xf32>
        %add3A_721 = arith.addf %add3A_715, %mul3A_720 : vector<16xf32>
        %swap3A_722 = arith.index_cast %scan3A_141 : i32 to index
        %swap3A_723 = arith.constant 400 : index
        %swap3A_724 = tpu.vector_load %arg18[%swap3A_722, %swap3A_723] {strides = array<i32>} : memref<8x512xf32, #tpu.memory_space<vmem>>, vector<1x16xf32>,
        %swap3A_725 = vector.shape_cast %swap3A_724 : vector<1x16xf32> to vector<16xf32>
        %swap3A_726 = vector.shape_cast %add3A_721 : vector<16xf32> to vector<1x16xf32>
        tpu.vector_store %arg18[%swap3A_722, %swap3A_723], %swap3A_726 {strides = array<i32>} : memref<8x512xf32, #tpu.memory_space<vmem>>, vector<1x16xf32>,
        %get3A_727 = arith.index_cast %scan3A_141 : i32 to index
        %get3A_728 = arith.constant 416 : index
        %get3A_729 = tpu.vector_load %arg12[%get3A_727, %get3A_728] {strides = array<i32>} : memref<8x512xf32, #tpu.memory_space<vmem>>, vector<1x16xf32>,
        %get3A_730 = vector.shape_cast %get3A_729 : vector<1x16xf32> to vector<16xf32>
        %mul3A_731 = arith.mulf %get3A_730, %get3A_145 : vector<16xf32>
        %get3A_732 = arith.index_cast %scan3A_141 : i32 to index
        %get3A_733 = arith.constant 416 : index
        %get3A_734 = tpu.vector_load %arg13[%get3A_732, %get3A_733] {strides = array<i32>} : memref<8x512xf32, #tpu.memory_space<vmem>>, vector<1x16xf32>,
        %get3A_735 = vector.shape_cast %get3A_734 : vector<1x16xf32> to vector<16xf32>
        %mul3A_736 = arith.mulf %get3A_735, %get3A_150 : vector<16xf32>
        %add3A_737 = arith.addf %mul3A_731, %mul3A_736 : vector<16xf32>
        %get3A_738 = arith.index_cast %scan3A_141 : i32 to index
        %get3A_739 = arith.constant 416 : index
        %get3A_740 = tpu.vector_load %arg14[%get3A_738, %get3A_739] {strides = array<i32>} : memref<8x512xf32, #tpu.memory_space<vmem>>, vector<1x16xf32>,
        %get3A_741 = vector.shape_cast %get3A_740 : vector<1x16xf32> to vector<16xf32>
        %mul3A_742 = arith.mulf %get3A_741, %get3A_155 : vector<16xf32>
        %add3A_743 = arith.addf %add3A_737, %mul3A_742 : vector<16xf32>
        %swap3A_744 = arith.index_cast %scan3A_141 : i32 to index
        %swap3A_745 = arith.constant 416 : index
        %swap3A_746 = tpu.vector_load %arg18[%swap3A_744, %swap3A_745] {strides = array<i32>} : memref<8x512xf32, #tpu.memory_space<vmem>>, vector<1x16xf32>,
        %swap3A_747 = vector.shape_cast %swap3A_746 : vector<1x16xf32> to vector<16xf32>
        %swap3A_748 = vector.shape_cast %add3A_743 : vector<16xf32> to vector<1x16xf32>
        tpu.vector_store %arg18[%swap3A_744, %swap3A_745], %swap3A_748 {strides = array<i32>} : memref<8x512xf32, #tpu.memory_space<vmem>>, vector<1x16xf32>,
        %get3A_749 = arith.index_cast %scan3A_141 : i32 to index
        %get3A_750 = arith.constant 432 : index
        %get3A_751 = tpu.vector_load %arg12[%get3A_749, %get3A_750] {strides = array<i32>} : memref<8x512xf32, #tpu.memory_space<vmem>>, vector<1x16xf32>,
        %get3A_752 = vector.shape_cast %get3A_751 : vector<1x16xf32> to vector<16xf32>
        %mul3A_753 = arith.mulf %get3A_752, %get3A_145 : vector<16xf32>
        %get3A_754 = arith.index_cast %scan3A_141 : i32 to index
        %get3A_755 = arith.constant 432 : index
        %get3A_756 = tpu.vector_load %arg13[%get3A_754, %get3A_755] {strides = array<i32>} : memref<8x512xf32, #tpu.memory_space<vmem>>, vector<1x16xf32>,
        %get3A_757 = vector.shape_cast %get3A_756 : vector<1x16xf32> to vector<16xf32>
        %mul3A_758 = arith.mulf %get3A_757, %get3A_150 : vector<16xf32>
        %add3A_759 = arith.addf %mul3A_753, %mul3A_758 : vector<16xf32>
        %get3A_760 = arith.index_cast %scan3A_141 : i32 to index
        %get3A_761 = arith.constant 432 : index
        %get3A_762 = tpu.vector_load %arg14[%get3A_760, %get3A_761] {strides = array<i32>} : memref<8x512xf32, #tpu.memory_space<vmem>>, vector<1x16xf32>,
        %get3A_763 = vector.shape_cast %get3A_762 : vector<1x16xf32> to vector<16xf32>
        %mul3A_764 = arith.mulf %get3A_763, %get3A_155 : vector<16xf32>
        %add3A_765 = arith.addf %add3A_759, %mul3A_764 : vector<16xf32>
        %swap3A_766 = arith.index_cast %scan3A_141 : i32 to index
        %swap3A_767 = arith.constant 432 : index
        %swap3A_768 = tpu.vector_load %arg18[%swap3A_766, %swap3A_767] {strides = array<i32>} : memref<8x512xf32, #tpu.memory_space<vmem>>, vector<1x16xf32>,
        %swap3A_769 = vector.shape_cast %swap3A_768 : vector<1x16xf32> to vector<16xf32>
        %swap3A_770 = vector.shape_cast %add3A_765 : vector<16xf32> to vector<1x16xf32>
        tpu.vector_store %arg18[%swap3A_766, %swap3A_767], %swap3A_770 {strides = array<i32>} : memref<8x512xf32, #tpu.memory_space<vmem>>, vector<1x16xf32>,
        %get3A_771 = arith.index_cast %scan3A_141 : i32 to index
        %get3A_772 = arith.constant 448 : index
        %get3A_773 = tpu.vector_load %arg12[%get3A_771, %get3A_772] {strides = array<i32>} : memref<8x512xf32, #tpu.memory_space<vmem>>, vector<1x16xf32>,
        %get3A_774 = vector.shape_cast %get3A_773 : vector<1x16xf32> to vector<16xf32>
        %mul3A_775 = arith.mulf %get3A_774, %get3A_145 : vector<16xf32>
        %get3A_776 = arith.index_cast %scan3A_141 : i32 to index
        %get3A_777 = arith.constant 448 : index
        %get3A_778 = tpu.vector_load %arg13[%get3A_776, %get3A_777] {strides = array<i32>} : memref<8x512xf32, #tpu.memory_space<vmem>>, vector<1x16xf32>,
        %get3A_779 = vector.shape_cast %get3A_778 : vector<1x16xf32> to vector<16xf32>
        %mul3A_780 = arith.mulf %get3A_779, %get3A_150 : vector<16xf32>
        %add3A_781 = arith.addf %mul3A_775, %mul3A_780 : vector<16xf32>
        %get3A_782 = arith.index_cast %scan3A_141 : i32 to index
        %get3A_783 = arith.constant 448 : index
        %get3A_784 = tpu.vector_load %arg14[%get3A_782, %get3A_783] {strides = array<i32>} : memref<8x512xf32, #tpu.memory_space<vmem>>, vector<1x16xf32>,
        %get3A_785 = vector.shape_cast %get3A_784 : vector<1x16xf32> to vector<16xf32>
        %mul3A_786 = arith.mulf %get3A_785, %get3A_155 : vector<16xf32>
        %add3A_787 = arith.addf %add3A_781, %mul3A_786 : vector<16xf32>
        %swap3A_788 = arith.index_cast %scan3A_141 : i32 to index
        %swap3A_789 = arith.constant 448 : index
        %swap3A_790 = tpu.vector_load %arg18[%swap3A_788, %swap3A_789] {strides = array<i32>} : memref<8x512xf32, #tpu.memory_space<vmem>>, vector<1x16xf32>,
        %swap3A_791 = vector.shape_cast %swap3A_790 : vector<1x16xf32> to vector<16xf32>
        %swap3A_792 = vector.shape_cast %add3A_787 : vector<16xf32> to vector<1x16xf32>
        tpu.vector_store %arg18[%swap3A_788, %swap3A_789], %swap3A_792 {strides = array<i32>} : memref<8x512xf32, #tpu.memory_space<vmem>>, vector<1x16xf32>,
        %get3A_793 = arith.index_cast %scan3A_141 : i32 to index
        %get3A_794 = arith.constant 464 : index
        %get3A_795 = tpu.vector_load %arg12[%get3A_793, %get3A_794] {strides = array<i32>} : memref<8x512xf32, #tpu.memory_space<vmem>>, vector<1x16xf32>,
        %get3A_796 = vector.shape_cast %get3A_795 : vector<1x16xf32> to vector<16xf32>
        %mul3A_797 = arith.mulf %get3A_796, %get3A_145 : vector<16xf32>
        %get3A_798 = arith.index_cast %scan3A_141 : i32 to index
        %get3A_799 = arith.constant 464 : index
        %get3A_800 = tpu.vector_load %arg13[%get3A_798, %get3A_799] {strides = array<i32>} : memref<8x512xf32, #tpu.memory_space<vmem>>, vector<1x16xf32>,
        %get3A_801 = vector.shape_cast %get3A_800 : vector<1x16xf32> to vector<16xf32>
        %mul3A_802 = arith.mulf %get3A_801, %get3A_150 : vector<16xf32>
        %add3A_803 = arith.addf %mul3A_797, %mul3A_802 : vector<16xf32>
        %get3A_804 = arith.index_cast %scan3A_141 : i32 to index
        %get3A_805 = arith.constant 464 : index
        %get3A_806 = tpu.vector_load %arg14[%get3A_804, %get3A_805] {strides = array<i32>} : memref<8x512xf32, #tpu.memory_space<vmem>>, vector<1x16xf32>,
        %get3A_807 = vector.shape_cast %get3A_806 : vector<1x16xf32> to vector<16xf32>
        %mul3A_808 = arith.mulf %get3A_807, %get3A_155 : vector<16xf32>
        %add3A_809 = arith.addf %add3A_803, %mul3A_808 : vector<16xf32>
        %swap3A_810 = arith.index_cast %scan3A_141 : i32 to index
        %swap3A_811 = arith.constant 464 : index
        %swap3A_812 = tpu.vector_load %arg18[%swap3A_810, %swap3A_811] {strides = array<i32>} : memref<8x512xf32, #tpu.memory_space<vmem>>, vector<1x16xf32>,
        %swap3A_813 = vector.shape_cast %swap3A_812 : vector<1x16xf32> to vector<16xf32>
        %swap3A_814 = vector.shape_cast %add3A_809 : vector<16xf32> to vector<1x16xf32>
        tpu.vector_store %arg18[%swap3A_810, %swap3A_811], %swap3A_814 {strides = array<i32>} : memref<8x512xf32, #tpu.memory_space<vmem>>, vector<1x16xf32>,
        %get3A_815 = arith.index_cast %scan3A_141 : i32 to index
        %get3A_816 = arith.constant 480 : index
        %get3A_817 = tpu.vector_load %arg12[%get3A_815, %get3A_816] {strides = array<i32>} : memref<8x512xf32, #tpu.memory_space<vmem>>, vector<1x16xf32>,
        %get3A_818 = vector.shape_cast %get3A_817 : vector<1x16xf32> to vector<16xf32>
        %mul3A_819 = arith.mulf %get3A_818, %get3A_145 : vector<16xf32>
        %get3A_820 = arith.index_cast %scan3A_141 : i32 to index
        %get3A_821 = arith.constant 480 : index
        %get3A_822 = tpu.vector_load %arg13[%get3A_820, %get3A_821] {strides = array<i32>} : memref<8x512xf32, #tpu.memory_space<vmem>>, vector<1x16xf32>,
        %get3A_823 = vector.shape_cast %get3A_822 : vector<1x16xf32> to vector<16xf32>
        %mul3A_824 = arith.mulf %get3A_823, %get3A_150 : vector<16xf32>
        %add3A_825 = arith.addf %mul3A_819, %mul3A_824 : vector<16xf32>
        %get3A_826 = arith.index_cast %scan3A_141 : i32 to index
        %get3A_827 = arith.constant 480 : index
        %get3A_828 = tpu.vector_load %arg14[%get3A_826, %get3A_827] {strides = array<i32>} : memref<8x512xf32, #tpu.memory_space<vmem>>, vector<1x16xf32>,
        %get3A_829 = vector.shape_cast %get3A_828 : vector<1x16xf32> to vector<16xf32>
        %mul3A_830 = arith.mulf %get3A_829, %get3A_155 : vector<16xf32>
        %add3A_831 = arith.addf %add3A_825, %mul3A_830 : vector<16xf32>
        %swap3A_832 = arith.index_cast %scan3A_141 : i32 to index
        %swap3A_833 = arith.constant 480 : index
        %swap3A_834 = tpu.vector_load %arg18[%swap3A_832, %swap3A_833] {strides = array<i32>} : memref<8x512xf32, #tpu.memory_space<vmem>>, vector<1x16xf32>,
        %swap3A_835 = vector.shape_cast %swap3A_834 : vector<1x16xf32> to vector<16xf32>
        %swap3A_836 = vector.shape_cast %add3A_831 : vector<16xf32> to vector<1x16xf32>
        tpu.vector_store %arg18[%swap3A_832, %swap3A_833], %swap3A_836 {strides = array<i32>} : memref<8x512xf32, #tpu.memory_space<vmem>>, vector<1x16xf32>,
        %get3A_837 = arith.index_cast %scan3A_141 : i32 to index
        %get3A_838 = arith.constant 496 : index
        %get3A_839 = tpu.vector_load %arg12[%get3A_837, %get3A_838] {strides = array<i32>} : memref<8x512xf32, #tpu.memory_space<vmem>>, vector<1x16xf32>,
        %get3A_840 = vector.shape_cast %get3A_839 : vector<1x16xf32> to vector<16xf32>
        %mul3A_841 = arith.mulf %get3A_840, %get3A_145 : vector<16xf32>
        %get3A_842 = arith.index_cast %scan3A_141 : i32 to index
        %get3A_843 = arith.constant 496 : index
        %get3A_844 = tpu.vector_load %arg13[%get3A_842, %get3A_843] {strides = array<i32>} : memref<8x512xf32, #tpu.memory_space<vmem>>, vector<1x16xf32>,
        %get3A_845 = vector.shape_cast %get3A_844 : vector<1x16xf32> to vector<16xf32>
        %mul3A_846 = arith.mulf %get3A_845, %get3A_150 : vector<16xf32>
        %add3A_847 = arith.addf %mul3A_841, %mul3A_846 : vector<16xf32>
        %get3A_848 = arith.index_cast %scan3A_141 : i32 to index
        %get3A_849 = arith.constant 496 : index
        %get3A_850 = tpu.vector_load %arg14[%get3A_848, %get3A_849] {strides = array<i32>} : memref<8x512xf32, #tpu.memory_space<vmem>>, vector<1x16xf32>,
        %get3A_851 = vector.shape_cast %get3A_850 : vector<1x16xf32> to vector<16xf32>
        %mul3A_852 = arith.mulf %get3A_851, %get3A_155 : vector<16xf32>
        %add3A_853 = arith.addf %add3A_847, %mul3A_852 : vector<16xf32>
        %swap3A_854 = arith.index_cast %scan3A_141 : i32 to index
        %swap3A_855 = arith.constant 496 : index
        %swap3A_856 = tpu.vector_load %arg18[%swap3A_854, %swap3A_855] {strides = array<i32>} : memref<8x512xf32, #tpu.memory_space<vmem>>, vector<1x16xf32>,
        %swap3A_857 = vector.shape_cast %swap3A_856 : vector<1x16xf32> to vector<16xf32>
        %swap3A_858 = vector.shape_cast %add3A_853 : vector<16xf32> to vector<1x16xf32>
        tpu.vector_store %arg18[%swap3A_854, %swap3A_855], %swap3A_858 {strides = array<i32>} : memref<8x512xf32, #tpu.memory_space<vmem>>, vector<1x16xf32>,
      }
      %scan3A_114 = arith.constant 8 : i32
      %add3A_115 = arith.addi %add3A_4, %mul3A_108 : i32
      "tpu.region"() ({
        %run_scoped3A = tpu.sem_alloc : memref<!tpu.dma_semaphore, #tpu.memory_space<semaphore_mem>>
        %dma_start3A_141 = arith.constant 0 : i32
        %dma_start3A_142 = tpu.memref_slice %arg5[%add3A_115, %dma_start3A_141] : memref<16384x512xf32, #tpu.memory_space<hbm>> -> memref<8x512xf32, #tpu.memory_space<hbm>>
        %dma_start3A_143 = arith.constant 0 : i32
        %dma_start3A_144 = tpu.memref_slice %arg5[%add3A_115, %dma_start3A_143] : memref<16384x512xf32, #tpu.memory_space<hbm>> -> memref<8x512xf32, #tpu.memory_space<hbm>>
        tpu.enqueue_dma source(%arg18 : memref<8x512xf32, #tpu.memory_space<vmem>>) target(%dma_start3A_144 : memref<8x512xf32, #tpu.memory_space<hbm>>) target_semaphore(%run_scoped3A : memref<!tpu.dma_semaphore, #tpu.memory_space<semaphore_mem>>)
        %dma_wait3A_145 = arith.constant 0 : i32
        %dma_wait3A_146 = tpu.memref_slice %arg5[%add3A_115, %dma_wait3A_145] : memref<16384x512xf32, #tpu.memory_space<hbm>> -> memref<8x512xf32, #tpu.memory_space<hbm>>
        %dma_wait3A_147 = arith.constant 0 : i32
        %dma_wait3A_148 = tpu.memref_slice %arg5[%add3A_115, %dma_wait3A_147] : memref<16384x512xf32, #tpu.memory_space<hbm>> -> memref<8x512xf32, #tpu.memory_space<hbm>>
        tpu.wait_dma2 semaphore(%run_scoped3A : memref<!tpu.dma_semaphore, #tpu.memory_space<semaphore_mem>>) src(%arg18 : memref<8x512xf32, #tpu.memory_space<vmem>>) dst(%dma_wait3A_148 : memref<8x512xf32, #tpu.memory_space<hbm>>)
        tpu.yield
      }) : () -> ()
      %lt3A = arith.constant 15 : i32
      %lt3A_116 = arith.cmpi slt, %scan3A_73, %lt3A : i32
      %convert_element_type3A = arith.extui %lt3A_116 : i1 to i32
      %cond3A = arith.constant 0 : i32
      %cond3A_117 = arith.cmpi ne, %convert_element_type3A, %cond3A : i32
      scf.if %cond3A_117 {
        %add3A_141 = arith.constant 2 : i32
        %add3A_142 = arith.addi %mul3A_75, %add3A_141 : i32
        %mul3A_143 = arith.constant 8 : i32
        %mul3A_144 = arith.muli %add3A_142, %mul3A_143 : i32
        %dma_start3A_145 = tpu.memref_slice %arg6[%mul3A_144] : memref<256xi32, #tpu.memory_space<vmem>> -> memref<8xi32, #tpu.memory_space<vmem>>
        %dma_start3A_146 = arith.constant 0 : i32
        %dma_start3A_147 = arith.constant 0 : i32
        %dma_start3A_148 = tpu.memref_slice %arg2[%dma_start3A_146, %dma_start3A_147] : memref<16384x512xf32, #tpu.memory_space<hbm>> -> memref<16384x512xf32, #tpu.memory_space<hbm>>
        tpu.enqueue_indirect_dma source(%dma_start3A_148 : memref<16384x512xf32, #tpu.memory_space<hbm>>) target(%arg12 : memref<8x512xf32, #tpu.memory_space<vmem>>) offsets(%dma_start3A_145 : memref<8xi32, #tpu.memory_space<vmem>>) semaphore(%arg19 : memref<!tpu.dma_semaphore, #tpu.memory_space<semaphore_mem>>)
        %dma_start3A_149 = tpu.memref_slice %arg7[%mul3A_144] : memref<256xi32, #tpu.memory_space<vmem>> -> memref<8xi32, #tpu.memory_space<vmem>>
        %dma_start3A_150 = arith.constant 0 : i32
        %dma_start3A_151 = arith.constant 0 : i32
        %dma_start3A_152 = tpu.memref_slice %arg2[%dma_start3A_150, %dma_start3A_151] : memref<16384x512xf32, #tpu.memory_space<hbm>> -> memref<16384x512xf32, #tpu.memory_space<hbm>>
        tpu.enqueue_indirect_dma source(%dma_start3A_152 : memref<16384x512xf32, #tpu.memory_space<hbm>>) target(%arg13 : memref<8x512xf32, #tpu.memory_space<vmem>>) offsets(%dma_start3A_149 : memref<8xi32, #tpu.memory_space<vmem>>) semaphore(%arg19 : memref<!tpu.dma_semaphore, #tpu.memory_space<semaphore_mem>>)
        %dma_start3A_153 = tpu.memref_slice %arg8[%mul3A_144] : memref<256xi32, #tpu.memory_space<vmem>> -> memref<8xi32, #tpu.memory_space<vmem>>
        %dma_start3A_154 = arith.constant 0 : i32
        %dma_start3A_155 = arith.constant 0 : i32
        %dma_start3A_156 = tpu.memref_slice %arg2[%dma_start3A_154, %dma_start3A_155] : memref<16384x512xf32, #tpu.memory_space<hbm>> -> memref<16384x512xf32, #tpu.memory_space<hbm>>
        tpu.enqueue_indirect_dma source(%dma_start3A_156 : memref<16384x512xf32, #tpu.memory_space<hbm>>) target(%arg14 : memref<8x512xf32, #tpu.memory_space<vmem>>) offsets(%dma_start3A_153 : memref<8xi32, #tpu.memory_space<vmem>>) semaphore(%arg19 : memref<!tpu.dma_semaphore, #tpu.memory_space<semaphore_mem>>)
      } else {
      }
      %mul3A_118 = arith.constant 8 : i32
      %mul3A_119 = arith.muli %add3A_79, %mul3A_118 : i32
      %dma_wait3A_120 = tpu.memref_slice %arg6[%mul3A_119] : memref<256xi32, #tpu.memory_space<vmem>> -> memref<8xi32, #tpu.memory_space<vmem>>
      %dma_wait3A_121 = arith.constant 0 : i32
      %dma_wait3A_122 = arith.constant 0 : i32
      %dma_wait3A_123 = tpu.memref_slice %arg2[%dma_wait3A_121, %dma_wait3A_122] : memref<16384x512xf32, #tpu.memory_space<hbm>> -> memref<16384x512xf32, #tpu.memory_space<hbm>>
      tpu.wait_indirect_dma semaphore(%arg20 : memref<!tpu.dma_semaphore, #tpu.memory_space<semaphore_mem>>) src(%dma_wait3A_123 : memref<16384x512xf32, #tpu.memory_space<hbm>>) dst(%arg15 : memref<8x512xf32, #tpu.memory_space<vmem>>)
      %dma_wait3A_124 = tpu.memref_slice %arg7[%mul3A_119] : memref<256xi32, #tpu.memory_space<vmem>> -> memref<8xi32, #tpu.memory_space<vmem>>
      %dma_wait3A_125 = arith.constant 0 : i32
      %dma_wait3A_126 = arith.constant 0 : i32
      %dma_wait3A_127 = tpu.memref_slice %arg2[%dma_wait3A_125, %dma_wait3A_126] : memref<16384x512xf32, #tpu.memory_space<hbm>> -> memref<16384x512xf32, #tpu.memory_space<hbm>>
      tpu.wait_indirect_dma semaphore(%arg20 : memref<!tpu.dma_semaphore, #tpu.memory_space<semaphore_mem>>) src(%dma_wait3A_127 : memref<16384x512xf32, #tpu.memory_space<hbm>>) dst(%arg16 : memref<8x512xf32, #tpu.memory_space<vmem>>)
      %dma_wait3A_128 = tpu.memref_slice %arg8[%mul3A_119] : memref<256xi32, #tpu.memory_space<vmem>> -> memref<8xi32, #tpu.memory_space<vmem>>
      %dma_wait3A_129 = arith.constant 0 : i32
      %dma_wait3A_130 = arith.constant 0 : i32
      %dma_wait3A_131 = tpu.memref_slice %arg2[%dma_wait3A_129, %dma_wait3A_130] : memref<16384x512xf32, #tpu.memory_space<hbm>> -> memref<16384x512xf32, #tpu.memory_space<hbm>>
      tpu.wait_indirect_dma semaphore(%arg20 : memref<!tpu.dma_semaphore, #tpu.memory_space<semaphore_mem>>) src(%dma_wait3A_131 : memref<16384x512xf32, #tpu.memory_space<hbm>>) dst(%arg17 : memref<8x512xf32, #tpu.memory_space<vmem>>)
      %mul3A_132 = arith.constant 8 : i32
      %mul3A_133 = arith.muli %add3A_79, %mul3A_132 : i32
      %scan3A_134 = arith.constant 0 : i32
      %scan3A_135 = arith.constant 0 : i32
      %scan3A_136 = arith.constant 8 : i32
      %scan3A_137 = arith.addi %scan3A_135, %scan3A_136 : i32
      %scan3A_138 = arith.constant 1 : i32
      scf.for %scan3A_141 = %scan3A_135 to %scan3A_137 step %scan3A_138  : i32 {
        %add3A_142 = arith.addi %mul3A_133, %scan3A_141 : i32
        %get3A = arith.index_cast %add3A_142 : i32 to index
        %get3A_143 = arith.constant 0 : index
        %get3A_144 = tpu.vector_load %arg9[%get3A, %get3A_143] {strides = array<i32>} : memref<256x16xf32, #tpu.memory_space<vmem>>, vector<1x16xf32>,
        %get3A_145 = vector.shape_cast %get3A_144 : vector<1x16xf32> to vector<16xf32>
        %add3A_146 = arith.addi %mul3A_133, %scan3A_141 : i32
        %get3A_147 = arith.index_cast %add3A_146 : i32 to index
        %get3A_148 = arith.constant 0 : index
        %get3A_149 = tpu.vector_load %arg10[%get3A_147, %get3A_148] {strides = array<i32>} : memref<256x16xf32, #tpu.memory_space<vmem>>, vector<1x16xf32>,
        %get3A_150 = vector.shape_cast %get3A_149 : vector<1x16xf32> to vector<16xf32>
        %add3A_151 = arith.addi %mul3A_133, %scan3A_141 : i32
        %get3A_152 = arith.index_cast %add3A_151 : i32 to index
        %get3A_153 = arith.constant 0 : index
        %get3A_154 = tpu.vector_load %arg11[%get3A_152, %get3A_153] {strides = array<i32>} : memref<256x16xf32, #tpu.memory_space<vmem>>, vector<1x16xf32>,
        %get3A_155 = vector.shape_cast %get3A_154 : vector<1x16xf32> to vector<16xf32>
        %get3A_156 = arith.index_cast %scan3A_141 : i32 to index
        %get3A_157 = arith.constant 0 : index
        %get3A_158 = tpu.vector_load %arg15[%get3A_156, %get3A_157] {strides = array<i32>} : memref<8x512xf32, #tpu.memory_space<vmem>>, vector<1x16xf32>,
        %get3A_159 = vector.shape_cast %get3A_158 : vector<1x16xf32> to vector<16xf32>
        %mul3A_160 = arith.mulf %get3A_159, %get3A_145 : vector<16xf32>
        %get3A_161 = arith.index_cast %scan3A_141 : i32 to index
        %get3A_162 = arith.constant 0 : index
        %get3A_163 = tpu.vector_load %arg16[%get3A_161, %get3A_162] {strides = array<i32>} : memref<8x512xf32, #tpu.memory_space<vmem>>, vector<1x16xf32>,
        %get3A_164 = vector.shape_cast %get3A_163 : vector<1x16xf32> to vector<16xf32>
        %mul3A_165 = arith.mulf %get3A_164, %get3A_150 : vector<16xf32>
        %add3A_166 = arith.addf %mul3A_160, %mul3A_165 : vector<16xf32>
        %get3A_167 = arith.index_cast %scan3A_141 : i32 to index
        %get3A_168 = arith.constant 0 : index
        %get3A_169 = tpu.vector_load %arg17[%get3A_167, %get3A_168] {strides = array<i32>} : memref<8x512xf32, #tpu.memory_space<vmem>>, vector<1x16xf32>,
        %get3A_170 = vector.shape_cast %get3A_169 : vector<1x16xf32> to vector<16xf32>
        %mul3A_171 = arith.mulf %get3A_170, %get3A_155 : vector<16xf32>
        %add3A_172 = arith.addf %add3A_166, %mul3A_171 : vector<16xf32>
        %swap3A = arith.index_cast %scan3A_141 : i32 to index
        %swap3A_173 = arith.constant 0 : index
        %swap3A_174 = tpu.vector_load %arg18[%swap3A, %swap3A_173] {strides = array<i32>} : memref<8x512xf32, #tpu.memory_space<vmem>>, vector<1x16xf32>,
        %swap3A_175 = vector.shape_cast %swap3A_174 : vector<1x16xf32> to vector<16xf32>
        %swap3A_176 = vector.shape_cast %add3A_172 : vector<16xf32> to vector<1x16xf32>
        tpu.vector_store %arg18[%swap3A, %swap3A_173], %swap3A_176 {strides = array<i32>} : memref<8x512xf32, #tpu.memory_space<vmem>>, vector<1x16xf32>,
        %get3A_177 = arith.index_cast %scan3A_141 : i32 to index
        %get3A_178 = arith.constant 16 : index
        %get3A_179 = tpu.vector_load %arg15[%get3A_177, %get3A_178] {strides = array<i32>} : memref<8x512xf32, #tpu.memory_space<vmem>>, vector<1x16xf32>,
        %get3A_180 = vector.shape_cast %get3A_179 : vector<1x16xf32> to vector<16xf32>
        %mul3A_181 = arith.mulf %get3A_180, %get3A_145 : vector<16xf32>
        %get3A_182 = arith.index_cast %scan3A_141 : i32 to index
        %get3A_183 = arith.constant 16 : index
        %get3A_184 = tpu.vector_load %arg16[%get3A_182, %get3A_183] {strides = array<i32>} : memref<8x512xf32, #tpu.memory_space<vmem>>, vector<1x16xf32>,
        %get3A_185 = vector.shape_cast %get3A_184 : vector<1x16xf32> to vector<16xf32>
        %mul3A_186 = arith.mulf %get3A_185, %get3A_150 : vector<16xf32>
        %add3A_187 = arith.addf %mul3A_181, %mul3A_186 : vector<16xf32>
        %get3A_188 = arith.index_cast %scan3A_141 : i32 to index
        %get3A_189 = arith.constant 16 : index
        %get3A_190 = tpu.vector_load %arg17[%get3A_188, %get3A_189] {strides = array<i32>} : memref<8x512xf32, #tpu.memory_space<vmem>>, vector<1x16xf32>,
        %get3A_191 = vector.shape_cast %get3A_190 : vector<1x16xf32> to vector<16xf32>
        %mul3A_192 = arith.mulf %get3A_191, %get3A_155 : vector<16xf32>
        %add3A_193 = arith.addf %add3A_187, %mul3A_192 : vector<16xf32>
        %swap3A_194 = arith.index_cast %scan3A_141 : i32 to index
        %swap3A_195 = arith.constant 16 : index
        %swap3A_196 = tpu.vector_load %arg18[%swap3A_194, %swap3A_195] {strides = array<i32>} : memref<8x512xf32, #tpu.memory_space<vmem>>, vector<1x16xf32>,
        %swap3A_197 = vector.shape_cast %swap3A_196 : vector<1x16xf32> to vector<16xf32>
        %swap3A_198 = vector.shape_cast %add3A_193 : vector<16xf32> to vector<1x16xf32>
        tpu.vector_store %arg18[%swap3A_194, %swap3A_195], %swap3A_198 {strides = array<i32>} : memref<8x512xf32, #tpu.memory_space<vmem>>, vector<1x16xf32>,
        %get3A_199 = arith.index_cast %scan3A_141 : i32 to index
        %get3A_200 = arith.constant 32 : index
        %get3A_201 = tpu.vector_load %arg15[%get3A_199, %get3A_200] {strides = array<i32>} : memref<8x512xf32, #tpu.memory_space<vmem>>, vector<1x16xf32>,
        %get3A_202 = vector.shape_cast %get3A_201 : vector<1x16xf32> to vector<16xf32>
        %mul3A_203 = arith.mulf %get3A_202, %get3A_145 : vector<16xf32>
        %get3A_204 = arith.index_cast %scan3A_141 : i32 to index
        %get3A_205 = arith.constant 32 : index
        %get3A_206 = tpu.vector_load %arg16[%get3A_204, %get3A_205] {strides = array<i32>} : memref<8x512xf32, #tpu.memory_space<vmem>>, vector<1x16xf32>,
        %get3A_207 = vector.shape_cast %get3A_206 : vector<1x16xf32> to vector<16xf32>
        %mul3A_208 = arith.mulf %get3A_207, %get3A_150 : vector<16xf32>
        %add3A_209 = arith.addf %mul3A_203, %mul3A_208 : vector<16xf32>
        %get3A_210 = arith.index_cast %scan3A_141 : i32 to index
        %get3A_211 = arith.constant 32 : index
        %get3A_212 = tpu.vector_load %arg17[%get3A_210, %get3A_211] {strides = array<i32>} : memref<8x512xf32, #tpu.memory_space<vmem>>, vector<1x16xf32>,
        %get3A_213 = vector.shape_cast %get3A_212 : vector<1x16xf32> to vector<16xf32>
        %mul3A_214 = arith.mulf %get3A_213, %get3A_155 : vector<16xf32>
        %add3A_215 = arith.addf %add3A_209, %mul3A_214 : vector<16xf32>
        %swap3A_216 = arith.index_cast %scan3A_141 : i32 to index
        %swap3A_217 = arith.constant 32 : index
        %swap3A_218 = tpu.vector_load %arg18[%swap3A_216, %swap3A_217] {strides = array<i32>} : memref<8x512xf32, #tpu.memory_space<vmem>>, vector<1x16xf32>,
        %swap3A_219 = vector.shape_cast %swap3A_218 : vector<1x16xf32> to vector<16xf32>
        %swap3A_220 = vector.shape_cast %add3A_215 : vector<16xf32> to vector<1x16xf32>
        tpu.vector_store %arg18[%swap3A_216, %swap3A_217], %swap3A_220 {strides = array<i32>} : memref<8x512xf32, #tpu.memory_space<vmem>>, vector<1x16xf32>,
        %get3A_221 = arith.index_cast %scan3A_141 : i32 to index
        %get3A_222 = arith.constant 48 : index
        %get3A_223 = tpu.vector_load %arg15[%get3A_221, %get3A_222] {strides = array<i32>} : memref<8x512xf32, #tpu.memory_space<vmem>>, vector<1x16xf32>,
        %get3A_224 = vector.shape_cast %get3A_223 : vector<1x16xf32> to vector<16xf32>
        %mul3A_225 = arith.mulf %get3A_224, %get3A_145 : vector<16xf32>
        %get3A_226 = arith.index_cast %scan3A_141 : i32 to index
        %get3A_227 = arith.constant 48 : index
        %get3A_228 = tpu.vector_load %arg16[%get3A_226, %get3A_227] {strides = array<i32>} : memref<8x512xf32, #tpu.memory_space<vmem>>, vector<1x16xf32>,
        %get3A_229 = vector.shape_cast %get3A_228 : vector<1x16xf32> to vector<16xf32>
        %mul3A_230 = arith.mulf %get3A_229, %get3A_150 : vector<16xf32>
        %add3A_231 = arith.addf %mul3A_225, %mul3A_230 : vector<16xf32>
        %get3A_232 = arith.index_cast %scan3A_141 : i32 to index
        %get3A_233 = arith.constant 48 : index
        %get3A_234 = tpu.vector_load %arg17[%get3A_232, %get3A_233] {strides = array<i32>} : memref<8x512xf32, #tpu.memory_space<vmem>>, vector<1x16xf32>,
        %get3A_235 = vector.shape_cast %get3A_234 : vector<1x16xf32> to vector<16xf32>
        %mul3A_236 = arith.mulf %get3A_235, %get3A_155 : vector<16xf32>
        %add3A_237 = arith.addf %add3A_231, %mul3A_236 : vector<16xf32>
        %swap3A_238 = arith.index_cast %scan3A_141 : i32 to index
        %swap3A_239 = arith.constant 48 : index
        %swap3A_240 = tpu.vector_load %arg18[%swap3A_238, %swap3A_239] {strides = array<i32>} : memref<8x512xf32, #tpu.memory_space<vmem>>, vector<1x16xf32>,
        %swap3A_241 = vector.shape_cast %swap3A_240 : vector<1x16xf32> to vector<16xf32>
        %swap3A_242 = vector.shape_cast %add3A_237 : vector<16xf32> to vector<1x16xf32>
        tpu.vector_store %arg18[%swap3A_238, %swap3A_239], %swap3A_242 {strides = array<i32>} : memref<8x512xf32, #tpu.memory_space<vmem>>, vector<1x16xf32>,
        %get3A_243 = arith.index_cast %scan3A_141 : i32 to index
        %get3A_244 = arith.constant 64 : index
        %get3A_245 = tpu.vector_load %arg15[%get3A_243, %get3A_244] {strides = array<i32>} : memref<8x512xf32, #tpu.memory_space<vmem>>, vector<1x16xf32>,
        %get3A_246 = vector.shape_cast %get3A_245 : vector<1x16xf32> to vector<16xf32>
        %mul3A_247 = arith.mulf %get3A_246, %get3A_145 : vector<16xf32>
        %get3A_248 = arith.index_cast %scan3A_141 : i32 to index
        %get3A_249 = arith.constant 64 : index
        %get3A_250 = tpu.vector_load %arg16[%get3A_248, %get3A_249] {strides = array<i32>} : memref<8x512xf32, #tpu.memory_space<vmem>>, vector<1x16xf32>,
        %get3A_251 = vector.shape_cast %get3A_250 : vector<1x16xf32> to vector<16xf32>
        %mul3A_252 = arith.mulf %get3A_251, %get3A_150 : vector<16xf32>
        %add3A_253 = arith.addf %mul3A_247, %mul3A_252 : vector<16xf32>
        %get3A_254 = arith.index_cast %scan3A_141 : i32 to index
        %get3A_255 = arith.constant 64 : index
        %get3A_256 = tpu.vector_load %arg17[%get3A_254, %get3A_255] {strides = array<i32>} : memref<8x512xf32, #tpu.memory_space<vmem>>, vector<1x16xf32>,
        %get3A_257 = vector.shape_cast %get3A_256 : vector<1x16xf32> to vector<16xf32>
        %mul3A_258 = arith.mulf %get3A_257, %get3A_155 : vector<16xf32>
        %add3A_259 = arith.addf %add3A_253, %mul3A_258 : vector<16xf32>
        %swap3A_260 = arith.index_cast %scan3A_141 : i32 to index
        %swap3A_261 = arith.constant 64 : index
        %swap3A_262 = tpu.vector_load %arg18[%swap3A_260, %swap3A_261] {strides = array<i32>} : memref<8x512xf32, #tpu.memory_space<vmem>>, vector<1x16xf32>,
        %swap3A_263 = vector.shape_cast %swap3A_262 : vector<1x16xf32> to vector<16xf32>
        %swap3A_264 = vector.shape_cast %add3A_259 : vector<16xf32> to vector<1x16xf32>
        tpu.vector_store %arg18[%swap3A_260, %swap3A_261], %swap3A_264 {strides = array<i32>} : memref<8x512xf32, #tpu.memory_space<vmem>>, vector<1x16xf32>,
        %get3A_265 = arith.index_cast %scan3A_141 : i32 to index
        %get3A_266 = arith.constant 80 : index
        %get3A_267 = tpu.vector_load %arg15[%get3A_265, %get3A_266] {strides = array<i32>} : memref<8x512xf32, #tpu.memory_space<vmem>>, vector<1x16xf32>,
        %get3A_268 = vector.shape_cast %get3A_267 : vector<1x16xf32> to vector<16xf32>
        %mul3A_269 = arith.mulf %get3A_268, %get3A_145 : vector<16xf32>
        %get3A_270 = arith.index_cast %scan3A_141 : i32 to index
        %get3A_271 = arith.constant 80 : index
        %get3A_272 = tpu.vector_load %arg16[%get3A_270, %get3A_271] {strides = array<i32>} : memref<8x512xf32, #tpu.memory_space<vmem>>, vector<1x16xf32>,
        %get3A_273 = vector.shape_cast %get3A_272 : vector<1x16xf32> to vector<16xf32>
        %mul3A_274 = arith.mulf %get3A_273, %get3A_150 : vector<16xf32>
        %add3A_275 = arith.addf %mul3A_269, %mul3A_274 : vector<16xf32>
        %get3A_276 = arith.index_cast %scan3A_141 : i32 to index
        %get3A_277 = arith.constant 80 : index
        %get3A_278 = tpu.vector_load %arg17[%get3A_276, %get3A_277] {strides = array<i32>} : memref<8x512xf32, #tpu.memory_space<vmem>>, vector<1x16xf32>,
        %get3A_279 = vector.shape_cast %get3A_278 : vector<1x16xf32> to vector<16xf32>
        %mul3A_280 = arith.mulf %get3A_279, %get3A_155 : vector<16xf32>
        %add3A_281 = arith.addf %add3A_275, %mul3A_280 : vector<16xf32>
        %swap3A_282 = arith.index_cast %scan3A_141 : i32 to index
        %swap3A_283 = arith.constant 80 : index
        %swap3A_284 = tpu.vector_load %arg18[%swap3A_282, %swap3A_283] {strides = array<i32>} : memref<8x512xf32, #tpu.memory_space<vmem>>, vector<1x16xf32>,
        %swap3A_285 = vector.shape_cast %swap3A_284 : vector<1x16xf32> to vector<16xf32>
        %swap3A_286 = vector.shape_cast %add3A_281 : vector<16xf32> to vector<1x16xf32>
        tpu.vector_store %arg18[%swap3A_282, %swap3A_283], %swap3A_286 {strides = array<i32>} : memref<8x512xf32, #tpu.memory_space<vmem>>, vector<1x16xf32>,
        %get3A_287 = arith.index_cast %scan3A_141 : i32 to index
        %get3A_288 = arith.constant 96 : index
        %get3A_289 = tpu.vector_load %arg15[%get3A_287, %get3A_288] {strides = array<i32>} : memref<8x512xf32, #tpu.memory_space<vmem>>, vector<1x16xf32>,
        %get3A_290 = vector.shape_cast %get3A_289 : vector<1x16xf32> to vector<16xf32>
        %mul3A_291 = arith.mulf %get3A_290, %get3A_145 : vector<16xf32>
        %get3A_292 = arith.index_cast %scan3A_141 : i32 to index
        %get3A_293 = arith.constant 96 : index
        %get3A_294 = tpu.vector_load %arg16[%get3A_292, %get3A_293] {strides = array<i32>} : memref<8x512xf32, #tpu.memory_space<vmem>>, vector<1x16xf32>,
        %get3A_295 = vector.shape_cast %get3A_294 : vector<1x16xf32> to vector<16xf32>
        %mul3A_296 = arith.mulf %get3A_295, %get3A_150 : vector<16xf32>
        %add3A_297 = arith.addf %mul3A_291, %mul3A_296 : vector<16xf32>
        %get3A_298 = arith.index_cast %scan3A_141 : i32 to index
        %get3A_299 = arith.constant 96 : index
        %get3A_300 = tpu.vector_load %arg17[%get3A_298, %get3A_299] {strides = array<i32>} : memref<8x512xf32, #tpu.memory_space<vmem>>, vector<1x16xf32>,
        %get3A_301 = vector.shape_cast %get3A_300 : vector<1x16xf32> to vector<16xf32>
        %mul3A_302 = arith.mulf %get3A_301, %get3A_155 : vector<16xf32>
        %add3A_303 = arith.addf %add3A_297, %mul3A_302 : vector<16xf32>
        %swap3A_304 = arith.index_cast %scan3A_141 : i32 to index
        %swap3A_305 = arith.constant 96 : index
        %swap3A_306 = tpu.vector_load %arg18[%swap3A_304, %swap3A_305] {strides = array<i32>} : memref<8x512xf32, #tpu.memory_space<vmem>>, vector<1x16xf32>,
        %swap3A_307 = vector.shape_cast %swap3A_306 : vector<1x16xf32> to vector<16xf32>
        %swap3A_308 = vector.shape_cast %add3A_303 : vector<16xf32> to vector<1x16xf32>
        tpu.vector_store %arg18[%swap3A_304, %swap3A_305], %swap3A_308 {strides = array<i32>} : memref<8x512xf32, #tpu.memory_space<vmem>>, vector<1x16xf32>,
        %get3A_309 = arith.index_cast %scan3A_141 : i32 to index
        %get3A_310 = arith.constant 112 : index
        %get3A_311 = tpu.vector_load %arg15[%get3A_309, %get3A_310] {strides = array<i32>} : memref<8x512xf32, #tpu.memory_space<vmem>>, vector<1x16xf32>,
        %get3A_312 = vector.shape_cast %get3A_311 : vector<1x16xf32> to vector<16xf32>
        %mul3A_313 = arith.mulf %get3A_312, %get3A_145 : vector<16xf32>
        %get3A_314 = arith.index_cast %scan3A_141 : i32 to index
        %get3A_315 = arith.constant 112 : index
        %get3A_316 = tpu.vector_load %arg16[%get3A_314, %get3A_315] {strides = array<i32>} : memref<8x512xf32, #tpu.memory_space<vmem>>, vector<1x16xf32>,
        %get3A_317 = vector.shape_cast %get3A_316 : vector<1x16xf32> to vector<16xf32>
        %mul3A_318 = arith.mulf %get3A_317, %get3A_150 : vector<16xf32>
        %add3A_319 = arith.addf %mul3A_313, %mul3A_318 : vector<16xf32>
        %get3A_320 = arith.index_cast %scan3A_141 : i32 to index
        %get3A_321 = arith.constant 112 : index
        %get3A_322 = tpu.vector_load %arg17[%get3A_320, %get3A_321] {strides = array<i32>} : memref<8x512xf32, #tpu.memory_space<vmem>>, vector<1x16xf32>,
        %get3A_323 = vector.shape_cast %get3A_322 : vector<1x16xf32> to vector<16xf32>
        %mul3A_324 = arith.mulf %get3A_323, %get3A_155 : vector<16xf32>
        %add3A_325 = arith.addf %add3A_319, %mul3A_324 : vector<16xf32>
        %swap3A_326 = arith.index_cast %scan3A_141 : i32 to index
        %swap3A_327 = arith.constant 112 : index
        %swap3A_328 = tpu.vector_load %arg18[%swap3A_326, %swap3A_327] {strides = array<i32>} : memref<8x512xf32, #tpu.memory_space<vmem>>, vector<1x16xf32>,
        %swap3A_329 = vector.shape_cast %swap3A_328 : vector<1x16xf32> to vector<16xf32>
        %swap3A_330 = vector.shape_cast %add3A_325 : vector<16xf32> to vector<1x16xf32>
        tpu.vector_store %arg18[%swap3A_326, %swap3A_327], %swap3A_330 {strides = array<i32>} : memref<8x512xf32, #tpu.memory_space<vmem>>, vector<1x16xf32>,
        %get3A_331 = arith.index_cast %scan3A_141 : i32 to index
        %get3A_332 = arith.constant 128 : index
        %get3A_333 = tpu.vector_load %arg15[%get3A_331, %get3A_332] {strides = array<i32>} : memref<8x512xf32, #tpu.memory_space<vmem>>, vector<1x16xf32>,
        %get3A_334 = vector.shape_cast %get3A_333 : vector<1x16xf32> to vector<16xf32>
        %mul3A_335 = arith.mulf %get3A_334, %get3A_145 : vector<16xf32>
        %get3A_336 = arith.index_cast %scan3A_141 : i32 to index
        %get3A_337 = arith.constant 128 : index
        %get3A_338 = tpu.vector_load %arg16[%get3A_336, %get3A_337] {strides = array<i32>} : memref<8x512xf32, #tpu.memory_space<vmem>>, vector<1x16xf32>,
        %get3A_339 = vector.shape_cast %get3A_338 : vector<1x16xf32> to vector<16xf32>
        %mul3A_340 = arith.mulf %get3A_339, %get3A_150 : vector<16xf32>
        %add3A_341 = arith.addf %mul3A_335, %mul3A_340 : vector<16xf32>
        %get3A_342 = arith.index_cast %scan3A_141 : i32 to index
        %get3A_343 = arith.constant 128 : index
        %get3A_344 = tpu.vector_load %arg17[%get3A_342, %get3A_343] {strides = array<i32>} : memref<8x512xf32, #tpu.memory_space<vmem>>, vector<1x16xf32>,
        %get3A_345 = vector.shape_cast %get3A_344 : vector<1x16xf32> to vector<16xf32>
        %mul3A_346 = arith.mulf %get3A_345, %get3A_155 : vector<16xf32>
        %add3A_347 = arith.addf %add3A_341, %mul3A_346 : vector<16xf32>
        %swap3A_348 = arith.index_cast %scan3A_141 : i32 to index
        %swap3A_349 = arith.constant 128 : index
        %swap3A_350 = tpu.vector_load %arg18[%swap3A_348, %swap3A_349] {strides = array<i32>} : memref<8x512xf32, #tpu.memory_space<vmem>>, vector<1x16xf32>,
        %swap3A_351 = vector.shape_cast %swap3A_350 : vector<1x16xf32> to vector<16xf32>
        %swap3A_352 = vector.shape_cast %add3A_347 : vector<16xf32> to vector<1x16xf32>
        tpu.vector_store %arg18[%swap3A_348, %swap3A_349], %swap3A_352 {strides = array<i32>} : memref<8x512xf32, #tpu.memory_space<vmem>>, vector<1x16xf32>,
        %get3A_353 = arith.index_cast %scan3A_141 : i32 to index
        %get3A_354 = arith.constant 144 : index
        %get3A_355 = tpu.vector_load %arg15[%get3A_353, %get3A_354] {strides = array<i32>} : memref<8x512xf32, #tpu.memory_space<vmem>>, vector<1x16xf32>,
        %get3A_356 = vector.shape_cast %get3A_355 : vector<1x16xf32> to vector<16xf32>
        %mul3A_357 = arith.mulf %get3A_356, %get3A_145 : vector<16xf32>
        %get3A_358 = arith.index_cast %scan3A_141 : i32 to index
        %get3A_359 = arith.constant 144 : index
        %get3A_360 = tpu.vector_load %arg16[%get3A_358, %get3A_359] {strides = array<i32>} : memref<8x512xf32, #tpu.memory_space<vmem>>, vector<1x16xf32>,
        %get3A_361 = vector.shape_cast %get3A_360 : vector<1x16xf32> to vector<16xf32>
        %mul3A_362 = arith.mulf %get3A_361, %get3A_150 : vector<16xf32>
        %add3A_363 = arith.addf %mul3A_357, %mul3A_362 : vector<16xf32>
        %get3A_364 = arith.index_cast %scan3A_141 : i32 to index
        %get3A_365 = arith.constant 144 : index
        %get3A_366 = tpu.vector_load %arg17[%get3A_364, %get3A_365] {strides = array<i32>} : memref<8x512xf32, #tpu.memory_space<vmem>>, vector<1x16xf32>,
        %get3A_367 = vector.shape_cast %get3A_366 : vector<1x16xf32> to vector<16xf32>
        %mul3A_368 = arith.mulf %get3A_367, %get3A_155 : vector<16xf32>
        %add3A_369 = arith.addf %add3A_363, %mul3A_368 : vector<16xf32>
        %swap3A_370 = arith.index_cast %scan3A_141 : i32 to index
        %swap3A_371 = arith.constant 144 : index
        %swap3A_372 = tpu.vector_load %arg18[%swap3A_370, %swap3A_371] {strides = array<i32>} : memref<8x512xf32, #tpu.memory_space<vmem>>, vector<1x16xf32>,
        %swap3A_373 = vector.shape_cast %swap3A_372 : vector<1x16xf32> to vector<16xf32>
        %swap3A_374 = vector.shape_cast %add3A_369 : vector<16xf32> to vector<1x16xf32>
        tpu.vector_store %arg18[%swap3A_370, %swap3A_371], %swap3A_374 {strides = array<i32>} : memref<8x512xf32, #tpu.memory_space<vmem>>, vector<1x16xf32>,
        %get3A_375 = arith.index_cast %scan3A_141 : i32 to index
        %get3A_376 = arith.constant 160 : index
        %get3A_377 = tpu.vector_load %arg15[%get3A_375, %get3A_376] {strides = array<i32>} : memref<8x512xf32, #tpu.memory_space<vmem>>, vector<1x16xf32>,
        %get3A_378 = vector.shape_cast %get3A_377 : vector<1x16xf32> to vector<16xf32>
        %mul3A_379 = arith.mulf %get3A_378, %get3A_145 : vector<16xf32>
        %get3A_380 = arith.index_cast %scan3A_141 : i32 to index
        %get3A_381 = arith.constant 160 : index
        %get3A_382 = tpu.vector_load %arg16[%get3A_380, %get3A_381] {strides = array<i32>} : memref<8x512xf32, #tpu.memory_space<vmem>>, vector<1x16xf32>,
        %get3A_383 = vector.shape_cast %get3A_382 : vector<1x16xf32> to vector<16xf32>
        %mul3A_384 = arith.mulf %get3A_383, %get3A_150 : vector<16xf32>
        %add3A_385 = arith.addf %mul3A_379, %mul3A_384 : vector<16xf32>
        %get3A_386 = arith.index_cast %scan3A_141 : i32 to index
        %get3A_387 = arith.constant 160 : index
        %get3A_388 = tpu.vector_load %arg17[%get3A_386, %get3A_387] {strides = array<i32>} : memref<8x512xf32, #tpu.memory_space<vmem>>, vector<1x16xf32>,
        %get3A_389 = vector.shape_cast %get3A_388 : vector<1x16xf32> to vector<16xf32>
        %mul3A_390 = arith.mulf %get3A_389, %get3A_155 : vector<16xf32>
        %add3A_391 = arith.addf %add3A_385, %mul3A_390 : vector<16xf32>
        %swap3A_392 = arith.index_cast %scan3A_141 : i32 to index
        %swap3A_393 = arith.constant 160 : index
        %swap3A_394 = tpu.vector_load %arg18[%swap3A_392, %swap3A_393] {strides = array<i32>} : memref<8x512xf32, #tpu.memory_space<vmem>>, vector<1x16xf32>,
        %swap3A_395 = vector.shape_cast %swap3A_394 : vector<1x16xf32> to vector<16xf32>
        %swap3A_396 = vector.shape_cast %add3A_391 : vector<16xf32> to vector<1x16xf32>
        tpu.vector_store %arg18[%swap3A_392, %swap3A_393], %swap3A_396 {strides = array<i32>} : memref<8x512xf32, #tpu.memory_space<vmem>>, vector<1x16xf32>,
        %get3A_397 = arith.index_cast %scan3A_141 : i32 to index
        %get3A_398 = arith.constant 176 : index
        %get3A_399 = tpu.vector_load %arg15[%get3A_397, %get3A_398] {strides = array<i32>} : memref<8x512xf32, #tpu.memory_space<vmem>>, vector<1x16xf32>,
        %get3A_400 = vector.shape_cast %get3A_399 : vector<1x16xf32> to vector<16xf32>
        %mul3A_401 = arith.mulf %get3A_400, %get3A_145 : vector<16xf32>
        %get3A_402 = arith.index_cast %scan3A_141 : i32 to index
        %get3A_403 = arith.constant 176 : index
        %get3A_404 = tpu.vector_load %arg16[%get3A_402, %get3A_403] {strides = array<i32>} : memref<8x512xf32, #tpu.memory_space<vmem>>, vector<1x16xf32>,
        %get3A_405 = vector.shape_cast %get3A_404 : vector<1x16xf32> to vector<16xf32>
        %mul3A_406 = arith.mulf %get3A_405, %get3A_150 : vector<16xf32>
        %add3A_407 = arith.addf %mul3A_401, %mul3A_406 : vector<16xf32>
        %get3A_408 = arith.index_cast %scan3A_141 : i32 to index
        %get3A_409 = arith.constant 176 : index
        %get3A_410 = tpu.vector_load %arg17[%get3A_408, %get3A_409] {strides = array<i32>} : memref<8x512xf32, #tpu.memory_space<vmem>>, vector<1x16xf32>,
        %get3A_411 = vector.shape_cast %get3A_410 : vector<1x16xf32> to vector<16xf32>
        %mul3A_412 = arith.mulf %get3A_411, %get3A_155 : vector<16xf32>
        %add3A_413 = arith.addf %add3A_407, %mul3A_412 : vector<16xf32>
        %swap3A_414 = arith.index_cast %scan3A_141 : i32 to index
        %swap3A_415 = arith.constant 176 : index
        %swap3A_416 = tpu.vector_load %arg18[%swap3A_414, %swap3A_415] {strides = array<i32>} : memref<8x512xf32, #tpu.memory_space<vmem>>, vector<1x16xf32>,
        %swap3A_417 = vector.shape_cast %swap3A_416 : vector<1x16xf32> to vector<16xf32>
        %swap3A_418 = vector.shape_cast %add3A_413 : vector<16xf32> to vector<1x16xf32>
        tpu.vector_store %arg18[%swap3A_414, %swap3A_415], %swap3A_418 {strides = array<i32>} : memref<8x512xf32, #tpu.memory_space<vmem>>, vector<1x16xf32>,
        %get3A_419 = arith.index_cast %scan3A_141 : i32 to index
        %get3A_420 = arith.constant 192 : index
        %get3A_421 = tpu.vector_load %arg15[%get3A_419, %get3A_420] {strides = array<i32>} : memref<8x512xf32, #tpu.memory_space<vmem>>, vector<1x16xf32>,
        %get3A_422 = vector.shape_cast %get3A_421 : vector<1x16xf32> to vector<16xf32>
        %mul3A_423 = arith.mulf %get3A_422, %get3A_145 : vector<16xf32>
        %get3A_424 = arith.index_cast %scan3A_141 : i32 to index
        %get3A_425 = arith.constant 192 : index
        %get3A_426 = tpu.vector_load %arg16[%get3A_424, %get3A_425] {strides = array<i32>} : memref<8x512xf32, #tpu.memory_space<vmem>>, vector<1x16xf32>,
        %get3A_427 = vector.shape_cast %get3A_426 : vector<1x16xf32> to vector<16xf32>
        %mul3A_428 = arith.mulf %get3A_427, %get3A_150 : vector<16xf32>
        %add3A_429 = arith.addf %mul3A_423, %mul3A_428 : vector<16xf32>
        %get3A_430 = arith.index_cast %scan3A_141 : i32 to index
        %get3A_431 = arith.constant 192 : index
        %get3A_432 = tpu.vector_load %arg17[%get3A_430, %get3A_431] {strides = array<i32>} : memref<8x512xf32, #tpu.memory_space<vmem>>, vector<1x16xf32>,
        %get3A_433 = vector.shape_cast %get3A_432 : vector<1x16xf32> to vector<16xf32>
        %mul3A_434 = arith.mulf %get3A_433, %get3A_155 : vector<16xf32>
        %add3A_435 = arith.addf %add3A_429, %mul3A_434 : vector<16xf32>
        %swap3A_436 = arith.index_cast %scan3A_141 : i32 to index
        %swap3A_437 = arith.constant 192 : index
        %swap3A_438 = tpu.vector_load %arg18[%swap3A_436, %swap3A_437] {strides = array<i32>} : memref<8x512xf32, #tpu.memory_space<vmem>>, vector<1x16xf32>,
        %swap3A_439 = vector.shape_cast %swap3A_438 : vector<1x16xf32> to vector<16xf32>
        %swap3A_440 = vector.shape_cast %add3A_435 : vector<16xf32> to vector<1x16xf32>
        tpu.vector_store %arg18[%swap3A_436, %swap3A_437], %swap3A_440 {strides = array<i32>} : memref<8x512xf32, #tpu.memory_space<vmem>>, vector<1x16xf32>,
        %get3A_441 = arith.index_cast %scan3A_141 : i32 to index
        %get3A_442 = arith.constant 208 : index
        %get3A_443 = tpu.vector_load %arg15[%get3A_441, %get3A_442] {strides = array<i32>} : memref<8x512xf32, #tpu.memory_space<vmem>>, vector<1x16xf32>,
        %get3A_444 = vector.shape_cast %get3A_443 : vector<1x16xf32> to vector<16xf32>
        %mul3A_445 = arith.mulf %get3A_444, %get3A_145 : vector<16xf32>
        %get3A_446 = arith.index_cast %scan3A_141 : i32 to index
        %get3A_447 = arith.constant 208 : index
        %get3A_448 = tpu.vector_load %arg16[%get3A_446, %get3A_447] {strides = array<i32>} : memref<8x512xf32, #tpu.memory_space<vmem>>, vector<1x16xf32>,
        %get3A_449 = vector.shape_cast %get3A_448 : vector<1x16xf32> to vector<16xf32>
        %mul3A_450 = arith.mulf %get3A_449, %get3A_150 : vector<16xf32>
        %add3A_451 = arith.addf %mul3A_445, %mul3A_450 : vector<16xf32>
        %get3A_452 = arith.index_cast %scan3A_141 : i32 to index
        %get3A_453 = arith.constant 208 : index
        %get3A_454 = tpu.vector_load %arg17[%get3A_452, %get3A_453] {strides = array<i32>} : memref<8x512xf32, #tpu.memory_space<vmem>>, vector<1x16xf32>,
        %get3A_455 = vector.shape_cast %get3A_454 : vector<1x16xf32> to vector<16xf32>
        %mul3A_456 = arith.mulf %get3A_455, %get3A_155 : vector<16xf32>
        %add3A_457 = arith.addf %add3A_451, %mul3A_456 : vector<16xf32>
        %swap3A_458 = arith.index_cast %scan3A_141 : i32 to index
        %swap3A_459 = arith.constant 208 : index
        %swap3A_460 = tpu.vector_load %arg18[%swap3A_458, %swap3A_459] {strides = array<i32>} : memref<8x512xf32, #tpu.memory_space<vmem>>, vector<1x16xf32>,
        %swap3A_461 = vector.shape_cast %swap3A_460 : vector<1x16xf32> to vector<16xf32>
        %swap3A_462 = vector.shape_cast %add3A_457 : vector<16xf32> to vector<1x16xf32>
        tpu.vector_store %arg18[%swap3A_458, %swap3A_459], %swap3A_462 {strides = array<i32>} : memref<8x512xf32, #tpu.memory_space<vmem>>, vector<1x16xf32>,
        %get3A_463 = arith.index_cast %scan3A_141 : i32 to index
        %get3A_464 = arith.constant 224 : index
        %get3A_465 = tpu.vector_load %arg15[%get3A_463, %get3A_464] {strides = array<i32>} : memref<8x512xf32, #tpu.memory_space<vmem>>, vector<1x16xf32>,
        %get3A_466 = vector.shape_cast %get3A_465 : vector<1x16xf32> to vector<16xf32>
        %mul3A_467 = arith.mulf %get3A_466, %get3A_145 : vector<16xf32>
        %get3A_468 = arith.index_cast %scan3A_141 : i32 to index
        %get3A_469 = arith.constant 224 : index
        %get3A_470 = tpu.vector_load %arg16[%get3A_468, %get3A_469] {strides = array<i32>} : memref<8x512xf32, #tpu.memory_space<vmem>>, vector<1x16xf32>,
        %get3A_471 = vector.shape_cast %get3A_470 : vector<1x16xf32> to vector<16xf32>
        %mul3A_472 = arith.mulf %get3A_471, %get3A_150 : vector<16xf32>
        %add3A_473 = arith.addf %mul3A_467, %mul3A_472 : vector<16xf32>
        %get3A_474 = arith.index_cast %scan3A_141 : i32 to index
        %get3A_475 = arith.constant 224 : index
        %get3A_476 = tpu.vector_load %arg17[%get3A_474, %get3A_475] {strides = array<i32>} : memref<8x512xf32, #tpu.memory_space<vmem>>, vector<1x16xf32>,
        %get3A_477 = vector.shape_cast %get3A_476 : vector<1x16xf32> to vector<16xf32>
        %mul3A_478 = arith.mulf %get3A_477, %get3A_155 : vector<16xf32>
        %add3A_479 = arith.addf %add3A_473, %mul3A_478 : vector<16xf32>
        %swap3A_480 = arith.index_cast %scan3A_141 : i32 to index
        %swap3A_481 = arith.constant 224 : index
        %swap3A_482 = tpu.vector_load %arg18[%swap3A_480, %swap3A_481] {strides = array<i32>} : memref<8x512xf32, #tpu.memory_space<vmem>>, vector<1x16xf32>,
        %swap3A_483 = vector.shape_cast %swap3A_482 : vector<1x16xf32> to vector<16xf32>
        %swap3A_484 = vector.shape_cast %add3A_479 : vector<16xf32> to vector<1x16xf32>
        tpu.vector_store %arg18[%swap3A_480, %swap3A_481], %swap3A_484 {strides = array<i32>} : memref<8x512xf32, #tpu.memory_space<vmem>>, vector<1x16xf32>,
        %get3A_485 = arith.index_cast %scan3A_141 : i32 to index
        %get3A_486 = arith.constant 240 : index
        %get3A_487 = tpu.vector_load %arg15[%get3A_485, %get3A_486] {strides = array<i32>} : memref<8x512xf32, #tpu.memory_space<vmem>>, vector<1x16xf32>,
        %get3A_488 = vector.shape_cast %get3A_487 : vector<1x16xf32> to vector<16xf32>
        %mul3A_489 = arith.mulf %get3A_488, %get3A_145 : vector<16xf32>
        %get3A_490 = arith.index_cast %scan3A_141 : i32 to index
        %get3A_491 = arith.constant 240 : index
        %get3A_492 = tpu.vector_load %arg16[%get3A_490, %get3A_491] {strides = array<i32>} : memref<8x512xf32, #tpu.memory_space<vmem>>, vector<1x16xf32>,
        %get3A_493 = vector.shape_cast %get3A_492 : vector<1x16xf32> to vector<16xf32>
        %mul3A_494 = arith.mulf %get3A_493, %get3A_150 : vector<16xf32>
        %add3A_495 = arith.addf %mul3A_489, %mul3A_494 : vector<16xf32>
        %get3A_496 = arith.index_cast %scan3A_141 : i32 to index
        %get3A_497 = arith.constant 240 : index
        %get3A_498 = tpu.vector_load %arg17[%get3A_496, %get3A_497] {strides = array<i32>} : memref<8x512xf32, #tpu.memory_space<vmem>>, vector<1x16xf32>,
        %get3A_499 = vector.shape_cast %get3A_498 : vector<1x16xf32> to vector<16xf32>
        %mul3A_500 = arith.mulf %get3A_499, %get3A_155 : vector<16xf32>
        %add3A_501 = arith.addf %add3A_495, %mul3A_500 : vector<16xf32>
        %swap3A_502 = arith.index_cast %scan3A_141 : i32 to index
        %swap3A_503 = arith.constant 240 : index
        %swap3A_504 = tpu.vector_load %arg18[%swap3A_502, %swap3A_503] {strides = array<i32>} : memref<8x512xf32, #tpu.memory_space<vmem>>, vector<1x16xf32>,
        %swap3A_505 = vector.shape_cast %swap3A_504 : vector<1x16xf32> to vector<16xf32>
        %swap3A_506 = vector.shape_cast %add3A_501 : vector<16xf32> to vector<1x16xf32>
        tpu.vector_store %arg18[%swap3A_502, %swap3A_503], %swap3A_506 {strides = array<i32>} : memref<8x512xf32, #tpu.memory_space<vmem>>, vector<1x16xf32>,
        %get3A_507 = arith.index_cast %scan3A_141 : i32 to index
        %get3A_508 = arith.constant 256 : index
        %get3A_509 = tpu.vector_load %arg15[%get3A_507, %get3A_508] {strides = array<i32>} : memref<8x512xf32, #tpu.memory_space<vmem>>, vector<1x16xf32>,
        %get3A_510 = vector.shape_cast %get3A_509 : vector<1x16xf32> to vector<16xf32>
        %mul3A_511 = arith.mulf %get3A_510, %get3A_145 : vector<16xf32>
        %get3A_512 = arith.index_cast %scan3A_141 : i32 to index
        %get3A_513 = arith.constant 256 : index
        %get3A_514 = tpu.vector_load %arg16[%get3A_512, %get3A_513] {strides = array<i32>} : memref<8x512xf32, #tpu.memory_space<vmem>>, vector<1x16xf32>,
        %get3A_515 = vector.shape_cast %get3A_514 : vector<1x16xf32> to vector<16xf32>
        %mul3A_516 = arith.mulf %get3A_515, %get3A_150 : vector<16xf32>
        %add3A_517 = arith.addf %mul3A_511, %mul3A_516 : vector<16xf32>
        %get3A_518 = arith.index_cast %scan3A_141 : i32 to index
        %get3A_519 = arith.constant 256 : index
        %get3A_520 = tpu.vector_load %arg17[%get3A_518, %get3A_519] {strides = array<i32>} : memref<8x512xf32, #tpu.memory_space<vmem>>, vector<1x16xf32>,
        %get3A_521 = vector.shape_cast %get3A_520 : vector<1x16xf32> to vector<16xf32>
        %mul3A_522 = arith.mulf %get3A_521, %get3A_155 : vector<16xf32>
        %add3A_523 = arith.addf %add3A_517, %mul3A_522 : vector<16xf32>
        %swap3A_524 = arith.index_cast %scan3A_141 : i32 to index
        %swap3A_525 = arith.constant 256 : index
        %swap3A_526 = tpu.vector_load %arg18[%swap3A_524, %swap3A_525] {strides = array<i32>} : memref<8x512xf32, #tpu.memory_space<vmem>>, vector<1x16xf32>,
        %swap3A_527 = vector.shape_cast %swap3A_526 : vector<1x16xf32> to vector<16xf32>
        %swap3A_528 = vector.shape_cast %add3A_523 : vector<16xf32> to vector<1x16xf32>
        tpu.vector_store %arg18[%swap3A_524, %swap3A_525], %swap3A_528 {strides = array<i32>} : memref<8x512xf32, #tpu.memory_space<vmem>>, vector<1x16xf32>,
        %get3A_529 = arith.index_cast %scan3A_141 : i32 to index
        %get3A_530 = arith.constant 272 : index
        %get3A_531 = tpu.vector_load %arg15[%get3A_529, %get3A_530] {strides = array<i32>} : memref<8x512xf32, #tpu.memory_space<vmem>>, vector<1x16xf32>,
        %get3A_532 = vector.shape_cast %get3A_531 : vector<1x16xf32> to vector<16xf32>
        %mul3A_533 = arith.mulf %get3A_532, %get3A_145 : vector<16xf32>
        %get3A_534 = arith.index_cast %scan3A_141 : i32 to index
        %get3A_535 = arith.constant 272 : index
        %get3A_536 = tpu.vector_load %arg16[%get3A_534, %get3A_535] {strides = array<i32>} : memref<8x512xf32, #tpu.memory_space<vmem>>, vector<1x16xf32>,
        %get3A_537 = vector.shape_cast %get3A_536 : vector<1x16xf32> to vector<16xf32>
        %mul3A_538 = arith.mulf %get3A_537, %get3A_150 : vector<16xf32>
        %add3A_539 = arith.addf %mul3A_533, %mul3A_538 : vector<16xf32>
        %get3A_540 = arith.index_cast %scan3A_141 : i32 to index
        %get3A_541 = arith.constant 272 : index
        %get3A_542 = tpu.vector_load %arg17[%get3A_540, %get3A_541] {strides = array<i32>} : memref<8x512xf32, #tpu.memory_space<vmem>>, vector<1x16xf32>,
        %get3A_543 = vector.shape_cast %get3A_542 : vector<1x16xf32> to vector<16xf32>
        %mul3A_544 = arith.mulf %get3A_543, %get3A_155 : vector<16xf32>
        %add3A_545 = arith.addf %add3A_539, %mul3A_544 : vector<16xf32>
        %swap3A_546 = arith.index_cast %scan3A_141 : i32 to index
        %swap3A_547 = arith.constant 272 : index
        %swap3A_548 = tpu.vector_load %arg18[%swap3A_546, %swap3A_547] {strides = array<i32>} : memref<8x512xf32, #tpu.memory_space<vmem>>, vector<1x16xf32>,
        %swap3A_549 = vector.shape_cast %swap3A_548 : vector<1x16xf32> to vector<16xf32>
        %swap3A_550 = vector.shape_cast %add3A_545 : vector<16xf32> to vector<1x16xf32>
        tpu.vector_store %arg18[%swap3A_546, %swap3A_547], %swap3A_550 {strides = array<i32>} : memref<8x512xf32, #tpu.memory_space<vmem>>, vector<1x16xf32>,
        %get3A_551 = arith.index_cast %scan3A_141 : i32 to index
        %get3A_552 = arith.constant 288 : index
        %get3A_553 = tpu.vector_load %arg15[%get3A_551, %get3A_552] {strides = array<i32>} : memref<8x512xf32, #tpu.memory_space<vmem>>, vector<1x16xf32>,
        %get3A_554 = vector.shape_cast %get3A_553 : vector<1x16xf32> to vector<16xf32>
        %mul3A_555 = arith.mulf %get3A_554, %get3A_145 : vector<16xf32>
        %get3A_556 = arith.index_cast %scan3A_141 : i32 to index
        %get3A_557 = arith.constant 288 : index
        %get3A_558 = tpu.vector_load %arg16[%get3A_556, %get3A_557] {strides = array<i32>} : memref<8x512xf32, #tpu.memory_space<vmem>>, vector<1x16xf32>,
        %get3A_559 = vector.shape_cast %get3A_558 : vector<1x16xf32> to vector<16xf32>
        %mul3A_560 = arith.mulf %get3A_559, %get3A_150 : vector<16xf32>
        %add3A_561 = arith.addf %mul3A_555, %mul3A_560 : vector<16xf32>
        %get3A_562 = arith.index_cast %scan3A_141 : i32 to index
        %get3A_563 = arith.constant 288 : index
        %get3A_564 = tpu.vector_load %arg17[%get3A_562, %get3A_563] {strides = array<i32>} : memref<8x512xf32, #tpu.memory_space<vmem>>, vector<1x16xf32>,
        %get3A_565 = vector.shape_cast %get3A_564 : vector<1x16xf32> to vector<16xf32>
        %mul3A_566 = arith.mulf %get3A_565, %get3A_155 : vector<16xf32>
        %add3A_567 = arith.addf %add3A_561, %mul3A_566 : vector<16xf32>
        %swap3A_568 = arith.index_cast %scan3A_141 : i32 to index
        %swap3A_569 = arith.constant 288 : index
        %swap3A_570 = tpu.vector_load %arg18[%swap3A_568, %swap3A_569] {strides = array<i32>} : memref<8x512xf32, #tpu.memory_space<vmem>>, vector<1x16xf32>,
        %swap3A_571 = vector.shape_cast %swap3A_570 : vector<1x16xf32> to vector<16xf32>
        %swap3A_572 = vector.shape_cast %add3A_567 : vector<16xf32> to vector<1x16xf32>
        tpu.vector_store %arg18[%swap3A_568, %swap3A_569], %swap3A_572 {strides = array<i32>} : memref<8x512xf32, #tpu.memory_space<vmem>>, vector<1x16xf32>,
        %get3A_573 = arith.index_cast %scan3A_141 : i32 to index
        %get3A_574 = arith.constant 304 : index
        %get3A_575 = tpu.vector_load %arg15[%get3A_573, %get3A_574] {strides = array<i32>} : memref<8x512xf32, #tpu.memory_space<vmem>>, vector<1x16xf32>,
        %get3A_576 = vector.shape_cast %get3A_575 : vector<1x16xf32> to vector<16xf32>
        %mul3A_577 = arith.mulf %get3A_576, %get3A_145 : vector<16xf32>
        %get3A_578 = arith.index_cast %scan3A_141 : i32 to index
        %get3A_579 = arith.constant 304 : index
        %get3A_580 = tpu.vector_load %arg16[%get3A_578, %get3A_579] {strides = array<i32>} : memref<8x512xf32, #tpu.memory_space<vmem>>, vector<1x16xf32>,
        %get3A_581 = vector.shape_cast %get3A_580 : vector<1x16xf32> to vector<16xf32>
        %mul3A_582 = arith.mulf %get3A_581, %get3A_150 : vector<16xf32>
        %add3A_583 = arith.addf %mul3A_577, %mul3A_582 : vector<16xf32>
        %get3A_584 = arith.index_cast %scan3A_141 : i32 to index
        %get3A_585 = arith.constant 304 : index
        %get3A_586 = tpu.vector_load %arg17[%get3A_584, %get3A_585] {strides = array<i32>} : memref<8x512xf32, #tpu.memory_space<vmem>>, vector<1x16xf32>,
        %get3A_587 = vector.shape_cast %get3A_586 : vector<1x16xf32> to vector<16xf32>
        %mul3A_588 = arith.mulf %get3A_587, %get3A_155 : vector<16xf32>
        %add3A_589 = arith.addf %add3A_583, %mul3A_588 : vector<16xf32>
        %swap3A_590 = arith.index_cast %scan3A_141 : i32 to index
        %swap3A_591 = arith.constant 304 : index
        %swap3A_592 = tpu.vector_load %arg18[%swap3A_590, %swap3A_591] {strides = array<i32>} : memref<8x512xf32, #tpu.memory_space<vmem>>, vector<1x16xf32>,
        %swap3A_593 = vector.shape_cast %swap3A_592 : vector<1x16xf32> to vector<16xf32>
        %swap3A_594 = vector.shape_cast %add3A_589 : vector<16xf32> to vector<1x16xf32>
        tpu.vector_store %arg18[%swap3A_590, %swap3A_591], %swap3A_594 {strides = array<i32>} : memref<8x512xf32, #tpu.memory_space<vmem>>, vector<1x16xf32>,
        %get3A_595 = arith.index_cast %scan3A_141 : i32 to index
        %get3A_596 = arith.constant 320 : index
        %get3A_597 = tpu.vector_load %arg15[%get3A_595, %get3A_596] {strides = array<i32>} : memref<8x512xf32, #tpu.memory_space<vmem>>, vector<1x16xf32>,
        %get3A_598 = vector.shape_cast %get3A_597 : vector<1x16xf32> to vector<16xf32>
        %mul3A_599 = arith.mulf %get3A_598, %get3A_145 : vector<16xf32>
        %get3A_600 = arith.index_cast %scan3A_141 : i32 to index
        %get3A_601 = arith.constant 320 : index
        %get3A_602 = tpu.vector_load %arg16[%get3A_600, %get3A_601] {strides = array<i32>} : memref<8x512xf32, #tpu.memory_space<vmem>>, vector<1x16xf32>,
        %get3A_603 = vector.shape_cast %get3A_602 : vector<1x16xf32> to vector<16xf32>
        %mul3A_604 = arith.mulf %get3A_603, %get3A_150 : vector<16xf32>
        %add3A_605 = arith.addf %mul3A_599, %mul3A_604 : vector<16xf32>
        %get3A_606 = arith.index_cast %scan3A_141 : i32 to index
        %get3A_607 = arith.constant 320 : index
        %get3A_608 = tpu.vector_load %arg17[%get3A_606, %get3A_607] {strides = array<i32>} : memref<8x512xf32, #tpu.memory_space<vmem>>, vector<1x16xf32>,
        %get3A_609 = vector.shape_cast %get3A_608 : vector<1x16xf32> to vector<16xf32>
        %mul3A_610 = arith.mulf %get3A_609, %get3A_155 : vector<16xf32>
        %add3A_611 = arith.addf %add3A_605, %mul3A_610 : vector<16xf32>
        %swap3A_612 = arith.index_cast %scan3A_141 : i32 to index
        %swap3A_613 = arith.constant 320 : index
        %swap3A_614 = tpu.vector_load %arg18[%swap3A_612, %swap3A_613] {strides = array<i32>} : memref<8x512xf32, #tpu.memory_space<vmem>>, vector<1x16xf32>,
        %swap3A_615 = vector.shape_cast %swap3A_614 : vector<1x16xf32> to vector<16xf32>
        %swap3A_616 = vector.shape_cast %add3A_611 : vector<16xf32> to vector<1x16xf32>
        tpu.vector_store %arg18[%swap3A_612, %swap3A_613], %swap3A_616 {strides = array<i32>} : memref<8x512xf32, #tpu.memory_space<vmem>>, vector<1x16xf32>,
        %get3A_617 = arith.index_cast %scan3A_141 : i32 to index
        %get3A_618 = arith.constant 336 : index
        %get3A_619 = tpu.vector_load %arg15[%get3A_617, %get3A_618] {strides = array<i32>} : memref<8x512xf32, #tpu.memory_space<vmem>>, vector<1x16xf32>,
        %get3A_620 = vector.shape_cast %get3A_619 : vector<1x16xf32> to vector<16xf32>
        %mul3A_621 = arith.mulf %get3A_620, %get3A_145 : vector<16xf32>
        %get3A_622 = arith.index_cast %scan3A_141 : i32 to index
        %get3A_623 = arith.constant 336 : index
        %get3A_624 = tpu.vector_load %arg16[%get3A_622, %get3A_623] {strides = array<i32>} : memref<8x512xf32, #tpu.memory_space<vmem>>, vector<1x16xf32>,
        %get3A_625 = vector.shape_cast %get3A_624 : vector<1x16xf32> to vector<16xf32>
        %mul3A_626 = arith.mulf %get3A_625, %get3A_150 : vector<16xf32>
        %add3A_627 = arith.addf %mul3A_621, %mul3A_626 : vector<16xf32>
        %get3A_628 = arith.index_cast %scan3A_141 : i32 to index
        %get3A_629 = arith.constant 336 : index
        %get3A_630 = tpu.vector_load %arg17[%get3A_628, %get3A_629] {strides = array<i32>} : memref<8x512xf32, #tpu.memory_space<vmem>>, vector<1x16xf32>,
        %get3A_631 = vector.shape_cast %get3A_630 : vector<1x16xf32> to vector<16xf32>
        %mul3A_632 = arith.mulf %get3A_631, %get3A_155 : vector<16xf32>
        %add3A_633 = arith.addf %add3A_627, %mul3A_632 : vector<16xf32>
        %swap3A_634 = arith.index_cast %scan3A_141 : i32 to index
        %swap3A_635 = arith.constant 336 : index
        %swap3A_636 = tpu.vector_load %arg18[%swap3A_634, %swap3A_635] {strides = array<i32>} : memref<8x512xf32, #tpu.memory_space<vmem>>, vector<1x16xf32>,
        %swap3A_637 = vector.shape_cast %swap3A_636 : vector<1x16xf32> to vector<16xf32>
        %swap3A_638 = vector.shape_cast %add3A_633 : vector<16xf32> to vector<1x16xf32>
        tpu.vector_store %arg18[%swap3A_634, %swap3A_635], %swap3A_638 {strides = array<i32>} : memref<8x512xf32, #tpu.memory_space<vmem>>, vector<1x16xf32>,
        %get3A_639 = arith.index_cast %scan3A_141 : i32 to index
        %get3A_640 = arith.constant 352 : index
        %get3A_641 = tpu.vector_load %arg15[%get3A_639, %get3A_640] {strides = array<i32>} : memref<8x512xf32, #tpu.memory_space<vmem>>, vector<1x16xf32>,
        %get3A_642 = vector.shape_cast %get3A_641 : vector<1x16xf32> to vector<16xf32>
        %mul3A_643 = arith.mulf %get3A_642, %get3A_145 : vector<16xf32>
        %get3A_644 = arith.index_cast %scan3A_141 : i32 to index
        %get3A_645 = arith.constant 352 : index
        %get3A_646 = tpu.vector_load %arg16[%get3A_644, %get3A_645] {strides = array<i32>} : memref<8x512xf32, #tpu.memory_space<vmem>>, vector<1x16xf32>,
        %get3A_647 = vector.shape_cast %get3A_646 : vector<1x16xf32> to vector<16xf32>
        %mul3A_648 = arith.mulf %get3A_647, %get3A_150 : vector<16xf32>
        %add3A_649 = arith.addf %mul3A_643, %mul3A_648 : vector<16xf32>
        %get3A_650 = arith.index_cast %scan3A_141 : i32 to index
        %get3A_651 = arith.constant 352 : index
        %get3A_652 = tpu.vector_load %arg17[%get3A_650, %get3A_651] {strides = array<i32>} : memref<8x512xf32, #tpu.memory_space<vmem>>, vector<1x16xf32>,
        %get3A_653 = vector.shape_cast %get3A_652 : vector<1x16xf32> to vector<16xf32>
        %mul3A_654 = arith.mulf %get3A_653, %get3A_155 : vector<16xf32>
        %add3A_655 = arith.addf %add3A_649, %mul3A_654 : vector<16xf32>
        %swap3A_656 = arith.index_cast %scan3A_141 : i32 to index
        %swap3A_657 = arith.constant 352 : index
        %swap3A_658 = tpu.vector_load %arg18[%swap3A_656, %swap3A_657] {strides = array<i32>} : memref<8x512xf32, #tpu.memory_space<vmem>>, vector<1x16xf32>,
        %swap3A_659 = vector.shape_cast %swap3A_658 : vector<1x16xf32> to vector<16xf32>
        %swap3A_660 = vector.shape_cast %add3A_655 : vector<16xf32> to vector<1x16xf32>
        tpu.vector_store %arg18[%swap3A_656, %swap3A_657], %swap3A_660 {strides = array<i32>} : memref<8x512xf32, #tpu.memory_space<vmem>>, vector<1x16xf32>,
        %get3A_661 = arith.index_cast %scan3A_141 : i32 to index
        %get3A_662 = arith.constant 368 : index
        %get3A_663 = tpu.vector_load %arg15[%get3A_661, %get3A_662] {strides = array<i32>} : memref<8x512xf32, #tpu.memory_space<vmem>>, vector<1x16xf32>,
        %get3A_664 = vector.shape_cast %get3A_663 : vector<1x16xf32> to vector<16xf32>
        %mul3A_665 = arith.mulf %get3A_664, %get3A_145 : vector<16xf32>
        %get3A_666 = arith.index_cast %scan3A_141 : i32 to index
        %get3A_667 = arith.constant 368 : index
        %get3A_668 = tpu.vector_load %arg16[%get3A_666, %get3A_667] {strides = array<i32>} : memref<8x512xf32, #tpu.memory_space<vmem>>, vector<1x16xf32>,
        %get3A_669 = vector.shape_cast %get3A_668 : vector<1x16xf32> to vector<16xf32>
        %mul3A_670 = arith.mulf %get3A_669, %get3A_150 : vector<16xf32>
        %add3A_671 = arith.addf %mul3A_665, %mul3A_670 : vector<16xf32>
        %get3A_672 = arith.index_cast %scan3A_141 : i32 to index
        %get3A_673 = arith.constant 368 : index
        %get3A_674 = tpu.vector_load %arg17[%get3A_672, %get3A_673] {strides = array<i32>} : memref<8x512xf32, #tpu.memory_space<vmem>>, vector<1x16xf32>,
        %get3A_675 = vector.shape_cast %get3A_674 : vector<1x16xf32> to vector<16xf32>
        %mul3A_676 = arith.mulf %get3A_675, %get3A_155 : vector<16xf32>
        %add3A_677 = arith.addf %add3A_671, %mul3A_676 : vector<16xf32>
        %swap3A_678 = arith.index_cast %scan3A_141 : i32 to index
        %swap3A_679 = arith.constant 368 : index
        %swap3A_680 = tpu.vector_load %arg18[%swap3A_678, %swap3A_679] {strides = array<i32>} : memref<8x512xf32, #tpu.memory_space<vmem>>, vector<1x16xf32>,
        %swap3A_681 = vector.shape_cast %swap3A_680 : vector<1x16xf32> to vector<16xf32>
        %swap3A_682 = vector.shape_cast %add3A_677 : vector<16xf32> to vector<1x16xf32>
        tpu.vector_store %arg18[%swap3A_678, %swap3A_679], %swap3A_682 {strides = array<i32>} : memref<8x512xf32, #tpu.memory_space<vmem>>, vector<1x16xf32>,
        %get3A_683 = arith.index_cast %scan3A_141 : i32 to index
        %get3A_684 = arith.constant 384 : index
        %get3A_685 = tpu.vector_load %arg15[%get3A_683, %get3A_684] {strides = array<i32>} : memref<8x512xf32, #tpu.memory_space<vmem>>, vector<1x16xf32>,
        %get3A_686 = vector.shape_cast %get3A_685 : vector<1x16xf32> to vector<16xf32>
        %mul3A_687 = arith.mulf %get3A_686, %get3A_145 : vector<16xf32>
        %get3A_688 = arith.index_cast %scan3A_141 : i32 to index
        %get3A_689 = arith.constant 384 : index
        %get3A_690 = tpu.vector_load %arg16[%get3A_688, %get3A_689] {strides = array<i32>} : memref<8x512xf32, #tpu.memory_space<vmem>>, vector<1x16xf32>,
        %get3A_691 = vector.shape_cast %get3A_690 : vector<1x16xf32> to vector<16xf32>
        %mul3A_692 = arith.mulf %get3A_691, %get3A_150 : vector<16xf32>
        %add3A_693 = arith.addf %mul3A_687, %mul3A_692 : vector<16xf32>
        %get3A_694 = arith.index_cast %scan3A_141 : i32 to index
        %get3A_695 = arith.constant 384 : index
        %get3A_696 = tpu.vector_load %arg17[%get3A_694, %get3A_695] {strides = array<i32>} : memref<8x512xf32, #tpu.memory_space<vmem>>, vector<1x16xf32>,
        %get3A_697 = vector.shape_cast %get3A_696 : vector<1x16xf32> to vector<16xf32>
        %mul3A_698 = arith.mulf %get3A_697, %get3A_155 : vector<16xf32>
        %add3A_699 = arith.addf %add3A_693, %mul3A_698 : vector<16xf32>
        %swap3A_700 = arith.index_cast %scan3A_141 : i32 to index
        %swap3A_701 = arith.constant 384 : index
        %swap3A_702 = tpu.vector_load %arg18[%swap3A_700, %swap3A_701] {strides = array<i32>} : memref<8x512xf32, #tpu.memory_space<vmem>>, vector<1x16xf32>,
        %swap3A_703 = vector.shape_cast %swap3A_702 : vector<1x16xf32> to vector<16xf32>
        %swap3A_704 = vector.shape_cast %add3A_699 : vector<16xf32> to vector<1x16xf32>
        tpu.vector_store %arg18[%swap3A_700, %swap3A_701], %swap3A_704 {strides = array<i32>} : memref<8x512xf32, #tpu.memory_space<vmem>>, vector<1x16xf32>,
        %get3A_705 = arith.index_cast %scan3A_141 : i32 to index
        %get3A_706 = arith.constant 400 : index
        %get3A_707 = tpu.vector_load %arg15[%get3A_705, %get3A_706] {strides = array<i32>} : memref<8x512xf32, #tpu.memory_space<vmem>>, vector<1x16xf32>,
        %get3A_708 = vector.shape_cast %get3A_707 : vector<1x16xf32> to vector<16xf32>
        %mul3A_709 = arith.mulf %get3A_708, %get3A_145 : vector<16xf32>
        %get3A_710 = arith.index_cast %scan3A_141 : i32 to index
        %get3A_711 = arith.constant 400 : index
        %get3A_712 = tpu.vector_load %arg16[%get3A_710, %get3A_711] {strides = array<i32>} : memref<8x512xf32, #tpu.memory_space<vmem>>, vector<1x16xf32>,
        %get3A_713 = vector.shape_cast %get3A_712 : vector<1x16xf32> to vector<16xf32>
        %mul3A_714 = arith.mulf %get3A_713, %get3A_150 : vector<16xf32>
        %add3A_715 = arith.addf %mul3A_709, %mul3A_714 : vector<16xf32>
        %get3A_716 = arith.index_cast %scan3A_141 : i32 to index
        %get3A_717 = arith.constant 400 : index
        %get3A_718 = tpu.vector_load %arg17[%get3A_716, %get3A_717] {strides = array<i32>} : memref<8x512xf32, #tpu.memory_space<vmem>>, vector<1x16xf32>,
        %get3A_719 = vector.shape_cast %get3A_718 : vector<1x16xf32> to vector<16xf32>
        %mul3A_720 = arith.mulf %get3A_719, %get3A_155 : vector<16xf32>
        %add3A_721 = arith.addf %add3A_715, %mul3A_720 : vector<16xf32>
        %swap3A_722 = arith.index_cast %scan3A_141 : i32 to index
        %swap3A_723 = arith.constant 400 : index
        %swap3A_724 = tpu.vector_load %arg18[%swap3A_722, %swap3A_723] {strides = array<i32>} : memref<8x512xf32, #tpu.memory_space<vmem>>, vector<1x16xf32>,
        %swap3A_725 = vector.shape_cast %swap3A_724 : vector<1x16xf32> to vector<16xf32>
        %swap3A_726 = vector.shape_cast %add3A_721 : vector<16xf32> to vector<1x16xf32>
        tpu.vector_store %arg18[%swap3A_722, %swap3A_723], %swap3A_726 {strides = array<i32>} : memref<8x512xf32, #tpu.memory_space<vmem>>, vector<1x16xf32>,
        %get3A_727 = arith.index_cast %scan3A_141 : i32 to index
        %get3A_728 = arith.constant 416 : index
        %get3A_729 = tpu.vector_load %arg15[%get3A_727, %get3A_728] {strides = array<i32>} : memref<8x512xf32, #tpu.memory_space<vmem>>, vector<1x16xf32>,
        %get3A_730 = vector.shape_cast %get3A_729 : vector<1x16xf32> to vector<16xf32>
        %mul3A_731 = arith.mulf %get3A_730, %get3A_145 : vector<16xf32>
        %get3A_732 = arith.index_cast %scan3A_141 : i32 to index
        %get3A_733 = arith.constant 416 : index
        %get3A_734 = tpu.vector_load %arg16[%get3A_732, %get3A_733] {strides = array<i32>} : memref<8x512xf32, #tpu.memory_space<vmem>>, vector<1x16xf32>,
        %get3A_735 = vector.shape_cast %get3A_734 : vector<1x16xf32> to vector<16xf32>
        %mul3A_736 = arith.mulf %get3A_735, %get3A_150 : vector<16xf32>
        %add3A_737 = arith.addf %mul3A_731, %mul3A_736 : vector<16xf32>
        %get3A_738 = arith.index_cast %scan3A_141 : i32 to index
        %get3A_739 = arith.constant 416 : index
        %get3A_740 = tpu.vector_load %arg17[%get3A_738, %get3A_739] {strides = array<i32>} : memref<8x512xf32, #tpu.memory_space<vmem>>, vector<1x16xf32>,
        %get3A_741 = vector.shape_cast %get3A_740 : vector<1x16xf32> to vector<16xf32>
        %mul3A_742 = arith.mulf %get3A_741, %get3A_155 : vector<16xf32>
        %add3A_743 = arith.addf %add3A_737, %mul3A_742 : vector<16xf32>
        %swap3A_744 = arith.index_cast %scan3A_141 : i32 to index
        %swap3A_745 = arith.constant 416 : index
        %swap3A_746 = tpu.vector_load %arg18[%swap3A_744, %swap3A_745] {strides = array<i32>} : memref<8x512xf32, #tpu.memory_space<vmem>>, vector<1x16xf32>,
        %swap3A_747 = vector.shape_cast %swap3A_746 : vector<1x16xf32> to vector<16xf32>
        %swap3A_748 = vector.shape_cast %add3A_743 : vector<16xf32> to vector<1x16xf32>
        tpu.vector_store %arg18[%swap3A_744, %swap3A_745], %swap3A_748 {strides = array<i32>} : memref<8x512xf32, #tpu.memory_space<vmem>>, vector<1x16xf32>,
        %get3A_749 = arith.index_cast %scan3A_141 : i32 to index
        %get3A_750 = arith.constant 432 : index
        %get3A_751 = tpu.vector_load %arg15[%get3A_749, %get3A_750] {strides = array<i32>} : memref<8x512xf32, #tpu.memory_space<vmem>>, vector<1x16xf32>,
        %get3A_752 = vector.shape_cast %get3A_751 : vector<1x16xf32> to vector<16xf32>
        %mul3A_753 = arith.mulf %get3A_752, %get3A_145 : vector<16xf32>
        %get3A_754 = arith.index_cast %scan3A_141 : i32 to index
        %get3A_755 = arith.constant 432 : index
        %get3A_756 = tpu.vector_load %arg16[%get3A_754, %get3A_755] {strides = array<i32>} : memref<8x512xf32, #tpu.memory_space<vmem>>, vector<1x16xf32>,
        %get3A_757 = vector.shape_cast %get3A_756 : vector<1x16xf32> to vector<16xf32>
        %mul3A_758 = arith.mulf %get3A_757, %get3A_150 : vector<16xf32>
        %add3A_759 = arith.addf %mul3A_753, %mul3A_758 : vector<16xf32>
        %get3A_760 = arith.index_cast %scan3A_141 : i32 to index
        %get3A_761 = arith.constant 432 : index
        %get3A_762 = tpu.vector_load %arg17[%get3A_760, %get3A_761] {strides = array<i32>} : memref<8x512xf32, #tpu.memory_space<vmem>>, vector<1x16xf32>,
        %get3A_763 = vector.shape_cast %get3A_762 : vector<1x16xf32> to vector<16xf32>
        %mul3A_764 = arith.mulf %get3A_763, %get3A_155 : vector<16xf32>
        %add3A_765 = arith.addf %add3A_759, %mul3A_764 : vector<16xf32>
        %swap3A_766 = arith.index_cast %scan3A_141 : i32 to index
        %swap3A_767 = arith.constant 432 : index
        %swap3A_768 = tpu.vector_load %arg18[%swap3A_766, %swap3A_767] {strides = array<i32>} : memref<8x512xf32, #tpu.memory_space<vmem>>, vector<1x16xf32>,
        %swap3A_769 = vector.shape_cast %swap3A_768 : vector<1x16xf32> to vector<16xf32>
        %swap3A_770 = vector.shape_cast %add3A_765 : vector<16xf32> to vector<1x16xf32>
        tpu.vector_store %arg18[%swap3A_766, %swap3A_767], %swap3A_770 {strides = array<i32>} : memref<8x512xf32, #tpu.memory_space<vmem>>, vector<1x16xf32>,
        %get3A_771 = arith.index_cast %scan3A_141 : i32 to index
        %get3A_772 = arith.constant 448 : index
        %get3A_773 = tpu.vector_load %arg15[%get3A_771, %get3A_772] {strides = array<i32>} : memref<8x512xf32, #tpu.memory_space<vmem>>, vector<1x16xf32>,
        %get3A_774 = vector.shape_cast %get3A_773 : vector<1x16xf32> to vector<16xf32>
        %mul3A_775 = arith.mulf %get3A_774, %get3A_145 : vector<16xf32>
        %get3A_776 = arith.index_cast %scan3A_141 : i32 to index
        %get3A_777 = arith.constant 448 : index
        %get3A_778 = tpu.vector_load %arg16[%get3A_776, %get3A_777] {strides = array<i32>} : memref<8x512xf32, #tpu.memory_space<vmem>>, vector<1x16xf32>,
        %get3A_779 = vector.shape_cast %get3A_778 : vector<1x16xf32> to vector<16xf32>
        %mul3A_780 = arith.mulf %get3A_779, %get3A_150 : vector<16xf32>
        %add3A_781 = arith.addf %mul3A_775, %mul3A_780 : vector<16xf32>
        %get3A_782 = arith.index_cast %scan3A_141 : i32 to index
        %get3A_783 = arith.constant 448 : index
        %get3A_784 = tpu.vector_load %arg17[%get3A_782, %get3A_783] {strides = array<i32>} : memref<8x512xf32, #tpu.memory_space<vmem>>, vector<1x16xf32>,
        %get3A_785 = vector.shape_cast %get3A_784 : vector<1x16xf32> to vector<16xf32>
        %mul3A_786 = arith.mulf %get3A_785, %get3A_155 : vector<16xf32>
        %add3A_787 = arith.addf %add3A_781, %mul3A_786 : vector<16xf32>
        %swap3A_788 = arith.index_cast %scan3A_141 : i32 to index
        %swap3A_789 = arith.constant 448 : index
        %swap3A_790 = tpu.vector_load %arg18[%swap3A_788, %swap3A_789] {strides = array<i32>} : memref<8x512xf32, #tpu.memory_space<vmem>>, vector<1x16xf32>,
        %swap3A_791 = vector.shape_cast %swap3A_790 : vector<1x16xf32> to vector<16xf32>
        %swap3A_792 = vector.shape_cast %add3A_787 : vector<16xf32> to vector<1x16xf32>
        tpu.vector_store %arg18[%swap3A_788, %swap3A_789], %swap3A_792 {strides = array<i32>} : memref<8x512xf32, #tpu.memory_space<vmem>>, vector<1x16xf32>,
        %get3A_793 = arith.index_cast %scan3A_141 : i32 to index
        %get3A_794 = arith.constant 464 : index
        %get3A_795 = tpu.vector_load %arg15[%get3A_793, %get3A_794] {strides = array<i32>} : memref<8x512xf32, #tpu.memory_space<vmem>>, vector<1x16xf32>,
        %get3A_796 = vector.shape_cast %get3A_795 : vector<1x16xf32> to vector<16xf32>
        %mul3A_797 = arith.mulf %get3A_796, %get3A_145 : vector<16xf32>
        %get3A_798 = arith.index_cast %scan3A_141 : i32 to index
        %get3A_799 = arith.constant 464 : index
        %get3A_800 = tpu.vector_load %arg16[%get3A_798, %get3A_799] {strides = array<i32>} : memref<8x512xf32, #tpu.memory_space<vmem>>, vector<1x16xf32>,
        %get3A_801 = vector.shape_cast %get3A_800 : vector<1x16xf32> to vector<16xf32>
        %mul3A_802 = arith.mulf %get3A_801, %get3A_150 : vector<16xf32>
        %add3A_803 = arith.addf %mul3A_797, %mul3A_802 : vector<16xf32>
        %get3A_804 = arith.index_cast %scan3A_141 : i32 to index
        %get3A_805 = arith.constant 464 : index
        %get3A_806 = tpu.vector_load %arg17[%get3A_804, %get3A_805] {strides = array<i32>} : memref<8x512xf32, #tpu.memory_space<vmem>>, vector<1x16xf32>,
        %get3A_807 = vector.shape_cast %get3A_806 : vector<1x16xf32> to vector<16xf32>
        %mul3A_808 = arith.mulf %get3A_807, %get3A_155 : vector<16xf32>
        %add3A_809 = arith.addf %add3A_803, %mul3A_808 : vector<16xf32>
        %swap3A_810 = arith.index_cast %scan3A_141 : i32 to index
        %swap3A_811 = arith.constant 464 : index
        %swap3A_812 = tpu.vector_load %arg18[%swap3A_810, %swap3A_811] {strides = array<i32>} : memref<8x512xf32, #tpu.memory_space<vmem>>, vector<1x16xf32>,
        %swap3A_813 = vector.shape_cast %swap3A_812 : vector<1x16xf32> to vector<16xf32>
        %swap3A_814 = vector.shape_cast %add3A_809 : vector<16xf32> to vector<1x16xf32>
        tpu.vector_store %arg18[%swap3A_810, %swap3A_811], %swap3A_814 {strides = array<i32>} : memref<8x512xf32, #tpu.memory_space<vmem>>, vector<1x16xf32>,
        %get3A_815 = arith.index_cast %scan3A_141 : i32 to index
        %get3A_816 = arith.constant 480 : index
        %get3A_817 = tpu.vector_load %arg15[%get3A_815, %get3A_816] {strides = array<i32>} : memref<8x512xf32, #tpu.memory_space<vmem>>, vector<1x16xf32>,
        %get3A_818 = vector.shape_cast %get3A_817 : vector<1x16xf32> to vector<16xf32>
        %mul3A_819 = arith.mulf %get3A_818, %get3A_145 : vector<16xf32>
        %get3A_820 = arith.index_cast %scan3A_141 : i32 to index
        %get3A_821 = arith.constant 480 : index
        %get3A_822 = tpu.vector_load %arg16[%get3A_820, %get3A_821] {strides = array<i32>} : memref<8x512xf32, #tpu.memory_space<vmem>>, vector<1x16xf32>,
        %get3A_823 = vector.shape_cast %get3A_822 : vector<1x16xf32> to vector<16xf32>
        %mul3A_824 = arith.mulf %get3A_823, %get3A_150 : vector<16xf32>
        %add3A_825 = arith.addf %mul3A_819, %mul3A_824 : vector<16xf32>
        %get3A_826 = arith.index_cast %scan3A_141 : i32 to index
        %get3A_827 = arith.constant 480 : index
        %get3A_828 = tpu.vector_load %arg17[%get3A_826, %get3A_827] {strides = array<i32>} : memref<8x512xf32, #tpu.memory_space<vmem>>, vector<1x16xf32>,
        %get3A_829 = vector.shape_cast %get3A_828 : vector<1x16xf32> to vector<16xf32>
        %mul3A_830 = arith.mulf %get3A_829, %get3A_155 : vector<16xf32>
        %add3A_831 = arith.addf %add3A_825, %mul3A_830 : vector<16xf32>
        %swap3A_832 = arith.index_cast %scan3A_141 : i32 to index
        %swap3A_833 = arith.constant 480 : index
        %swap3A_834 = tpu.vector_load %arg18[%swap3A_832, %swap3A_833] {strides = array<i32>} : memref<8x512xf32, #tpu.memory_space<vmem>>, vector<1x16xf32>,
        %swap3A_835 = vector.shape_cast %swap3A_834 : vector<1x16xf32> to vector<16xf32>
        %swap3A_836 = vector.shape_cast %add3A_831 : vector<16xf32> to vector<1x16xf32>
        tpu.vector_store %arg18[%swap3A_832, %swap3A_833], %swap3A_836 {strides = array<i32>} : memref<8x512xf32, #tpu.memory_space<vmem>>, vector<1x16xf32>,
        %get3A_837 = arith.index_cast %scan3A_141 : i32 to index
        %get3A_838 = arith.constant 496 : index
        %get3A_839 = tpu.vector_load %arg15[%get3A_837, %get3A_838] {strides = array<i32>} : memref<8x512xf32, #tpu.memory_space<vmem>>, vector<1x16xf32>,
        %get3A_840 = vector.shape_cast %get3A_839 : vector<1x16xf32> to vector<16xf32>
        %mul3A_841 = arith.mulf %get3A_840, %get3A_145 : vector<16xf32>
        %get3A_842 = arith.index_cast %scan3A_141 : i32 to index
        %get3A_843 = arith.constant 496 : index
        %get3A_844 = tpu.vector_load %arg16[%get3A_842, %get3A_843] {strides = array<i32>} : memref<8x512xf32, #tpu.memory_space<vmem>>, vector<1x16xf32>,
        %get3A_845 = vector.shape_cast %get3A_844 : vector<1x16xf32> to vector<16xf32>
        %mul3A_846 = arith.mulf %get3A_845, %get3A_150 : vector<16xf32>
        %add3A_847 = arith.addf %mul3A_841, %mul3A_846 : vector<16xf32>
        %get3A_848 = arith.index_cast %scan3A_141 : i32 to index
        %get3A_849 = arith.constant 496 : index
        %get3A_850 = tpu.vector_load %arg17[%get3A_848, %get3A_849] {strides = array<i32>} : memref<8x512xf32, #tpu.memory_space<vmem>>, vector<1x16xf32>,
        %get3A_851 = vector.shape_cast %get3A_850 : vector<1x16xf32> to vector<16xf32>
        %mul3A_852 = arith.mulf %get3A_851, %get3A_155 : vector<16xf32>
        %add3A_853 = arith.addf %add3A_847, %mul3A_852 : vector<16xf32>
        %swap3A_854 = arith.index_cast %scan3A_141 : i32 to index
        %swap3A_855 = arith.constant 496 : index
        %swap3A_856 = tpu.vector_load %arg18[%swap3A_854, %swap3A_855] {strides = array<i32>} : memref<8x512xf32, #tpu.memory_space<vmem>>, vector<1x16xf32>,
        %swap3A_857 = vector.shape_cast %swap3A_856 : vector<1x16xf32> to vector<16xf32>
        %swap3A_858 = vector.shape_cast %add3A_853 : vector<16xf32> to vector<1x16xf32>
        tpu.vector_store %arg18[%swap3A_854, %swap3A_855], %swap3A_858 {strides = array<i32>} : memref<8x512xf32, #tpu.memory_space<vmem>>, vector<1x16xf32>,
      }
      %scan3A_139 = arith.constant 8 : i32
      %add3A_140 = arith.addi %add3A_4, %mul3A_133 : i32
      "tpu.region"() ({
        %run_scoped3A = tpu.sem_alloc : memref<!tpu.dma_semaphore, #tpu.memory_space<semaphore_mem>>
        %dma_start3A_141 = arith.constant 0 : i32
        %dma_start3A_142 = tpu.memref_slice %arg5[%add3A_140, %dma_start3A_141] : memref<16384x512xf32, #tpu.memory_space<hbm>> -> memref<8x512xf32, #tpu.memory_space<hbm>>
        %dma_start3A_143 = arith.constant 0 : i32
        %dma_start3A_144 = tpu.memref_slice %arg5[%add3A_140, %dma_start3A_143] : memref<16384x512xf32, #tpu.memory_space<hbm>> -> memref<8x512xf32, #tpu.memory_space<hbm>>
        tpu.enqueue_dma source(%arg18 : memref<8x512xf32, #tpu.memory_space<vmem>>) target(%dma_start3A_144 : memref<8x512xf32, #tpu.memory_space<hbm>>) target_semaphore(%run_scoped3A : memref<!tpu.dma_semaphore, #tpu.memory_space<semaphore_mem>>)
        %dma_wait3A_145 = arith.constant 0 : i32
        %dma_wait3A_146 = tpu.memref_slice %arg5[%add3A_140, %dma_wait3A_145] : memref<16384x512xf32, #tpu.memory_space<hbm>> -> memref<8x512xf32, #tpu.memory_space<hbm>>
        %dma_wait3A_147 = arith.constant 0 : i32
        %dma_wait3A_148 = tpu.memref_slice %arg5[%add3A_140, %dma_wait3A_147] : memref<16384x512xf32, #tpu.memory_space<hbm>> -> memref<8x512xf32, #tpu.memory_space<hbm>>
        tpu.wait_dma2 semaphore(%run_scoped3A : memref<!tpu.dma_semaphore, #tpu.memory_space<semaphore_mem>>) src(%arg18 : memref<8x512xf32, #tpu.memory_space<vmem>>) dst(%dma_wait3A_148 : memref<8x512xf32, #tpu.memory_space<hbm>>)
        tpu.yield
      }) : () -> ()
    }
    %scan3A_35 = arith.constant 16 : i32
    %mul3A_36 = arith.constant 512 : i32
    %mul3A_37 = arith.muli %add3A, %mul3A_36 : i32
    %add3A_38 = arith.constant 256 : i32
    %add3A_39 = arith.addi %mul3A_37, %add3A_38 : i32
    %add3A_40 = arith.constant 0 : i32
    %add3A_41 = arith.addi %add3A_40, %add3A_39 : i32
    "tpu.region"() ({
      %run_scoped3A = tpu.sem_alloc : memref<!tpu.dma_semaphore, #tpu.memory_space<semaphore_mem>>
      %dma_start3A_73 = tpu.memref_slice %arg3[%add3A_41] : memref<49152xi32, #tpu.memory_space<hbm>> -> memref<256xi32, #tpu.memory_space<hbm>>
      %dma_start3A_74 = tpu.memref_slice %arg3[%add3A_41] : memref<49152xi32, #tpu.memory_space<hbm>> -> memref<256xi32, #tpu.memory_space<hbm>>
      tpu.enqueue_dma source(%dma_start3A_74 : memref<256xi32, #tpu.memory_space<hbm>>) target(%arg6 : memref<256xi32, #tpu.memory_space<vmem>>) target_semaphore(%run_scoped3A : memref<!tpu.dma_semaphore, #tpu.memory_space<semaphore_mem>>)
      %dma_wait3A = tpu.memref_slice %arg3[%add3A_41] : memref<49152xi32, #tpu.memory_space<hbm>> -> memref<256xi32, #tpu.memory_space<hbm>>
      %dma_wait3A_75 = tpu.memref_slice %arg3[%add3A_41] : memref<49152xi32, #tpu.memory_space<hbm>> -> memref<256xi32, #tpu.memory_space<hbm>>
      tpu.wait_dma2 semaphore(%run_scoped3A : memref<!tpu.dma_semaphore, #tpu.memory_space<semaphore_mem>>) src(%dma_wait3A_75 : memref<256xi32, #tpu.memory_space<hbm>>) dst(%arg6 : memref<256xi32, #tpu.memory_space<vmem>>)
      tpu.yield
    }) : () -> ()
    %add3A_42 = arith.constant 0 : i32
    %add3A_43 = arith.addi %add3A_42, %add3A_39 : i32
    "tpu.region"() ({
      %run_scoped3A = tpu.sem_alloc : memref<!tpu.dma_semaphore, #tpu.memory_space<semaphore_mem>>
      %dma_start3A_73 = arith.constant 0 : i32
      %dma_start3A_74 = tpu.memref_slice %arg4[%add3A_43, %dma_start3A_73] : memref<49152x16xf32, #tpu.memory_space<hbm>> -> memref<256x16xf32, #tpu.memory_space<hbm>>
      %dma_start3A_75 = arith.constant 0 : i32
      %dma_start3A_76 = tpu.memref_slice %arg4[%add3A_43, %dma_start3A_75] : memref<49152x16xf32, #tpu.memory_space<hbm>> -> memref<256x16xf32, #tpu.memory_space<hbm>>
      tpu.enqueue_dma source(%dma_start3A_76 : memref<256x16xf32, #tpu.memory_space<hbm>>) target(%arg9 : memref<256x16xf32, #tpu.memory_space<vmem>>) target_semaphore(%run_scoped3A : memref<!tpu.dma_semaphore, #tpu.memory_space<semaphore_mem>>)
      %dma_wait3A = arith.constant 0 : i32
      %dma_wait3A_77 = tpu.memref_slice %arg4[%add3A_43, %dma_wait3A] : memref<49152x16xf32, #tpu.memory_space<hbm>> -> memref<256x16xf32, #tpu.memory_space<hbm>>
      %dma_wait3A_78 = arith.constant 0 : i32
      %dma_wait3A_79 = tpu.memref_slice %arg4[%add3A_43, %dma_wait3A_78] : memref<49152x16xf32, #tpu.memory_space<hbm>> -> memref<256x16xf32, #tpu.memory_space<hbm>>
      tpu.wait_dma2 semaphore(%run_scoped3A : memref<!tpu.dma_semaphore, #tpu.memory_space<semaphore_mem>>) src(%dma_wait3A_79 : memref<256x16xf32, #tpu.memory_space<hbm>>) dst(%arg9 : memref<256x16xf32, #tpu.memory_space<vmem>>)
      tpu.yield
    }) : () -> ()
    %add3A_44 = arith.constant 16384 : i32
    %add3A_45 = arith.addi %add3A_44, %add3A_39 : i32
    "tpu.region"() ({
      %run_scoped3A = tpu.sem_alloc : memref<!tpu.dma_semaphore, #tpu.memory_space<semaphore_mem>>
      %dma_start3A_73 = tpu.memref_slice %arg3[%add3A_45] : memref<49152xi32, #tpu.memory_space<hbm>> -> memref<256xi32, #tpu.memory_space<hbm>>
      %dma_start3A_74 = tpu.memref_slice %arg3[%add3A_45] : memref<49152xi32, #tpu.memory_space<hbm>> -> memref<256xi32, #tpu.memory_space<hbm>>
      tpu.enqueue_dma source(%dma_start3A_74 : memref<256xi32, #tpu.memory_space<hbm>>) target(%arg7 : memref<256xi32, #tpu.memory_space<vmem>>) target_semaphore(%run_scoped3A : memref<!tpu.dma_semaphore, #tpu.memory_space<semaphore_mem>>)
      %dma_wait3A = tpu.memref_slice %arg3[%add3A_45] : memref<49152xi32, #tpu.memory_space<hbm>> -> memref<256xi32, #tpu.memory_space<hbm>>
      %dma_wait3A_75 = tpu.memref_slice %arg3[%add3A_45] : memref<49152xi32, #tpu.memory_space<hbm>> -> memref<256xi32, #tpu.memory_space<hbm>>
      tpu.wait_dma2 semaphore(%run_scoped3A : memref<!tpu.dma_semaphore, #tpu.memory_space<semaphore_mem>>) src(%dma_wait3A_75 : memref<256xi32, #tpu.memory_space<hbm>>) dst(%arg7 : memref<256xi32, #tpu.memory_space<vmem>>)
      tpu.yield
    }) : () -> ()
    %add3A_46 = arith.constant 16384 : i32
    %add3A_47 = arith.addi %add3A_46, %add3A_39 : i32
    "tpu.region"() ({
      %run_scoped3A = tpu.sem_alloc : memref<!tpu.dma_semaphore, #tpu.memory_space<semaphore_mem>>
      %dma_start3A_73 = arith.constant 0 : i32
      %dma_start3A_74 = tpu.memref_slice %arg4[%add3A_47, %dma_start3A_73] : memref<49152x16xf32, #tpu.memory_space<hbm>> -> memref<256x16xf32, #tpu.memory_space<hbm>>
      %dma_start3A_75 = arith.constant 0 : i32
      %dma_start3A_76 = tpu.memref_slice %arg4[%add3A_47, %dma_start3A_75] : memref<49152x16xf32, #tpu.memory_space<hbm>> -> memref<256x16xf32, #tpu.memory_space<hbm>>
      tpu.enqueue_dma source(%dma_start3A_76 : memref<256x16xf32, #tpu.memory_space<hbm>>) target(%arg10 : memref<256x16xf32, #tpu.memory_space<vmem>>) target_semaphore(%run_scoped3A : memref<!tpu.dma_semaphore, #tpu.memory_space<semaphore_mem>>)
      %dma_wait3A = arith.constant 0 : i32
      %dma_wait3A_77 = tpu.memref_slice %arg4[%add3A_47, %dma_wait3A] : memref<49152x16xf32, #tpu.memory_space<hbm>> -> memref<256x16xf32, #tpu.memory_space<hbm>>
      %dma_wait3A_78 = arith.constant 0 : i32
      %dma_wait3A_79 = tpu.memref_slice %arg4[%add3A_47, %dma_wait3A_78] : memref<49152x16xf32, #tpu.memory_space<hbm>> -> memref<256x16xf32, #tpu.memory_space<hbm>>
      tpu.wait_dma2 semaphore(%run_scoped3A : memref<!tpu.dma_semaphore, #tpu.memory_space<semaphore_mem>>) src(%dma_wait3A_79 : memref<256x16xf32, #tpu.memory_space<hbm>>) dst(%arg10 : memref<256x16xf32, #tpu.memory_space<vmem>>)
      tpu.yield
    }) : () -> ()
    %add3A_48 = arith.constant 32768 : i32
    %add3A_49 = arith.addi %add3A_48, %add3A_39 : i32
    "tpu.region"() ({
      %run_scoped3A = tpu.sem_alloc : memref<!tpu.dma_semaphore, #tpu.memory_space<semaphore_mem>>
      %dma_start3A_73 = tpu.memref_slice %arg3[%add3A_49] : memref<49152xi32, #tpu.memory_space<hbm>> -> memref<256xi32, #tpu.memory_space<hbm>>
      %dma_start3A_74 = tpu.memref_slice %arg3[%add3A_49] : memref<49152xi32, #tpu.memory_space<hbm>> -> memref<256xi32, #tpu.memory_space<hbm>>
      tpu.enqueue_dma source(%dma_start3A_74 : memref<256xi32, #tpu.memory_space<hbm>>) target(%arg8 : memref<256xi32, #tpu.memory_space<vmem>>) target_semaphore(%run_scoped3A : memref<!tpu.dma_semaphore, #tpu.memory_space<semaphore_mem>>)
      %dma_wait3A = tpu.memref_slice %arg3[%add3A_49] : memref<49152xi32, #tpu.memory_space<hbm>> -> memref<256xi32, #tpu.memory_space<hbm>>
      %dma_wait3A_75 = tpu.memref_slice %arg3[%add3A_49] : memref<49152xi32, #tpu.memory_space<hbm>> -> memref<256xi32, #tpu.memory_space<hbm>>
      tpu.wait_dma2 semaphore(%run_scoped3A : memref<!tpu.dma_semaphore, #tpu.memory_space<semaphore_mem>>) src(%dma_wait3A_75 : memref<256xi32, #tpu.memory_space<hbm>>) dst(%arg8 : memref<256xi32, #tpu.memory_space<vmem>>)
      tpu.yield
    }) : () -> ()
    %add3A_50 = arith.constant 32768 : i32
    %add3A_51 = arith.addi %add3A_50, %add3A_39 : i32
    "tpu.region"() ({
      %run_scoped3A = tpu.sem_alloc : memref<!tpu.dma_semaphore, #tpu.memory_space<semaphore_mem>>
      %dma_start3A_73 = arith.constant 0 : i32
      %dma_start3A_74 = tpu.memref_slice %arg4[%add3A_51, %dma_start3A_73] : memref<49152x16xf32, #tpu.memory_space<hbm>> -> memref<256x16xf32, #tpu.memory_space<hbm>>
      %dma_start3A_75 = arith.constant 0 : i32
      %dma_start3A_76 = tpu.memref_slice %arg4[%add3A_51, %dma_start3A_75] : memref<49152x16xf32, #tpu.memory_space<hbm>> -> memref<256x16xf32, #tpu.memory_space<hbm>>
      tpu.enqueue_dma source(%dma_start3A_76 : memref<256x16xf32, #tpu.memory_space<hbm>>) target(%arg11 : memref<256x16xf32, #tpu.memory_space<vmem>>) target_semaphore(%run_scoped3A : memref<!tpu.dma_semaphore, #tpu.memory_space<semaphore_mem>>)
      %dma_wait3A = arith.constant 0 : i32
      %dma_wait3A_77 = tpu.memref_slice %arg4[%add3A_51, %dma_wait3A] : memref<49152x16xf32, #tpu.memory_space<hbm>> -> memref<256x16xf32, #tpu.memory_space<hbm>>
      %dma_wait3A_78 = arith.constant 0 : i32
      %dma_wait3A_79 = tpu.memref_slice %arg4[%add3A_51, %dma_wait3A_78] : memref<49152x16xf32, #tpu.memory_space<hbm>> -> memref<256x16xf32, #tpu.memory_space<hbm>>
      tpu.wait_dma2 semaphore(%run_scoped3A : memref<!tpu.dma_semaphore, #tpu.memory_space<semaphore_mem>>) src(%dma_wait3A_79 : memref<256x16xf32, #tpu.memory_space<hbm>>) dst(%arg11 : memref<256x16xf32, #tpu.memory_space<vmem>>)
      tpu.yield
    }) : () -> ()
    %dma_start3A_52 = arith.constant 0 : i32
    %dma_start3A_53 = tpu.memref_slice %arg6[%dma_start3A_52] : memref<256xi32, #tpu.memory_space<vmem>> -> memref<8xi32, #tpu.memory_space<vmem>>
    %dma_start3A_54 = arith.constant 0 : i32
    %dma_start3A_55 = arith.constant 0 : i32
    %dma_start3A_56 = tpu.memref_slice %arg2[%dma_start3A_54, %dma_start3A_55] : memref<16384x512xf32, #tpu.memory_space<hbm>> -> memref<16384x512xf32, #tpu.memory_space<hbm>>
    tpu.enqueue_indirect_dma source(%dma_start3A_56 : memref<16384x512xf32, #tpu.memory_space<hbm>>) target(%arg12 : memref<8x512xf32, #tpu.memory_space<vmem>>) offsets(%dma_start3A_53 : memref<8xi32, #tpu.memory_space<vmem>>) semaphore(%arg19 : memref<!tpu.dma_semaphore, #tpu.memory_space<semaphore_mem>>)
    %dma_start3A_57 = arith.constant 0 : i32
    %dma_start3A_58 = tpu.memref_slice %arg7[%dma_start3A_57] : memref<256xi32, #tpu.memory_space<vmem>> -> memref<8xi32, #tpu.memory_space<vmem>>
    %dma_start3A_59 = arith.constant 0 : i32
    %dma_start3A_60 = arith.constant 0 : i32
    %dma_start3A_61 = tpu.memref_slice %arg2[%dma_start3A_59, %dma_start3A_60] : memref<16384x512xf32, #tpu.memory_space<hbm>> -> memref<16384x512xf32, #tpu.memory_space<hbm>>
    tpu.enqueue_indirect_dma source(%dma_start3A_61 : memref<16384x512xf32, #tpu.memory_space<hbm>>) target(%arg13 : memref<8x512xf32, #tpu.memory_space<vmem>>) offsets(%dma_start3A_58 : memref<8xi32, #tpu.memory_space<vmem>>) semaphore(%arg19 : memref<!tpu.dma_semaphore, #tpu.memory_space<semaphore_mem>>)
    %dma_start3A_62 = arith.constant 0 : i32
    %dma_start3A_63 = tpu.memref_slice %arg8[%dma_start3A_62] : memref<256xi32, #tpu.memory_space<vmem>> -> memref<8xi32, #tpu.memory_space<vmem>>
    %dma_start3A_64 = arith.constant 0 : i32
    %dma_start3A_65 = arith.constant 0 : i32
    %dma_start3A_66 = tpu.memref_slice %arg2[%dma_start3A_64, %dma_start3A_65] : memref<16384x512xf32, #tpu.memory_space<hbm>> -> memref<16384x512xf32, #tpu.memory_space<hbm>>
    tpu.enqueue_indirect_dma source(%dma_start3A_66 : memref<16384x512xf32, #tpu.memory_space<hbm>>) target(%arg14 : memref<8x512xf32, #tpu.memory_space<vmem>>) offsets(%dma_start3A_63 : memref<8xi32, #tpu.memory_space<vmem>>) semaphore(%arg19 : memref<!tpu.dma_semaphore, #tpu.memory_space<semaphore_mem>>)
    %scan3A_67 = arith.constant 0 : i32
    %scan3A_68 = arith.constant 0 : i32
    %scan3A_69 = arith.constant 16 : i32
    %scan3A_70 = arith.addi %scan3A_68, %scan3A_69 : i32
    %scan3A_71 = arith.constant 1 : i32
    scf.for %scan3A_73 = %scan3A_68 to %scan3A_70 step %scan3A_71  : i32 {
      %mul3A_74 = arith.constant 2 : i32
      %mul3A_75 = arith.muli %mul3A_74, %scan3A_73 : i32
      %mul3A_76 = arith.constant 2 : i32
      %mul3A_77 = arith.muli %mul3A_76, %scan3A_73 : i32
      %add3A_78 = arith.constant 1 : i32
      %add3A_79 = arith.addi %mul3A_77, %add3A_78 : i32
      %mul3A_80 = arith.constant 8 : i32
      %mul3A_81 = arith.muli %add3A_79, %mul3A_80 : i32
      %dma_start3A_82 = tpu.memref_slice %arg6[%mul3A_81] : memref<256xi32, #tpu.memory_space<vmem>> -> memref<8xi32, #tpu.memory_space<vmem>>
      %dma_start3A_83 = arith.constant 0 : i32
      %dma_start3A_84 = arith.constant 0 : i32
      %dma_start3A_85 = tpu.memref_slice %arg2[%dma_start3A_83, %dma_start3A_84] : memref<16384x512xf32, #tpu.memory_space<hbm>> -> memref<16384x512xf32, #tpu.memory_space<hbm>>
      tpu.enqueue_indirect_dma source(%dma_start3A_85 : memref<16384x512xf32, #tpu.memory_space<hbm>>) target(%arg15 : memref<8x512xf32, #tpu.memory_space<vmem>>) offsets(%dma_start3A_82 : memref<8xi32, #tpu.memory_space<vmem>>) semaphore(%arg20 : memref<!tpu.dma_semaphore, #tpu.memory_space<semaphore_mem>>)
      %dma_start3A_86 = tpu.memref_slice %arg7[%mul3A_81] : memref<256xi32, #tpu.memory_space<vmem>> -> memref<8xi32, #tpu.memory_space<vmem>>
      %dma_start3A_87 = arith.constant 0 : i32
      %dma_start3A_88 = arith.constant 0 : i32
      %dma_start3A_89 = tpu.memref_slice %arg2[%dma_start3A_87, %dma_start3A_88] : memref<16384x512xf32, #tpu.memory_space<hbm>> -> memref<16384x512xf32, #tpu.memory_space<hbm>>
      tpu.enqueue_indirect_dma source(%dma_start3A_89 : memref<16384x512xf32, #tpu.memory_space<hbm>>) target(%arg16 : memref<8x512xf32, #tpu.memory_space<vmem>>) offsets(%dma_start3A_86 : memref<8xi32, #tpu.memory_space<vmem>>) semaphore(%arg20 : memref<!tpu.dma_semaphore, #tpu.memory_space<semaphore_mem>>)
      %dma_start3A_90 = tpu.memref_slice %arg8[%mul3A_81] : memref<256xi32, #tpu.memory_space<vmem>> -> memref<8xi32, #tpu.memory_space<vmem>>
      %dma_start3A_91 = arith.constant 0 : i32
      %dma_start3A_92 = arith.constant 0 : i32
      %dma_start3A_93 = tpu.memref_slice %arg2[%dma_start3A_91, %dma_start3A_92] : memref<16384x512xf32, #tpu.memory_space<hbm>> -> memref<16384x512xf32, #tpu.memory_space<hbm>>
      tpu.enqueue_indirect_dma source(%dma_start3A_93 : memref<16384x512xf32, #tpu.memory_space<hbm>>) target(%arg17 : memref<8x512xf32, #tpu.memory_space<vmem>>) offsets(%dma_start3A_90 : memref<8xi32, #tpu.memory_space<vmem>>) semaphore(%arg20 : memref<!tpu.dma_semaphore, #tpu.memory_space<semaphore_mem>>)
      %mul3A_94 = arith.constant 8 : i32
      %mul3A_95 = arith.muli %mul3A_75, %mul3A_94 : i32
      %dma_wait3A = tpu.memref_slice %arg6[%mul3A_95] : memref<256xi32, #tpu.memory_space<vmem>> -> memref<8xi32, #tpu.memory_space<vmem>>
      %dma_wait3A_96 = arith.constant 0 : i32
      %dma_wait3A_97 = arith.constant 0 : i32
      %dma_wait3A_98 = tpu.memref_slice %arg2[%dma_wait3A_96, %dma_wait3A_97] : memref<16384x512xf32, #tpu.memory_space<hbm>> -> memref<16384x512xf32, #tpu.memory_space<hbm>>
      tpu.wait_indirect_dma semaphore(%arg19 : memref<!tpu.dma_semaphore, #tpu.memory_space<semaphore_mem>>) src(%dma_wait3A_98 : memref<16384x512xf32, #tpu.memory_space<hbm>>) dst(%arg12 : memref<8x512xf32, #tpu.memory_space<vmem>>)
      %dma_wait3A_99 = tpu.memref_slice %arg7[%mul3A_95] : memref<256xi32, #tpu.memory_space<vmem>> -> memref<8xi32, #tpu.memory_space<vmem>>
      %dma_wait3A_100 = arith.constant 0 : i32
      %dma_wait3A_101 = arith.constant 0 : i32
      %dma_wait3A_102 = tpu.memref_slice %arg2[%dma_wait3A_100, %dma_wait3A_101] : memref<16384x512xf32, #tpu.memory_space<hbm>> -> memref<16384x512xf32, #tpu.memory_space<hbm>>
      tpu.wait_indirect_dma semaphore(%arg19 : memref<!tpu.dma_semaphore, #tpu.memory_space<semaphore_mem>>) src(%dma_wait3A_102 : memref<16384x512xf32, #tpu.memory_space<hbm>>) dst(%arg13 : memref<8x512xf32, #tpu.memory_space<vmem>>)
      %dma_wait3A_103 = tpu.memref_slice %arg8[%mul3A_95] : memref<256xi32, #tpu.memory_space<vmem>> -> memref<8xi32, #tpu.memory_space<vmem>>
      %dma_wait3A_104 = arith.constant 0 : i32
      %dma_wait3A_105 = arith.constant 0 : i32
      %dma_wait3A_106 = tpu.memref_slice %arg2[%dma_wait3A_104, %dma_wait3A_105] : memref<16384x512xf32, #tpu.memory_space<hbm>> -> memref<16384x512xf32, #tpu.memory_space<hbm>>
      tpu.wait_indirect_dma semaphore(%arg19 : memref<!tpu.dma_semaphore, #tpu.memory_space<semaphore_mem>>) src(%dma_wait3A_106 : memref<16384x512xf32, #tpu.memory_space<hbm>>) dst(%arg14 : memref<8x512xf32, #tpu.memory_space<vmem>>)
      %mul3A_107 = arith.constant 8 : i32
      %mul3A_108 = arith.muli %mul3A_75, %mul3A_107 : i32
      %scan3A_109 = arith.constant 0 : i32
      %scan3A_110 = arith.constant 0 : i32
      %scan3A_111 = arith.constant 8 : i32
      %scan3A_112 = arith.addi %scan3A_110, %scan3A_111 : i32
      %scan3A_113 = arith.constant 1 : i32
      scf.for %scan3A_141 = %scan3A_110 to %scan3A_112 step %scan3A_113  : i32 {
        %add3A_142 = arith.addi %mul3A_108, %scan3A_141 : i32
        %get3A = arith.index_cast %add3A_142 : i32 to index
        %get3A_143 = arith.constant 0 : index
        %get3A_144 = tpu.vector_load %arg9[%get3A, %get3A_143] {strides = array<i32>} : memref<256x16xf32, #tpu.memory_space<vmem>>, vector<1x16xf32>,
        %get3A_145 = vector.shape_cast %get3A_144 : vector<1x16xf32> to vector<16xf32>
        %add3A_146 = arith.addi %mul3A_108, %scan3A_141 : i32
        %get3A_147 = arith.index_cast %add3A_146 : i32 to index
        %get3A_148 = arith.constant 0 : index
        %get3A_149 = tpu.vector_load %arg10[%get3A_147, %get3A_148] {strides = array<i32>} : memref<256x16xf32, #tpu.memory_space<vmem>>, vector<1x16xf32>,
        %get3A_150 = vector.shape_cast %get3A_149 : vector<1x16xf32> to vector<16xf32>
        %add3A_151 = arith.addi %mul3A_108, %scan3A_141 : i32
        %get3A_152 = arith.index_cast %add3A_151 : i32 to index
        %get3A_153 = arith.constant 0 : index
        %get3A_154 = tpu.vector_load %arg11[%get3A_152, %get3A_153] {strides = array<i32>} : memref<256x16xf32, #tpu.memory_space<vmem>>, vector<1x16xf32>,
        %get3A_155 = vector.shape_cast %get3A_154 : vector<1x16xf32> to vector<16xf32>
        %get3A_156 = arith.index_cast %scan3A_141 : i32 to index
        %get3A_157 = arith.constant 0 : index
        %get3A_158 = tpu.vector_load %arg12[%get3A_156, %get3A_157] {strides = array<i32>} : memref<8x512xf32, #tpu.memory_space<vmem>>, vector<1x16xf32>,
        %get3A_159 = vector.shape_cast %get3A_158 : vector<1x16xf32> to vector<16xf32>
        %mul3A_160 = arith.mulf %get3A_159, %get3A_145 : vector<16xf32>
        %get3A_161 = arith.index_cast %scan3A_141 : i32 to index
        %get3A_162 = arith.constant 0 : index
        %get3A_163 = tpu.vector_load %arg13[%get3A_161, %get3A_162] {strides = array<i32>} : memref<8x512xf32, #tpu.memory_space<vmem>>, vector<1x16xf32>,
        %get3A_164 = vector.shape_cast %get3A_163 : vector<1x16xf32> to vector<16xf32>
        %mul3A_165 = arith.mulf %get3A_164, %get3A_150 : vector<16xf32>
        %add3A_166 = arith.addf %mul3A_160, %mul3A_165 : vector<16xf32>
        %get3A_167 = arith.index_cast %scan3A_141 : i32 to index
        %get3A_168 = arith.constant 0 : index
        %get3A_169 = tpu.vector_load %arg14[%get3A_167, %get3A_168] {strides = array<i32>} : memref<8x512xf32, #tpu.memory_space<vmem>>, vector<1x16xf32>,
        %get3A_170 = vector.shape_cast %get3A_169 : vector<1x16xf32> to vector<16xf32>
        %mul3A_171 = arith.mulf %get3A_170, %get3A_155 : vector<16xf32>
        %add3A_172 = arith.addf %add3A_166, %mul3A_171 : vector<16xf32>
        %swap3A = arith.index_cast %scan3A_141 : i32 to index
        %swap3A_173 = arith.constant 0 : index
        %swap3A_174 = tpu.vector_load %arg18[%swap3A, %swap3A_173] {strides = array<i32>} : memref<8x512xf32, #tpu.memory_space<vmem>>, vector<1x16xf32>,
        %swap3A_175 = vector.shape_cast %swap3A_174 : vector<1x16xf32> to vector<16xf32>
        %swap3A_176 = vector.shape_cast %add3A_172 : vector<16xf32> to vector<1x16xf32>
        tpu.vector_store %arg18[%swap3A, %swap3A_173], %swap3A_176 {strides = array<i32>} : memref<8x512xf32, #tpu.memory_space<vmem>>, vector<1x16xf32>,
        %get3A_177 = arith.index_cast %scan3A_141 : i32 to index
        %get3A_178 = arith.constant 16 : index
        %get3A_179 = tpu.vector_load %arg12[%get3A_177, %get3A_178] {strides = array<i32>} : memref<8x512xf32, #tpu.memory_space<vmem>>, vector<1x16xf32>,
        %get3A_180 = vector.shape_cast %get3A_179 : vector<1x16xf32> to vector<16xf32>
        %mul3A_181 = arith.mulf %get3A_180, %get3A_145 : vector<16xf32>
        %get3A_182 = arith.index_cast %scan3A_141 : i32 to index
        %get3A_183 = arith.constant 16 : index
        %get3A_184 = tpu.vector_load %arg13[%get3A_182, %get3A_183] {strides = array<i32>} : memref<8x512xf32, #tpu.memory_space<vmem>>, vector<1x16xf32>,
        %get3A_185 = vector.shape_cast %get3A_184 : vector<1x16xf32> to vector<16xf32>
        %mul3A_186 = arith.mulf %get3A_185, %get3A_150 : vector<16xf32>
        %add3A_187 = arith.addf %mul3A_181, %mul3A_186 : vector<16xf32>
        %get3A_188 = arith.index_cast %scan3A_141 : i32 to index
        %get3A_189 = arith.constant 16 : index
        %get3A_190 = tpu.vector_load %arg14[%get3A_188, %get3A_189] {strides = array<i32>} : memref<8x512xf32, #tpu.memory_space<vmem>>, vector<1x16xf32>,
        %get3A_191 = vector.shape_cast %get3A_190 : vector<1x16xf32> to vector<16xf32>
        %mul3A_192 = arith.mulf %get3A_191, %get3A_155 : vector<16xf32>
        %add3A_193 = arith.addf %add3A_187, %mul3A_192 : vector<16xf32>
        %swap3A_194 = arith.index_cast %scan3A_141 : i32 to index
        %swap3A_195 = arith.constant 16 : index
        %swap3A_196 = tpu.vector_load %arg18[%swap3A_194, %swap3A_195] {strides = array<i32>} : memref<8x512xf32, #tpu.memory_space<vmem>>, vector<1x16xf32>,
        %swap3A_197 = vector.shape_cast %swap3A_196 : vector<1x16xf32> to vector<16xf32>
        %swap3A_198 = vector.shape_cast %add3A_193 : vector<16xf32> to vector<1x16xf32>
        tpu.vector_store %arg18[%swap3A_194, %swap3A_195], %swap3A_198 {strides = array<i32>} : memref<8x512xf32, #tpu.memory_space<vmem>>, vector<1x16xf32>,
        %get3A_199 = arith.index_cast %scan3A_141 : i32 to index
        %get3A_200 = arith.constant 32 : index
        %get3A_201 = tpu.vector_load %arg12[%get3A_199, %get3A_200] {strides = array<i32>} : memref<8x512xf32, #tpu.memory_space<vmem>>, vector<1x16xf32>,
        %get3A_202 = vector.shape_cast %get3A_201 : vector<1x16xf32> to vector<16xf32>
        %mul3A_203 = arith.mulf %get3A_202, %get3A_145 : vector<16xf32>
        %get3A_204 = arith.index_cast %scan3A_141 : i32 to index
        %get3A_205 = arith.constant 32 : index
        %get3A_206 = tpu.vector_load %arg13[%get3A_204, %get3A_205] {strides = array<i32>} : memref<8x512xf32, #tpu.memory_space<vmem>>, vector<1x16xf32>,
        %get3A_207 = vector.shape_cast %get3A_206 : vector<1x16xf32> to vector<16xf32>
        %mul3A_208 = arith.mulf %get3A_207, %get3A_150 : vector<16xf32>
        %add3A_209 = arith.addf %mul3A_203, %mul3A_208 : vector<16xf32>
        %get3A_210 = arith.index_cast %scan3A_141 : i32 to index
        %get3A_211 = arith.constant 32 : index
        %get3A_212 = tpu.vector_load %arg14[%get3A_210, %get3A_211] {strides = array<i32>} : memref<8x512xf32, #tpu.memory_space<vmem>>, vector<1x16xf32>,
        %get3A_213 = vector.shape_cast %get3A_212 : vector<1x16xf32> to vector<16xf32>
        %mul3A_214 = arith.mulf %get3A_213, %get3A_155 : vector<16xf32>
        %add3A_215 = arith.addf %add3A_209, %mul3A_214 : vector<16xf32>
        %swap3A_216 = arith.index_cast %scan3A_141 : i32 to index
        %swap3A_217 = arith.constant 32 : index
        %swap3A_218 = tpu.vector_load %arg18[%swap3A_216, %swap3A_217] {strides = array<i32>} : memref<8x512xf32, #tpu.memory_space<vmem>>, vector<1x16xf32>,
        %swap3A_219 = vector.shape_cast %swap3A_218 : vector<1x16xf32> to vector<16xf32>
        %swap3A_220 = vector.shape_cast %add3A_215 : vector<16xf32> to vector<1x16xf32>
        tpu.vector_store %arg18[%swap3A_216, %swap3A_217], %swap3A_220 {strides = array<i32>} : memref<8x512xf32, #tpu.memory_space<vmem>>, vector<1x16xf32>,
        %get3A_221 = arith.index_cast %scan3A_141 : i32 to index
        %get3A_222 = arith.constant 48 : index
        %get3A_223 = tpu.vector_load %arg12[%get3A_221, %get3A_222] {strides = array<i32>} : memref<8x512xf32, #tpu.memory_space<vmem>>, vector<1x16xf32>,
        %get3A_224 = vector.shape_cast %get3A_223 : vector<1x16xf32> to vector<16xf32>
        %mul3A_225 = arith.mulf %get3A_224, %get3A_145 : vector<16xf32>
        %get3A_226 = arith.index_cast %scan3A_141 : i32 to index
        %get3A_227 = arith.constant 48 : index
        %get3A_228 = tpu.vector_load %arg13[%get3A_226, %get3A_227] {strides = array<i32>} : memref<8x512xf32, #tpu.memory_space<vmem>>, vector<1x16xf32>,
        %get3A_229 = vector.shape_cast %get3A_228 : vector<1x16xf32> to vector<16xf32>
        %mul3A_230 = arith.mulf %get3A_229, %get3A_150 : vector<16xf32>
        %add3A_231 = arith.addf %mul3A_225, %mul3A_230 : vector<16xf32>
        %get3A_232 = arith.index_cast %scan3A_141 : i32 to index
        %get3A_233 = arith.constant 48 : index
        %get3A_234 = tpu.vector_load %arg14[%get3A_232, %get3A_233] {strides = array<i32>} : memref<8x512xf32, #tpu.memory_space<vmem>>, vector<1x16xf32>,
        %get3A_235 = vector.shape_cast %get3A_234 : vector<1x16xf32> to vector<16xf32>
        %mul3A_236 = arith.mulf %get3A_235, %get3A_155 : vector<16xf32>
        %add3A_237 = arith.addf %add3A_231, %mul3A_236 : vector<16xf32>
        %swap3A_238 = arith.index_cast %scan3A_141 : i32 to index
        %swap3A_239 = arith.constant 48 : index
        %swap3A_240 = tpu.vector_load %arg18[%swap3A_238, %swap3A_239] {strides = array<i32>} : memref<8x512xf32, #tpu.memory_space<vmem>>, vector<1x16xf32>,
        %swap3A_241 = vector.shape_cast %swap3A_240 : vector<1x16xf32> to vector<16xf32>
        %swap3A_242 = vector.shape_cast %add3A_237 : vector<16xf32> to vector<1x16xf32>
        tpu.vector_store %arg18[%swap3A_238, %swap3A_239], %swap3A_242 {strides = array<i32>} : memref<8x512xf32, #tpu.memory_space<vmem>>, vector<1x16xf32>,
        %get3A_243 = arith.index_cast %scan3A_141 : i32 to index
        %get3A_244 = arith.constant 64 : index
        %get3A_245 = tpu.vector_load %arg12[%get3A_243, %get3A_244] {strides = array<i32>} : memref<8x512xf32, #tpu.memory_space<vmem>>, vector<1x16xf32>,
        %get3A_246 = vector.shape_cast %get3A_245 : vector<1x16xf32> to vector<16xf32>
        %mul3A_247 = arith.mulf %get3A_246, %get3A_145 : vector<16xf32>
        %get3A_248 = arith.index_cast %scan3A_141 : i32 to index
        %get3A_249 = arith.constant 64 : index
        %get3A_250 = tpu.vector_load %arg13[%get3A_248, %get3A_249] {strides = array<i32>} : memref<8x512xf32, #tpu.memory_space<vmem>>, vector<1x16xf32>,
        %get3A_251 = vector.shape_cast %get3A_250 : vector<1x16xf32> to vector<16xf32>
        %mul3A_252 = arith.mulf %get3A_251, %get3A_150 : vector<16xf32>
        %add3A_253 = arith.addf %mul3A_247, %mul3A_252 : vector<16xf32>
        %get3A_254 = arith.index_cast %scan3A_141 : i32 to index
        %get3A_255 = arith.constant 64 : index
        %get3A_256 = tpu.vector_load %arg14[%get3A_254, %get3A_255] {strides = array<i32>} : memref<8x512xf32, #tpu.memory_space<vmem>>, vector<1x16xf32>,
        %get3A_257 = vector.shape_cast %get3A_256 : vector<1x16xf32> to vector<16xf32>
        %mul3A_258 = arith.mulf %get3A_257, %get3A_155 : vector<16xf32>
        %add3A_259 = arith.addf %add3A_253, %mul3A_258 : vector<16xf32>
        %swap3A_260 = arith.index_cast %scan3A_141 : i32 to index
        %swap3A_261 = arith.constant 64 : index
        %swap3A_262 = tpu.vector_load %arg18[%swap3A_260, %swap3A_261] {strides = array<i32>} : memref<8x512xf32, #tpu.memory_space<vmem>>, vector<1x16xf32>,
        %swap3A_263 = vector.shape_cast %swap3A_262 : vector<1x16xf32> to vector<16xf32>
        %swap3A_264 = vector.shape_cast %add3A_259 : vector<16xf32> to vector<1x16xf32>
        tpu.vector_store %arg18[%swap3A_260, %swap3A_261], %swap3A_264 {strides = array<i32>} : memref<8x512xf32, #tpu.memory_space<vmem>>, vector<1x16xf32>,
        %get3A_265 = arith.index_cast %scan3A_141 : i32 to index
        %get3A_266 = arith.constant 80 : index
        %get3A_267 = tpu.vector_load %arg12[%get3A_265, %get3A_266] {strides = array<i32>} : memref<8x512xf32, #tpu.memory_space<vmem>>, vector<1x16xf32>,
        %get3A_268 = vector.shape_cast %get3A_267 : vector<1x16xf32> to vector<16xf32>
        %mul3A_269 = arith.mulf %get3A_268, %get3A_145 : vector<16xf32>
        %get3A_270 = arith.index_cast %scan3A_141 : i32 to index
        %get3A_271 = arith.constant 80 : index
        %get3A_272 = tpu.vector_load %arg13[%get3A_270, %get3A_271] {strides = array<i32>} : memref<8x512xf32, #tpu.memory_space<vmem>>, vector<1x16xf32>,
        %get3A_273 = vector.shape_cast %get3A_272 : vector<1x16xf32> to vector<16xf32>
        %mul3A_274 = arith.mulf %get3A_273, %get3A_150 : vector<16xf32>
        %add3A_275 = arith.addf %mul3A_269, %mul3A_274 : vector<16xf32>
        %get3A_276 = arith.index_cast %scan3A_141 : i32 to index
        %get3A_277 = arith.constant 80 : index
        %get3A_278 = tpu.vector_load %arg14[%get3A_276, %get3A_277] {strides = array<i32>} : memref<8x512xf32, #tpu.memory_space<vmem>>, vector<1x16xf32>,
        %get3A_279 = vector.shape_cast %get3A_278 : vector<1x16xf32> to vector<16xf32>
        %mul3A_280 = arith.mulf %get3A_279, %get3A_155 : vector<16xf32>
        %add3A_281 = arith.addf %add3A_275, %mul3A_280 : vector<16xf32>
        %swap3A_282 = arith.index_cast %scan3A_141 : i32 to index
        %swap3A_283 = arith.constant 80 : index
        %swap3A_284 = tpu.vector_load %arg18[%swap3A_282, %swap3A_283] {strides = array<i32>} : memref<8x512xf32, #tpu.memory_space<vmem>>, vector<1x16xf32>,
        %swap3A_285 = vector.shape_cast %swap3A_284 : vector<1x16xf32> to vector<16xf32>
        %swap3A_286 = vector.shape_cast %add3A_281 : vector<16xf32> to vector<1x16xf32>
        tpu.vector_store %arg18[%swap3A_282, %swap3A_283], %swap3A_286 {strides = array<i32>} : memref<8x512xf32, #tpu.memory_space<vmem>>, vector<1x16xf32>,
        %get3A_287 = arith.index_cast %scan3A_141 : i32 to index
        %get3A_288 = arith.constant 96 : index
        %get3A_289 = tpu.vector_load %arg12[%get3A_287, %get3A_288] {strides = array<i32>} : memref<8x512xf32, #tpu.memory_space<vmem>>, vector<1x16xf32>,
        %get3A_290 = vector.shape_cast %get3A_289 : vector<1x16xf32> to vector<16xf32>
        %mul3A_291 = arith.mulf %get3A_290, %get3A_145 : vector<16xf32>
        %get3A_292 = arith.index_cast %scan3A_141 : i32 to index
        %get3A_293 = arith.constant 96 : index
        %get3A_294 = tpu.vector_load %arg13[%get3A_292, %get3A_293] {strides = array<i32>} : memref<8x512xf32, #tpu.memory_space<vmem>>, vector<1x16xf32>,
        %get3A_295 = vector.shape_cast %get3A_294 : vector<1x16xf32> to vector<16xf32>
        %mul3A_296 = arith.mulf %get3A_295, %get3A_150 : vector<16xf32>
        %add3A_297 = arith.addf %mul3A_291, %mul3A_296 : vector<16xf32>
        %get3A_298 = arith.index_cast %scan3A_141 : i32 to index
        %get3A_299 = arith.constant 96 : index
        %get3A_300 = tpu.vector_load %arg14[%get3A_298, %get3A_299] {strides = array<i32>} : memref<8x512xf32, #tpu.memory_space<vmem>>, vector<1x16xf32>,
        %get3A_301 = vector.shape_cast %get3A_300 : vector<1x16xf32> to vector<16xf32>
        %mul3A_302 = arith.mulf %get3A_301, %get3A_155 : vector<16xf32>
        %add3A_303 = arith.addf %add3A_297, %mul3A_302 : vector<16xf32>
        %swap3A_304 = arith.index_cast %scan3A_141 : i32 to index
        %swap3A_305 = arith.constant 96 : index
        %swap3A_306 = tpu.vector_load %arg18[%swap3A_304, %swap3A_305] {strides = array<i32>} : memref<8x512xf32, #tpu.memory_space<vmem>>, vector<1x16xf32>,
        %swap3A_307 = vector.shape_cast %swap3A_306 : vector<1x16xf32> to vector<16xf32>
        %swap3A_308 = vector.shape_cast %add3A_303 : vector<16xf32> to vector<1x16xf32>
        tpu.vector_store %arg18[%swap3A_304, %swap3A_305], %swap3A_308 {strides = array<i32>} : memref<8x512xf32, #tpu.memory_space<vmem>>, vector<1x16xf32>,
        %get3A_309 = arith.index_cast %scan3A_141 : i32 to index
        %get3A_310 = arith.constant 112 : index
        %get3A_311 = tpu.vector_load %arg12[%get3A_309, %get3A_310] {strides = array<i32>} : memref<8x512xf32, #tpu.memory_space<vmem>>, vector<1x16xf32>,
        %get3A_312 = vector.shape_cast %get3A_311 : vector<1x16xf32> to vector<16xf32>
        %mul3A_313 = arith.mulf %get3A_312, %get3A_145 : vector<16xf32>
        %get3A_314 = arith.index_cast %scan3A_141 : i32 to index
        %get3A_315 = arith.constant 112 : index
        %get3A_316 = tpu.vector_load %arg13[%get3A_314, %get3A_315] {strides = array<i32>} : memref<8x512xf32, #tpu.memory_space<vmem>>, vector<1x16xf32>,
        %get3A_317 = vector.shape_cast %get3A_316 : vector<1x16xf32> to vector<16xf32>
        %mul3A_318 = arith.mulf %get3A_317, %get3A_150 : vector<16xf32>
        %add3A_319 = arith.addf %mul3A_313, %mul3A_318 : vector<16xf32>
        %get3A_320 = arith.index_cast %scan3A_141 : i32 to index
        %get3A_321 = arith.constant 112 : index
        %get3A_322 = tpu.vector_load %arg14[%get3A_320, %get3A_321] {strides = array<i32>} : memref<8x512xf32, #tpu.memory_space<vmem>>, vector<1x16xf32>,
        %get3A_323 = vector.shape_cast %get3A_322 : vector<1x16xf32> to vector<16xf32>
        %mul3A_324 = arith.mulf %get3A_323, %get3A_155 : vector<16xf32>
        %add3A_325 = arith.addf %add3A_319, %mul3A_324 : vector<16xf32>
        %swap3A_326 = arith.index_cast %scan3A_141 : i32 to index
        %swap3A_327 = arith.constant 112 : index
        %swap3A_328 = tpu.vector_load %arg18[%swap3A_326, %swap3A_327] {strides = array<i32>} : memref<8x512xf32, #tpu.memory_space<vmem>>, vector<1x16xf32>,
        %swap3A_329 = vector.shape_cast %swap3A_328 : vector<1x16xf32> to vector<16xf32>
        %swap3A_330 = vector.shape_cast %add3A_325 : vector<16xf32> to vector<1x16xf32>
        tpu.vector_store %arg18[%swap3A_326, %swap3A_327], %swap3A_330 {strides = array<i32>} : memref<8x512xf32, #tpu.memory_space<vmem>>, vector<1x16xf32>,
        %get3A_331 = arith.index_cast %scan3A_141 : i32 to index
        %get3A_332 = arith.constant 128 : index
        %get3A_333 = tpu.vector_load %arg12[%get3A_331, %get3A_332] {strides = array<i32>} : memref<8x512xf32, #tpu.memory_space<vmem>>, vector<1x16xf32>,
        %get3A_334 = vector.shape_cast %get3A_333 : vector<1x16xf32> to vector<16xf32>
        %mul3A_335 = arith.mulf %get3A_334, %get3A_145 : vector<16xf32>
        %get3A_336 = arith.index_cast %scan3A_141 : i32 to index
        %get3A_337 = arith.constant 128 : index
        %get3A_338 = tpu.vector_load %arg13[%get3A_336, %get3A_337] {strides = array<i32>} : memref<8x512xf32, #tpu.memory_space<vmem>>, vector<1x16xf32>,
        %get3A_339 = vector.shape_cast %get3A_338 : vector<1x16xf32> to vector<16xf32>
        %mul3A_340 = arith.mulf %get3A_339, %get3A_150 : vector<16xf32>
        %add3A_341 = arith.addf %mul3A_335, %mul3A_340 : vector<16xf32>
        %get3A_342 = arith.index_cast %scan3A_141 : i32 to index
        %get3A_343 = arith.constant 128 : index
        %get3A_344 = tpu.vector_load %arg14[%get3A_342, %get3A_343] {strides = array<i32>} : memref<8x512xf32, #tpu.memory_space<vmem>>, vector<1x16xf32>,
        %get3A_345 = vector.shape_cast %get3A_344 : vector<1x16xf32> to vector<16xf32>
        %mul3A_346 = arith.mulf %get3A_345, %get3A_155 : vector<16xf32>
        %add3A_347 = arith.addf %add3A_341, %mul3A_346 : vector<16xf32>
        %swap3A_348 = arith.index_cast %scan3A_141 : i32 to index
        %swap3A_349 = arith.constant 128 : index
        %swap3A_350 = tpu.vector_load %arg18[%swap3A_348, %swap3A_349] {strides = array<i32>} : memref<8x512xf32, #tpu.memory_space<vmem>>, vector<1x16xf32>,
        %swap3A_351 = vector.shape_cast %swap3A_350 : vector<1x16xf32> to vector<16xf32>
        %swap3A_352 = vector.shape_cast %add3A_347 : vector<16xf32> to vector<1x16xf32>
        tpu.vector_store %arg18[%swap3A_348, %swap3A_349], %swap3A_352 {strides = array<i32>} : memref<8x512xf32, #tpu.memory_space<vmem>>, vector<1x16xf32>,
        %get3A_353 = arith.index_cast %scan3A_141 : i32 to index
        %get3A_354 = arith.constant 144 : index
        %get3A_355 = tpu.vector_load %arg12[%get3A_353, %get3A_354] {strides = array<i32>} : memref<8x512xf32, #tpu.memory_space<vmem>>, vector<1x16xf32>,
        %get3A_356 = vector.shape_cast %get3A_355 : vector<1x16xf32> to vector<16xf32>
        %mul3A_357 = arith.mulf %get3A_356, %get3A_145 : vector<16xf32>
        %get3A_358 = arith.index_cast %scan3A_141 : i32 to index
        %get3A_359 = arith.constant 144 : index
        %get3A_360 = tpu.vector_load %arg13[%get3A_358, %get3A_359] {strides = array<i32>} : memref<8x512xf32, #tpu.memory_space<vmem>>, vector<1x16xf32>,
        %get3A_361 = vector.shape_cast %get3A_360 : vector<1x16xf32> to vector<16xf32>
        %mul3A_362 = arith.mulf %get3A_361, %get3A_150 : vector<16xf32>
        %add3A_363 = arith.addf %mul3A_357, %mul3A_362 : vector<16xf32>
        %get3A_364 = arith.index_cast %scan3A_141 : i32 to index
        %get3A_365 = arith.constant 144 : index
        %get3A_366 = tpu.vector_load %arg14[%get3A_364, %get3A_365] {strides = array<i32>} : memref<8x512xf32, #tpu.memory_space<vmem>>, vector<1x16xf32>,
        %get3A_367 = vector.shape_cast %get3A_366 : vector<1x16xf32> to vector<16xf32>
        %mul3A_368 = arith.mulf %get3A_367, %get3A_155 : vector<16xf32>
        %add3A_369 = arith.addf %add3A_363, %mul3A_368 : vector<16xf32>
        %swap3A_370 = arith.index_cast %scan3A_141 : i32 to index
        %swap3A_371 = arith.constant 144 : index
        %swap3A_372 = tpu.vector_load %arg18[%swap3A_370, %swap3A_371] {strides = array<i32>} : memref<8x512xf32, #tpu.memory_space<vmem>>, vector<1x16xf32>,
        %swap3A_373 = vector.shape_cast %swap3A_372 : vector<1x16xf32> to vector<16xf32>
        %swap3A_374 = vector.shape_cast %add3A_369 : vector<16xf32> to vector<1x16xf32>
        tpu.vector_store %arg18[%swap3A_370, %swap3A_371], %swap3A_374 {strides = array<i32>} : memref<8x512xf32, #tpu.memory_space<vmem>>, vector<1x16xf32>,
        %get3A_375 = arith.index_cast %scan3A_141 : i32 to index
        %get3A_376 = arith.constant 160 : index
        %get3A_377 = tpu.vector_load %arg12[%get3A_375, %get3A_376] {strides = array<i32>} : memref<8x512xf32, #tpu.memory_space<vmem>>, vector<1x16xf32>,
        %get3A_378 = vector.shape_cast %get3A_377 : vector<1x16xf32> to vector<16xf32>
        %mul3A_379 = arith.mulf %get3A_378, %get3A_145 : vector<16xf32>
        %get3A_380 = arith.index_cast %scan3A_141 : i32 to index
        %get3A_381 = arith.constant 160 : index
        %get3A_382 = tpu.vector_load %arg13[%get3A_380, %get3A_381] {strides = array<i32>} : memref<8x512xf32, #tpu.memory_space<vmem>>, vector<1x16xf32>,
        %get3A_383 = vector.shape_cast %get3A_382 : vector<1x16xf32> to vector<16xf32>
        %mul3A_384 = arith.mulf %get3A_383, %get3A_150 : vector<16xf32>
        %add3A_385 = arith.addf %mul3A_379, %mul3A_384 : vector<16xf32>
        %get3A_386 = arith.index_cast %scan3A_141 : i32 to index
        %get3A_387 = arith.constant 160 : index
        %get3A_388 = tpu.vector_load %arg14[%get3A_386, %get3A_387] {strides = array<i32>} : memref<8x512xf32, #tpu.memory_space<vmem>>, vector<1x16xf32>,
        %get3A_389 = vector.shape_cast %get3A_388 : vector<1x16xf32> to vector<16xf32>
        %mul3A_390 = arith.mulf %get3A_389, %get3A_155 : vector<16xf32>
        %add3A_391 = arith.addf %add3A_385, %mul3A_390 : vector<16xf32>
        %swap3A_392 = arith.index_cast %scan3A_141 : i32 to index
        %swap3A_393 = arith.constant 160 : index
        %swap3A_394 = tpu.vector_load %arg18[%swap3A_392, %swap3A_393] {strides = array<i32>} : memref<8x512xf32, #tpu.memory_space<vmem>>, vector<1x16xf32>,
        %swap3A_395 = vector.shape_cast %swap3A_394 : vector<1x16xf32> to vector<16xf32>
        %swap3A_396 = vector.shape_cast %add3A_391 : vector<16xf32> to vector<1x16xf32>
        tpu.vector_store %arg18[%swap3A_392, %swap3A_393], %swap3A_396 {strides = array<i32>} : memref<8x512xf32, #tpu.memory_space<vmem>>, vector<1x16xf32>,
        %get3A_397 = arith.index_cast %scan3A_141 : i32 to index
        %get3A_398 = arith.constant 176 : index
        %get3A_399 = tpu.vector_load %arg12[%get3A_397, %get3A_398] {strides = array<i32>} : memref<8x512xf32, #tpu.memory_space<vmem>>, vector<1x16xf32>,
        %get3A_400 = vector.shape_cast %get3A_399 : vector<1x16xf32> to vector<16xf32>
        %mul3A_401 = arith.mulf %get3A_400, %get3A_145 : vector<16xf32>
        %get3A_402 = arith.index_cast %scan3A_141 : i32 to index
        %get3A_403 = arith.constant 176 : index
        %get3A_404 = tpu.vector_load %arg13[%get3A_402, %get3A_403] {strides = array<i32>} : memref<8x512xf32, #tpu.memory_space<vmem>>, vector<1x16xf32>,
        %get3A_405 = vector.shape_cast %get3A_404 : vector<1x16xf32> to vector<16xf32>
        %mul3A_406 = arith.mulf %get3A_405, %get3A_150 : vector<16xf32>
        %add3A_407 = arith.addf %mul3A_401, %mul3A_406 : vector<16xf32>
        %get3A_408 = arith.index_cast %scan3A_141 : i32 to index
        %get3A_409 = arith.constant 176 : index
        %get3A_410 = tpu.vector_load %arg14[%get3A_408, %get3A_409] {strides = array<i32>} : memref<8x512xf32, #tpu.memory_space<vmem>>, vector<1x16xf32>,
        %get3A_411 = vector.shape_cast %get3A_410 : vector<1x16xf32> to vector<16xf32>
        %mul3A_412 = arith.mulf %get3A_411, %get3A_155 : vector<16xf32>
        %add3A_413 = arith.addf %add3A_407, %mul3A_412 : vector<16xf32>
        %swap3A_414 = arith.index_cast %scan3A_141 : i32 to index
        %swap3A_415 = arith.constant 176 : index
        %swap3A_416 = tpu.vector_load %arg18[%swap3A_414, %swap3A_415] {strides = array<i32>} : memref<8x512xf32, #tpu.memory_space<vmem>>, vector<1x16xf32>,
        %swap3A_417 = vector.shape_cast %swap3A_416 : vector<1x16xf32> to vector<16xf32>
        %swap3A_418 = vector.shape_cast %add3A_413 : vector<16xf32> to vector<1x16xf32>
        tpu.vector_store %arg18[%swap3A_414, %swap3A_415], %swap3A_418 {strides = array<i32>} : memref<8x512xf32, #tpu.memory_space<vmem>>, vector<1x16xf32>,
        %get3A_419 = arith.index_cast %scan3A_141 : i32 to index
        %get3A_420 = arith.constant 192 : index
        %get3A_421 = tpu.vector_load %arg12[%get3A_419, %get3A_420] {strides = array<i32>} : memref<8x512xf32, #tpu.memory_space<vmem>>, vector<1x16xf32>,
        %get3A_422 = vector.shape_cast %get3A_421 : vector<1x16xf32> to vector<16xf32>
        %mul3A_423 = arith.mulf %get3A_422, %get3A_145 : vector<16xf32>
        %get3A_424 = arith.index_cast %scan3A_141 : i32 to index
        %get3A_425 = arith.constant 192 : index
        %get3A_426 = tpu.vector_load %arg13[%get3A_424, %get3A_425] {strides = array<i32>} : memref<8x512xf32, #tpu.memory_space<vmem>>, vector<1x16xf32>,
        %get3A_427 = vector.shape_cast %get3A_426 : vector<1x16xf32> to vector<16xf32>
        %mul3A_428 = arith.mulf %get3A_427, %get3A_150 : vector<16xf32>
        %add3A_429 = arith.addf %mul3A_423, %mul3A_428 : vector<16xf32>
        %get3A_430 = arith.index_cast %scan3A_141 : i32 to index
        %get3A_431 = arith.constant 192 : index
        %get3A_432 = tpu.vector_load %arg14[%get3A_430, %get3A_431] {strides = array<i32>} : memref<8x512xf32, #tpu.memory_space<vmem>>, vector<1x16xf32>,
        %get3A_433 = vector.shape_cast %get3A_432 : vector<1x16xf32> to vector<16xf32>
        %mul3A_434 = arith.mulf %get3A_433, %get3A_155 : vector<16xf32>
        %add3A_435 = arith.addf %add3A_429, %mul3A_434 : vector<16xf32>
        %swap3A_436 = arith.index_cast %scan3A_141 : i32 to index
        %swap3A_437 = arith.constant 192 : index
        %swap3A_438 = tpu.vector_load %arg18[%swap3A_436, %swap3A_437] {strides = array<i32>} : memref<8x512xf32, #tpu.memory_space<vmem>>, vector<1x16xf32>,
        %swap3A_439 = vector.shape_cast %swap3A_438 : vector<1x16xf32> to vector<16xf32>
        %swap3A_440 = vector.shape_cast %add3A_435 : vector<16xf32> to vector<1x16xf32>
        tpu.vector_store %arg18[%swap3A_436, %swap3A_437], %swap3A_440 {strides = array<i32>} : memref<8x512xf32, #tpu.memory_space<vmem>>, vector<1x16xf32>,
        %get3A_441 = arith.index_cast %scan3A_141 : i32 to index
        %get3A_442 = arith.constant 208 : index
        %get3A_443 = tpu.vector_load %arg12[%get3A_441, %get3A_442] {strides = array<i32>} : memref<8x512xf32, #tpu.memory_space<vmem>>, vector<1x16xf32>,
        %get3A_444 = vector.shape_cast %get3A_443 : vector<1x16xf32> to vector<16xf32>
        %mul3A_445 = arith.mulf %get3A_444, %get3A_145 : vector<16xf32>
        %get3A_446 = arith.index_cast %scan3A_141 : i32 to index
        %get3A_447 = arith.constant 208 : index
        %get3A_448 = tpu.vector_load %arg13[%get3A_446, %get3A_447] {strides = array<i32>} : memref<8x512xf32, #tpu.memory_space<vmem>>, vector<1x16xf32>,
        %get3A_449 = vector.shape_cast %get3A_448 : vector<1x16xf32> to vector<16xf32>
        %mul3A_450 = arith.mulf %get3A_449, %get3A_150 : vector<16xf32>
        %add3A_451 = arith.addf %mul3A_445, %mul3A_450 : vector<16xf32>
        %get3A_452 = arith.index_cast %scan3A_141 : i32 to index
        %get3A_453 = arith.constant 208 : index
        %get3A_454 = tpu.vector_load %arg14[%get3A_452, %get3A_453] {strides = array<i32>} : memref<8x512xf32, #tpu.memory_space<vmem>>, vector<1x16xf32>,
        %get3A_455 = vector.shape_cast %get3A_454 : vector<1x16xf32> to vector<16xf32>
        %mul3A_456 = arith.mulf %get3A_455, %get3A_155 : vector<16xf32>
        %add3A_457 = arith.addf %add3A_451, %mul3A_456 : vector<16xf32>
        %swap3A_458 = arith.index_cast %scan3A_141 : i32 to index
        %swap3A_459 = arith.constant 208 : index
        %swap3A_460 = tpu.vector_load %arg18[%swap3A_458, %swap3A_459] {strides = array<i32>} : memref<8x512xf32, #tpu.memory_space<vmem>>, vector<1x16xf32>,
        %swap3A_461 = vector.shape_cast %swap3A_460 : vector<1x16xf32> to vector<16xf32>
        %swap3A_462 = vector.shape_cast %add3A_457 : vector<16xf32> to vector<1x16xf32>
        tpu.vector_store %arg18[%swap3A_458, %swap3A_459], %swap3A_462 {strides = array<i32>} : memref<8x512xf32, #tpu.memory_space<vmem>>, vector<1x16xf32>,
        %get3A_463 = arith.index_cast %scan3A_141 : i32 to index
        %get3A_464 = arith.constant 224 : index
        %get3A_465 = tpu.vector_load %arg12[%get3A_463, %get3A_464] {strides = array<i32>} : memref<8x512xf32, #tpu.memory_space<vmem>>, vector<1x16xf32>,
        %get3A_466 = vector.shape_cast %get3A_465 : vector<1x16xf32> to vector<16xf32>
        %mul3A_467 = arith.mulf %get3A_466, %get3A_145 : vector<16xf32>
        %get3A_468 = arith.index_cast %scan3A_141 : i32 to index
        %get3A_469 = arith.constant 224 : index
        %get3A_470 = tpu.vector_load %arg13[%get3A_468, %get3A_469] {strides = array<i32>} : memref<8x512xf32, #tpu.memory_space<vmem>>, vector<1x16xf32>,
        %get3A_471 = vector.shape_cast %get3A_470 : vector<1x16xf32> to vector<16xf32>
        %mul3A_472 = arith.mulf %get3A_471, %get3A_150 : vector<16xf32>
        %add3A_473 = arith.addf %mul3A_467, %mul3A_472 : vector<16xf32>
        %get3A_474 = arith.index_cast %scan3A_141 : i32 to index
        %get3A_475 = arith.constant 224 : index
        %get3A_476 = tpu.vector_load %arg14[%get3A_474, %get3A_475] {strides = array<i32>} : memref<8x512xf32, #tpu.memory_space<vmem>>, vector<1x16xf32>,
        %get3A_477 = vector.shape_cast %get3A_476 : vector<1x16xf32> to vector<16xf32>
        %mul3A_478 = arith.mulf %get3A_477, %get3A_155 : vector<16xf32>
        %add3A_479 = arith.addf %add3A_473, %mul3A_478 : vector<16xf32>
        %swap3A_480 = arith.index_cast %scan3A_141 : i32 to index
        %swap3A_481 = arith.constant 224 : index
        %swap3A_482 = tpu.vector_load %arg18[%swap3A_480, %swap3A_481] {strides = array<i32>} : memref<8x512xf32, #tpu.memory_space<vmem>>, vector<1x16xf32>,
        %swap3A_483 = vector.shape_cast %swap3A_482 : vector<1x16xf32> to vector<16xf32>
        %swap3A_484 = vector.shape_cast %add3A_479 : vector<16xf32> to vector<1x16xf32>
        tpu.vector_store %arg18[%swap3A_480, %swap3A_481], %swap3A_484 {strides = array<i32>} : memref<8x512xf32, #tpu.memory_space<vmem>>, vector<1x16xf32>,
        %get3A_485 = arith.index_cast %scan3A_141 : i32 to index
        %get3A_486 = arith.constant 240 : index
        %get3A_487 = tpu.vector_load %arg12[%get3A_485, %get3A_486] {strides = array<i32>} : memref<8x512xf32, #tpu.memory_space<vmem>>, vector<1x16xf32>,
        %get3A_488 = vector.shape_cast %get3A_487 : vector<1x16xf32> to vector<16xf32>
        %mul3A_489 = arith.mulf %get3A_488, %get3A_145 : vector<16xf32>
        %get3A_490 = arith.index_cast %scan3A_141 : i32 to index
        %get3A_491 = arith.constant 240 : index
        %get3A_492 = tpu.vector_load %arg13[%get3A_490, %get3A_491] {strides = array<i32>} : memref<8x512xf32, #tpu.memory_space<vmem>>, vector<1x16xf32>,
        %get3A_493 = vector.shape_cast %get3A_492 : vector<1x16xf32> to vector<16xf32>
        %mul3A_494 = arith.mulf %get3A_493, %get3A_150 : vector<16xf32>
        %add3A_495 = arith.addf %mul3A_489, %mul3A_494 : vector<16xf32>
        %get3A_496 = arith.index_cast %scan3A_141 : i32 to index
        %get3A_497 = arith.constant 240 : index
        %get3A_498 = tpu.vector_load %arg14[%get3A_496, %get3A_497] {strides = array<i32>} : memref<8x512xf32, #tpu.memory_space<vmem>>, vector<1x16xf32>,
        %get3A_499 = vector.shape_cast %get3A_498 : vector<1x16xf32> to vector<16xf32>
        %mul3A_500 = arith.mulf %get3A_499, %get3A_155 : vector<16xf32>
        %add3A_501 = arith.addf %add3A_495, %mul3A_500 : vector<16xf32>
        %swap3A_502 = arith.index_cast %scan3A_141 : i32 to index
        %swap3A_503 = arith.constant 240 : index
        %swap3A_504 = tpu.vector_load %arg18[%swap3A_502, %swap3A_503] {strides = array<i32>} : memref<8x512xf32, #tpu.memory_space<vmem>>, vector<1x16xf32>,
        %swap3A_505 = vector.shape_cast %swap3A_504 : vector<1x16xf32> to vector<16xf32>
        %swap3A_506 = vector.shape_cast %add3A_501 : vector<16xf32> to vector<1x16xf32>
        tpu.vector_store %arg18[%swap3A_502, %swap3A_503], %swap3A_506 {strides = array<i32>} : memref<8x512xf32, #tpu.memory_space<vmem>>, vector<1x16xf32>,
        %get3A_507 = arith.index_cast %scan3A_141 : i32 to index
        %get3A_508 = arith.constant 256 : index
        %get3A_509 = tpu.vector_load %arg12[%get3A_507, %get3A_508] {strides = array<i32>} : memref<8x512xf32, #tpu.memory_space<vmem>>, vector<1x16xf32>,
        %get3A_510 = vector.shape_cast %get3A_509 : vector<1x16xf32> to vector<16xf32>
        %mul3A_511 = arith.mulf %get3A_510, %get3A_145 : vector<16xf32>
        %get3A_512 = arith.index_cast %scan3A_141 : i32 to index
        %get3A_513 = arith.constant 256 : index
        %get3A_514 = tpu.vector_load %arg13[%get3A_512, %get3A_513] {strides = array<i32>} : memref<8x512xf32, #tpu.memory_space<vmem>>, vector<1x16xf32>,
        %get3A_515 = vector.shape_cast %get3A_514 : vector<1x16xf32> to vector<16xf32>
        %mul3A_516 = arith.mulf %get3A_515, %get3A_150 : vector<16xf32>
        %add3A_517 = arith.addf %mul3A_511, %mul3A_516 : vector<16xf32>
        %get3A_518 = arith.index_cast %scan3A_141 : i32 to index
        %get3A_519 = arith.constant 256 : index
        %get3A_520 = tpu.vector_load %arg14[%get3A_518, %get3A_519] {strides = array<i32>} : memref<8x512xf32, #tpu.memory_space<vmem>>, vector<1x16xf32>,
        %get3A_521 = vector.shape_cast %get3A_520 : vector<1x16xf32> to vector<16xf32>
        %mul3A_522 = arith.mulf %get3A_521, %get3A_155 : vector<16xf32>
        %add3A_523 = arith.addf %add3A_517, %mul3A_522 : vector<16xf32>
        %swap3A_524 = arith.index_cast %scan3A_141 : i32 to index
        %swap3A_525 = arith.constant 256 : index
        %swap3A_526 = tpu.vector_load %arg18[%swap3A_524, %swap3A_525] {strides = array<i32>} : memref<8x512xf32, #tpu.memory_space<vmem>>, vector<1x16xf32>,
        %swap3A_527 = vector.shape_cast %swap3A_526 : vector<1x16xf32> to vector<16xf32>
        %swap3A_528 = vector.shape_cast %add3A_523 : vector<16xf32> to vector<1x16xf32>
        tpu.vector_store %arg18[%swap3A_524, %swap3A_525], %swap3A_528 {strides = array<i32>} : memref<8x512xf32, #tpu.memory_space<vmem>>, vector<1x16xf32>,
        %get3A_529 = arith.index_cast %scan3A_141 : i32 to index
        %get3A_530 = arith.constant 272 : index
        %get3A_531 = tpu.vector_load %arg12[%get3A_529, %get3A_530] {strides = array<i32>} : memref<8x512xf32, #tpu.memory_space<vmem>>, vector<1x16xf32>,
        %get3A_532 = vector.shape_cast %get3A_531 : vector<1x16xf32> to vector<16xf32>
        %mul3A_533 = arith.mulf %get3A_532, %get3A_145 : vector<16xf32>
        %get3A_534 = arith.index_cast %scan3A_141 : i32 to index
        %get3A_535 = arith.constant 272 : index
        %get3A_536 = tpu.vector_load %arg13[%get3A_534, %get3A_535] {strides = array<i32>} : memref<8x512xf32, #tpu.memory_space<vmem>>, vector<1x16xf32>,
        %get3A_537 = vector.shape_cast %get3A_536 : vector<1x16xf32> to vector<16xf32>
        %mul3A_538 = arith.mulf %get3A_537, %get3A_150 : vector<16xf32>
        %add3A_539 = arith.addf %mul3A_533, %mul3A_538 : vector<16xf32>
        %get3A_540 = arith.index_cast %scan3A_141 : i32 to index
        %get3A_541 = arith.constant 272 : index
        %get3A_542 = tpu.vector_load %arg14[%get3A_540, %get3A_541] {strides = array<i32>} : memref<8x512xf32, #tpu.memory_space<vmem>>, vector<1x16xf32>,
        %get3A_543 = vector.shape_cast %get3A_542 : vector<1x16xf32> to vector<16xf32>
        %mul3A_544 = arith.mulf %get3A_543, %get3A_155 : vector<16xf32>
        %add3A_545 = arith.addf %add3A_539, %mul3A_544 : vector<16xf32>
        %swap3A_546 = arith.index_cast %scan3A_141 : i32 to index
        %swap3A_547 = arith.constant 272 : index
        %swap3A_548 = tpu.vector_load %arg18[%swap3A_546, %swap3A_547] {strides = array<i32>} : memref<8x512xf32, #tpu.memory_space<vmem>>, vector<1x16xf32>,
        %swap3A_549 = vector.shape_cast %swap3A_548 : vector<1x16xf32> to vector<16xf32>
        %swap3A_550 = vector.shape_cast %add3A_545 : vector<16xf32> to vector<1x16xf32>
        tpu.vector_store %arg18[%swap3A_546, %swap3A_547], %swap3A_550 {strides = array<i32>} : memref<8x512xf32, #tpu.memory_space<vmem>>, vector<1x16xf32>,
        %get3A_551 = arith.index_cast %scan3A_141 : i32 to index
        %get3A_552 = arith.constant 288 : index
        %get3A_553 = tpu.vector_load %arg12[%get3A_551, %get3A_552] {strides = array<i32>} : memref<8x512xf32, #tpu.memory_space<vmem>>, vector<1x16xf32>,
        %get3A_554 = vector.shape_cast %get3A_553 : vector<1x16xf32> to vector<16xf32>
        %mul3A_555 = arith.mulf %get3A_554, %get3A_145 : vector<16xf32>
        %get3A_556 = arith.index_cast %scan3A_141 : i32 to index
        %get3A_557 = arith.constant 288 : index
        %get3A_558 = tpu.vector_load %arg13[%get3A_556, %get3A_557] {strides = array<i32>} : memref<8x512xf32, #tpu.memory_space<vmem>>, vector<1x16xf32>,
        %get3A_559 = vector.shape_cast %get3A_558 : vector<1x16xf32> to vector<16xf32>
        %mul3A_560 = arith.mulf %get3A_559, %get3A_150 : vector<16xf32>
        %add3A_561 = arith.addf %mul3A_555, %mul3A_560 : vector<16xf32>
        %get3A_562 = arith.index_cast %scan3A_141 : i32 to index
        %get3A_563 = arith.constant 288 : index
        %get3A_564 = tpu.vector_load %arg14[%get3A_562, %get3A_563] {strides = array<i32>} : memref<8x512xf32, #tpu.memory_space<vmem>>, vector<1x16xf32>,
        %get3A_565 = vector.shape_cast %get3A_564 : vector<1x16xf32> to vector<16xf32>
        %mul3A_566 = arith.mulf %get3A_565, %get3A_155 : vector<16xf32>
        %add3A_567 = arith.addf %add3A_561, %mul3A_566 : vector<16xf32>
        %swap3A_568 = arith.index_cast %scan3A_141 : i32 to index
        %swap3A_569 = arith.constant 288 : index
        %swap3A_570 = tpu.vector_load %arg18[%swap3A_568, %swap3A_569] {strides = array<i32>} : memref<8x512xf32, #tpu.memory_space<vmem>>, vector<1x16xf32>,
        %swap3A_571 = vector.shape_cast %swap3A_570 : vector<1x16xf32> to vector<16xf32>
        %swap3A_572 = vector.shape_cast %add3A_567 : vector<16xf32> to vector<1x16xf32>
        tpu.vector_store %arg18[%swap3A_568, %swap3A_569], %swap3A_572 {strides = array<i32>} : memref<8x512xf32, #tpu.memory_space<vmem>>, vector<1x16xf32>,
        %get3A_573 = arith.index_cast %scan3A_141 : i32 to index
        %get3A_574 = arith.constant 304 : index
        %get3A_575 = tpu.vector_load %arg12[%get3A_573, %get3A_574] {strides = array<i32>} : memref<8x512xf32, #tpu.memory_space<vmem>>, vector<1x16xf32>,
        %get3A_576 = vector.shape_cast %get3A_575 : vector<1x16xf32> to vector<16xf32>
        %mul3A_577 = arith.mulf %get3A_576, %get3A_145 : vector<16xf32>
        %get3A_578 = arith.index_cast %scan3A_141 : i32 to index
        %get3A_579 = arith.constant 304 : index
        %get3A_580 = tpu.vector_load %arg13[%get3A_578, %get3A_579] {strides = array<i32>} : memref<8x512xf32, #tpu.memory_space<vmem>>, vector<1x16xf32>,
        %get3A_581 = vector.shape_cast %get3A_580 : vector<1x16xf32> to vector<16xf32>
        %mul3A_582 = arith.mulf %get3A_581, %get3A_150 : vector<16xf32>
        %add3A_583 = arith.addf %mul3A_577, %mul3A_582 : vector<16xf32>
        %get3A_584 = arith.index_cast %scan3A_141 : i32 to index
        %get3A_585 = arith.constant 304 : index
        %get3A_586 = tpu.vector_load %arg14[%get3A_584, %get3A_585] {strides = array<i32>} : memref<8x512xf32, #tpu.memory_space<vmem>>, vector<1x16xf32>,
        %get3A_587 = vector.shape_cast %get3A_586 : vector<1x16xf32> to vector<16xf32>
        %mul3A_588 = arith.mulf %get3A_587, %get3A_155 : vector<16xf32>
        %add3A_589 = arith.addf %add3A_583, %mul3A_588 : vector<16xf32>
        %swap3A_590 = arith.index_cast %scan3A_141 : i32 to index
        %swap3A_591 = arith.constant 304 : index
        %swap3A_592 = tpu.vector_load %arg18[%swap3A_590, %swap3A_591] {strides = array<i32>} : memref<8x512xf32, #tpu.memory_space<vmem>>, vector<1x16xf32>,
        %swap3A_593 = vector.shape_cast %swap3A_592 : vector<1x16xf32> to vector<16xf32>
        %swap3A_594 = vector.shape_cast %add3A_589 : vector<16xf32> to vector<1x16xf32>
        tpu.vector_store %arg18[%swap3A_590, %swap3A_591], %swap3A_594 {strides = array<i32>} : memref<8x512xf32, #tpu.memory_space<vmem>>, vector<1x16xf32>,
        %get3A_595 = arith.index_cast %scan3A_141 : i32 to index
        %get3A_596 = arith.constant 320 : index
        %get3A_597 = tpu.vector_load %arg12[%get3A_595, %get3A_596] {strides = array<i32>} : memref<8x512xf32, #tpu.memory_space<vmem>>, vector<1x16xf32>,
        %get3A_598 = vector.shape_cast %get3A_597 : vector<1x16xf32> to vector<16xf32>
        %mul3A_599 = arith.mulf %get3A_598, %get3A_145 : vector<16xf32>
        %get3A_600 = arith.index_cast %scan3A_141 : i32 to index
        %get3A_601 = arith.constant 320 : index
        %get3A_602 = tpu.vector_load %arg13[%get3A_600, %get3A_601] {strides = array<i32>} : memref<8x512xf32, #tpu.memory_space<vmem>>, vector<1x16xf32>,
        %get3A_603 = vector.shape_cast %get3A_602 : vector<1x16xf32> to vector<16xf32>
        %mul3A_604 = arith.mulf %get3A_603, %get3A_150 : vector<16xf32>
        %add3A_605 = arith.addf %mul3A_599, %mul3A_604 : vector<16xf32>
        %get3A_606 = arith.index_cast %scan3A_141 : i32 to index
        %get3A_607 = arith.constant 320 : index
        %get3A_608 = tpu.vector_load %arg14[%get3A_606, %get3A_607] {strides = array<i32>} : memref<8x512xf32, #tpu.memory_space<vmem>>, vector<1x16xf32>,
        %get3A_609 = vector.shape_cast %get3A_608 : vector<1x16xf32> to vector<16xf32>
        %mul3A_610 = arith.mulf %get3A_609, %get3A_155 : vector<16xf32>
        %add3A_611 = arith.addf %add3A_605, %mul3A_610 : vector<16xf32>
        %swap3A_612 = arith.index_cast %scan3A_141 : i32 to index
        %swap3A_613 = arith.constant 320 : index
        %swap3A_614 = tpu.vector_load %arg18[%swap3A_612, %swap3A_613] {strides = array<i32>} : memref<8x512xf32, #tpu.memory_space<vmem>>, vector<1x16xf32>,
        %swap3A_615 = vector.shape_cast %swap3A_614 : vector<1x16xf32> to vector<16xf32>
        %swap3A_616 = vector.shape_cast %add3A_611 : vector<16xf32> to vector<1x16xf32>
        tpu.vector_store %arg18[%swap3A_612, %swap3A_613], %swap3A_616 {strides = array<i32>} : memref<8x512xf32, #tpu.memory_space<vmem>>, vector<1x16xf32>,
        %get3A_617 = arith.index_cast %scan3A_141 : i32 to index
        %get3A_618 = arith.constant 336 : index
        %get3A_619 = tpu.vector_load %arg12[%get3A_617, %get3A_618] {strides = array<i32>} : memref<8x512xf32, #tpu.memory_space<vmem>>, vector<1x16xf32>,
        %get3A_620 = vector.shape_cast %get3A_619 : vector<1x16xf32> to vector<16xf32>
        %mul3A_621 = arith.mulf %get3A_620, %get3A_145 : vector<16xf32>
        %get3A_622 = arith.index_cast %scan3A_141 : i32 to index
        %get3A_623 = arith.constant 336 : index
        %get3A_624 = tpu.vector_load %arg13[%get3A_622, %get3A_623] {strides = array<i32>} : memref<8x512xf32, #tpu.memory_space<vmem>>, vector<1x16xf32>,
        %get3A_625 = vector.shape_cast %get3A_624 : vector<1x16xf32> to vector<16xf32>
        %mul3A_626 = arith.mulf %get3A_625, %get3A_150 : vector<16xf32>
        %add3A_627 = arith.addf %mul3A_621, %mul3A_626 : vector<16xf32>
        %get3A_628 = arith.index_cast %scan3A_141 : i32 to index
        %get3A_629 = arith.constant 336 : index
        %get3A_630 = tpu.vector_load %arg14[%get3A_628, %get3A_629] {strides = array<i32>} : memref<8x512xf32, #tpu.memory_space<vmem>>, vector<1x16xf32>,
        %get3A_631 = vector.shape_cast %get3A_630 : vector<1x16xf32> to vector<16xf32>
        %mul3A_632 = arith.mulf %get3A_631, %get3A_155 : vector<16xf32>
        %add3A_633 = arith.addf %add3A_627, %mul3A_632 : vector<16xf32>
        %swap3A_634 = arith.index_cast %scan3A_141 : i32 to index
        %swap3A_635 = arith.constant 336 : index
        %swap3A_636 = tpu.vector_load %arg18[%swap3A_634, %swap3A_635] {strides = array<i32>} : memref<8x512xf32, #tpu.memory_space<vmem>>, vector<1x16xf32>,
        %swap3A_637 = vector.shape_cast %swap3A_636 : vector<1x16xf32> to vector<16xf32>
        %swap3A_638 = vector.shape_cast %add3A_633 : vector<16xf32> to vector<1x16xf32>
        tpu.vector_store %arg18[%swap3A_634, %swap3A_635], %swap3A_638 {strides = array<i32>} : memref<8x512xf32, #tpu.memory_space<vmem>>, vector<1x16xf32>,
        %get3A_639 = arith.index_cast %scan3A_141 : i32 to index
        %get3A_640 = arith.constant 352 : index
        %get3A_641 = tpu.vector_load %arg12[%get3A_639, %get3A_640] {strides = array<i32>} : memref<8x512xf32, #tpu.memory_space<vmem>>, vector<1x16xf32>,
        %get3A_642 = vector.shape_cast %get3A_641 : vector<1x16xf32> to vector<16xf32>
        %mul3A_643 = arith.mulf %get3A_642, %get3A_145 : vector<16xf32>
        %get3A_644 = arith.index_cast %scan3A_141 : i32 to index
        %get3A_645 = arith.constant 352 : index
        %get3A_646 = tpu.vector_load %arg13[%get3A_644, %get3A_645] {strides = array<i32>} : memref<8x512xf32, #tpu.memory_space<vmem>>, vector<1x16xf32>,
        %get3A_647 = vector.shape_cast %get3A_646 : vector<1x16xf32> to vector<16xf32>
        %mul3A_648 = arith.mulf %get3A_647, %get3A_150 : vector<16xf32>
        %add3A_649 = arith.addf %mul3A_643, %mul3A_648 : vector<16xf32>
        %get3A_650 = arith.index_cast %scan3A_141 : i32 to index
        %get3A_651 = arith.constant 352 : index
        %get3A_652 = tpu.vector_load %arg14[%get3A_650, %get3A_651] {strides = array<i32>} : memref<8x512xf32, #tpu.memory_space<vmem>>, vector<1x16xf32>,
        %get3A_653 = vector.shape_cast %get3A_652 : vector<1x16xf32> to vector<16xf32>
        %mul3A_654 = arith.mulf %get3A_653, %get3A_155 : vector<16xf32>
        %add3A_655 = arith.addf %add3A_649, %mul3A_654 : vector<16xf32>
        %swap3A_656 = arith.index_cast %scan3A_141 : i32 to index
        %swap3A_657 = arith.constant 352 : index
        %swap3A_658 = tpu.vector_load %arg18[%swap3A_656, %swap3A_657] {strides = array<i32>} : memref<8x512xf32, #tpu.memory_space<vmem>>, vector<1x16xf32>,
        %swap3A_659 = vector.shape_cast %swap3A_658 : vector<1x16xf32> to vector<16xf32>
        %swap3A_660 = vector.shape_cast %add3A_655 : vector<16xf32> to vector<1x16xf32>
        tpu.vector_store %arg18[%swap3A_656, %swap3A_657], %swap3A_660 {strides = array<i32>} : memref<8x512xf32, #tpu.memory_space<vmem>>, vector<1x16xf32>,
        %get3A_661 = arith.index_cast %scan3A_141 : i32 to index
        %get3A_662 = arith.constant 368 : index
        %get3A_663 = tpu.vector_load %arg12[%get3A_661, %get3A_662] {strides = array<i32>} : memref<8x512xf32, #tpu.memory_space<vmem>>, vector<1x16xf32>,
        %get3A_664 = vector.shape_cast %get3A_663 : vector<1x16xf32> to vector<16xf32>
        %mul3A_665 = arith.mulf %get3A_664, %get3A_145 : vector<16xf32>
        %get3A_666 = arith.index_cast %scan3A_141 : i32 to index
        %get3A_667 = arith.constant 368 : index
        %get3A_668 = tpu.vector_load %arg13[%get3A_666, %get3A_667] {strides = array<i32>} : memref<8x512xf32, #tpu.memory_space<vmem>>, vector<1x16xf32>,
        %get3A_669 = vector.shape_cast %get3A_668 : vector<1x16xf32> to vector<16xf32>
        %mul3A_670 = arith.mulf %get3A_669, %get3A_150 : vector<16xf32>
        %add3A_671 = arith.addf %mul3A_665, %mul3A_670 : vector<16xf32>
        %get3A_672 = arith.index_cast %scan3A_141 : i32 to index
        %get3A_673 = arith.constant 368 : index
        %get3A_674 = tpu.vector_load %arg14[%get3A_672, %get3A_673] {strides = array<i32>} : memref<8x512xf32, #tpu.memory_space<vmem>>, vector<1x16xf32>,
        %get3A_675 = vector.shape_cast %get3A_674 : vector<1x16xf32> to vector<16xf32>
        %mul3A_676 = arith.mulf %get3A_675, %get3A_155 : vector<16xf32>
        %add3A_677 = arith.addf %add3A_671, %mul3A_676 : vector<16xf32>
        %swap3A_678 = arith.index_cast %scan3A_141 : i32 to index
        %swap3A_679 = arith.constant 368 : index
        %swap3A_680 = tpu.vector_load %arg18[%swap3A_678, %swap3A_679] {strides = array<i32>} : memref<8x512xf32, #tpu.memory_space<vmem>>, vector<1x16xf32>,
        %swap3A_681 = vector.shape_cast %swap3A_680 : vector<1x16xf32> to vector<16xf32>
        %swap3A_682 = vector.shape_cast %add3A_677 : vector<16xf32> to vector<1x16xf32>
        tpu.vector_store %arg18[%swap3A_678, %swap3A_679], %swap3A_682 {strides = array<i32>} : memref<8x512xf32, #tpu.memory_space<vmem>>, vector<1x16xf32>,
        %get3A_683 = arith.index_cast %scan3A_141 : i32 to index
        %get3A_684 = arith.constant 384 : index
        %get3A_685 = tpu.vector_load %arg12[%get3A_683, %get3A_684] {strides = array<i32>} : memref<8x512xf32, #tpu.memory_space<vmem>>, vector<1x16xf32>,
        %get3A_686 = vector.shape_cast %get3A_685 : vector<1x16xf32> to vector<16xf32>
        %mul3A_687 = arith.mulf %get3A_686, %get3A_145 : vector<16xf32>
        %get3A_688 = arith.index_cast %scan3A_141 : i32 to index
        %get3A_689 = arith.constant 384 : index
        %get3A_690 = tpu.vector_load %arg13[%get3A_688, %get3A_689] {strides = array<i32>} : memref<8x512xf32, #tpu.memory_space<vmem>>, vector<1x16xf32>,
        %get3A_691 = vector.shape_cast %get3A_690 : vector<1x16xf32> to vector<16xf32>
        %mul3A_692 = arith.mulf %get3A_691, %get3A_150 : vector<16xf32>
        %add3A_693 = arith.addf %mul3A_687, %mul3A_692 : vector<16xf32>
        %get3A_694 = arith.index_cast %scan3A_141 : i32 to index
        %get3A_695 = arith.constant 384 : index
        %get3A_696 = tpu.vector_load %arg14[%get3A_694, %get3A_695] {strides = array<i32>} : memref<8x512xf32, #tpu.memory_space<vmem>>, vector<1x16xf32>,
        %get3A_697 = vector.shape_cast %get3A_696 : vector<1x16xf32> to vector<16xf32>
        %mul3A_698 = arith.mulf %get3A_697, %get3A_155 : vector<16xf32>
        %add3A_699 = arith.addf %add3A_693, %mul3A_698 : vector<16xf32>
        %swap3A_700 = arith.index_cast %scan3A_141 : i32 to index
        %swap3A_701 = arith.constant 384 : index
        %swap3A_702 = tpu.vector_load %arg18[%swap3A_700, %swap3A_701] {strides = array<i32>} : memref<8x512xf32, #tpu.memory_space<vmem>>, vector<1x16xf32>,
        %swap3A_703 = vector.shape_cast %swap3A_702 : vector<1x16xf32> to vector<16xf32>
        %swap3A_704 = vector.shape_cast %add3A_699 : vector<16xf32> to vector<1x16xf32>
        tpu.vector_store %arg18[%swap3A_700, %swap3A_701], %swap3A_704 {strides = array<i32>} : memref<8x512xf32, #tpu.memory_space<vmem>>, vector<1x16xf32>,
        %get3A_705 = arith.index_cast %scan3A_141 : i32 to index
        %get3A_706 = arith.constant 400 : index
        %get3A_707 = tpu.vector_load %arg12[%get3A_705, %get3A_706] {strides = array<i32>} : memref<8x512xf32, #tpu.memory_space<vmem>>, vector<1x16xf32>,
        %get3A_708 = vector.shape_cast %get3A_707 : vector<1x16xf32> to vector<16xf32>
        %mul3A_709 = arith.mulf %get3A_708, %get3A_145 : vector<16xf32>
        %get3A_710 = arith.index_cast %scan3A_141 : i32 to index
        %get3A_711 = arith.constant 400 : index
        %get3A_712 = tpu.vector_load %arg13[%get3A_710, %get3A_711] {strides = array<i32>} : memref<8x512xf32, #tpu.memory_space<vmem>>, vector<1x16xf32>,
        %get3A_713 = vector.shape_cast %get3A_712 : vector<1x16xf32> to vector<16xf32>
        %mul3A_714 = arith.mulf %get3A_713, %get3A_150 : vector<16xf32>
        %add3A_715 = arith.addf %mul3A_709, %mul3A_714 : vector<16xf32>
        %get3A_716 = arith.index_cast %scan3A_141 : i32 to index
        %get3A_717 = arith.constant 400 : index
        %get3A_718 = tpu.vector_load %arg14[%get3A_716, %get3A_717] {strides = array<i32>} : memref<8x512xf32, #tpu.memory_space<vmem>>, vector<1x16xf32>,
        %get3A_719 = vector.shape_cast %get3A_718 : vector<1x16xf32> to vector<16xf32>
        %mul3A_720 = arith.mulf %get3A_719, %get3A_155 : vector<16xf32>
        %add3A_721 = arith.addf %add3A_715, %mul3A_720 : vector<16xf32>
        %swap3A_722 = arith.index_cast %scan3A_141 : i32 to index
        %swap3A_723 = arith.constant 400 : index
        %swap3A_724 = tpu.vector_load %arg18[%swap3A_722, %swap3A_723] {strides = array<i32>} : memref<8x512xf32, #tpu.memory_space<vmem>>, vector<1x16xf32>,
        %swap3A_725 = vector.shape_cast %swap3A_724 : vector<1x16xf32> to vector<16xf32>
        %swap3A_726 = vector.shape_cast %add3A_721 : vector<16xf32> to vector<1x16xf32>
        tpu.vector_store %arg18[%swap3A_722, %swap3A_723], %swap3A_726 {strides = array<i32>} : memref<8x512xf32, #tpu.memory_space<vmem>>, vector<1x16xf32>,
        %get3A_727 = arith.index_cast %scan3A_141 : i32 to index
        %get3A_728 = arith.constant 416 : index
        %get3A_729 = tpu.vector_load %arg12[%get3A_727, %get3A_728] {strides = array<i32>} : memref<8x512xf32, #tpu.memory_space<vmem>>, vector<1x16xf32>,
        %get3A_730 = vector.shape_cast %get3A_729 : vector<1x16xf32> to vector<16xf32>
        %mul3A_731 = arith.mulf %get3A_730, %get3A_145 : vector<16xf32>
        %get3A_732 = arith.index_cast %scan3A_141 : i32 to index
        %get3A_733 = arith.constant 416 : index
        %get3A_734 = tpu.vector_load %arg13[%get3A_732, %get3A_733] {strides = array<i32>} : memref<8x512xf32, #tpu.memory_space<vmem>>, vector<1x16xf32>,
        %get3A_735 = vector.shape_cast %get3A_734 : vector<1x16xf32> to vector<16xf32>
        %mul3A_736 = arith.mulf %get3A_735, %get3A_150 : vector<16xf32>
        %add3A_737 = arith.addf %mul3A_731, %mul3A_736 : vector<16xf32>
        %get3A_738 = arith.index_cast %scan3A_141 : i32 to index
        %get3A_739 = arith.constant 416 : index
        %get3A_740 = tpu.vector_load %arg14[%get3A_738, %get3A_739] {strides = array<i32>} : memref<8x512xf32, #tpu.memory_space<vmem>>, vector<1x16xf32>,
        %get3A_741 = vector.shape_cast %get3A_740 : vector<1x16xf32> to vector<16xf32>
        %mul3A_742 = arith.mulf %get3A_741, %get3A_155 : vector<16xf32>
        %add3A_743 = arith.addf %add3A_737, %mul3A_742 : vector<16xf32>
        %swap3A_744 = arith.index_cast %scan3A_141 : i32 to index
        %swap3A_745 = arith.constant 416 : index
        %swap3A_746 = tpu.vector_load %arg18[%swap3A_744, %swap3A_745] {strides = array<i32>} : memref<8x512xf32, #tpu.memory_space<vmem>>, vector<1x16xf32>,
        %swap3A_747 = vector.shape_cast %swap3A_746 : vector<1x16xf32> to vector<16xf32>
        %swap3A_748 = vector.shape_cast %add3A_743 : vector<16xf32> to vector<1x16xf32>
        tpu.vector_store %arg18[%swap3A_744, %swap3A_745], %swap3A_748 {strides = array<i32>} : memref<8x512xf32, #tpu.memory_space<vmem>>, vector<1x16xf32>,
        %get3A_749 = arith.index_cast %scan3A_141 : i32 to index
        %get3A_750 = arith.constant 432 : index
        %get3A_751 = tpu.vector_load %arg12[%get3A_749, %get3A_750] {strides = array<i32>} : memref<8x512xf32, #tpu.memory_space<vmem>>, vector<1x16xf32>,
        %get3A_752 = vector.shape_cast %get3A_751 : vector<1x16xf32> to vector<16xf32>
        %mul3A_753 = arith.mulf %get3A_752, %get3A_145 : vector<16xf32>
        %get3A_754 = arith.index_cast %scan3A_141 : i32 to index
        %get3A_755 = arith.constant 432 : index
        %get3A_756 = tpu.vector_load %arg13[%get3A_754, %get3A_755] {strides = array<i32>} : memref<8x512xf32, #tpu.memory_space<vmem>>, vector<1x16xf32>,
        %get3A_757 = vector.shape_cast %get3A_756 : vector<1x16xf32> to vector<16xf32>
        %mul3A_758 = arith.mulf %get3A_757, %get3A_150 : vector<16xf32>
        %add3A_759 = arith.addf %mul3A_753, %mul3A_758 : vector<16xf32>
        %get3A_760 = arith.index_cast %scan3A_141 : i32 to index
        %get3A_761 = arith.constant 432 : index
        %get3A_762 = tpu.vector_load %arg14[%get3A_760, %get3A_761] {strides = array<i32>} : memref<8x512xf32, #tpu.memory_space<vmem>>, vector<1x16xf32>,
        %get3A_763 = vector.shape_cast %get3A_762 : vector<1x16xf32> to vector<16xf32>
        %mul3A_764 = arith.mulf %get3A_763, %get3A_155 : vector<16xf32>
        %add3A_765 = arith.addf %add3A_759, %mul3A_764 : vector<16xf32>
        %swap3A_766 = arith.index_cast %scan3A_141 : i32 to index
        %swap3A_767 = arith.constant 432 : index
        %swap3A_768 = tpu.vector_load %arg18[%swap3A_766, %swap3A_767] {strides = array<i32>} : memref<8x512xf32, #tpu.memory_space<vmem>>, vector<1x16xf32>,
        %swap3A_769 = vector.shape_cast %swap3A_768 : vector<1x16xf32> to vector<16xf32>
        %swap3A_770 = vector.shape_cast %add3A_765 : vector<16xf32> to vector<1x16xf32>
        tpu.vector_store %arg18[%swap3A_766, %swap3A_767], %swap3A_770 {strides = array<i32>} : memref<8x512xf32, #tpu.memory_space<vmem>>, vector<1x16xf32>,
        %get3A_771 = arith.index_cast %scan3A_141 : i32 to index
        %get3A_772 = arith.constant 448 : index
        %get3A_773 = tpu.vector_load %arg12[%get3A_771, %get3A_772] {strides = array<i32>} : memref<8x512xf32, #tpu.memory_space<vmem>>, vector<1x16xf32>,
        %get3A_774 = vector.shape_cast %get3A_773 : vector<1x16xf32> to vector<16xf32>
        %mul3A_775 = arith.mulf %get3A_774, %get3A_145 : vector<16xf32>
        %get3A_776 = arith.index_cast %scan3A_141 : i32 to index
        %get3A_777 = arith.constant 448 : index
        %get3A_778 = tpu.vector_load %arg13[%get3A_776, %get3A_777] {strides = array<i32>} : memref<8x512xf32, #tpu.memory_space<vmem>>, vector<1x16xf32>,
        %get3A_779 = vector.shape_cast %get3A_778 : vector<1x16xf32> to vector<16xf32>
        %mul3A_780 = arith.mulf %get3A_779, %get3A_150 : vector<16xf32>
        %add3A_781 = arith.addf %mul3A_775, %mul3A_780 : vector<16xf32>
        %get3A_782 = arith.index_cast %scan3A_141 : i32 to index
        %get3A_783 = arith.constant 448 : index
        %get3A_784 = tpu.vector_load %arg14[%get3A_782, %get3A_783] {strides = array<i32>} : memref<8x512xf32, #tpu.memory_space<vmem>>, vector<1x16xf32>,
        %get3A_785 = vector.shape_cast %get3A_784 : vector<1x16xf32> to vector<16xf32>
        %mul3A_786 = arith.mulf %get3A_785, %get3A_155 : vector<16xf32>
        %add3A_787 = arith.addf %add3A_781, %mul3A_786 : vector<16xf32>
        %swap3A_788 = arith.index_cast %scan3A_141 : i32 to index
        %swap3A_789 = arith.constant 448 : index
        %swap3A_790 = tpu.vector_load %arg18[%swap3A_788, %swap3A_789] {strides = array<i32>} : memref<8x512xf32, #tpu.memory_space<vmem>>, vector<1x16xf32>,
        %swap3A_791 = vector.shape_cast %swap3A_790 : vector<1x16xf32> to vector<16xf32>
        %swap3A_792 = vector.shape_cast %add3A_787 : vector<16xf32> to vector<1x16xf32>
        tpu.vector_store %arg18[%swap3A_788, %swap3A_789], %swap3A_792 {strides = array<i32>} : memref<8x512xf32, #tpu.memory_space<vmem>>, vector<1x16xf32>,
        %get3A_793 = arith.index_cast %scan3A_141 : i32 to index
        %get3A_794 = arith.constant 464 : index
        %get3A_795 = tpu.vector_load %arg12[%get3A_793, %get3A_794] {strides = array<i32>} : memref<8x512xf32, #tpu.memory_space<vmem>>, vector<1x16xf32>,
        %get3A_796 = vector.shape_cast %get3A_795 : vector<1x16xf32> to vector<16xf32>
        %mul3A_797 = arith.mulf %get3A_796, %get3A_145 : vector<16xf32>
        %get3A_798 = arith.index_cast %scan3A_141 : i32 to index
        %get3A_799 = arith.constant 464 : index
        %get3A_800 = tpu.vector_load %arg13[%get3A_798, %get3A_799] {strides = array<i32>} : memref<8x512xf32, #tpu.memory_space<vmem>>, vector<1x16xf32>,
        %get3A_801 = vector.shape_cast %get3A_800 : vector<1x16xf32> to vector<16xf32>
        %mul3A_802 = arith.mulf %get3A_801, %get3A_150 : vector<16xf32>
        %add3A_803 = arith.addf %mul3A_797, %mul3A_802 : vector<16xf32>
        %get3A_804 = arith.index_cast %scan3A_141 : i32 to index
        %get3A_805 = arith.constant 464 : index
        %get3A_806 = tpu.vector_load %arg14[%get3A_804, %get3A_805] {strides = array<i32>} : memref<8x512xf32, #tpu.memory_space<vmem>>, vector<1x16xf32>,
        %get3A_807 = vector.shape_cast %get3A_806 : vector<1x16xf32> to vector<16xf32>
        %mul3A_808 = arith.mulf %get3A_807, %get3A_155 : vector<16xf32>
        %add3A_809 = arith.addf %add3A_803, %mul3A_808 : vector<16xf32>
        %swap3A_810 = arith.index_cast %scan3A_141 : i32 to index
        %swap3A_811 = arith.constant 464 : index
        %swap3A_812 = tpu.vector_load %arg18[%swap3A_810, %swap3A_811] {strides = array<i32>} : memref<8x512xf32, #tpu.memory_space<vmem>>, vector<1x16xf32>,
        %swap3A_813 = vector.shape_cast %swap3A_812 : vector<1x16xf32> to vector<16xf32>
        %swap3A_814 = vector.shape_cast %add3A_809 : vector<16xf32> to vector<1x16xf32>
        tpu.vector_store %arg18[%swap3A_810, %swap3A_811], %swap3A_814 {strides = array<i32>} : memref<8x512xf32, #tpu.memory_space<vmem>>, vector<1x16xf32>,
        %get3A_815 = arith.index_cast %scan3A_141 : i32 to index
        %get3A_816 = arith.constant 480 : index
        %get3A_817 = tpu.vector_load %arg12[%get3A_815, %get3A_816] {strides = array<i32>} : memref<8x512xf32, #tpu.memory_space<vmem>>, vector<1x16xf32>,
        %get3A_818 = vector.shape_cast %get3A_817 : vector<1x16xf32> to vector<16xf32>
        %mul3A_819 = arith.mulf %get3A_818, %get3A_145 : vector<16xf32>
        %get3A_820 = arith.index_cast %scan3A_141 : i32 to index
        %get3A_821 = arith.constant 480 : index
        %get3A_822 = tpu.vector_load %arg13[%get3A_820, %get3A_821] {strides = array<i32>} : memref<8x512xf32, #tpu.memory_space<vmem>>, vector<1x16xf32>,
        %get3A_823 = vector.shape_cast %get3A_822 : vector<1x16xf32> to vector<16xf32>
        %mul3A_824 = arith.mulf %get3A_823, %get3A_150 : vector<16xf32>
        %add3A_825 = arith.addf %mul3A_819, %mul3A_824 : vector<16xf32>
        %get3A_826 = arith.index_cast %scan3A_141 : i32 to index
        %get3A_827 = arith.constant 480 : index
        %get3A_828 = tpu.vector_load %arg14[%get3A_826, %get3A_827] {strides = array<i32>} : memref<8x512xf32, #tpu.memory_space<vmem>>, vector<1x16xf32>,
        %get3A_829 = vector.shape_cast %get3A_828 : vector<1x16xf32> to vector<16xf32>
        %mul3A_830 = arith.mulf %get3A_829, %get3A_155 : vector<16xf32>
        %add3A_831 = arith.addf %add3A_825, %mul3A_830 : vector<16xf32>
        %swap3A_832 = arith.index_cast %scan3A_141 : i32 to index
        %swap3A_833 = arith.constant 480 : index
        %swap3A_834 = tpu.vector_load %arg18[%swap3A_832, %swap3A_833] {strides = array<i32>} : memref<8x512xf32, #tpu.memory_space<vmem>>, vector<1x16xf32>,
        %swap3A_835 = vector.shape_cast %swap3A_834 : vector<1x16xf32> to vector<16xf32>
        %swap3A_836 = vector.shape_cast %add3A_831 : vector<16xf32> to vector<1x16xf32>
        tpu.vector_store %arg18[%swap3A_832, %swap3A_833], %swap3A_836 {strides = array<i32>} : memref<8x512xf32, #tpu.memory_space<vmem>>, vector<1x16xf32>,
        %get3A_837 = arith.index_cast %scan3A_141 : i32 to index
        %get3A_838 = arith.constant 496 : index
        %get3A_839 = tpu.vector_load %arg12[%get3A_837, %get3A_838] {strides = array<i32>} : memref<8x512xf32, #tpu.memory_space<vmem>>, vector<1x16xf32>,
        %get3A_840 = vector.shape_cast %get3A_839 : vector<1x16xf32> to vector<16xf32>
        %mul3A_841 = arith.mulf %get3A_840, %get3A_145 : vector<16xf32>
        %get3A_842 = arith.index_cast %scan3A_141 : i32 to index
        %get3A_843 = arith.constant 496 : index
        %get3A_844 = tpu.vector_load %arg13[%get3A_842, %get3A_843] {strides = array<i32>} : memref<8x512xf32, #tpu.memory_space<vmem>>, vector<1x16xf32>,
        %get3A_845 = vector.shape_cast %get3A_844 : vector<1x16xf32> to vector<16xf32>
        %mul3A_846 = arith.mulf %get3A_845, %get3A_150 : vector<16xf32>
        %add3A_847 = arith.addf %mul3A_841, %mul3A_846 : vector<16xf32>
        %get3A_848 = arith.index_cast %scan3A_141 : i32 to index
        %get3A_849 = arith.constant 496 : index
        %get3A_850 = tpu.vector_load %arg14[%get3A_848, %get3A_849] {strides = array<i32>} : memref<8x512xf32, #tpu.memory_space<vmem>>, vector<1x16xf32>,
        %get3A_851 = vector.shape_cast %get3A_850 : vector<1x16xf32> to vector<16xf32>
        %mul3A_852 = arith.mulf %get3A_851, %get3A_155 : vector<16xf32>
        %add3A_853 = arith.addf %add3A_847, %mul3A_852 : vector<16xf32>
        %swap3A_854 = arith.index_cast %scan3A_141 : i32 to index
        %swap3A_855 = arith.constant 496 : index
        %swap3A_856 = tpu.vector_load %arg18[%swap3A_854, %swap3A_855] {strides = array<i32>} : memref<8x512xf32, #tpu.memory_space<vmem>>, vector<1x16xf32>,
        %swap3A_857 = vector.shape_cast %swap3A_856 : vector<1x16xf32> to vector<16xf32>
        %swap3A_858 = vector.shape_cast %add3A_853 : vector<16xf32> to vector<1x16xf32>
        tpu.vector_store %arg18[%swap3A_854, %swap3A_855], %swap3A_858 {strides = array<i32>} : memref<8x512xf32, #tpu.memory_space<vmem>>, vector<1x16xf32>,
      }
      %scan3A_114 = arith.constant 8 : i32
      %add3A_115 = arith.addi %add3A_39, %mul3A_108 : i32
      "tpu.region"() ({
        %run_scoped3A = tpu.sem_alloc : memref<!tpu.dma_semaphore, #tpu.memory_space<semaphore_mem>>
        %dma_start3A_141 = arith.constant 0 : i32
        %dma_start3A_142 = tpu.memref_slice %arg5[%add3A_115, %dma_start3A_141] : memref<16384x512xf32, #tpu.memory_space<hbm>> -> memref<8x512xf32, #tpu.memory_space<hbm>>
        %dma_start3A_143 = arith.constant 0 : i32
        %dma_start3A_144 = tpu.memref_slice %arg5[%add3A_115, %dma_start3A_143] : memref<16384x512xf32, #tpu.memory_space<hbm>> -> memref<8x512xf32, #tpu.memory_space<hbm>>
        tpu.enqueue_dma source(%arg18 : memref<8x512xf32, #tpu.memory_space<vmem>>) target(%dma_start3A_144 : memref<8x512xf32, #tpu.memory_space<hbm>>) target_semaphore(%run_scoped3A : memref<!tpu.dma_semaphore, #tpu.memory_space<semaphore_mem>>)
        %dma_wait3A_145 = arith.constant 0 : i32
        %dma_wait3A_146 = tpu.memref_slice %arg5[%add3A_115, %dma_wait3A_145] : memref<16384x512xf32, #tpu.memory_space<hbm>> -> memref<8x512xf32, #tpu.memory_space<hbm>>
        %dma_wait3A_147 = arith.constant 0 : i32
        %dma_wait3A_148 = tpu.memref_slice %arg5[%add3A_115, %dma_wait3A_147] : memref<16384x512xf32, #tpu.memory_space<hbm>> -> memref<8x512xf32, #tpu.memory_space<hbm>>
        tpu.wait_dma2 semaphore(%run_scoped3A : memref<!tpu.dma_semaphore, #tpu.memory_space<semaphore_mem>>) src(%arg18 : memref<8x512xf32, #tpu.memory_space<vmem>>) dst(%dma_wait3A_148 : memref<8x512xf32, #tpu.memory_space<hbm>>)
        tpu.yield
      }) : () -> ()
      %lt3A = arith.constant 15 : i32
      %lt3A_116 = arith.cmpi slt, %scan3A_73, %lt3A : i32
      %convert_element_type3A = arith.extui %lt3A_116 : i1 to i32
      %cond3A = arith.constant 0 : i32
      %cond3A_117 = arith.cmpi ne, %convert_element_type3A, %cond3A : i32
      scf.if %cond3A_117 {
        %add3A_141 = arith.constant 2 : i32
        %add3A_142 = arith.addi %mul3A_75, %add3A_141 : i32
        %mul3A_143 = arith.constant 8 : i32
        %mul3A_144 = arith.muli %add3A_142, %mul3A_143 : i32
        %dma_start3A_145 = tpu.memref_slice %arg6[%mul3A_144] : memref<256xi32, #tpu.memory_space<vmem>> -> memref<8xi32, #tpu.memory_space<vmem>>
        %dma_start3A_146 = arith.constant 0 : i32
        %dma_start3A_147 = arith.constant 0 : i32
        %dma_start3A_148 = tpu.memref_slice %arg2[%dma_start3A_146, %dma_start3A_147] : memref<16384x512xf32, #tpu.memory_space<hbm>> -> memref<16384x512xf32, #tpu.memory_space<hbm>>
        tpu.enqueue_indirect_dma source(%dma_start3A_148 : memref<16384x512xf32, #tpu.memory_space<hbm>>) target(%arg12 : memref<8x512xf32, #tpu.memory_space<vmem>>) offsets(%dma_start3A_145 : memref<8xi32, #tpu.memory_space<vmem>>) semaphore(%arg19 : memref<!tpu.dma_semaphore, #tpu.memory_space<semaphore_mem>>)
        %dma_start3A_149 = tpu.memref_slice %arg7[%mul3A_144] : memref<256xi32, #tpu.memory_space<vmem>> -> memref<8xi32, #tpu.memory_space<vmem>>
        %dma_start3A_150 = arith.constant 0 : i32
        %dma_start3A_151 = arith.constant 0 : i32
        %dma_start3A_152 = tpu.memref_slice %arg2[%dma_start3A_150, %dma_start3A_151] : memref<16384x512xf32, #tpu.memory_space<hbm>> -> memref<16384x512xf32, #tpu.memory_space<hbm>>
        tpu.enqueue_indirect_dma source(%dma_start3A_152 : memref<16384x512xf32, #tpu.memory_space<hbm>>) target(%arg13 : memref<8x512xf32, #tpu.memory_space<vmem>>) offsets(%dma_start3A_149 : memref<8xi32, #tpu.memory_space<vmem>>) semaphore(%arg19 : memref<!tpu.dma_semaphore, #tpu.memory_space<semaphore_mem>>)
        %dma_start3A_153 = tpu.memref_slice %arg8[%mul3A_144] : memref<256xi32, #tpu.memory_space<vmem>> -> memref<8xi32, #tpu.memory_space<vmem>>
        %dma_start3A_154 = arith.constant 0 : i32
        %dma_start3A_155 = arith.constant 0 : i32
        %dma_start3A_156 = tpu.memref_slice %arg2[%dma_start3A_154, %dma_start3A_155] : memref<16384x512xf32, #tpu.memory_space<hbm>> -> memref<16384x512xf32, #tpu.memory_space<hbm>>
        tpu.enqueue_indirect_dma source(%dma_start3A_156 : memref<16384x512xf32, #tpu.memory_space<hbm>>) target(%arg14 : memref<8x512xf32, #tpu.memory_space<vmem>>) offsets(%dma_start3A_153 : memref<8xi32, #tpu.memory_space<vmem>>) semaphore(%arg19 : memref<!tpu.dma_semaphore, #tpu.memory_space<semaphore_mem>>)
      } else {
      }
      %mul3A_118 = arith.constant 8 : i32
      %mul3A_119 = arith.muli %add3A_79, %mul3A_118 : i32
      %dma_wait3A_120 = tpu.memref_slice %arg6[%mul3A_119] : memref<256xi32, #tpu.memory_space<vmem>> -> memref<8xi32, #tpu.memory_space<vmem>>
      %dma_wait3A_121 = arith.constant 0 : i32
      %dma_wait3A_122 = arith.constant 0 : i32
      %dma_wait3A_123 = tpu.memref_slice %arg2[%dma_wait3A_121, %dma_wait3A_122] : memref<16384x512xf32, #tpu.memory_space<hbm>> -> memref<16384x512xf32, #tpu.memory_space<hbm>>
      tpu.wait_indirect_dma semaphore(%arg20 : memref<!tpu.dma_semaphore, #tpu.memory_space<semaphore_mem>>) src(%dma_wait3A_123 : memref<16384x512xf32, #tpu.memory_space<hbm>>) dst(%arg15 : memref<8x512xf32, #tpu.memory_space<vmem>>)
      %dma_wait3A_124 = tpu.memref_slice %arg7[%mul3A_119] : memref<256xi32, #tpu.memory_space<vmem>> -> memref<8xi32, #tpu.memory_space<vmem>>
      %dma_wait3A_125 = arith.constant 0 : i32
      %dma_wait3A_126 = arith.constant 0 : i32
      %dma_wait3A_127 = tpu.memref_slice %arg2[%dma_wait3A_125, %dma_wait3A_126] : memref<16384x512xf32, #tpu.memory_space<hbm>> -> memref<16384x512xf32, #tpu.memory_space<hbm>>
      tpu.wait_indirect_dma semaphore(%arg20 : memref<!tpu.dma_semaphore, #tpu.memory_space<semaphore_mem>>) src(%dma_wait3A_127 : memref<16384x512xf32, #tpu.memory_space<hbm>>) dst(%arg16 : memref<8x512xf32, #tpu.memory_space<vmem>>)
      %dma_wait3A_128 = tpu.memref_slice %arg8[%mul3A_119] : memref<256xi32, #tpu.memory_space<vmem>> -> memref<8xi32, #tpu.memory_space<vmem>>
      %dma_wait3A_129 = arith.constant 0 : i32
      %dma_wait3A_130 = arith.constant 0 : i32
      %dma_wait3A_131 = tpu.memref_slice %arg2[%dma_wait3A_129, %dma_wait3A_130] : memref<16384x512xf32, #tpu.memory_space<hbm>> -> memref<16384x512xf32, #tpu.memory_space<hbm>>
      tpu.wait_indirect_dma semaphore(%arg20 : memref<!tpu.dma_semaphore, #tpu.memory_space<semaphore_mem>>) src(%dma_wait3A_131 : memref<16384x512xf32, #tpu.memory_space<hbm>>) dst(%arg17 : memref<8x512xf32, #tpu.memory_space<vmem>>)
      %mul3A_132 = arith.constant 8 : i32
      %mul3A_133 = arith.muli %add3A_79, %mul3A_132 : i32
      %scan3A_134 = arith.constant 0 : i32
      %scan3A_135 = arith.constant 0 : i32
      %scan3A_136 = arith.constant 8 : i32
      %scan3A_137 = arith.addi %scan3A_135, %scan3A_136 : i32
      %scan3A_138 = arith.constant 1 : i32
      scf.for %scan3A_141 = %scan3A_135 to %scan3A_137 step %scan3A_138  : i32 {
        %add3A_142 = arith.addi %mul3A_133, %scan3A_141 : i32
        %get3A = arith.index_cast %add3A_142 : i32 to index
        %get3A_143 = arith.constant 0 : index
        %get3A_144 = tpu.vector_load %arg9[%get3A, %get3A_143] {strides = array<i32>} : memref<256x16xf32, #tpu.memory_space<vmem>>, vector<1x16xf32>,
        %get3A_145 = vector.shape_cast %get3A_144 : vector<1x16xf32> to vector<16xf32>
        %add3A_146 = arith.addi %mul3A_133, %scan3A_141 : i32
        %get3A_147 = arith.index_cast %add3A_146 : i32 to index
        %get3A_148 = arith.constant 0 : index
        %get3A_149 = tpu.vector_load %arg10[%get3A_147, %get3A_148] {strides = array<i32>} : memref<256x16xf32, #tpu.memory_space<vmem>>, vector<1x16xf32>,
        %get3A_150 = vector.shape_cast %get3A_149 : vector<1x16xf32> to vector<16xf32>
        %add3A_151 = arith.addi %mul3A_133, %scan3A_141 : i32
        %get3A_152 = arith.index_cast %add3A_151 : i32 to index
        %get3A_153 = arith.constant 0 : index
        %get3A_154 = tpu.vector_load %arg11[%get3A_152, %get3A_153] {strides = array<i32>} : memref<256x16xf32, #tpu.memory_space<vmem>>, vector<1x16xf32>,
        %get3A_155 = vector.shape_cast %get3A_154 : vector<1x16xf32> to vector<16xf32>
        %get3A_156 = arith.index_cast %scan3A_141 : i32 to index
        %get3A_157 = arith.constant 0 : index
        %get3A_158 = tpu.vector_load %arg15[%get3A_156, %get3A_157] {strides = array<i32>} : memref<8x512xf32, #tpu.memory_space<vmem>>, vector<1x16xf32>,
        %get3A_159 = vector.shape_cast %get3A_158 : vector<1x16xf32> to vector<16xf32>
        %mul3A_160 = arith.mulf %get3A_159, %get3A_145 : vector<16xf32>
        %get3A_161 = arith.index_cast %scan3A_141 : i32 to index
        %get3A_162 = arith.constant 0 : index
        %get3A_163 = tpu.vector_load %arg16[%get3A_161, %get3A_162] {strides = array<i32>} : memref<8x512xf32, #tpu.memory_space<vmem>>, vector<1x16xf32>,
        %get3A_164 = vector.shape_cast %get3A_163 : vector<1x16xf32> to vector<16xf32>
        %mul3A_165 = arith.mulf %get3A_164, %get3A_150 : vector<16xf32>
        %add3A_166 = arith.addf %mul3A_160, %mul3A_165 : vector<16xf32>
        %get3A_167 = arith.index_cast %scan3A_141 : i32 to index
        %get3A_168 = arith.constant 0 : index
        %get3A_169 = tpu.vector_load %arg17[%get3A_167, %get3A_168] {strides = array<i32>} : memref<8x512xf32, #tpu.memory_space<vmem>>, vector<1x16xf32>,
        %get3A_170 = vector.shape_cast %get3A_169 : vector<1x16xf32> to vector<16xf32>
        %mul3A_171 = arith.mulf %get3A_170, %get3A_155 : vector<16xf32>
        %add3A_172 = arith.addf %add3A_166, %mul3A_171 : vector<16xf32>
        %swap3A = arith.index_cast %scan3A_141 : i32 to index
        %swap3A_173 = arith.constant 0 : index
        %swap3A_174 = tpu.vector_load %arg18[%swap3A, %swap3A_173] {strides = array<i32>} : memref<8x512xf32, #tpu.memory_space<vmem>>, vector<1x16xf32>,
        %swap3A_175 = vector.shape_cast %swap3A_174 : vector<1x16xf32> to vector<16xf32>
        %swap3A_176 = vector.shape_cast %add3A_172 : vector<16xf32> to vector<1x16xf32>
        tpu.vector_store %arg18[%swap3A, %swap3A_173], %swap3A_176 {strides = array<i32>} : memref<8x512xf32, #tpu.memory_space<vmem>>, vector<1x16xf32>,
        %get3A_177 = arith.index_cast %scan3A_141 : i32 to index
        %get3A_178 = arith.constant 16 : index
        %get3A_179 = tpu.vector_load %arg15[%get3A_177, %get3A_178] {strides = array<i32>} : memref<8x512xf32, #tpu.memory_space<vmem>>, vector<1x16xf32>,
        %get3A_180 = vector.shape_cast %get3A_179 : vector<1x16xf32> to vector<16xf32>
        %mul3A_181 = arith.mulf %get3A_180, %get3A_145 : vector<16xf32>
        %get3A_182 = arith.index_cast %scan3A_141 : i32 to index
        %get3A_183 = arith.constant 16 : index
        %get3A_184 = tpu.vector_load %arg16[%get3A_182, %get3A_183] {strides = array<i32>} : memref<8x512xf32, #tpu.memory_space<vmem>>, vector<1x16xf32>,
        %get3A_185 = vector.shape_cast %get3A_184 : vector<1x16xf32> to vector<16xf32>
        %mul3A_186 = arith.mulf %get3A_185, %get3A_150 : vector<16xf32>
        %add3A_187 = arith.addf %mul3A_181, %mul3A_186 : vector<16xf32>
        %get3A_188 = arith.index_cast %scan3A_141 : i32 to index
        %get3A_189 = arith.constant 16 : index
        %get3A_190 = tpu.vector_load %arg17[%get3A_188, %get3A_189] {strides = array<i32>} : memref<8x512xf32, #tpu.memory_space<vmem>>, vector<1x16xf32>,
        %get3A_191 = vector.shape_cast %get3A_190 : vector<1x16xf32> to vector<16xf32>
        %mul3A_192 = arith.mulf %get3A_191, %get3A_155 : vector<16xf32>
        %add3A_193 = arith.addf %add3A_187, %mul3A_192 : vector<16xf32>
        %swap3A_194 = arith.index_cast %scan3A_141 : i32 to index
        %swap3A_195 = arith.constant 16 : index
        %swap3A_196 = tpu.vector_load %arg18[%swap3A_194, %swap3A_195] {strides = array<i32>} : memref<8x512xf32, #tpu.memory_space<vmem>>, vector<1x16xf32>,
        %swap3A_197 = vector.shape_cast %swap3A_196 : vector<1x16xf32> to vector<16xf32>
        %swap3A_198 = vector.shape_cast %add3A_193 : vector<16xf32> to vector<1x16xf32>
        tpu.vector_store %arg18[%swap3A_194, %swap3A_195], %swap3A_198 {strides = array<i32>} : memref<8x512xf32, #tpu.memory_space<vmem>>, vector<1x16xf32>,
        %get3A_199 = arith.index_cast %scan3A_141 : i32 to index
        %get3A_200 = arith.constant 32 : index
        %get3A_201 = tpu.vector_load %arg15[%get3A_199, %get3A_200] {strides = array<i32>} : memref<8x512xf32, #tpu.memory_space<vmem>>, vector<1x16xf32>,
        %get3A_202 = vector.shape_cast %get3A_201 : vector<1x16xf32> to vector<16xf32>
        %mul3A_203 = arith.mulf %get3A_202, %get3A_145 : vector<16xf32>
        %get3A_204 = arith.index_cast %scan3A_141 : i32 to index
        %get3A_205 = arith.constant 32 : index
        %get3A_206 = tpu.vector_load %arg16[%get3A_204, %get3A_205] {strides = array<i32>} : memref<8x512xf32, #tpu.memory_space<vmem>>, vector<1x16xf32>,
        %get3A_207 = vector.shape_cast %get3A_206 : vector<1x16xf32> to vector<16xf32>
        %mul3A_208 = arith.mulf %get3A_207, %get3A_150 : vector<16xf32>
        %add3A_209 = arith.addf %mul3A_203, %mul3A_208 : vector<16xf32>
        %get3A_210 = arith.index_cast %scan3A_141 : i32 to index
        %get3A_211 = arith.constant 32 : index
        %get3A_212 = tpu.vector_load %arg17[%get3A_210, %get3A_211] {strides = array<i32>} : memref<8x512xf32, #tpu.memory_space<vmem>>, vector<1x16xf32>,
        %get3A_213 = vector.shape_cast %get3A_212 : vector<1x16xf32> to vector<16xf32>
        %mul3A_214 = arith.mulf %get3A_213, %get3A_155 : vector<16xf32>
        %add3A_215 = arith.addf %add3A_209, %mul3A_214 : vector<16xf32>
        %swap3A_216 = arith.index_cast %scan3A_141 : i32 to index
        %swap3A_217 = arith.constant 32 : index
        %swap3A_218 = tpu.vector_load %arg18[%swap3A_216, %swap3A_217] {strides = array<i32>} : memref<8x512xf32, #tpu.memory_space<vmem>>, vector<1x16xf32>,
        %swap3A_219 = vector.shape_cast %swap3A_218 : vector<1x16xf32> to vector<16xf32>
        %swap3A_220 = vector.shape_cast %add3A_215 : vector<16xf32> to vector<1x16xf32>
        tpu.vector_store %arg18[%swap3A_216, %swap3A_217], %swap3A_220 {strides = array<i32>} : memref<8x512xf32, #tpu.memory_space<vmem>>, vector<1x16xf32>,
        %get3A_221 = arith.index_cast %scan3A_141 : i32 to index
        %get3A_222 = arith.constant 48 : index
        %get3A_223 = tpu.vector_load %arg15[%get3A_221, %get3A_222] {strides = array<i32>} : memref<8x512xf32, #tpu.memory_space<vmem>>, vector<1x16xf32>,
        %get3A_224 = vector.shape_cast %get3A_223 : vector<1x16xf32> to vector<16xf32>
        %mul3A_225 = arith.mulf %get3A_224, %get3A_145 : vector<16xf32>
        %get3A_226 = arith.index_cast %scan3A_141 : i32 to index
        %get3A_227 = arith.constant 48 : index
        %get3A_228 = tpu.vector_load %arg16[%get3A_226, %get3A_227] {strides = array<i32>} : memref<8x512xf32, #tpu.memory_space<vmem>>, vector<1x16xf32>,
        %get3A_229 = vector.shape_cast %get3A_228 : vector<1x16xf32> to vector<16xf32>
        %mul3A_230 = arith.mulf %get3A_229, %get3A_150 : vector<16xf32>
        %add3A_231 = arith.addf %mul3A_225, %mul3A_230 : vector<16xf32>
        %get3A_232 = arith.index_cast %scan3A_141 : i32 to index
        %get3A_233 = arith.constant 48 : index
        %get3A_234 = tpu.vector_load %arg17[%get3A_232, %get3A_233] {strides = array<i32>} : memref<8x512xf32, #tpu.memory_space<vmem>>, vector<1x16xf32>,
        %get3A_235 = vector.shape_cast %get3A_234 : vector<1x16xf32> to vector<16xf32>
        %mul3A_236 = arith.mulf %get3A_235, %get3A_155 : vector<16xf32>
        %add3A_237 = arith.addf %add3A_231, %mul3A_236 : vector<16xf32>
        %swap3A_238 = arith.index_cast %scan3A_141 : i32 to index
        %swap3A_239 = arith.constant 48 : index
        %swap3A_240 = tpu.vector_load %arg18[%swap3A_238, %swap3A_239] {strides = array<i32>} : memref<8x512xf32, #tpu.memory_space<vmem>>, vector<1x16xf32>,
        %swap3A_241 = vector.shape_cast %swap3A_240 : vector<1x16xf32> to vector<16xf32>
        %swap3A_242 = vector.shape_cast %add3A_237 : vector<16xf32> to vector<1x16xf32>
        tpu.vector_store %arg18[%swap3A_238, %swap3A_239], %swap3A_242 {strides = array<i32>} : memref<8x512xf32, #tpu.memory_space<vmem>>, vector<1x16xf32>,
        %get3A_243 = arith.index_cast %scan3A_141 : i32 to index
        %get3A_244 = arith.constant 64 : index
        %get3A_245 = tpu.vector_load %arg15[%get3A_243, %get3A_244] {strides = array<i32>} : memref<8x512xf32, #tpu.memory_space<vmem>>, vector<1x16xf32>,
        %get3A_246 = vector.shape_cast %get3A_245 : vector<1x16xf32> to vector<16xf32>
        %mul3A_247 = arith.mulf %get3A_246, %get3A_145 : vector<16xf32>
        %get3A_248 = arith.index_cast %scan3A_141 : i32 to index
        %get3A_249 = arith.constant 64 : index
        %get3A_250 = tpu.vector_load %arg16[%get3A_248, %get3A_249] {strides = array<i32>} : memref<8x512xf32, #tpu.memory_space<vmem>>, vector<1x16xf32>,
        %get3A_251 = vector.shape_cast %get3A_250 : vector<1x16xf32> to vector<16xf32>
        %mul3A_252 = arith.mulf %get3A_251, %get3A_150 : vector<16xf32>
        %add3A_253 = arith.addf %mul3A_247, %mul3A_252 : vector<16xf32>
        %get3A_254 = arith.index_cast %scan3A_141 : i32 to index
        %get3A_255 = arith.constant 64 : index
        %get3A_256 = tpu.vector_load %arg17[%get3A_254, %get3A_255] {strides = array<i32>} : memref<8x512xf32, #tpu.memory_space<vmem>>, vector<1x16xf32>,
        %get3A_257 = vector.shape_cast %get3A_256 : vector<1x16xf32> to vector<16xf32>
        %mul3A_258 = arith.mulf %get3A_257, %get3A_155 : vector<16xf32>
        %add3A_259 = arith.addf %add3A_253, %mul3A_258 : vector<16xf32>
        %swap3A_260 = arith.index_cast %scan3A_141 : i32 to index
        %swap3A_261 = arith.constant 64 : index
        %swap3A_262 = tpu.vector_load %arg18[%swap3A_260, %swap3A_261] {strides = array<i32>} : memref<8x512xf32, #tpu.memory_space<vmem>>, vector<1x16xf32>,
        %swap3A_263 = vector.shape_cast %swap3A_262 : vector<1x16xf32> to vector<16xf32>
        %swap3A_264 = vector.shape_cast %add3A_259 : vector<16xf32> to vector<1x16xf32>
        tpu.vector_store %arg18[%swap3A_260, %swap3A_261], %swap3A_264 {strides = array<i32>} : memref<8x512xf32, #tpu.memory_space<vmem>>, vector<1x16xf32>,
        %get3A_265 = arith.index_cast %scan3A_141 : i32 to index
        %get3A_266 = arith.constant 80 : index
        %get3A_267 = tpu.vector_load %arg15[%get3A_265, %get3A_266] {strides = array<i32>} : memref<8x512xf32, #tpu.memory_space<vmem>>, vector<1x16xf32>,
        %get3A_268 = vector.shape_cast %get3A_267 : vector<1x16xf32> to vector<16xf32>
        %mul3A_269 = arith.mulf %get3A_268, %get3A_145 : vector<16xf32>
        %get3A_270 = arith.index_cast %scan3A_141 : i32 to index
        %get3A_271 = arith.constant 80 : index
        %get3A_272 = tpu.vector_load %arg16[%get3A_270, %get3A_271] {strides = array<i32>} : memref<8x512xf32, #tpu.memory_space<vmem>>, vector<1x16xf32>,
        %get3A_273 = vector.shape_cast %get3A_272 : vector<1x16xf32> to vector<16xf32>
        %mul3A_274 = arith.mulf %get3A_273, %get3A_150 : vector<16xf32>
        %add3A_275 = arith.addf %mul3A_269, %mul3A_274 : vector<16xf32>
        %get3A_276 = arith.index_cast %scan3A_141 : i32 to index
        %get3A_277 = arith.constant 80 : index
        %get3A_278 = tpu.vector_load %arg17[%get3A_276, %get3A_277] {strides = array<i32>} : memref<8x512xf32, #tpu.memory_space<vmem>>, vector<1x16xf32>,
        %get3A_279 = vector.shape_cast %get3A_278 : vector<1x16xf32> to vector<16xf32>
        %mul3A_280 = arith.mulf %get3A_279, %get3A_155 : vector<16xf32>
        %add3A_281 = arith.addf %add3A_275, %mul3A_280 : vector<16xf32>
        %swap3A_282 = arith.index_cast %scan3A_141 : i32 to index
        %swap3A_283 = arith.constant 80 : index
        %swap3A_284 = tpu.vector_load %arg18[%swap3A_282, %swap3A_283] {strides = array<i32>} : memref<8x512xf32, #tpu.memory_space<vmem>>, vector<1x16xf32>,
        %swap3A_285 = vector.shape_cast %swap3A_284 : vector<1x16xf32> to vector<16xf32>
        %swap3A_286 = vector.shape_cast %add3A_281 : vector<16xf32> to vector<1x16xf32>
        tpu.vector_store %arg18[%swap3A_282, %swap3A_283], %swap3A_286 {strides = array<i32>} : memref<8x512xf32, #tpu.memory_space<vmem>>, vector<1x16xf32>,
        %get3A_287 = arith.index_cast %scan3A_141 : i32 to index
        %get3A_288 = arith.constant 96 : index
        %get3A_289 = tpu.vector_load %arg15[%get3A_287, %get3A_288] {strides = array<i32>} : memref<8x512xf32, #tpu.memory_space<vmem>>, vector<1x16xf32>,
        %get3A_290 = vector.shape_cast %get3A_289 : vector<1x16xf32> to vector<16xf32>
        %mul3A_291 = arith.mulf %get3A_290, %get3A_145 : vector<16xf32>
        %get3A_292 = arith.index_cast %scan3A_141 : i32 to index
        %get3A_293 = arith.constant 96 : index
        %get3A_294 = tpu.vector_load %arg16[%get3A_292, %get3A_293] {strides = array<i32>} : memref<8x512xf32, #tpu.memory_space<vmem>>, vector<1x16xf32>,
        %get3A_295 = vector.shape_cast %get3A_294 : vector<1x16xf32> to vector<16xf32>
        %mul3A_296 = arith.mulf %get3A_295, %get3A_150 : vector<16xf32>
        %add3A_297 = arith.addf %mul3A_291, %mul3A_296 : vector<16xf32>
        %get3A_298 = arith.index_cast %scan3A_141 : i32 to index
        %get3A_299 = arith.constant 96 : index
        %get3A_300 = tpu.vector_load %arg17[%get3A_298, %get3A_299] {strides = array<i32>} : memref<8x512xf32, #tpu.memory_space<vmem>>, vector<1x16xf32>,
        %get3A_301 = vector.shape_cast %get3A_300 : vector<1x16xf32> to vector<16xf32>
        %mul3A_302 = arith.mulf %get3A_301, %get3A_155 : vector<16xf32>
        %add3A_303 = arith.addf %add3A_297, %mul3A_302 : vector<16xf32>
        %swap3A_304 = arith.index_cast %scan3A_141 : i32 to index
        %swap3A_305 = arith.constant 96 : index
        %swap3A_306 = tpu.vector_load %arg18[%swap3A_304, %swap3A_305] {strides = array<i32>} : memref<8x512xf32, #tpu.memory_space<vmem>>, vector<1x16xf32>,
        %swap3A_307 = vector.shape_cast %swap3A_306 : vector<1x16xf32> to vector<16xf32>
        %swap3A_308 = vector.shape_cast %add3A_303 : vector<16xf32> to vector<1x16xf32>
        tpu.vector_store %arg18[%swap3A_304, %swap3A_305], %swap3A_308 {strides = array<i32>} : memref<8x512xf32, #tpu.memory_space<vmem>>, vector<1x16xf32>,
        %get3A_309 = arith.index_cast %scan3A_141 : i32 to index
        %get3A_310 = arith.constant 112 : index
        %get3A_311 = tpu.vector_load %arg15[%get3A_309, %get3A_310] {strides = array<i32>} : memref<8x512xf32, #tpu.memory_space<vmem>>, vector<1x16xf32>,
        %get3A_312 = vector.shape_cast %get3A_311 : vector<1x16xf32> to vector<16xf32>
        %mul3A_313 = arith.mulf %get3A_312, %get3A_145 : vector<16xf32>
        %get3A_314 = arith.index_cast %scan3A_141 : i32 to index
        %get3A_315 = arith.constant 112 : index
        %get3A_316 = tpu.vector_load %arg16[%get3A_314, %get3A_315] {strides = array<i32>} : memref<8x512xf32, #tpu.memory_space<vmem>>, vector<1x16xf32>,
        %get3A_317 = vector.shape_cast %get3A_316 : vector<1x16xf32> to vector<16xf32>
        %mul3A_318 = arith.mulf %get3A_317, %get3A_150 : vector<16xf32>
        %add3A_319 = arith.addf %mul3A_313, %mul3A_318 : vector<16xf32>
        %get3A_320 = arith.index_cast %scan3A_141 : i32 to index
        %get3A_321 = arith.constant 112 : index
        %get3A_322 = tpu.vector_load %arg17[%get3A_320, %get3A_321] {strides = array<i32>} : memref<8x512xf32, #tpu.memory_space<vmem>>, vector<1x16xf32>,
        %get3A_323 = vector.shape_cast %get3A_322 : vector<1x16xf32> to vector<16xf32>
        %mul3A_324 = arith.mulf %get3A_323, %get3A_155 : vector<16xf32>
        %add3A_325 = arith.addf %add3A_319, %mul3A_324 : vector<16xf32>
        %swap3A_326 = arith.index_cast %scan3A_141 : i32 to index
        %swap3A_327 = arith.constant 112 : index
        %swap3A_328 = tpu.vector_load %arg18[%swap3A_326, %swap3A_327] {strides = array<i32>} : memref<8x512xf32, #tpu.memory_space<vmem>>, vector<1x16xf32>,
        %swap3A_329 = vector.shape_cast %swap3A_328 : vector<1x16xf32> to vector<16xf32>
        %swap3A_330 = vector.shape_cast %add3A_325 : vector<16xf32> to vector<1x16xf32>
        tpu.vector_store %arg18[%swap3A_326, %swap3A_327], %swap3A_330 {strides = array<i32>} : memref<8x512xf32, #tpu.memory_space<vmem>>, vector<1x16xf32>,
        %get3A_331 = arith.index_cast %scan3A_141 : i32 to index
        %get3A_332 = arith.constant 128 : index
        %get3A_333 = tpu.vector_load %arg15[%get3A_331, %get3A_332] {strides = array<i32>} : memref<8x512xf32, #tpu.memory_space<vmem>>, vector<1x16xf32>,
        %get3A_334 = vector.shape_cast %get3A_333 : vector<1x16xf32> to vector<16xf32>
        %mul3A_335 = arith.mulf %get3A_334, %get3A_145 : vector<16xf32>
        %get3A_336 = arith.index_cast %scan3A_141 : i32 to index
        %get3A_337 = arith.constant 128 : index
        %get3A_338 = tpu.vector_load %arg16[%get3A_336, %get3A_337] {strides = array<i32>} : memref<8x512xf32, #tpu.memory_space<vmem>>, vector<1x16xf32>,
        %get3A_339 = vector.shape_cast %get3A_338 : vector<1x16xf32> to vector<16xf32>
        %mul3A_340 = arith.mulf %get3A_339, %get3A_150 : vector<16xf32>
        %add3A_341 = arith.addf %mul3A_335, %mul3A_340 : vector<16xf32>
        %get3A_342 = arith.index_cast %scan3A_141 : i32 to index
        %get3A_343 = arith.constant 128 : index
        %get3A_344 = tpu.vector_load %arg17[%get3A_342, %get3A_343] {strides = array<i32>} : memref<8x512xf32, #tpu.memory_space<vmem>>, vector<1x16xf32>,
        %get3A_345 = vector.shape_cast %get3A_344 : vector<1x16xf32> to vector<16xf32>
        %mul3A_346 = arith.mulf %get3A_345, %get3A_155 : vector<16xf32>
        %add3A_347 = arith.addf %add3A_341, %mul3A_346 : vector<16xf32>
        %swap3A_348 = arith.index_cast %scan3A_141 : i32 to index
        %swap3A_349 = arith.constant 128 : index
        %swap3A_350 = tpu.vector_load %arg18[%swap3A_348, %swap3A_349] {strides = array<i32>} : memref<8x512xf32, #tpu.memory_space<vmem>>, vector<1x16xf32>,
        %swap3A_351 = vector.shape_cast %swap3A_350 : vector<1x16xf32> to vector<16xf32>
        %swap3A_352 = vector.shape_cast %add3A_347 : vector<16xf32> to vector<1x16xf32>
        tpu.vector_store %arg18[%swap3A_348, %swap3A_349], %swap3A_352 {strides = array<i32>} : memref<8x512xf32, #tpu.memory_space<vmem>>, vector<1x16xf32>,
        %get3A_353 = arith.index_cast %scan3A_141 : i32 to index
        %get3A_354 = arith.constant 144 : index
        %get3A_355 = tpu.vector_load %arg15[%get3A_353, %get3A_354] {strides = array<i32>} : memref<8x512xf32, #tpu.memory_space<vmem>>, vector<1x16xf32>,
        %get3A_356 = vector.shape_cast %get3A_355 : vector<1x16xf32> to vector<16xf32>
        %mul3A_357 = arith.mulf %get3A_356, %get3A_145 : vector<16xf32>
        %get3A_358 = arith.index_cast %scan3A_141 : i32 to index
        %get3A_359 = arith.constant 144 : index
        %get3A_360 = tpu.vector_load %arg16[%get3A_358, %get3A_359] {strides = array<i32>} : memref<8x512xf32, #tpu.memory_space<vmem>>, vector<1x16xf32>,
        %get3A_361 = vector.shape_cast %get3A_360 : vector<1x16xf32> to vector<16xf32>
        %mul3A_362 = arith.mulf %get3A_361, %get3A_150 : vector<16xf32>
        %add3A_363 = arith.addf %mul3A_357, %mul3A_362 : vector<16xf32>
        %get3A_364 = arith.index_cast %scan3A_141 : i32 to index
        %get3A_365 = arith.constant 144 : index
        %get3A_366 = tpu.vector_load %arg17[%get3A_364, %get3A_365] {strides = array<i32>} : memref<8x512xf32, #tpu.memory_space<vmem>>, vector<1x16xf32>,
        %get3A_367 = vector.shape_cast %get3A_366 : vector<1x16xf32> to vector<16xf32>
        %mul3A_368 = arith.mulf %get3A_367, %get3A_155 : vector<16xf32>
        %add3A_369 = arith.addf %add3A_363, %mul3A_368 : vector<16xf32>
        %swap3A_370 = arith.index_cast %scan3A_141 : i32 to index
        %swap3A_371 = arith.constant 144 : index
        %swap3A_372 = tpu.vector_load %arg18[%swap3A_370, %swap3A_371] {strides = array<i32>} : memref<8x512xf32, #tpu.memory_space<vmem>>, vector<1x16xf32>,
        %swap3A_373 = vector.shape_cast %swap3A_372 : vector<1x16xf32> to vector<16xf32>
        %swap3A_374 = vector.shape_cast %add3A_369 : vector<16xf32> to vector<1x16xf32>
        tpu.vector_store %arg18[%swap3A_370, %swap3A_371], %swap3A_374 {strides = array<i32>} : memref<8x512xf32, #tpu.memory_space<vmem>>, vector<1x16xf32>,
        %get3A_375 = arith.index_cast %scan3A_141 : i32 to index
        %get3A_376 = arith.constant 160 : index
        %get3A_377 = tpu.vector_load %arg15[%get3A_375, %get3A_376] {strides = array<i32>} : memref<8x512xf32, #tpu.memory_space<vmem>>, vector<1x16xf32>,
        %get3A_378 = vector.shape_cast %get3A_377 : vector<1x16xf32> to vector<16xf32>
        %mul3A_379 = arith.mulf %get3A_378, %get3A_145 : vector<16xf32>
        %get3A_380 = arith.index_cast %scan3A_141 : i32 to index
        %get3A_381 = arith.constant 160 : index
        %get3A_382 = tpu.vector_load %arg16[%get3A_380, %get3A_381] {strides = array<i32>} : memref<8x512xf32, #tpu.memory_space<vmem>>, vector<1x16xf32>,
        %get3A_383 = vector.shape_cast %get3A_382 : vector<1x16xf32> to vector<16xf32>
        %mul3A_384 = arith.mulf %get3A_383, %get3A_150 : vector<16xf32>
        %add3A_385 = arith.addf %mul3A_379, %mul3A_384 : vector<16xf32>
        %get3A_386 = arith.index_cast %scan3A_141 : i32 to index
        %get3A_387 = arith.constant 160 : index
        %get3A_388 = tpu.vector_load %arg17[%get3A_386, %get3A_387] {strides = array<i32>} : memref<8x512xf32, #tpu.memory_space<vmem>>, vector<1x16xf32>,
        %get3A_389 = vector.shape_cast %get3A_388 : vector<1x16xf32> to vector<16xf32>
        %mul3A_390 = arith.mulf %get3A_389, %get3A_155 : vector<16xf32>
        %add3A_391 = arith.addf %add3A_385, %mul3A_390 : vector<16xf32>
        %swap3A_392 = arith.index_cast %scan3A_141 : i32 to index
        %swap3A_393 = arith.constant 160 : index
        %swap3A_394 = tpu.vector_load %arg18[%swap3A_392, %swap3A_393] {strides = array<i32>} : memref<8x512xf32, #tpu.memory_space<vmem>>, vector<1x16xf32>,
        %swap3A_395 = vector.shape_cast %swap3A_394 : vector<1x16xf32> to vector<16xf32>
        %swap3A_396 = vector.shape_cast %add3A_391 : vector<16xf32> to vector<1x16xf32>
        tpu.vector_store %arg18[%swap3A_392, %swap3A_393], %swap3A_396 {strides = array<i32>} : memref<8x512xf32, #tpu.memory_space<vmem>>, vector<1x16xf32>,
        %get3A_397 = arith.index_cast %scan3A_141 : i32 to index
        %get3A_398 = arith.constant 176 : index
        %get3A_399 = tpu.vector_load %arg15[%get3A_397, %get3A_398] {strides = array<i32>} : memref<8x512xf32, #tpu.memory_space<vmem>>, vector<1x16xf32>,
        %get3A_400 = vector.shape_cast %get3A_399 : vector<1x16xf32> to vector<16xf32>
        %mul3A_401 = arith.mulf %get3A_400, %get3A_145 : vector<16xf32>
        %get3A_402 = arith.index_cast %scan3A_141 : i32 to index
        %get3A_403 = arith.constant 176 : index
        %get3A_404 = tpu.vector_load %arg16[%get3A_402, %get3A_403] {strides = array<i32>} : memref<8x512xf32, #tpu.memory_space<vmem>>, vector<1x16xf32>,
        %get3A_405 = vector.shape_cast %get3A_404 : vector<1x16xf32> to vector<16xf32>
        %mul3A_406 = arith.mulf %get3A_405, %get3A_150 : vector<16xf32>
        %add3A_407 = arith.addf %mul3A_401, %mul3A_406 : vector<16xf32>
        %get3A_408 = arith.index_cast %scan3A_141 : i32 to index
        %get3A_409 = arith.constant 176 : index
        %get3A_410 = tpu.vector_load %arg17[%get3A_408, %get3A_409] {strides = array<i32>} : memref<8x512xf32, #tpu.memory_space<vmem>>, vector<1x16xf32>,
        %get3A_411 = vector.shape_cast %get3A_410 : vector<1x16xf32> to vector<16xf32>
        %mul3A_412 = arith.mulf %get3A_411, %get3A_155 : vector<16xf32>
        %add3A_413 = arith.addf %add3A_407, %mul3A_412 : vector<16xf32>
        %swap3A_414 = arith.index_cast %scan3A_141 : i32 to index
        %swap3A_415 = arith.constant 176 : index
        %swap3A_416 = tpu.vector_load %arg18[%swap3A_414, %swap3A_415] {strides = array<i32>} : memref<8x512xf32, #tpu.memory_space<vmem>>, vector<1x16xf32>,
        %swap3A_417 = vector.shape_cast %swap3A_416 : vector<1x16xf32> to vector<16xf32>
        %swap3A_418 = vector.shape_cast %add3A_413 : vector<16xf32> to vector<1x16xf32>
        tpu.vector_store %arg18[%swap3A_414, %swap3A_415], %swap3A_418 {strides = array<i32>} : memref<8x512xf32, #tpu.memory_space<vmem>>, vector<1x16xf32>,
        %get3A_419 = arith.index_cast %scan3A_141 : i32 to index
        %get3A_420 = arith.constant 192 : index
        %get3A_421 = tpu.vector_load %arg15[%get3A_419, %get3A_420] {strides = array<i32>} : memref<8x512xf32, #tpu.memory_space<vmem>>, vector<1x16xf32>,
        %get3A_422 = vector.shape_cast %get3A_421 : vector<1x16xf32> to vector<16xf32>
        %mul3A_423 = arith.mulf %get3A_422, %get3A_145 : vector<16xf32>
        %get3A_424 = arith.index_cast %scan3A_141 : i32 to index
        %get3A_425 = arith.constant 192 : index
        %get3A_426 = tpu.vector_load %arg16[%get3A_424, %get3A_425] {strides = array<i32>} : memref<8x512xf32, #tpu.memory_space<vmem>>, vector<1x16xf32>,
        %get3A_427 = vector.shape_cast %get3A_426 : vector<1x16xf32> to vector<16xf32>
        %mul3A_428 = arith.mulf %get3A_427, %get3A_150 : vector<16xf32>
        %add3A_429 = arith.addf %mul3A_423, %mul3A_428 : vector<16xf32>
        %get3A_430 = arith.index_cast %scan3A_141 : i32 to index
        %get3A_431 = arith.constant 192 : index
        %get3A_432 = tpu.vector_load %arg17[%get3A_430, %get3A_431] {strides = array<i32>} : memref<8x512xf32, #tpu.memory_space<vmem>>, vector<1x16xf32>,
        %get3A_433 = vector.shape_cast %get3A_432 : vector<1x16xf32> to vector<16xf32>
        %mul3A_434 = arith.mulf %get3A_433, %get3A_155 : vector<16xf32>
        %add3A_435 = arith.addf %add3A_429, %mul3A_434 : vector<16xf32>
        %swap3A_436 = arith.index_cast %scan3A_141 : i32 to index
        %swap3A_437 = arith.constant 192 : index
        %swap3A_438 = tpu.vector_load %arg18[%swap3A_436, %swap3A_437] {strides = array<i32>} : memref<8x512xf32, #tpu.memory_space<vmem>>, vector<1x16xf32>,
        %swap3A_439 = vector.shape_cast %swap3A_438 : vector<1x16xf32> to vector<16xf32>
        %swap3A_440 = vector.shape_cast %add3A_435 : vector<16xf32> to vector<1x16xf32>
        tpu.vector_store %arg18[%swap3A_436, %swap3A_437], %swap3A_440 {strides = array<i32>} : memref<8x512xf32, #tpu.memory_space<vmem>>, vector<1x16xf32>,
        %get3A_441 = arith.index_cast %scan3A_141 : i32 to index
        %get3A_442 = arith.constant 208 : index
        %get3A_443 = tpu.vector_load %arg15[%get3A_441, %get3A_442] {strides = array<i32>} : memref<8x512xf32, #tpu.memory_space<vmem>>, vector<1x16xf32>,
        %get3A_444 = vector.shape_cast %get3A_443 : vector<1x16xf32> to vector<16xf32>
        %mul3A_445 = arith.mulf %get3A_444, %get3A_145 : vector<16xf32>
        %get3A_446 = arith.index_cast %scan3A_141 : i32 to index
        %get3A_447 = arith.constant 208 : index
        %get3A_448 = tpu.vector_load %arg16[%get3A_446, %get3A_447] {strides = array<i32>} : memref<8x512xf32, #tpu.memory_space<vmem>>, vector<1x16xf32>,
        %get3A_449 = vector.shape_cast %get3A_448 : vector<1x16xf32> to vector<16xf32>
        %mul3A_450 = arith.mulf %get3A_449, %get3A_150 : vector<16xf32>
        %add3A_451 = arith.addf %mul3A_445, %mul3A_450 : vector<16xf32>
        %get3A_452 = arith.index_cast %scan3A_141 : i32 to index
        %get3A_453 = arith.constant 208 : index
        %get3A_454 = tpu.vector_load %arg17[%get3A_452, %get3A_453] {strides = array<i32>} : memref<8x512xf32, #tpu.memory_space<vmem>>, vector<1x16xf32>,
        %get3A_455 = vector.shape_cast %get3A_454 : vector<1x16xf32> to vector<16xf32>
        %mul3A_456 = arith.mulf %get3A_455, %get3A_155 : vector<16xf32>
        %add3A_457 = arith.addf %add3A_451, %mul3A_456 : vector<16xf32>
        %swap3A_458 = arith.index_cast %scan3A_141 : i32 to index
        %swap3A_459 = arith.constant 208 : index
        %swap3A_460 = tpu.vector_load %arg18[%swap3A_458, %swap3A_459] {strides = array<i32>} : memref<8x512xf32, #tpu.memory_space<vmem>>, vector<1x16xf32>,
        %swap3A_461 = vector.shape_cast %swap3A_460 : vector<1x16xf32> to vector<16xf32>
        %swap3A_462 = vector.shape_cast %add3A_457 : vector<16xf32> to vector<1x16xf32>
        tpu.vector_store %arg18[%swap3A_458, %swap3A_459], %swap3A_462 {strides = array<i32>} : memref<8x512xf32, #tpu.memory_space<vmem>>, vector<1x16xf32>,
        %get3A_463 = arith.index_cast %scan3A_141 : i32 to index
        %get3A_464 = arith.constant 224 : index
        %get3A_465 = tpu.vector_load %arg15[%get3A_463, %get3A_464] {strides = array<i32>} : memref<8x512xf32, #tpu.memory_space<vmem>>, vector<1x16xf32>,
        %get3A_466 = vector.shape_cast %get3A_465 : vector<1x16xf32> to vector<16xf32>
        %mul3A_467 = arith.mulf %get3A_466, %get3A_145 : vector<16xf32>
        %get3A_468 = arith.index_cast %scan3A_141 : i32 to index
        %get3A_469 = arith.constant 224 : index
        %get3A_470 = tpu.vector_load %arg16[%get3A_468, %get3A_469] {strides = array<i32>} : memref<8x512xf32, #tpu.memory_space<vmem>>, vector<1x16xf32>,
        %get3A_471 = vector.shape_cast %get3A_470 : vector<1x16xf32> to vector<16xf32>
        %mul3A_472 = arith.mulf %get3A_471, %get3A_150 : vector<16xf32>
        %add3A_473 = arith.addf %mul3A_467, %mul3A_472 : vector<16xf32>
        %get3A_474 = arith.index_cast %scan3A_141 : i32 to index
        %get3A_475 = arith.constant 224 : index
        %get3A_476 = tpu.vector_load %arg17[%get3A_474, %get3A_475] {strides = array<i32>} : memref<8x512xf32, #tpu.memory_space<vmem>>, vector<1x16xf32>,
        %get3A_477 = vector.shape_cast %get3A_476 : vector<1x16xf32> to vector<16xf32>
        %mul3A_478 = arith.mulf %get3A_477, %get3A_155 : vector<16xf32>
        %add3A_479 = arith.addf %add3A_473, %mul3A_478 : vector<16xf32>
        %swap3A_480 = arith.index_cast %scan3A_141 : i32 to index
        %swap3A_481 = arith.constant 224 : index
        %swap3A_482 = tpu.vector_load %arg18[%swap3A_480, %swap3A_481] {strides = array<i32>} : memref<8x512xf32, #tpu.memory_space<vmem>>, vector<1x16xf32>,
        %swap3A_483 = vector.shape_cast %swap3A_482 : vector<1x16xf32> to vector<16xf32>
        %swap3A_484 = vector.shape_cast %add3A_479 : vector<16xf32> to vector<1x16xf32>
        tpu.vector_store %arg18[%swap3A_480, %swap3A_481], %swap3A_484 {strides = array<i32>} : memref<8x512xf32, #tpu.memory_space<vmem>>, vector<1x16xf32>,
        %get3A_485 = arith.index_cast %scan3A_141 : i32 to index
        %get3A_486 = arith.constant 240 : index
        %get3A_487 = tpu.vector_load %arg15[%get3A_485, %get3A_486] {strides = array<i32>} : memref<8x512xf32, #tpu.memory_space<vmem>>, vector<1x16xf32>,
        %get3A_488 = vector.shape_cast %get3A_487 : vector<1x16xf32> to vector<16xf32>
        %mul3A_489 = arith.mulf %get3A_488, %get3A_145 : vector<16xf32>
        %get3A_490 = arith.index_cast %scan3A_141 : i32 to index
        %get3A_491 = arith.constant 240 : index
        %get3A_492 = tpu.vector_load %arg16[%get3A_490, %get3A_491] {strides = array<i32>} : memref<8x512xf32, #tpu.memory_space<vmem>>, vector<1x16xf32>,
        %get3A_493 = vector.shape_cast %get3A_492 : vector<1x16xf32> to vector<16xf32>
        %mul3A_494 = arith.mulf %get3A_493, %get3A_150 : vector<16xf32>
        %add3A_495 = arith.addf %mul3A_489, %mul3A_494 : vector<16xf32>
        %get3A_496 = arith.index_cast %scan3A_141 : i32 to index
        %get3A_497 = arith.constant 240 : index
        %get3A_498 = tpu.vector_load %arg17[%get3A_496, %get3A_497] {strides = array<i32>} : memref<8x512xf32, #tpu.memory_space<vmem>>, vector<1x16xf32>,
        %get3A_499 = vector.shape_cast %get3A_498 : vector<1x16xf32> to vector<16xf32>
        %mul3A_500 = arith.mulf %get3A_499, %get3A_155 : vector<16xf32>
        %add3A_501 = arith.addf %add3A_495, %mul3A_500 : vector<16xf32>
        %swap3A_502 = arith.index_cast %scan3A_141 : i32 to index
        %swap3A_503 = arith.constant 240 : index
        %swap3A_504 = tpu.vector_load %arg18[%swap3A_502, %swap3A_503] {strides = array<i32>} : memref<8x512xf32, #tpu.memory_space<vmem>>, vector<1x16xf32>,
        %swap3A_505 = vector.shape_cast %swap3A_504 : vector<1x16xf32> to vector<16xf32>
        %swap3A_506 = vector.shape_cast %add3A_501 : vector<16xf32> to vector<1x16xf32>
        tpu.vector_store %arg18[%swap3A_502, %swap3A_503], %swap3A_506 {strides = array<i32>} : memref<8x512xf32, #tpu.memory_space<vmem>>, vector<1x16xf32>,
        %get3A_507 = arith.index_cast %scan3A_141 : i32 to index
        %get3A_508 = arith.constant 256 : index
        %get3A_509 = tpu.vector_load %arg15[%get3A_507, %get3A_508] {strides = array<i32>} : memref<8x512xf32, #tpu.memory_space<vmem>>, vector<1x16xf32>,
        %get3A_510 = vector.shape_cast %get3A_509 : vector<1x16xf32> to vector<16xf32>
        %mul3A_511 = arith.mulf %get3A_510, %get3A_145 : vector<16xf32>
        %get3A_512 = arith.index_cast %scan3A_141 : i32 to index
        %get3A_513 = arith.constant 256 : index
        %get3A_514 = tpu.vector_load %arg16[%get3A_512, %get3A_513] {strides = array<i32>} : memref<8x512xf32, #tpu.memory_space<vmem>>, vector<1x16xf32>,
        %get3A_515 = vector.shape_cast %get3A_514 : vector<1x16xf32> to vector<16xf32>
        %mul3A_516 = arith.mulf %get3A_515, %get3A_150 : vector<16xf32>
        %add3A_517 = arith.addf %mul3A_511, %mul3A_516 : vector<16xf32>
        %get3A_518 = arith.index_cast %scan3A_141 : i32 to index
        %get3A_519 = arith.constant 256 : index
        %get3A_520 = tpu.vector_load %arg17[%get3A_518, %get3A_519] {strides = array<i32>} : memref<8x512xf32, #tpu.memory_space<vmem>>, vector<1x16xf32>,
        %get3A_521 = vector.shape_cast %get3A_520 : vector<1x16xf32> to vector<16xf32>
        %mul3A_522 = arith.mulf %get3A_521, %get3A_155 : vector<16xf32>
        %add3A_523 = arith.addf %add3A_517, %mul3A_522 : vector<16xf32>
        %swap3A_524 = arith.index_cast %scan3A_141 : i32 to index
        %swap3A_525 = arith.constant 256 : index
        %swap3A_526 = tpu.vector_load %arg18[%swap3A_524, %swap3A_525] {strides = array<i32>} : memref<8x512xf32, #tpu.memory_space<vmem>>, vector<1x16xf32>,
        %swap3A_527 = vector.shape_cast %swap3A_526 : vector<1x16xf32> to vector<16xf32>
        %swap3A_528 = vector.shape_cast %add3A_523 : vector<16xf32> to vector<1x16xf32>
        tpu.vector_store %arg18[%swap3A_524, %swap3A_525], %swap3A_528 {strides = array<i32>} : memref<8x512xf32, #tpu.memory_space<vmem>>, vector<1x16xf32>,
        %get3A_529 = arith.index_cast %scan3A_141 : i32 to index
        %get3A_530 = arith.constant 272 : index
        %get3A_531 = tpu.vector_load %arg15[%get3A_529, %get3A_530] {strides = array<i32>} : memref<8x512xf32, #tpu.memory_space<vmem>>, vector<1x16xf32>,
        %get3A_532 = vector.shape_cast %get3A_531 : vector<1x16xf32> to vector<16xf32>
        %mul3A_533 = arith.mulf %get3A_532, %get3A_145 : vector<16xf32>
        %get3A_534 = arith.index_cast %scan3A_141 : i32 to index
        %get3A_535 = arith.constant 272 : index
        %get3A_536 = tpu.vector_load %arg16[%get3A_534, %get3A_535] {strides = array<i32>} : memref<8x512xf32, #tpu.memory_space<vmem>>, vector<1x16xf32>,
        %get3A_537 = vector.shape_cast %get3A_536 : vector<1x16xf32> to vector<16xf32>
        %mul3A_538 = arith.mulf %get3A_537, %get3A_150 : vector<16xf32>
        %add3A_539 = arith.addf %mul3A_533, %mul3A_538 : vector<16xf32>
        %get3A_540 = arith.index_cast %scan3A_141 : i32 to index
        %get3A_541 = arith.constant 272 : index
        %get3A_542 = tpu.vector_load %arg17[%get3A_540, %get3A_541] {strides = array<i32>} : memref<8x512xf32, #tpu.memory_space<vmem>>, vector<1x16xf32>,
        %get3A_543 = vector.shape_cast %get3A_542 : vector<1x16xf32> to vector<16xf32>
        %mul3A_544 = arith.mulf %get3A_543, %get3A_155 : vector<16xf32>
        %add3A_545 = arith.addf %add3A_539, %mul3A_544 : vector<16xf32>
        %swap3A_546 = arith.index_cast %scan3A_141 : i32 to index
        %swap3A_547 = arith.constant 272 : index
        %swap3A_548 = tpu.vector_load %arg18[%swap3A_546, %swap3A_547] {strides = array<i32>} : memref<8x512xf32, #tpu.memory_space<vmem>>, vector<1x16xf32>,
        %swap3A_549 = vector.shape_cast %swap3A_548 : vector<1x16xf32> to vector<16xf32>
        %swap3A_550 = vector.shape_cast %add3A_545 : vector<16xf32> to vector<1x16xf32>
        tpu.vector_store %arg18[%swap3A_546, %swap3A_547], %swap3A_550 {strides = array<i32>} : memref<8x512xf32, #tpu.memory_space<vmem>>, vector<1x16xf32>,
        %get3A_551 = arith.index_cast %scan3A_141 : i32 to index
        %get3A_552 = arith.constant 288 : index
        %get3A_553 = tpu.vector_load %arg15[%get3A_551, %get3A_552] {strides = array<i32>} : memref<8x512xf32, #tpu.memory_space<vmem>>, vector<1x16xf32>,
        %get3A_554 = vector.shape_cast %get3A_553 : vector<1x16xf32> to vector<16xf32>
        %mul3A_555 = arith.mulf %get3A_554, %get3A_145 : vector<16xf32>
        %get3A_556 = arith.index_cast %scan3A_141 : i32 to index
        %get3A_557 = arith.constant 288 : index
        %get3A_558 = tpu.vector_load %arg16[%get3A_556, %get3A_557] {strides = array<i32>} : memref<8x512xf32, #tpu.memory_space<vmem>>, vector<1x16xf32>,
        %get3A_559 = vector.shape_cast %get3A_558 : vector<1x16xf32> to vector<16xf32>
        %mul3A_560 = arith.mulf %get3A_559, %get3A_150 : vector<16xf32>
        %add3A_561 = arith.addf %mul3A_555, %mul3A_560 : vector<16xf32>
        %get3A_562 = arith.index_cast %scan3A_141 : i32 to index
        %get3A_563 = arith.constant 288 : index
        %get3A_564 = tpu.vector_load %arg17[%get3A_562, %get3A_563] {strides = array<i32>} : memref<8x512xf32, #tpu.memory_space<vmem>>, vector<1x16xf32>,
        %get3A_565 = vector.shape_cast %get3A_564 : vector<1x16xf32> to vector<16xf32>
        %mul3A_566 = arith.mulf %get3A_565, %get3A_155 : vector<16xf32>
        %add3A_567 = arith.addf %add3A_561, %mul3A_566 : vector<16xf32>
        %swap3A_568 = arith.index_cast %scan3A_141 : i32 to index
        %swap3A_569 = arith.constant 288 : index
        %swap3A_570 = tpu.vector_load %arg18[%swap3A_568, %swap3A_569] {strides = array<i32>} : memref<8x512xf32, #tpu.memory_space<vmem>>, vector<1x16xf32>,
        %swap3A_571 = vector.shape_cast %swap3A_570 : vector<1x16xf32> to vector<16xf32>
        %swap3A_572 = vector.shape_cast %add3A_567 : vector<16xf32> to vector<1x16xf32>
        tpu.vector_store %arg18[%swap3A_568, %swap3A_569], %swap3A_572 {strides = array<i32>} : memref<8x512xf32, #tpu.memory_space<vmem>>, vector<1x16xf32>,
        %get3A_573 = arith.index_cast %scan3A_141 : i32 to index
        %get3A_574 = arith.constant 304 : index
        %get3A_575 = tpu.vector_load %arg15[%get3A_573, %get3A_574] {strides = array<i32>} : memref<8x512xf32, #tpu.memory_space<vmem>>, vector<1x16xf32>,
        %get3A_576 = vector.shape_cast %get3A_575 : vector<1x16xf32> to vector<16xf32>
        %mul3A_577 = arith.mulf %get3A_576, %get3A_145 : vector<16xf32>
        %get3A_578 = arith.index_cast %scan3A_141 : i32 to index
        %get3A_579 = arith.constant 304 : index
        %get3A_580 = tpu.vector_load %arg16[%get3A_578, %get3A_579] {strides = array<i32>} : memref<8x512xf32, #tpu.memory_space<vmem>>, vector<1x16xf32>,
        %get3A_581 = vector.shape_cast %get3A_580 : vector<1x16xf32> to vector<16xf32>
        %mul3A_582 = arith.mulf %get3A_581, %get3A_150 : vector<16xf32>
        %add3A_583 = arith.addf %mul3A_577, %mul3A_582 : vector<16xf32>
        %get3A_584 = arith.index_cast %scan3A_141 : i32 to index
        %get3A_585 = arith.constant 304 : index
        %get3A_586 = tpu.vector_load %arg17[%get3A_584, %get3A_585] {strides = array<i32>} : memref<8x512xf32, #tpu.memory_space<vmem>>, vector<1x16xf32>,
        %get3A_587 = vector.shape_cast %get3A_586 : vector<1x16xf32> to vector<16xf32>
        %mul3A_588 = arith.mulf %get3A_587, %get3A_155 : vector<16xf32>
        %add3A_589 = arith.addf %add3A_583, %mul3A_588 : vector<16xf32>
        %swap3A_590 = arith.index_cast %scan3A_141 : i32 to index
        %swap3A_591 = arith.constant 304 : index
        %swap3A_592 = tpu.vector_load %arg18[%swap3A_590, %swap3A_591] {strides = array<i32>} : memref<8x512xf32, #tpu.memory_space<vmem>>, vector<1x16xf32>,
        %swap3A_593 = vector.shape_cast %swap3A_592 : vector<1x16xf32> to vector<16xf32>
        %swap3A_594 = vector.shape_cast %add3A_589 : vector<16xf32> to vector<1x16xf32>
        tpu.vector_store %arg18[%swap3A_590, %swap3A_591], %swap3A_594 {strides = array<i32>} : memref<8x512xf32, #tpu.memory_space<vmem>>, vector<1x16xf32>,
        %get3A_595 = arith.index_cast %scan3A_141 : i32 to index
        %get3A_596 = arith.constant 320 : index
        %get3A_597 = tpu.vector_load %arg15[%get3A_595, %get3A_596] {strides = array<i32>} : memref<8x512xf32, #tpu.memory_space<vmem>>, vector<1x16xf32>,
        %get3A_598 = vector.shape_cast %get3A_597 : vector<1x16xf32> to vector<16xf32>
        %mul3A_599 = arith.mulf %get3A_598, %get3A_145 : vector<16xf32>
        %get3A_600 = arith.index_cast %scan3A_141 : i32 to index
        %get3A_601 = arith.constant 320 : index
        %get3A_602 = tpu.vector_load %arg16[%get3A_600, %get3A_601] {strides = array<i32>} : memref<8x512xf32, #tpu.memory_space<vmem>>, vector<1x16xf32>,
        %get3A_603 = vector.shape_cast %get3A_602 : vector<1x16xf32> to vector<16xf32>
        %mul3A_604 = arith.mulf %get3A_603, %get3A_150 : vector<16xf32>
        %add3A_605 = arith.addf %mul3A_599, %mul3A_604 : vector<16xf32>
        %get3A_606 = arith.index_cast %scan3A_141 : i32 to index
        %get3A_607 = arith.constant 320 : index
        %get3A_608 = tpu.vector_load %arg17[%get3A_606, %get3A_607] {strides = array<i32>} : memref<8x512xf32, #tpu.memory_space<vmem>>, vector<1x16xf32>,
        %get3A_609 = vector.shape_cast %get3A_608 : vector<1x16xf32> to vector<16xf32>
        %mul3A_610 = arith.mulf %get3A_609, %get3A_155 : vector<16xf32>
        %add3A_611 = arith.addf %add3A_605, %mul3A_610 : vector<16xf32>
        %swap3A_612 = arith.index_cast %scan3A_141 : i32 to index
        %swap3A_613 = arith.constant 320 : index
        %swap3A_614 = tpu.vector_load %arg18[%swap3A_612, %swap3A_613] {strides = array<i32>} : memref<8x512xf32, #tpu.memory_space<vmem>>, vector<1x16xf32>,
        %swap3A_615 = vector.shape_cast %swap3A_614 : vector<1x16xf32> to vector<16xf32>
        %swap3A_616 = vector.shape_cast %add3A_611 : vector<16xf32> to vector<1x16xf32>
        tpu.vector_store %arg18[%swap3A_612, %swap3A_613], %swap3A_616 {strides = array<i32>} : memref<8x512xf32, #tpu.memory_space<vmem>>, vector<1x16xf32>,
        %get3A_617 = arith.index_cast %scan3A_141 : i32 to index
        %get3A_618 = arith.constant 336 : index
        %get3A_619 = tpu.vector_load %arg15[%get3A_617, %get3A_618] {strides = array<i32>} : memref<8x512xf32, #tpu.memory_space<vmem>>, vector<1x16xf32>,
        %get3A_620 = vector.shape_cast %get3A_619 : vector<1x16xf32> to vector<16xf32>
        %mul3A_621 = arith.mulf %get3A_620, %get3A_145 : vector<16xf32>
        %get3A_622 = arith.index_cast %scan3A_141 : i32 to index
        %get3A_623 = arith.constant 336 : index
        %get3A_624 = tpu.vector_load %arg16[%get3A_622, %get3A_623] {strides = array<i32>} : memref<8x512xf32, #tpu.memory_space<vmem>>, vector<1x16xf32>,
        %get3A_625 = vector.shape_cast %get3A_624 : vector<1x16xf32> to vector<16xf32>
        %mul3A_626 = arith.mulf %get3A_625, %get3A_150 : vector<16xf32>
        %add3A_627 = arith.addf %mul3A_621, %mul3A_626 : vector<16xf32>
        %get3A_628 = arith.index_cast %scan3A_141 : i32 to index
        %get3A_629 = arith.constant 336 : index
        %get3A_630 = tpu.vector_load %arg17[%get3A_628, %get3A_629] {strides = array<i32>} : memref<8x512xf32, #tpu.memory_space<vmem>>, vector<1x16xf32>,
        %get3A_631 = vector.shape_cast %get3A_630 : vector<1x16xf32> to vector<16xf32>
        %mul3A_632 = arith.mulf %get3A_631, %get3A_155 : vector<16xf32>
        %add3A_633 = arith.addf %add3A_627, %mul3A_632 : vector<16xf32>
        %swap3A_634 = arith.index_cast %scan3A_141 : i32 to index
        %swap3A_635 = arith.constant 336 : index
        %swap3A_636 = tpu.vector_load %arg18[%swap3A_634, %swap3A_635] {strides = array<i32>} : memref<8x512xf32, #tpu.memory_space<vmem>>, vector<1x16xf32>,
        %swap3A_637 = vector.shape_cast %swap3A_636 : vector<1x16xf32> to vector<16xf32>
        %swap3A_638 = vector.shape_cast %add3A_633 : vector<16xf32> to vector<1x16xf32>
        tpu.vector_store %arg18[%swap3A_634, %swap3A_635], %swap3A_638 {strides = array<i32>} : memref<8x512xf32, #tpu.memory_space<vmem>>, vector<1x16xf32>,
        %get3A_639 = arith.index_cast %scan3A_141 : i32 to index
        %get3A_640 = arith.constant 352 : index
        %get3A_641 = tpu.vector_load %arg15[%get3A_639, %get3A_640] {strides = array<i32>} : memref<8x512xf32, #tpu.memory_space<vmem>>, vector<1x16xf32>,
        %get3A_642 = vector.shape_cast %get3A_641 : vector<1x16xf32> to vector<16xf32>
        %mul3A_643 = arith.mulf %get3A_642, %get3A_145 : vector<16xf32>
        %get3A_644 = arith.index_cast %scan3A_141 : i32 to index
        %get3A_645 = arith.constant 352 : index
        %get3A_646 = tpu.vector_load %arg16[%get3A_644, %get3A_645] {strides = array<i32>} : memref<8x512xf32, #tpu.memory_space<vmem>>, vector<1x16xf32>,
        %get3A_647 = vector.shape_cast %get3A_646 : vector<1x16xf32> to vector<16xf32>
        %mul3A_648 = arith.mulf %get3A_647, %get3A_150 : vector<16xf32>
        %add3A_649 = arith.addf %mul3A_643, %mul3A_648 : vector<16xf32>
        %get3A_650 = arith.index_cast %scan3A_141 : i32 to index
        %get3A_651 = arith.constant 352 : index
        %get3A_652 = tpu.vector_load %arg17[%get3A_650, %get3A_651] {strides = array<i32>} : memref<8x512xf32, #tpu.memory_space<vmem>>, vector<1x16xf32>,
        %get3A_653 = vector.shape_cast %get3A_652 : vector<1x16xf32> to vector<16xf32>
        %mul3A_654 = arith.mulf %get3A_653, %get3A_155 : vector<16xf32>
        %add3A_655 = arith.addf %add3A_649, %mul3A_654 : vector<16xf32>
        %swap3A_656 = arith.index_cast %scan3A_141 : i32 to index
        %swap3A_657 = arith.constant 352 : index
        %swap3A_658 = tpu.vector_load %arg18[%swap3A_656, %swap3A_657] {strides = array<i32>} : memref<8x512xf32, #tpu.memory_space<vmem>>, vector<1x16xf32>,
        %swap3A_659 = vector.shape_cast %swap3A_658 : vector<1x16xf32> to vector<16xf32>
        %swap3A_660 = vector.shape_cast %add3A_655 : vector<16xf32> to vector<1x16xf32>
        tpu.vector_store %arg18[%swap3A_656, %swap3A_657], %swap3A_660 {strides = array<i32>} : memref<8x512xf32, #tpu.memory_space<vmem>>, vector<1x16xf32>,
        %get3A_661 = arith.index_cast %scan3A_141 : i32 to index
        %get3A_662 = arith.constant 368 : index
        %get3A_663 = tpu.vector_load %arg15[%get3A_661, %get3A_662] {strides = array<i32>} : memref<8x512xf32, #tpu.memory_space<vmem>>, vector<1x16xf32>,
        %get3A_664 = vector.shape_cast %get3A_663 : vector<1x16xf32> to vector<16xf32>
        %mul3A_665 = arith.mulf %get3A_664, %get3A_145 : vector<16xf32>
        %get3A_666 = arith.index_cast %scan3A_141 : i32 to index
        %get3A_667 = arith.constant 368 : index
        %get3A_668 = tpu.vector_load %arg16[%get3A_666, %get3A_667] {strides = array<i32>} : memref<8x512xf32, #tpu.memory_space<vmem>>, vector<1x16xf32>,
        %get3A_669 = vector.shape_cast %get3A_668 : vector<1x16xf32> to vector<16xf32>
        %mul3A_670 = arith.mulf %get3A_669, %get3A_150 : vector<16xf32>
        %add3A_671 = arith.addf %mul3A_665, %mul3A_670 : vector<16xf32>
        %get3A_672 = arith.index_cast %scan3A_141 : i32 to index
        %get3A_673 = arith.constant 368 : index
        %get3A_674 = tpu.vector_load %arg17[%get3A_672, %get3A_673] {strides = array<i32>} : memref<8x512xf32, #tpu.memory_space<vmem>>, vector<1x16xf32>,
        %get3A_675 = vector.shape_cast %get3A_674 : vector<1x16xf32> to vector<16xf32>
        %mul3A_676 = arith.mulf %get3A_675, %get3A_155 : vector<16xf32>
        %add3A_677 = arith.addf %add3A_671, %mul3A_676 : vector<16xf32>
        %swap3A_678 = arith.index_cast %scan3A_141 : i32 to index
        %swap3A_679 = arith.constant 368 : index
        %swap3A_680 = tpu.vector_load %arg18[%swap3A_678, %swap3A_679] {strides = array<i32>} : memref<8x512xf32, #tpu.memory_space<vmem>>, vector<1x16xf32>,
        %swap3A_681 = vector.shape_cast %swap3A_680 : vector<1x16xf32> to vector<16xf32>
        %swap3A_682 = vector.shape_cast %add3A_677 : vector<16xf32> to vector<1x16xf32>
        tpu.vector_store %arg18[%swap3A_678, %swap3A_679], %swap3A_682 {strides = array<i32>} : memref<8x512xf32, #tpu.memory_space<vmem>>, vector<1x16xf32>,
        %get3A_683 = arith.index_cast %scan3A_141 : i32 to index
        %get3A_684 = arith.constant 384 : index
        %get3A_685 = tpu.vector_load %arg15[%get3A_683, %get3A_684] {strides = array<i32>} : memref<8x512xf32, #tpu.memory_space<vmem>>, vector<1x16xf32>,
        %get3A_686 = vector.shape_cast %get3A_685 : vector<1x16xf32> to vector<16xf32>
        %mul3A_687 = arith.mulf %get3A_686, %get3A_145 : vector<16xf32>
        %get3A_688 = arith.index_cast %scan3A_141 : i32 to index
        %get3A_689 = arith.constant 384 : index
        %get3A_690 = tpu.vector_load %arg16[%get3A_688, %get3A_689] {strides = array<i32>} : memref<8x512xf32, #tpu.memory_space<vmem>>, vector<1x16xf32>,
        %get3A_691 = vector.shape_cast %get3A_690 : vector<1x16xf32> to vector<16xf32>
        %mul3A_692 = arith.mulf %get3A_691, %get3A_150 : vector<16xf32>
        %add3A_693 = arith.addf %mul3A_687, %mul3A_692 : vector<16xf32>
        %get3A_694 = arith.index_cast %scan3A_141 : i32 to index
        %get3A_695 = arith.constant 384 : index
        %get3A_696 = tpu.vector_load %arg17[%get3A_694, %get3A_695] {strides = array<i32>} : memref<8x512xf32, #tpu.memory_space<vmem>>, vector<1x16xf32>,
        %get3A_697 = vector.shape_cast %get3A_696 : vector<1x16xf32> to vector<16xf32>
        %mul3A_698 = arith.mulf %get3A_697, %get3A_155 : vector<16xf32>
        %add3A_699 = arith.addf %add3A_693, %mul3A_698 : vector<16xf32>
        %swap3A_700 = arith.index_cast %scan3A_141 : i32 to index
        %swap3A_701 = arith.constant 384 : index
        %swap3A_702 = tpu.vector_load %arg18[%swap3A_700, %swap3A_701] {strides = array<i32>} : memref<8x512xf32, #tpu.memory_space<vmem>>, vector<1x16xf32>,
        %swap3A_703 = vector.shape_cast %swap3A_702 : vector<1x16xf32> to vector<16xf32>
        %swap3A_704 = vector.shape_cast %add3A_699 : vector<16xf32> to vector<1x16xf32>
        tpu.vector_store %arg18[%swap3A_700, %swap3A_701], %swap3A_704 {strides = array<i32>} : memref<8x512xf32, #tpu.memory_space<vmem>>, vector<1x16xf32>,
        %get3A_705 = arith.index_cast %scan3A_141 : i32 to index
        %get3A_706 = arith.constant 400 : index
        %get3A_707 = tpu.vector_load %arg15[%get3A_705, %get3A_706] {strides = array<i32>} : memref<8x512xf32, #tpu.memory_space<vmem>>, vector<1x16xf32>,
        %get3A_708 = vector.shape_cast %get3A_707 : vector<1x16xf32> to vector<16xf32>
        %mul3A_709 = arith.mulf %get3A_708, %get3A_145 : vector<16xf32>
        %get3A_710 = arith.index_cast %scan3A_141 : i32 to index
        %get3A_711 = arith.constant 400 : index
        %get3A_712 = tpu.vector_load %arg16[%get3A_710, %get3A_711] {strides = array<i32>} : memref<8x512xf32, #tpu.memory_space<vmem>>, vector<1x16xf32>,
        %get3A_713 = vector.shape_cast %get3A_712 : vector<1x16xf32> to vector<16xf32>
        %mul3A_714 = arith.mulf %get3A_713, %get3A_150 : vector<16xf32>
        %add3A_715 = arith.addf %mul3A_709, %mul3A_714 : vector<16xf32>
        %get3A_716 = arith.index_cast %scan3A_141 : i32 to index
        %get3A_717 = arith.constant 400 : index
        %get3A_718 = tpu.vector_load %arg17[%get3A_716, %get3A_717] {strides = array<i32>} : memref<8x512xf32, #tpu.memory_space<vmem>>, vector<1x16xf32>,
        %get3A_719 = vector.shape_cast %get3A_718 : vector<1x16xf32> to vector<16xf32>
        %mul3A_720 = arith.mulf %get3A_719, %get3A_155 : vector<16xf32>
        %add3A_721 = arith.addf %add3A_715, %mul3A_720 : vector<16xf32>
        %swap3A_722 = arith.index_cast %scan3A_141 : i32 to index
        %swap3A_723 = arith.constant 400 : index
        %swap3A_724 = tpu.vector_load %arg18[%swap3A_722, %swap3A_723] {strides = array<i32>} : memref<8x512xf32, #tpu.memory_space<vmem>>, vector<1x16xf32>,
        %swap3A_725 = vector.shape_cast %swap3A_724 : vector<1x16xf32> to vector<16xf32>
        %swap3A_726 = vector.shape_cast %add3A_721 : vector<16xf32> to vector<1x16xf32>
        tpu.vector_store %arg18[%swap3A_722, %swap3A_723], %swap3A_726 {strides = array<i32>} : memref<8x512xf32, #tpu.memory_space<vmem>>, vector<1x16xf32>,
        %get3A_727 = arith.index_cast %scan3A_141 : i32 to index
        %get3A_728 = arith.constant 416 : index
        %get3A_729 = tpu.vector_load %arg15[%get3A_727, %get3A_728] {strides = array<i32>} : memref<8x512xf32, #tpu.memory_space<vmem>>, vector<1x16xf32>,
        %get3A_730 = vector.shape_cast %get3A_729 : vector<1x16xf32> to vector<16xf32>
        %mul3A_731 = arith.mulf %get3A_730, %get3A_145 : vector<16xf32>
        %get3A_732 = arith.index_cast %scan3A_141 : i32 to index
        %get3A_733 = arith.constant 416 : index
        %get3A_734 = tpu.vector_load %arg16[%get3A_732, %get3A_733] {strides = array<i32>} : memref<8x512xf32, #tpu.memory_space<vmem>>, vector<1x16xf32>,
        %get3A_735 = vector.shape_cast %get3A_734 : vector<1x16xf32> to vector<16xf32>
        %mul3A_736 = arith.mulf %get3A_735, %get3A_150 : vector<16xf32>
        %add3A_737 = arith.addf %mul3A_731, %mul3A_736 : vector<16xf32>
        %get3A_738 = arith.index_cast %scan3A_141 : i32 to index
        %get3A_739 = arith.constant 416 : index
        %get3A_740 = tpu.vector_load %arg17[%get3A_738, %get3A_739] {strides = array<i32>} : memref<8x512xf32, #tpu.memory_space<vmem>>, vector<1x16xf32>,
        %get3A_741 = vector.shape_cast %get3A_740 : vector<1x16xf32> to vector<16xf32>
        %mul3A_742 = arith.mulf %get3A_741, %get3A_155 : vector<16xf32>
        %add3A_743 = arith.addf %add3A_737, %mul3A_742 : vector<16xf32>
        %swap3A_744 = arith.index_cast %scan3A_141 : i32 to index
        %swap3A_745 = arith.constant 416 : index
        %swap3A_746 = tpu.vector_load %arg18[%swap3A_744, %swap3A_745] {strides = array<i32>} : memref<8x512xf32, #tpu.memory_space<vmem>>, vector<1x16xf32>,
        %swap3A_747 = vector.shape_cast %swap3A_746 : vector<1x16xf32> to vector<16xf32>
        %swap3A_748 = vector.shape_cast %add3A_743 : vector<16xf32> to vector<1x16xf32>
        tpu.vector_store %arg18[%swap3A_744, %swap3A_745], %swap3A_748 {strides = array<i32>} : memref<8x512xf32, #tpu.memory_space<vmem>>, vector<1x16xf32>,
        %get3A_749 = arith.index_cast %scan3A_141 : i32 to index
        %get3A_750 = arith.constant 432 : index
        %get3A_751 = tpu.vector_load %arg15[%get3A_749, %get3A_750] {strides = array<i32>} : memref<8x512xf32, #tpu.memory_space<vmem>>, vector<1x16xf32>,
        %get3A_752 = vector.shape_cast %get3A_751 : vector<1x16xf32> to vector<16xf32>
        %mul3A_753 = arith.mulf %get3A_752, %get3A_145 : vector<16xf32>
        %get3A_754 = arith.index_cast %scan3A_141 : i32 to index
        %get3A_755 = arith.constant 432 : index
        %get3A_756 = tpu.vector_load %arg16[%get3A_754, %get3A_755] {strides = array<i32>} : memref<8x512xf32, #tpu.memory_space<vmem>>, vector<1x16xf32>,
        %get3A_757 = vector.shape_cast %get3A_756 : vector<1x16xf32> to vector<16xf32>
        %mul3A_758 = arith.mulf %get3A_757, %get3A_150 : vector<16xf32>
        %add3A_759 = arith.addf %mul3A_753, %mul3A_758 : vector<16xf32>
        %get3A_760 = arith.index_cast %scan3A_141 : i32 to index
        %get3A_761 = arith.constant 432 : index
        %get3A_762 = tpu.vector_load %arg17[%get3A_760, %get3A_761] {strides = array<i32>} : memref<8x512xf32, #tpu.memory_space<vmem>>, vector<1x16xf32>,
        %get3A_763 = vector.shape_cast %get3A_762 : vector<1x16xf32> to vector<16xf32>
        %mul3A_764 = arith.mulf %get3A_763, %get3A_155 : vector<16xf32>
        %add3A_765 = arith.addf %add3A_759, %mul3A_764 : vector<16xf32>
        %swap3A_766 = arith.index_cast %scan3A_141 : i32 to index
        %swap3A_767 = arith.constant 432 : index
        %swap3A_768 = tpu.vector_load %arg18[%swap3A_766, %swap3A_767] {strides = array<i32>} : memref<8x512xf32, #tpu.memory_space<vmem>>, vector<1x16xf32>,
        %swap3A_769 = vector.shape_cast %swap3A_768 : vector<1x16xf32> to vector<16xf32>
        %swap3A_770 = vector.shape_cast %add3A_765 : vector<16xf32> to vector<1x16xf32>
        tpu.vector_store %arg18[%swap3A_766, %swap3A_767], %swap3A_770 {strides = array<i32>} : memref<8x512xf32, #tpu.memory_space<vmem>>, vector<1x16xf32>,
        %get3A_771 = arith.index_cast %scan3A_141 : i32 to index
        %get3A_772 = arith.constant 448 : index
        %get3A_773 = tpu.vector_load %arg15[%get3A_771, %get3A_772] {strides = array<i32>} : memref<8x512xf32, #tpu.memory_space<vmem>>, vector<1x16xf32>,
        %get3A_774 = vector.shape_cast %get3A_773 : vector<1x16xf32> to vector<16xf32>
        %mul3A_775 = arith.mulf %get3A_774, %get3A_145 : vector<16xf32>
        %get3A_776 = arith.index_cast %scan3A_141 : i32 to index
        %get3A_777 = arith.constant 448 : index
        %get3A_778 = tpu.vector_load %arg16[%get3A_776, %get3A_777] {strides = array<i32>} : memref<8x512xf32, #tpu.memory_space<vmem>>, vector<1x16xf32>,
        %get3A_779 = vector.shape_cast %get3A_778 : vector<1x16xf32> to vector<16xf32>
        %mul3A_780 = arith.mulf %get3A_779, %get3A_150 : vector<16xf32>
        %add3A_781 = arith.addf %mul3A_775, %mul3A_780 : vector<16xf32>
        %get3A_782 = arith.index_cast %scan3A_141 : i32 to index
        %get3A_783 = arith.constant 448 : index
        %get3A_784 = tpu.vector_load %arg17[%get3A_782, %get3A_783] {strides = array<i32>} : memref<8x512xf32, #tpu.memory_space<vmem>>, vector<1x16xf32>,
        %get3A_785 = vector.shape_cast %get3A_784 : vector<1x16xf32> to vector<16xf32>
        %mul3A_786 = arith.mulf %get3A_785, %get3A_155 : vector<16xf32>
        %add3A_787 = arith.addf %add3A_781, %mul3A_786 : vector<16xf32>
        %swap3A_788 = arith.index_cast %scan3A_141 : i32 to index
        %swap3A_789 = arith.constant 448 : index
        %swap3A_790 = tpu.vector_load %arg18[%swap3A_788, %swap3A_789] {strides = array<i32>} : memref<8x512xf32, #tpu.memory_space<vmem>>, vector<1x16xf32>,
        %swap3A_791 = vector.shape_cast %swap3A_790 : vector<1x16xf32> to vector<16xf32>
        %swap3A_792 = vector.shape_cast %add3A_787 : vector<16xf32> to vector<1x16xf32>
        tpu.vector_store %arg18[%swap3A_788, %swap3A_789], %swap3A_792 {strides = array<i32>} : memref<8x512xf32, #tpu.memory_space<vmem>>, vector<1x16xf32>,
        %get3A_793 = arith.index_cast %scan3A_141 : i32 to index
        %get3A_794 = arith.constant 464 : index
        %get3A_795 = tpu.vector_load %arg15[%get3A_793, %get3A_794] {strides = array<i32>} : memref<8x512xf32, #tpu.memory_space<vmem>>, vector<1x16xf32>,
        %get3A_796 = vector.shape_cast %get3A_795 : vector<1x16xf32> to vector<16xf32>
        %mul3A_797 = arith.mulf %get3A_796, %get3A_145 : vector<16xf32>
        %get3A_798 = arith.index_cast %scan3A_141 : i32 to index
        %get3A_799 = arith.constant 464 : index
        %get3A_800 = tpu.vector_load %arg16[%get3A_798, %get3A_799] {strides = array<i32>} : memref<8x512xf32, #tpu.memory_space<vmem>>, vector<1x16xf32>,
        %get3A_801 = vector.shape_cast %get3A_800 : vector<1x16xf32> to vector<16xf32>
        %mul3A_802 = arith.mulf %get3A_801, %get3A_150 : vector<16xf32>
        %add3A_803 = arith.addf %mul3A_797, %mul3A_802 : vector<16xf32>
        %get3A_804 = arith.index_cast %scan3A_141 : i32 to index
        %get3A_805 = arith.constant 464 : index
        %get3A_806 = tpu.vector_load %arg17[%get3A_804, %get3A_805] {strides = array<i32>} : memref<8x512xf32, #tpu.memory_space<vmem>>, vector<1x16xf32>,
        %get3A_807 = vector.shape_cast %get3A_806 : vector<1x16xf32> to vector<16xf32>
        %mul3A_808 = arith.mulf %get3A_807, %get3A_155 : vector<16xf32>
        %add3A_809 = arith.addf %add3A_803, %mul3A_808 : vector<16xf32>
        %swap3A_810 = arith.index_cast %scan3A_141 : i32 to index
        %swap3A_811 = arith.constant 464 : index
        %swap3A_812 = tpu.vector_load %arg18[%swap3A_810, %swap3A_811] {strides = array<i32>} : memref<8x512xf32, #tpu.memory_space<vmem>>, vector<1x16xf32>,
        %swap3A_813 = vector.shape_cast %swap3A_812 : vector<1x16xf32> to vector<16xf32>
        %swap3A_814 = vector.shape_cast %add3A_809 : vector<16xf32> to vector<1x16xf32>
        tpu.vector_store %arg18[%swap3A_810, %swap3A_811], %swap3A_814 {strides = array<i32>} : memref<8x512xf32, #tpu.memory_space<vmem>>, vector<1x16xf32>,
        %get3A_815 = arith.index_cast %scan3A_141 : i32 to index
        %get3A_816 = arith.constant 480 : index
        %get3A_817 = tpu.vector_load %arg15[%get3A_815, %get3A_816] {strides = array<i32>} : memref<8x512xf32, #tpu.memory_space<vmem>>, vector<1x16xf32>,
        %get3A_818 = vector.shape_cast %get3A_817 : vector<1x16xf32> to vector<16xf32>
        %mul3A_819 = arith.mulf %get3A_818, %get3A_145 : vector<16xf32>
        %get3A_820 = arith.index_cast %scan3A_141 : i32 to index
        %get3A_821 = arith.constant 480 : index
        %get3A_822 = tpu.vector_load %arg16[%get3A_820, %get3A_821] {strides = array<i32>} : memref<8x512xf32, #tpu.memory_space<vmem>>, vector<1x16xf32>,
        %get3A_823 = vector.shape_cast %get3A_822 : vector<1x16xf32> to vector<16xf32>
        %mul3A_824 = arith.mulf %get3A_823, %get3A_150 : vector<16xf32>
        %add3A_825 = arith.addf %mul3A_819, %mul3A_824 : vector<16xf32>
        %get3A_826 = arith.index_cast %scan3A_141 : i32 to index
        %get3A_827 = arith.constant 480 : index
        %get3A_828 = tpu.vector_load %arg17[%get3A_826, %get3A_827] {strides = array<i32>} : memref<8x512xf32, #tpu.memory_space<vmem>>, vector<1x16xf32>,
        %get3A_829 = vector.shape_cast %get3A_828 : vector<1x16xf32> to vector<16xf32>
        %mul3A_830 = arith.mulf %get3A_829, %get3A_155 : vector<16xf32>
        %add3A_831 = arith.addf %add3A_825, %mul3A_830 : vector<16xf32>
        %swap3A_832 = arith.index_cast %scan3A_141 : i32 to index
        %swap3A_833 = arith.constant 480 : index
        %swap3A_834 = tpu.vector_load %arg18[%swap3A_832, %swap3A_833] {strides = array<i32>} : memref<8x512xf32, #tpu.memory_space<vmem>>, vector<1x16xf32>,
        %swap3A_835 = vector.shape_cast %swap3A_834 : vector<1x16xf32> to vector<16xf32>
        %swap3A_836 = vector.shape_cast %add3A_831 : vector<16xf32> to vector<1x16xf32>
        tpu.vector_store %arg18[%swap3A_832, %swap3A_833], %swap3A_836 {strides = array<i32>} : memref<8x512xf32, #tpu.memory_space<vmem>>, vector<1x16xf32>,
        %get3A_837 = arith.index_cast %scan3A_141 : i32 to index
        %get3A_838 = arith.constant 496 : index
        %get3A_839 = tpu.vector_load %arg15[%get3A_837, %get3A_838] {strides = array<i32>} : memref<8x512xf32, #tpu.memory_space<vmem>>, vector<1x16xf32>,
        %get3A_840 = vector.shape_cast %get3A_839 : vector<1x16xf32> to vector<16xf32>
        %mul3A_841 = arith.mulf %get3A_840, %get3A_145 : vector<16xf32>
        %get3A_842 = arith.index_cast %scan3A_141 : i32 to index
        %get3A_843 = arith.constant 496 : index
        %get3A_844 = tpu.vector_load %arg16[%get3A_842, %get3A_843] {strides = array<i32>} : memref<8x512xf32, #tpu.memory_space<vmem>>, vector<1x16xf32>,
        %get3A_845 = vector.shape_cast %get3A_844 : vector<1x16xf32> to vector<16xf32>
        %mul3A_846 = arith.mulf %get3A_845, %get3A_150 : vector<16xf32>
        %add3A_847 = arith.addf %mul3A_841, %mul3A_846 : vector<16xf32>
        %get3A_848 = arith.index_cast %scan3A_141 : i32 to index
        %get3A_849 = arith.constant 496 : index
        %get3A_850 = tpu.vector_load %arg17[%get3A_848, %get3A_849] {strides = array<i32>} : memref<8x512xf32, #tpu.memory_space<vmem>>, vector<1x16xf32>,
        %get3A_851 = vector.shape_cast %get3A_850 : vector<1x16xf32> to vector<16xf32>
        %mul3A_852 = arith.mulf %get3A_851, %get3A_155 : vector<16xf32>
        %add3A_853 = arith.addf %add3A_847, %mul3A_852 : vector<16xf32>
        %swap3A_854 = arith.index_cast %scan3A_141 : i32 to index
        %swap3A_855 = arith.constant 496 : index
        %swap3A_856 = tpu.vector_load %arg18[%swap3A_854, %swap3A_855] {strides = array<i32>} : memref<8x512xf32, #tpu.memory_space<vmem>>, vector<1x16xf32>,
        %swap3A_857 = vector.shape_cast %swap3A_856 : vector<1x16xf32> to vector<16xf32>
        %swap3A_858 = vector.shape_cast %add3A_853 : vector<16xf32> to vector<1x16xf32>
        tpu.vector_store %arg18[%swap3A_854, %swap3A_855], %swap3A_858 {strides = array<i32>} : memref<8x512xf32, #tpu.memory_space<vmem>>, vector<1x16xf32>,
      }
      %scan3A_139 = arith.constant 8 : i32
      %add3A_140 = arith.addi %add3A_39, %mul3A_133 : i32
      "tpu.region"() ({
        %run_scoped3A = tpu.sem_alloc : memref<!tpu.dma_semaphore, #tpu.memory_space<semaphore_mem>>
        %dma_start3A_141 = arith.constant 0 : i32
        %dma_start3A_142 = tpu.memref_slice %arg5[%add3A_140, %dma_start3A_141] : memref<16384x512xf32, #tpu.memory_space<hbm>> -> memref<8x512xf32, #tpu.memory_space<hbm>>
        %dma_start3A_143 = arith.constant 0 : i32
        %dma_start3A_144 = tpu.memref_slice %arg5[%add3A_140, %dma_start3A_143] : memref<16384x512xf32, #tpu.memory_space<hbm>> -> memref<8x512xf32, #tpu.memory_space<hbm>>
        tpu.enqueue_dma source(%arg18 : memref<8x512xf32, #tpu.memory_space<vmem>>) target(%dma_start3A_144 : memref<8x512xf32, #tpu.memory_space<hbm>>) target_semaphore(%run_scoped3A : memref<!tpu.dma_semaphore, #tpu.memory_space<semaphore_mem>>)
        %dma_wait3A_145 = arith.constant 0 : i32
        %dma_wait3A_146 = tpu.memref_slice %arg5[%add3A_140, %dma_wait3A_145] : memref<16384x512xf32, #tpu.memory_space<hbm>> -> memref<8x512xf32, #tpu.memory_space<hbm>>
        %dma_wait3A_147 = arith.constant 0 : i32
        %dma_wait3A_148 = tpu.memref_slice %arg5[%add3A_140, %dma_wait3A_147] : memref<16384x512xf32, #tpu.memory_space<hbm>> -> memref<8x512xf32, #tpu.memory_space<hbm>>
        tpu.wait_dma2 semaphore(%run_scoped3A : memref<!tpu.dma_semaphore, #tpu.memory_space<semaphore_mem>>) src(%arg18 : memref<8x512xf32, #tpu.memory_space<vmem>>) dst(%dma_wait3A_148 : memref<8x512xf32, #tpu.memory_space<hbm>>)
        tpu.yield
      }) : () -> ()
    }
    %scan3A_72 = arith.constant 16 : i32
    return
  }
}

module attributes {stable_mosaic.version = 14 : i64} {
  func.func @_fe_body(%arg0: i32, %arg1: i32, %arg2: memref<1x1024x3xf32, #tpu.memory_space<vmem>>, %arg3: memref<3x128xf32, #tpu.memory_space<vmem>>, %arg4: memref<1x128xf32, #tpu.memory_space<vmem>>, %arg5: memref<3x128x128xf32, #tpu.memory_space<vmem>>, %arg6: memref<3x1x128xf32, #tpu.memory_space<vmem>>, %arg7: memref<1x1024x512xf32, #tpu.memory_space<vmem>>, %arg8: memref<1x1x128xf32, #tpu.memory_space<vmem>>, %arg9: memref<1x1024x1xf32, #tpu.memory_space<vmem>>) attributes {dimension_semantics = [#tpu.dimension_semantics<arbitrary>, #tpu.dimension_semantics<arbitrary>], iteration_bounds = array<i64: 4, 4>, scalar_prefetch = 0 : i64, scratch_operands = 0 : i64, tpu.core_type = #tpu.core_type<tc>, window_params = [{transform_indices = @transform_0, window_bounds = array<i64: 1, 1024, 3>}, {pipeline_mode = #tpu.pipeline_mode<synchronous>, transform_indices = @transform_1, window_bounds = array<i64: 3, 128>}, {pipeline_mode = #tpu.pipeline_mode<synchronous>, transform_indices = @transform_2, window_bounds = array<i64: 1, 128>}, {pipeline_mode = #tpu.pipeline_mode<synchronous>, transform_indices = @transform_3, window_bounds = array<i64: 3, 128, 128>}, {pipeline_mode = #tpu.pipeline_mode<synchronous>, transform_indices = @transform_4, window_bounds = array<i64: 3, 1, 128>}, {transform_indices = @transform_5, window_bounds = array<i64: 1, 1024, 512>}, {transform_indices = @transform_6, window_bounds = array<i64: 1, 1, 128>}, {transform_indices = @transform_7, window_bounds = array<i64: 1, 1024, 1>}]} {
    %get3A = arith.constant 0 : index
    %get3A_0 = arith.constant 0 : index
    %get3A_1 = arith.constant 0 : index
    %get3A_2 = vector.load %arg2[%get3A, %get3A_0, %get3A_1] : memref<1x1024x3xf32, #tpu.memory_space<vmem>>, vector<1x1024x3xf32>
    %get3A_3 = vector.shape_cast %get3A_2 : vector<1x1024x3xf32> to vector<1024x3xf32>
    %mul3A = arith.mulf %get3A_3, %get3A_3 : vector<1024x3xf32>
    %reduce_sum3A = arith.constant dense<0.000000e+00> : vector<1024xf32>
    %reduce_sum3A_4 = vector.multi_reduction <add>, %mul3A, %reduce_sum3A [1] : vector<1024x3xf32> to vector<1024xf32>
    %broadcast_in_dim3A = vector.shape_cast %reduce_sum3A_4 : vector<1024xf32> to vector<1024x1xf32>
    %swap3A = arith.constant 0 : index
    %swap3A_5 = arith.constant 0 : index
    %swap3A_6 = arith.constant 0 : index
    %swap3A_7 = vector.load %arg9[%swap3A, %swap3A_5, %swap3A_6] : memref<1x1024x1xf32, #tpu.memory_space<vmem>>, vector<1x1024x1xf32>
    %swap3A_8 = vector.shape_cast %swap3A_7 : vector<1x1024x1xf32> to vector<1024x1xf32>
    %swap3A_9 = vector.shape_cast %broadcast_in_dim3A : vector<1024x1xf32> to vector<1x1024x1xf32>
    tpu.vector_store %arg9[%swap3A, %swap3A_5, %swap3A_6], %swap3A_9 {strides = array<i32>} : memref<1x1024x1xf32, #tpu.memory_space<vmem>>, vector<1x1024x1xf32>,
    %get3A_10 = arith.constant 0 : index
    %get3A_11 = arith.constant 0 : index
    %get3A_12 = vector.load %arg3[%get3A_10, %get3A_11] : memref<3x128xf32, #tpu.memory_space<vmem>>, vector<3x128xf32>
    %convert_element_type3A = arith.truncf %get3A_3 : vector<1024x3xf32> to vector<1024x3xbf16>
    %convert_element_type3A_13 = arith.truncf %get3A_12 : vector<3x128xf32> to vector<3x128xbf16>
    %dot_general3A = arith.constant dense<0.000000e+00> : vector<1024x128xf32>
    %dot_general3A_14 = tpu.matmul %convert_element_type3A, %convert_element_type3A_13, %dot_general3A {dimension_numbers = #tpu.dot_dimension_numbers<[1], [0], [0], [1], [0, 0, 1, 1], [], []>, transpose_lhs_hint = false} : vector<1024x3xbf16>, vector<3x128xbf16>, vector<1024x128xf32> -> vector<1024x128xf32>
    %get3A_15 = arith.constant 0 : index
    %get3A_16 = arith.constant 0 : index
    %get3A_17 = vector.load %arg4[%get3A_15, %get3A_16] : memref<1x128xf32, #tpu.memory_space<vmem>>, vector<1x128xf32>
    %add3A = vector.broadcast %get3A_17 : vector<1x128xf32> to vector<1024x128xf32>
    %add3A_18 = arith.addf %dot_general3A_14, %add3A : vector<1024x128xf32>
    %max3A = arith.constant 0.000000e+00 : f32
    %max3A_19 = vector.broadcast %max3A : f32 to vector<1024x128xf32>
    %max3A_20 = arith.maximumf %add3A_18, %max3A_19 : vector<1024x128xf32>
    %get3A_21 = arith.constant 0 : index
    %get3A_22 = arith.constant 0 : index
    %get3A_23 = arith.constant 0 : index
    %get3A_24 = vector.load %arg5[%get3A_21, %get3A_22, %get3A_23] : memref<3x128x128xf32, #tpu.memory_space<vmem>>, vector<1x128x128xf32>
    %get3A_25 = vector.shape_cast %get3A_24 : vector<1x128x128xf32> to vector<128x128xf32>
    %convert_element_type3A_26 = arith.truncf %max3A_20 : vector<1024x128xf32> to vector<1024x128xbf16>
    %convert_element_type3A_27 = arith.truncf %get3A_25 : vector<128x128xf32> to vector<128x128xbf16>
    %dot_general3A_28 = arith.constant dense<0.000000e+00> : vector<1024x128xf32>
    %dot_general3A_29 = tpu.matmul %convert_element_type3A_26, %convert_element_type3A_27, %dot_general3A_28 {dimension_numbers = #tpu.dot_dimension_numbers<[1], [0], [0], [1], [0, 0, 1, 1], [], []>, transpose_lhs_hint = false} : vector<1024x128xbf16>, vector<128x128xbf16>, vector<1024x128xf32> -> vector<1024x128xf32>
    %get3A_30 = arith.constant 0 : index
    %get3A_31 = arith.constant 0 : index
    %get3A_32 = arith.constant 0 : index
    %get3A_33 = vector.load %arg6[%get3A_30, %get3A_31, %get3A_32] : memref<3x1x128xf32, #tpu.memory_space<vmem>>, vector<1x1x128xf32>
    %get3A_34 = vector.shape_cast %get3A_33 : vector<1x1x128xf32> to vector<1x128xf32>
    %add3A_35 = vector.broadcast %get3A_34 : vector<1x128xf32> to vector<1024x128xf32>
    %add3A_36 = arith.addf %dot_general3A_29, %add3A_35 : vector<1024x128xf32>
    %max3A_37 = arith.constant 0.000000e+00 : f32
    %max3A_38 = vector.broadcast %max3A_37 : f32 to vector<1024x128xf32>
    %max3A_39 = arith.maximumf %add3A_36, %max3A_38 : vector<1024x128xf32>
    %get3A_40 = arith.constant 1 : index
    %get3A_41 = arith.constant 0 : index
    %get3A_42 = arith.constant 0 : index
    %get3A_43 = vector.load %arg5[%get3A_40, %get3A_41, %get3A_42] : memref<3x128x128xf32, #tpu.memory_space<vmem>>, vector<1x128x128xf32>
    %get3A_44 = vector.shape_cast %get3A_43 : vector<1x128x128xf32> to vector<128x128xf32>
    %convert_element_type3A_45 = arith.truncf %max3A_39 : vector<1024x128xf32> to vector<1024x128xbf16>
    %convert_element_type3A_46 = arith.truncf %get3A_44 : vector<128x128xf32> to vector<128x128xbf16>
    %dot_general3A_47 = arith.constant dense<0.000000e+00> : vector<1024x128xf32>
    %dot_general3A_48 = tpu.matmul %convert_element_type3A_45, %convert_element_type3A_46, %dot_general3A_47 {dimension_numbers = #tpu.dot_dimension_numbers<[1], [0], [0], [1], [0, 0, 1, 1], [], []>, transpose_lhs_hint = false} : vector<1024x128xbf16>, vector<128x128xbf16>, vector<1024x128xf32> -> vector<1024x128xf32>
    %get3A_49 = arith.constant 1 : index
    %get3A_50 = arith.constant 0 : index
    %get3A_51 = arith.constant 0 : index
    %get3A_52 = vector.load %arg6[%get3A_49, %get3A_50, %get3A_51] : memref<3x1x128xf32, #tpu.memory_space<vmem>>, vector<1x1x128xf32>
    %get3A_53 = vector.shape_cast %get3A_52 : vector<1x1x128xf32> to vector<1x128xf32>
    %add3A_54 = vector.broadcast %get3A_53 : vector<1x128xf32> to vector<1024x128xf32>
    %add3A_55 = arith.addf %dot_general3A_48, %add3A_54 : vector<1024x128xf32>
    %max3A_56 = arith.constant 0.000000e+00 : f32
    %max3A_57 = vector.broadcast %max3A_56 : f32 to vector<1024x128xf32>
    %max3A_58 = arith.maximumf %add3A_55, %max3A_57 : vector<1024x128xf32>
    %get3A_59 = arith.constant 2 : index
    %get3A_60 = arith.constant 0 : index
    %get3A_61 = arith.constant 0 : index
    %get3A_62 = vector.load %arg5[%get3A_59, %get3A_60, %get3A_61] : memref<3x128x128xf32, #tpu.memory_space<vmem>>, vector<1x128x128xf32>
    %get3A_63 = vector.shape_cast %get3A_62 : vector<1x128x128xf32> to vector<128x128xf32>
    %convert_element_type3A_64 = arith.truncf %max3A_58 : vector<1024x128xf32> to vector<1024x128xbf16>
    %convert_element_type3A_65 = arith.truncf %get3A_63 : vector<128x128xf32> to vector<128x128xbf16>
    %dot_general3A_66 = arith.constant dense<0.000000e+00> : vector<1024x128xf32>
    %dot_general3A_67 = tpu.matmul %convert_element_type3A_64, %convert_element_type3A_65, %dot_general3A_66 {dimension_numbers = #tpu.dot_dimension_numbers<[1], [0], [0], [1], [0, 0, 1, 1], [], []>, transpose_lhs_hint = false} : vector<1024x128xbf16>, vector<128x128xbf16>, vector<1024x128xf32> -> vector<1024x128xf32>
    %get3A_68 = arith.constant 2 : index
    %get3A_69 = arith.constant 0 : index
    %get3A_70 = arith.constant 0 : index
    %get3A_71 = vector.load %arg6[%get3A_68, %get3A_69, %get3A_70] : memref<3x1x128xf32, #tpu.memory_space<vmem>>, vector<1x1x128xf32>
    %get3A_72 = vector.shape_cast %get3A_71 : vector<1x1x128xf32> to vector<1x128xf32>
    %add3A_73 = vector.broadcast %get3A_72 : vector<1x128xf32> to vector<1024x128xf32>
    %add3A_74 = arith.addf %dot_general3A_67, %add3A_73 : vector<1024x128xf32>
    %max3A_75 = arith.constant 0.000000e+00 : f32
    %max3A_76 = vector.broadcast %max3A_75 : f32 to vector<1024x128xf32>
    %max3A_77 = arith.maximumf %add3A_74, %max3A_76 : vector<1024x128xf32>
    %concatenate3A = tpu.concatenate %max3A_20, %max3A_39, %max3A_58, %max3A_77 in 1 : vector<1024x128xf32>, vector<1024x128xf32>, vector<1024x128xf32>, vector<1024x128xf32> -> vector<1024x512xf32>
    %swap3A_78 = arith.constant 0 : index
    %swap3A_79 = arith.constant 0 : index
    %swap3A_80 = arith.constant 0 : index
    %swap3A_81 = vector.load %arg7[%swap3A_78, %swap3A_79, %swap3A_80] : memref<1x1024x512xf32, #tpu.memory_space<vmem>>, vector<1x1024x512xf32>
    %swap3A_82 = vector.shape_cast %swap3A_81 : vector<1x1024x512xf32> to vector<1024x512xf32>
    %swap3A_83 = vector.shape_cast %concatenate3A : vector<1024x512xf32> to vector<1x1024x512xf32>
    tpu.vector_store %arg7[%swap3A_78, %swap3A_79, %swap3A_80], %swap3A_83 {strides = array<i32>} : memref<1x1024x512xf32, #tpu.memory_space<vmem>>, vector<1x1024x512xf32>,
    %reduce_max3A = arith.constant dense<0xFF800000> : vector<128xf32>
    %reduce_max3A_84 = vector.multi_reduction <maximumf>, %max3A_77, %reduce_max3A [0] : vector<1024x128xf32> to vector<128xf32>
    %broadcast_in_dim3A_85 = vector.shape_cast %reduce_max3A_84 : vector<128xf32> to vector<1x128xf32>
    %eq3A = arith.constant 0 : i32
    %eq3A_86 = arith.cmpi eq, %arg1, %eq3A : i32
    %convert_element_type3A_87 = arith.extui %eq3A_86 : i1 to i32
    %cond3A = arith.constant 0 : i32
    %cond3A_88 = arith.cmpi ne, %convert_element_type3A_87, %cond3A : i32
    scf.if %cond3A_88 {
      %swap3A_93 = arith.constant 0 : index
      %swap3A_94 = arith.constant 0 : index
      %swap3A_95 = arith.constant 0 : index
      %swap3A_96 = vector.load %arg8[%swap3A_93, %swap3A_94, %swap3A_95] : memref<1x1x128xf32, #tpu.memory_space<vmem>>, vector<1x1x128xf32>
      %swap3A_97 = vector.shape_cast %swap3A_96 : vector<1x1x128xf32> to vector<1x128xf32>
      %swap3A_98 = vector.shape_cast %broadcast_in_dim3A_85 : vector<1x128xf32> to vector<1x1x128xf32>
      tpu.vector_store %arg8[%swap3A_93, %swap3A_94, %swap3A_95], %swap3A_98 {strides = array<i32>} : memref<1x1x128xf32, #tpu.memory_space<vmem>>, vector<1x1x128xf32>,
    } else {
    }
    %ne3A = arith.constant 0 : i32
    %ne3A_89 = arith.cmpi ne, %arg1, %ne3A : i32
    %convert_element_type3A_90 = arith.extui %ne3A_89 : i1 to i32
    %cond3A_91 = arith.constant 0 : i32
    %cond3A_92 = arith.cmpi ne, %convert_element_type3A_90, %cond3A_91 : i32
    scf.if %cond3A_92 {
      %get3A_93 = arith.constant 0 : index
      %get3A_94 = arith.constant 0 : index
      %get3A_95 = arith.constant 0 : index
      %get3A_96 = vector.load %arg8[%get3A_93, %get3A_94, %get3A_95] : memref<1x1x128xf32, #tpu.memory_space<vmem>>, vector<1x1x128xf32>
      %get3A_97 = vector.shape_cast %get3A_96 : vector<1x1x128xf32> to vector<1x128xf32>
      %max3A_98 = arith.maximumf %get3A_97, %broadcast_in_dim3A_85 : vector<1x128xf32>
      %swap3A_99 = arith.constant 0 : index
      %swap3A_100 = arith.constant 0 : index
      %swap3A_101 = arith.constant 0 : index
      %swap3A_102 = vector.load %arg8[%swap3A_99, %swap3A_100, %swap3A_101] : memref<1x1x128xf32, #tpu.memory_space<vmem>>, vector<1x1x128xf32>
      %swap3A_103 = vector.shape_cast %swap3A_102 : vector<1x1x128xf32> to vector<1x128xf32>
      %swap3A_104 = vector.shape_cast %max3A_98 : vector<1x128xf32> to vector<1x1x128xf32>
      tpu.vector_store %arg8[%swap3A_99, %swap3A_100, %swap3A_101], %swap3A_104 {strides = array<i32>} : memref<1x1x128xf32, #tpu.memory_space<vmem>>, vector<1x1x128xf32>,
    } else {
    }
    return
  }
  func.func @transform_0(%arg0: i32, %arg1: i32) -> (i32, i32, i32) {
    %c0_i32 = arith.constant 0 : i32
    %c0_i32_0 = arith.constant 0 : i32
    return %arg0, %arg1, %c0_i32 : i32, i32, i32
  }
  func.func @transform_1(%arg0: i32, %arg1: i32) -> (i32, i32) {
    %c0_i32 = arith.constant 0 : i32
    %c0_i32_0 = arith.constant 0 : i32
    %c0_i32_1 = arith.constant 0 : i32
    return %c0_i32, %c0_i32_0 : i32, i32
  }
  func.func @transform_2(%arg0: i32, %arg1: i32) -> (i32, i32) {
    %c0_i32 = arith.constant 0 : i32
    %c0_i32_0 = arith.constant 0 : i32
    %c0_i32_1 = arith.constant 0 : i32
    return %c0_i32, %c0_i32_0 : i32, i32
  }
  func.func @transform_3(%arg0: i32, %arg1: i32) -> (i32, i32, i32) {
    %c0_i32 = arith.constant 0 : i32
    %c0_i32_0 = arith.constant 0 : i32
    %c0_i32_1 = arith.constant 0 : i32
    %c0_i32_2 = arith.constant 0 : i32
    return %c0_i32, %c0_i32_0, %c0_i32_1 : i32, i32, i32
  }
  func.func @transform_4(%arg0: i32, %arg1: i32) -> (i32, i32, i32) {
    %c0_i32 = arith.constant 0 : i32
    %c0_i32_0 = arith.constant 0 : i32
    %c0_i32_1 = arith.constant 0 : i32
    %c0_i32_2 = arith.constant 0 : i32
    return %c0_i32, %c0_i32_0, %c0_i32_1 : i32, i32, i32
  }
  func.func @transform_5(%arg0: i32, %arg1: i32) -> (i32, i32, i32) {
    %c0_i32 = arith.constant 0 : i32
    %c0_i32_0 = arith.constant 0 : i32
    return %arg0, %arg1, %c0_i32 : i32, i32, i32
  }
  func.func @transform_6(%arg0: i32, %arg1: i32) -> (i32, i32, i32) {
    %c0_i32 = arith.constant 0 : i32
    %c0_i32_0 = arith.constant 0 : i32
    %c0_i32_1 = arith.constant 0 : i32
    return %arg0, %c0_i32, %c0_i32_0 : i32, i32, i32
  }
  func.func @transform_7(%arg0: i32, %arg1: i32) -> (i32, i32, i32) {
    %c0_i32 = arith.constant 0 : i32
    %c0_i32_0 = arith.constant 0 : i32
    return %arg0, %arg1, %c0_i32 : i32, i32, i32
  }
}

module attributes {stable_mosaic.version = 14 : i64} {
  func.func @_knn_body(%arg0: i32, %arg1: i32, %arg2: memref<1x3x4096xf32, #tpu.memory_space<vmem>>, %arg3: memref<1x3x2048xf32, #tpu.memory_space<vmem>>, %arg4: memref<1x4096x1xf32, #tpu.memory_space<vmem>>, %arg5: memref<3x1x1x2048xi32, #tpu.memory_space<vmem>>, %arg6: memref<3x1x1x2048xf32, #tpu.memory_space<vmem>>) attributes {dimension_semantics = [#tpu.dimension_semantics<arbitrary>, #tpu.dimension_semantics<arbitrary>], iteration_bounds = array<i64: 4, 2>, scalar_prefetch = 0 : i64, scratch_operands = 0 : i64, tpu.core_type = #tpu.core_type<tc>, window_params = [{transform_indices = @transform_0, window_bounds = array<i64: 1, 3, 4096>}, {transform_indices = @transform_1, window_bounds = array<i64: 1, 3, 2048>}, {transform_indices = @transform_2, window_bounds = array<i64: 1, 4096, 1>}, {transform_indices = @transform_3, window_bounds = array<i64: 3, 1, 1, 2048>}, {transform_indices = @transform_4, window_bounds = array<i64: 3, 1, 1, 2048>}]} {
    %get3A = arith.constant 0 : index
    %get3A_0 = arith.constant 0 : index
    %get3A_1 = arith.constant 0 : index
    %get3A_2 = vector.load %arg2[%get3A, %get3A_0, %get3A_1] : memref<1x3x4096xf32, #tpu.memory_space<vmem>>, vector<1x3x4096xf32>
    %get3A_3 = vector.shape_cast %get3A_2 : vector<1x3x4096xf32> to vector<3x4096xf32>
    %get3A_4 = arith.constant 0 : index
    %get3A_5 = arith.constant 0 : index
    %get3A_6 = arith.constant 0 : index
    %get3A_7 = vector.load %arg3[%get3A_4, %get3A_5, %get3A_6] : memref<1x3x2048xf32, #tpu.memory_space<vmem>>, vector<1x3x2048xf32>
    %get3A_8 = vector.shape_cast %get3A_7 : vector<1x3x2048xf32> to vector<3x2048xf32>
    %get3A_9 = arith.constant 0 : index
    %get3A_10 = arith.constant 0 : index
    %get3A_11 = arith.constant 0 : index
    %get3A_12 = vector.load %arg4[%get3A_9, %get3A_10, %get3A_11] : memref<1x4096x1xf32, #tpu.memory_space<vmem>>, vector<1x4096x1xf32>
    %get3A_13 = vector.shape_cast %get3A_12 : vector<1x4096x1xf32> to vector<4096x1xf32>
    %mul3A = arith.mulf %get3A_8, %get3A_8 : vector<3x2048xf32>
    %reduce_sum3A = arith.constant dense<0.000000e+00> : vector<2048xf32>
    %reduce_sum3A_14 = vector.multi_reduction <add>, %mul3A, %reduce_sum3A [0] : vector<3x2048xf32> to vector<2048xf32>
    %broadcast_in_dim3A = vector.shape_cast %reduce_sum3A_14 : vector<2048xf32> to vector<1x2048xf32>
    %convert_element_type3A = arith.truncf %get3A_3 : vector<3x4096xf32> to vector<3x4096xbf16>
    %convert_element_type3A_15 = arith.truncf %get3A_8 : vector<3x2048xf32> to vector<3x2048xbf16>
    %dot_general3A = arith.constant dense<0.000000e+00> : vector<4096x2048xf32>
    %dot_general3A_16 = tpu.matmul %convert_element_type3A, %convert_element_type3A_15, %dot_general3A {dimension_numbers = #tpu.dot_dimension_numbers<[0], [0], [1], [1], [0, 1, 1, 1], [], []>, transpose_lhs_hint = false} : vector<3x4096xbf16>, vector<3x2048xbf16>, vector<4096x2048xf32> -> vector<4096x2048xf32>
    %mul3A_17 = arith.constant 2.000000e+00 : f32
    %mul3A_18 = vector.broadcast %mul3A_17 : f32 to vector<4096x2048xf32>
    %mul3A_19 = arith.mulf %mul3A_18, %dot_general3A_16 : vector<4096x2048xf32>
    %sub3A = vector.broadcast %broadcast_in_dim3A : vector<1x2048xf32> to vector<4096x2048xf32>
    %sub3A_20 = arith.subf %sub3A, %mul3A_19 : vector<4096x2048xf32>
    %add3A = vector.broadcast %get3A_13 : vector<4096x1xf32> to vector<4096x2048xf32>
    %add3A_21 = arith.addf %sub3A_20, %add3A : vector<4096x2048xf32>
    %iota3A = tpu.iota {dimensions = array<i32: 0>} : vector<4096x2048xi32>
    %reduce_min3A = arith.constant dense<0x7F800000> : vector<2048xf32>
    %reduce_min3A_22 = vector.multi_reduction <minimumf>, %add3A_21, %reduce_min3A [0] : vector<4096x2048xf32> to vector<2048xf32>
    %broadcast_in_dim3A_23 = vector.shape_cast %reduce_min3A_22 : vector<2048xf32> to vector<1x2048xf32>
    %eq3A = vector.broadcast %broadcast_in_dim3A_23 : vector<1x2048xf32> to vector<4096x2048xf32>
    %eq3A_24 = arith.cmpf oeq, %add3A_21, %eq3A : vector<4096x2048xf32>
    %jit3A = arith.constant 4096 : i32
    %broadcast_in_dim3A_25 = vector.broadcast %jit3A : i32 to vector<4096x2048xi32>
    %select_n3A = arith.select %eq3A_24, %iota3A, %broadcast_in_dim3A_25 : vector<4096x2048xi1>, vector<4096x2048xi32>
    %reduce_min3A_26 = arith.constant dense<2147483647> : vector<2048xi32>
    %reduce_min3A_27 = vector.multi_reduction <minsi>, %select_n3A, %reduce_min3A_26 [0] : vector<4096x2048xi32> to vector<2048xi32>
    %broadcast_in_dim3A_28 = vector.shape_cast %reduce_min3A_27 : vector<2048xi32> to vector<1x2048xi32>
    %jit3A_29 = arith.constant 0x7F800000 : f32
    %broadcast_in_dim3A_30 = vector.broadcast %jit3A_29 : f32 to vector<4096x2048xf32>
    %select_n3A_31 = arith.select %eq3A_24, %broadcast_in_dim3A_30, %add3A_21 : vector<4096x2048xi1>, vector<4096x2048xf32>
    %reduce_min3A_32 = arith.constant dense<0x7F800000> : vector<2048xf32>
    %reduce_min3A_33 = vector.multi_reduction <minimumf>, %select_n3A_31, %reduce_min3A_32 [0] : vector<4096x2048xf32> to vector<2048xf32>
    %broadcast_in_dim3A_34 = vector.shape_cast %reduce_min3A_33 : vector<2048xf32> to vector<1x2048xf32>
    %eq3A_35 = vector.broadcast %broadcast_in_dim3A_34 : vector<1x2048xf32> to vector<4096x2048xf32>
    %eq3A_36 = arith.cmpf oeq, %select_n3A_31, %eq3A_35 : vector<4096x2048xf32>
    %jit3A_37 = arith.constant 4096 : i32
    %broadcast_in_dim3A_38 = vector.broadcast %jit3A_37 : i32 to vector<4096x2048xi32>
    %select_n3A_39 = arith.select %eq3A_36, %iota3A, %broadcast_in_dim3A_38 : vector<4096x2048xi1>, vector<4096x2048xi32>
    %reduce_min3A_40 = arith.constant dense<2147483647> : vector<2048xi32>
    %reduce_min3A_41 = vector.multi_reduction <minsi>, %select_n3A_39, %reduce_min3A_40 [0] : vector<4096x2048xi32> to vector<2048xi32>
    %broadcast_in_dim3A_42 = vector.shape_cast %reduce_min3A_41 : vector<2048xi32> to vector<1x2048xi32>
    %jit3A_43 = arith.constant 0x7F800000 : f32
    %broadcast_in_dim3A_44 = vector.broadcast %jit3A_43 : f32 to vector<4096x2048xf32>
    %select_n3A_45 = arith.select %eq3A_36, %broadcast_in_dim3A_44, %select_n3A_31 : vector<4096x2048xi1>, vector<4096x2048xf32>
    %reduce_min3A_46 = arith.constant dense<0x7F800000> : vector<2048xf32>
    %reduce_min3A_47 = vector.multi_reduction <minimumf>, %select_n3A_45, %reduce_min3A_46 [0] : vector<4096x2048xf32> to vector<2048xf32>
    %broadcast_in_dim3A_48 = vector.shape_cast %reduce_min3A_47 : vector<2048xf32> to vector<1x2048xf32>
    %eq3A_49 = vector.broadcast %broadcast_in_dim3A_48 : vector<1x2048xf32> to vector<4096x2048xf32>
    %eq3A_50 = arith.cmpf oeq, %select_n3A_45, %eq3A_49 : vector<4096x2048xf32>
    %jit3A_51 = arith.constant 4096 : i32
    %broadcast_in_dim3A_52 = vector.broadcast %jit3A_51 : i32 to vector<4096x2048xi32>
    %select_n3A_53 = arith.select %eq3A_50, %iota3A, %broadcast_in_dim3A_52 : vector<4096x2048xi1>, vector<4096x2048xi32>
    %reduce_min3A_54 = arith.constant dense<2147483647> : vector<2048xi32>
    %reduce_min3A_55 = vector.multi_reduction <minsi>, %select_n3A_53, %reduce_min3A_54 [0] : vector<4096x2048xi32> to vector<2048xi32>
    %broadcast_in_dim3A_56 = vector.shape_cast %reduce_min3A_55 : vector<2048xi32> to vector<1x2048xi32>
    %max3A = arith.constant 0.000000e+00 : f32
    %max3A_57 = vector.broadcast %max3A : f32 to vector<1x2048xf32>
    %max3A_58 = arith.maximumf %broadcast_in_dim3A_23, %max3A_57 : vector<1x2048xf32>
    %add3A_59 = arith.constant 9.99999993E-9 : f32
    %add3A_60 = vector.broadcast %add3A_59 : f32 to vector<1x2048xf32>
    %add3A_61 = arith.addf %max3A_58, %add3A_60 : vector<1x2048xf32>
    %div3A = arith.constant 1.000000e+00 : f32
    %div3A_62 = vector.broadcast %div3A : f32 to vector<1x2048xf32>
    %div3A_63 = arith.divf %div3A_62, %add3A_61 : vector<1x2048xf32>
    %max3A_64 = arith.constant 0.000000e+00 : f32
    %max3A_65 = vector.broadcast %max3A_64 : f32 to vector<1x2048xf32>
    %max3A_66 = arith.maximumf %broadcast_in_dim3A_34, %max3A_65 : vector<1x2048xf32>
    %add3A_67 = arith.constant 9.99999993E-9 : f32
    %add3A_68 = vector.broadcast %add3A_67 : f32 to vector<1x2048xf32>
    %add3A_69 = arith.addf %max3A_66, %add3A_68 : vector<1x2048xf32>
    %div3A_70 = arith.constant 1.000000e+00 : f32
    %div3A_71 = vector.broadcast %div3A_70 : f32 to vector<1x2048xf32>
    %div3A_72 = arith.divf %div3A_71, %add3A_69 : vector<1x2048xf32>
    %max3A_73 = arith.constant 0.000000e+00 : f32
    %max3A_74 = vector.broadcast %max3A_73 : f32 to vector<1x2048xf32>
    %max3A_75 = arith.maximumf %broadcast_in_dim3A_48, %max3A_74 : vector<1x2048xf32>
    %add3A_76 = arith.constant 9.99999993E-9 : f32
    %add3A_77 = vector.broadcast %add3A_76 : f32 to vector<1x2048xf32>
    %add3A_78 = arith.addf %max3A_75, %add3A_77 : vector<1x2048xf32>
    %div3A_79 = arith.constant 1.000000e+00 : f32
    %div3A_80 = vector.broadcast %div3A_79 : f32 to vector<1x2048xf32>
    %div3A_81 = arith.divf %div3A_80, %add3A_78 : vector<1x2048xf32>
    %add3A_82 = arith.addf %div3A_63, %div3A_72 : vector<1x2048xf32>
    %add3A_83 = arith.addf %add3A_82, %div3A_81 : vector<1x2048xf32>
    %div3A_84 = arith.divf %div3A_63, %add3A_83 : vector<1x2048xf32>
    %div3A_85 = arith.divf %div3A_72, %add3A_83 : vector<1x2048xf32>
    %div3A_86 = arith.divf %div3A_81, %add3A_83 : vector<1x2048xf32>
    %concatenate3A = tpu.concatenate %broadcast_in_dim3A_28, %broadcast_in_dim3A_42, %broadcast_in_dim3A_56 in 0 : vector<1x2048xi32>, vector<1x2048xi32>, vector<1x2048xi32> -> vector<3x2048xi32>
    %mul3A_87 = arith.constant 4096 : i32
    %mul3A_88 = arith.muli %arg0, %mul3A_87 : i32
    %add3A_89 = vector.broadcast %mul3A_88 : i32 to vector<3x2048xi32>
    %add3A_90 = arith.addi %concatenate3A, %add3A_89 : vector<3x2048xi32>
    %broadcast_in_dim3A_91 = vector.shape_cast %add3A_90 : vector<3x2048xi32> to vector<3x1x1x2048xi32>
    %swap3A = arith.constant 0 : index
    %swap3A_92 = arith.constant 0 : index
    %swap3A_93 = arith.constant 0 : index
    %swap3A_94 = arith.constant 0 : index
    %swap3A_95 = vector.load %arg5[%swap3A, %swap3A_92, %swap3A_93, %swap3A_94] : memref<3x1x1x2048xi32, #tpu.memory_space<vmem>>, vector<3x1x1x2048xi32>
    tpu.vector_store %arg5[%swap3A, %swap3A_92, %swap3A_93, %swap3A_94], %broadcast_in_dim3A_91 {strides = array<i32>} : memref<3x1x1x2048xi32, #tpu.memory_space<vmem>>, vector<3x1x1x2048xi32>,
    %concatenate3A_96 = tpu.concatenate %div3A_84, %div3A_85, %div3A_86 in 0 : vector<1x2048xf32>, vector<1x2048xf32>, vector<1x2048xf32> -> vector<3x2048xf32>
    %broadcast_in_dim3A_97 = vector.shape_cast %concatenate3A_96 : vector<3x2048xf32> to vector<3x1x1x2048xf32>
    %swap3A_98 = arith.constant 0 : index
    %swap3A_99 = arith.constant 0 : index
    %swap3A_100 = arith.constant 0 : index
    %swap3A_101 = arith.constant 0 : index
    %swap3A_102 = vector.load %arg6[%swap3A_98, %swap3A_99, %swap3A_100, %swap3A_101] : memref<3x1x1x2048xf32, #tpu.memory_space<vmem>>, vector<3x1x1x2048xf32>
    tpu.vector_store %arg6[%swap3A_98, %swap3A_99, %swap3A_100, %swap3A_101], %broadcast_in_dim3A_97 {strides = array<i32>} : memref<3x1x1x2048xf32, #tpu.memory_space<vmem>>, vector<3x1x1x2048xf32>,
    return
  }
  func.func @transform_0(%arg0: i32, %arg1: i32) -> (i32, i32, i32) {
    %c0_i32 = arith.constant 0 : i32
    %c0_i32_0 = arith.constant 0 : i32
    %c0_i32_1 = arith.constant 0 : i32
    return %arg0, %c0_i32, %c0_i32_0 : i32, i32, i32
  }
  func.func @transform_1(%arg0: i32, %arg1: i32) -> (i32, i32, i32) {
    %c0_i32 = arith.constant 0 : i32
    %c0_i32_0 = arith.constant 0 : i32
    return %arg0, %c0_i32, %arg1 : i32, i32, i32
  }
  func.func @transform_2(%arg0: i32, %arg1: i32) -> (i32, i32, i32) {
    %c0_i32 = arith.constant 0 : i32
    %c0_i32_0 = arith.constant 0 : i32
    %c0_i32_1 = arith.constant 0 : i32
    return %arg0, %c0_i32, %c0_i32_0 : i32, i32, i32
  }
  func.func @transform_3(%arg0: i32, %arg1: i32) -> (i32, i32, i32, i32) {
    %c0_i32 = arith.constant 0 : i32
    %c0_i32_0 = arith.constant 0 : i32
    %c0_i32_1 = arith.constant 0 : i32
    return %c0_i32, %arg0, %c0_i32_0, %arg1 : i32, i32, i32, i32
  }
  func.func @transform_4(%arg0: i32, %arg1: i32) -> (i32, i32, i32, i32) {
    %c0_i32 = arith.constant 0 : i32
    %c0_i32_0 = arith.constant 0 : i32
    %c0_i32_1 = arith.constant 0 : i32
    return %c0_i32, %arg0, %c0_i32_0, %arg1 : i32, i32, i32, i32
  }
}

module attributes {stable_mosaic.version = 14 : i64} {
  func.func @_reg_body(%arg0: i32, %arg1: i32, %arg2: memref<512x512xf32, #tpu.memory_space<vmem>>, %arg3: memref<1x512x3xf32, #tpu.memory_space<vmem>>, %arg4: memref<1x1x128xf32, #tpu.memory_space<vmem>>, %arg5: memref<3x256xf32, #tpu.memory_space<vmem>>, %arg6: memref<512x256xf32, #tpu.memory_space<vmem>>, %arg7: memref<128x256xf32, #tpu.memory_space<vmem>>, %arg8: memref<256x256xf32, #tpu.memory_space<vmem>>, %arg9: memref<1x256xf32, #tpu.memory_space<vmem>>, %arg10: memref<1x256xf32, #tpu.memory_space<vmem>>, %arg11: memref<1x256xf32, #tpu.memory_space<vmem>>, %arg12: memref<1x1xf32, #tpu.memory_space<vmem>>, %arg13: memref<512x1xf32, #tpu.memory_space<vmem>>) attributes {dimension_semantics = [#tpu.dimension_semantics<arbitrary>, #tpu.dimension_semantics<arbitrary>], iteration_bounds = array<i64: 4, 8>, scalar_prefetch = 0 : i64, scratch_operands = 0 : i64, tpu.core_type = #tpu.core_type<tc>, window_params = [{transform_indices = @transform_0, window_bounds = array<i64: 512, 512>}, {transform_indices = @transform_1, window_bounds = array<i64: 1, 512, 3>}, {transform_indices = @transform_2, window_bounds = array<i64: 1, 1, 128>}, {pipeline_mode = #tpu.pipeline_mode<synchronous>, transform_indices = @transform_3, window_bounds = array<i64: 3, 256>}, {pipeline_mode = #tpu.pipeline_mode<synchronous>, transform_indices = @transform_4, window_bounds = array<i64: 512, 256>}, {pipeline_mode = #tpu.pipeline_mode<synchronous>, transform_indices = @transform_5, window_bounds = array<i64: 128, 256>}, {pipeline_mode = #tpu.pipeline_mode<synchronous>, transform_indices = @transform_6, window_bounds = array<i64: 256, 256>}, {pipeline_mode = #tpu.pipeline_mode<synchronous>, transform_indices = @transform_7, window_bounds = array<i64: 1, 256>}, {pipeline_mode = #tpu.pipeline_mode<synchronous>, transform_indices = @transform_8, window_bounds = array<i64: 1, 256>}, {pipeline_mode = #tpu.pipeline_mode<synchronous>, transform_indices = @transform_9, window_bounds = array<i64: 1, 256>}, {pipeline_mode = #tpu.pipeline_mode<synchronous>, transform_indices = @transform_10, window_bounds = array<i64: 1, 1>}, {transform_indices = @transform_11, window_bounds = array<i64: 512, 1>}]} {
    %get3A = arith.constant 0 : index
    %get3A_0 = arith.constant 0 : index
    %get3A_1 = vector.load %arg2[%get3A, %get3A_0] : memref<512x512xf32, #tpu.memory_space<vmem>>, vector<512x512xf32>
    %get3A_2 = arith.constant 0 : index
    %get3A_3 = arith.constant 0 : index
    %get3A_4 = vector.load %arg6[%get3A_2, %get3A_3] : memref<512x256xf32, #tpu.memory_space<vmem>>, vector<512x256xf32>
    %convert_element_type3A = arith.truncf %get3A_1 : vector<512x512xf32> to vector<512x512xbf16>
    %convert_element_type3A_5 = arith.truncf %get3A_4 : vector<512x256xf32> to vector<512x256xbf16>
    %dot_general3A = arith.constant dense<0.000000e+00> : vector<512x256xf32>
    %dot_general3A_6 = tpu.matmul %convert_element_type3A, %convert_element_type3A_5, %dot_general3A {dimension_numbers = #tpu.dot_dimension_numbers<[1], [0], [0], [1], [0, 0, 1, 1], [], []>, transpose_lhs_hint = false} : vector<512x512xbf16>, vector<512x256xbf16>, vector<512x256xf32> -> vector<512x256xf32>
    %get3A_7 = arith.constant 0 : index
    %get3A_8 = arith.constant 0 : index
    %get3A_9 = arith.constant 0 : index
    %get3A_10 = vector.load %arg3[%get3A_7, %get3A_8, %get3A_9] : memref<1x512x3xf32, #tpu.memory_space<vmem>>, vector<1x512x3xf32>
    %get3A_11 = vector.shape_cast %get3A_10 : vector<1x512x3xf32> to vector<512x3xf32>
    %get3A_12 = arith.constant 0 : index
    %get3A_13 = arith.constant 0 : index
    %get3A_14 = vector.load %arg5[%get3A_12, %get3A_13] : memref<3x256xf32, #tpu.memory_space<vmem>>, vector<3x256xf32>
    %convert_element_type3A_15 = arith.truncf %get3A_11 : vector<512x3xf32> to vector<512x3xbf16>
    %convert_element_type3A_16 = arith.truncf %get3A_14 : vector<3x256xf32> to vector<3x256xbf16>
    %dot_general3A_17 = arith.constant dense<0.000000e+00> : vector<512x256xf32>
    %dot_general3A_18 = tpu.matmul %convert_element_type3A_15, %convert_element_type3A_16, %dot_general3A_17 {dimension_numbers = #tpu.dot_dimension_numbers<[1], [0], [0], [1], [0, 0, 1, 1], [], []>, transpose_lhs_hint = false} : vector<512x3xbf16>, vector<3x256xbf16>, vector<512x256xf32> -> vector<512x256xf32>
    %add3A = arith.addf %dot_general3A_6, %dot_general3A_18 : vector<512x256xf32>
    %get3A_19 = arith.constant 0 : index
    %get3A_20 = arith.constant 0 : index
    %get3A_21 = arith.constant 0 : index
    %get3A_22 = vector.load %arg4[%get3A_19, %get3A_20, %get3A_21] : memref<1x1x128xf32, #tpu.memory_space<vmem>>, vector<1x1x128xf32>
    %get3A_23 = vector.shape_cast %get3A_22 : vector<1x1x128xf32> to vector<1x128xf32>
    %get3A_24 = arith.constant 0 : index
    %get3A_25 = arith.constant 0 : index
    %get3A_26 = vector.load %arg7[%get3A_24, %get3A_25] : memref<128x256xf32, #tpu.memory_space<vmem>>, vector<128x256xf32>
    %convert_element_type3A_27 = arith.truncf %get3A_23 : vector<1x128xf32> to vector<1x128xbf16>
    %convert_element_type3A_28 = arith.truncf %get3A_26 : vector<128x256xf32> to vector<128x256xbf16>
    %dot_general3A_29 = arith.constant dense<0.000000e+00> : vector<1x256xf32>
    %dot_general3A_30 = tpu.matmul %convert_element_type3A_27, %convert_element_type3A_28, %dot_general3A_29 {dimension_numbers = #tpu.dot_dimension_numbers<[1], [0], [0], [1], [0, 0, 1, 1], [], []>, transpose_lhs_hint = false} : vector<1x128xbf16>, vector<128x256xbf16>, vector<1x256xf32> -> vector<1x256xf32>
    %add3A_31 = vector.broadcast %dot_general3A_30 : vector<1x256xf32> to vector<512x256xf32>
    %add3A_32 = arith.addf %add3A, %add3A_31 : vector<512x256xf32>
    %get3A_33 = arith.constant 0 : index
    %get3A_34 = arith.constant 0 : index
    %get3A_35 = vector.load %arg10[%get3A_33, %get3A_34] : memref<1x256xf32, #tpu.memory_space<vmem>>, vector<1x256xf32>
    %add3A_36 = vector.broadcast %get3A_35 : vector<1x256xf32> to vector<512x256xf32>
    %add3A_37 = arith.addf %add3A_32, %add3A_36 : vector<512x256xf32>
    %max3A = arith.constant 0.000000e+00 : f32
    %max3A_38 = vector.broadcast %max3A : f32 to vector<512x256xf32>
    %max3A_39 = arith.maximumf %add3A_37, %max3A_38 : vector<512x256xf32>
    %get3A_40 = arith.constant 0 : index
    %get3A_41 = arith.constant 0 : index
    %get3A_42 = vector.load %arg8[%get3A_40, %get3A_41] : memref<256x256xf32, #tpu.memory_space<vmem>>, vector<256x256xf32>
    %convert_element_type3A_43 = arith.truncf %max3A_39 : vector<512x256xf32> to vector<512x256xbf16>
    %convert_element_type3A_44 = arith.truncf %get3A_42 : vector<256x256xf32> to vector<256x256xbf16>
    %dot_general3A_45 = arith.constant dense<0.000000e+00> : vector<512x256xf32>
    %dot_general3A_46 = tpu.matmul %convert_element_type3A_43, %convert_element_type3A_44, %dot_general3A_45 {dimension_numbers = #tpu.dot_dimension_numbers<[1], [0], [0], [1], [0, 0, 1, 1], [], []>, transpose_lhs_hint = false} : vector<512x256xbf16>, vector<256x256xbf16>, vector<512x256xf32> -> vector<512x256xf32>
    %get3A_47 = arith.constant 0 : index
    %get3A_48 = arith.constant 0 : index
    %get3A_49 = vector.load %arg11[%get3A_47, %get3A_48] : memref<1x256xf32, #tpu.memory_space<vmem>>, vector<1x256xf32>
    %add3A_50 = vector.broadcast %get3A_49 : vector<1x256xf32> to vector<512x256xf32>
    %add3A_51 = arith.addf %dot_general3A_46, %add3A_50 : vector<512x256xf32>
    %max3A_52 = arith.constant 0.000000e+00 : f32
    %max3A_53 = vector.broadcast %max3A_52 : f32 to vector<512x256xf32>
    %max3A_54 = arith.maximumf %add3A_51, %max3A_53 : vector<512x256xf32>
    %convert_element_type3A_55 = arith.truncf %max3A_54 : vector<512x256xf32> to vector<512x256xbf16>
    %convert_element_type3A_56 = arith.extf %convert_element_type3A_55 : vector<512x256xbf16> to vector<512x256xf32>
    %get3A_57 = arith.constant 0 : index
    %get3A_58 = arith.constant 0 : index
    %get3A_59 = vector.load %arg9[%get3A_57, %get3A_58] : memref<1x256xf32, #tpu.memory_space<vmem>>, vector<1x256xf32>
    %convert_element_type3A_60 = arith.truncf %get3A_59 : vector<1x256xf32> to vector<1x256xbf16>
    %convert_element_type3A_61 = arith.extf %convert_element_type3A_60 : vector<1x256xbf16> to vector<1x256xf32>
    %mul3A = vector.broadcast %convert_element_type3A_61 : vector<1x256xf32> to vector<512x256xf32>
    %mul3A_62 = arith.mulf %convert_element_type3A_56, %mul3A : vector<512x256xf32>
    %reduce_sum3A = arith.constant dense<0.000000e+00> : vector<512xf32>
    %reduce_sum3A_63 = vector.multi_reduction <add>, %mul3A_62, %reduce_sum3A [1] : vector<512x256xf32> to vector<512xf32>
    %broadcast_in_dim3A = vector.shape_cast %reduce_sum3A_63 : vector<512xf32> to vector<512x1xf32>
    %get3A_64 = arith.constant 0 : index
    %get3A_65 = arith.constant 0 : index
    %get3A_66 = vector.load %arg12[%get3A_64, %get3A_65] : memref<1x1xf32, #tpu.memory_space<vmem>>, vector<1x1xf32>
    %add3A_67 = vector.broadcast %get3A_66 : vector<1x1xf32> to vector<512x1xf32>
    %add3A_68 = arith.addf %broadcast_in_dim3A, %add3A_67 : vector<512x1xf32>
    %swap3A = arith.constant 0 : index
    %swap3A_69 = arith.constant 0 : index
    %swap3A_70 = vector.load %arg13[%swap3A, %swap3A_69] : memref<512x1xf32, #tpu.memory_space<vmem>>, vector<512x1xf32>
    tpu.vector_store %arg13[%swap3A, %swap3A_69], %add3A_68 {strides = array<i32>} : memref<512x1xf32, #tpu.memory_space<vmem>>, vector<512x1xf32>,
    return
  }
  func.func @transform_0(%arg0: i32, %arg1: i32) -> (i32, i32) {
    %mul3A = arith.constant 8 : i32
    %mul3A_0 = arith.muli %arg0, %mul3A : i32
    %add3A = arith.addi %mul3A_0, %arg1 : i32
    %c0_i32 = arith.constant 0 : i32
    %c0_i32_1 = arith.constant 0 : i32
    return %add3A, %c0_i32 : i32, i32
  }
  func.func @transform_1(%arg0: i32, %arg1: i32) -> (i32, i32, i32) {
    %c0_i32 = arith.constant 0 : i32
    %c0_i32_0 = arith.constant 0 : i32
    return %arg0, %arg1, %c0_i32 : i32, i32, i32
  }
  func.func @transform_2(%arg0: i32, %arg1: i32) -> (i32, i32, i32) {
    %c0_i32 = arith.constant 0 : i32
    %c0_i32_0 = arith.constant 0 : i32
    %c0_i32_1 = arith.constant 0 : i32
    return %arg0, %c0_i32, %c0_i32_0 : i32, i32, i32
  }
  func.func @transform_3(%arg0: i32, %arg1: i32) -> (i32, i32) {
    %c0_i32 = arith.constant 0 : i32
    %c0_i32_0 = arith.constant 0 : i32
    %c0_i32_1 = arith.constant 0 : i32
    return %c0_i32, %c0_i32_0 : i32, i32
  }
  func.func @transform_4(%arg0: i32, %arg1: i32) -> (i32, i32) {
    %c0_i32 = arith.constant 0 : i32
    %c0_i32_0 = arith.constant 0 : i32
    %c0_i32_1 = arith.constant 0 : i32
    return %c0_i32, %c0_i32_0 : i32, i32
  }
  func.func @transform_5(%arg0: i32, %arg1: i32) -> (i32, i32) {
    %c0_i32 = arith.constant 0 : i32
    %c0_i32_0 = arith.constant 0 : i32
    %c0_i32_1 = arith.constant 0 : i32
    return %c0_i32, %c0_i32_0 : i32, i32
  }
  func.func @transform_6(%arg0: i32, %arg1: i32) -> (i32, i32) {
    %c0_i32 = arith.constant 0 : i32
    %c0_i32_0 = arith.constant 0 : i32
    %c0_i32_1 = arith.constant 0 : i32
    return %c0_i32, %c0_i32_0 : i32, i32
  }
  func.func @transform_7(%arg0: i32, %arg1: i32) -> (i32, i32) {
    %c0_i32 = arith.constant 0 : i32
    %c0_i32_0 = arith.constant 0 : i32
    %c0_i32_1 = arith.constant 0 : i32
    return %c0_i32, %c0_i32_0 : i32, i32
  }
  func.func @transform_8(%arg0: i32, %arg1: i32) -> (i32, i32) {
    %c0_i32 = arith.constant 0 : i32
    %c0_i32_0 = arith.constant 0 : i32
    %c0_i32_1 = arith.constant 0 : i32
    return %c0_i32, %c0_i32_0 : i32, i32
  }
  func.func @transform_9(%arg0: i32, %arg1: i32) -> (i32, i32) {
    %c0_i32 = arith.constant 0 : i32
    %c0_i32_0 = arith.constant 0 : i32
    %c0_i32_1 = arith.constant 0 : i32
    return %c0_i32, %c0_i32_0 : i32, i32
  }
  func.func @transform_10(%arg0: i32, %arg1: i32) -> (i32, i32) {
    %c0_i32 = arith.constant 0 : i32
    %c0_i32_0 = arith.constant 0 : i32
    %c0_i32_1 = arith.constant 0 : i32
    return %c0_i32, %c0_i32_0 : i32, i32
  }
  func.func @transform_11(%arg0: i32, %arg1: i32) -> (i32, i32) {
    %mul3A = arith.constant 8 : i32
    %mul3A_0 = arith.muli %arg0, %mul3A : i32
    %add3A = arith.addi %mul3A_0, %arg1 : i32
    %c0_i32 = arith.constant 0 : i32
    %c0_i32_1 = arith.constant 0 : i32
    return %add3A, %c0_i32 : i32, i32
  }
}

</mosaic_0001>

<sc_bundles>
// kernel: kernel.6.cloned.1.call-start
scs
__scs_entry_jumppad:
0x0: {  	(pc) =	sbr.rel $0x88, $3  }
0x1: {  	(tag) =	ssettag $0x0;
	lr =	simm.s32 $0x1  }
0x2: {  	[smem:$0x3F95] =	sst lr;
	_ =	strace $0xD0000000  }
0x3: {  	_ = 	snop  }
0x4: {  	_ = 	snop  }
0x5: {  	_ = 	snop  }
0x6: {  	_ = 	snop  }
0x7: {  	_ = 	snop  }
__scs_overlays_trampoline_lowered:
0x8: {  	[smem:$0x3FA4] =	sst s0  }
0x9: {  	[smem:$0x3FA5] =	sst s1  }
0xa: {  	[smem:$0x3FA6] =	sst s2  }
0xb: {  	[smem:$0x3FA7] =	sst s3  }
0xc: {  	[smem:$0x3FA8] =	sst s4  }
0xd: {  	[smem:$0x3FA9] =	sst s5  }
0xe: {  	[smem:$0x3FAA] =	sst s6  }
0xf: {  	[smem:$0x3FAB] =	sst s7  }
0x10: {  	[smem:$0x3FAC] =	sst s8  }
0x11: {  	[smem:$0x3FAD] =	sst s9;
	s0 =	simm.s32 @!p0 $0x0  }
0x12: {  	s1 =	sld [smem:$0x3F93];
	s0 =	simm.s32 @p0 $0x1  }
0x13: {  	[smem:$0x3FAE] =	sst s0;
	s0 =	simm.s32 @!p1 $0x0  }
0x14: {  	s2 =	sld [smem:$0x3F92];
	s0 =	simm.s32 @p1 $0x1  }
0x15: {  	[smem:$0x3FAF] =	sst s0;
	s0 =	simm.s32 @!p2 $0x0  }
0x16: {  	s3 =	sld [smem:$0x3FDB];
	s0 =	simm.s32 @p2 $0x1  }
0x17: {  	s4 =	simm.s32 $0x1BF5;
	[smem:$0x3FB1] =	sst s0  }
0x18: {  	s0 =	sld [smem:$0x3F94];
	_ =	swait.ge [sflag:s4], $0x0  }
0x19: {  	s7 =	sld [smem:$0x3F95]  }
0x1a: {  	s8 =	sadd.s32 $0xFFFFE003, lr  }
0x1b: {  	s9 =	sadd.s32 $0xFFFFFEF7, lr;
	s5 =	simm.s32 $0xFFFFFFFF;
	p2 =	slt.u32 s8, $0xFFFFF086  }
0x1c: {  	p1 =	slt.u32 s9, $0xF7A;
	s5 =	simm.s32 @!p2 $0x0  }
0x1d: {  	s5 =	simm.s32 @p1 $0x1;
	p0 =	seq.s32 s7, s2  }
0x1e: {  	s7 =	smul.u32 @!p0 $0xF7A, s2;
	p2 =	seq.s32 @!p0 s5, $0x0  }
0x1f: {  	s9 =	smul.u32 $0xF7A, s1;
	s8 =	simm.s32 @!p0 $0x1BF5;
	p2 =	por !p2, p0  }
0x20: {  	[sflag:s8] =	ssyncset.s32 @!p0 $0xFFFFF086;
	s6 =	sadd.s32 @!p0 s3, s7;
	s7 =	simm.s32 @!p0 $0x108  }
0x21: {  	s3 =	sadd.s32 s3, s9;
	s6 =	sadd.s32 @!p0 $0x88, s6;
	s7 =	simm.s32 @p2 $0x1082  }
0x22: {  	[simem:s7], [sflag:s8] =	dma.local @!p0 [hbm:s6], $0xF7A  }
0x23: {  	s9 =	sor.u32 $0xD0000000, s2;
	s6 =	simm.s32 $0x108;
	_ =	swait.ge @!p0 [sflag:s8], $0x0  }
0x24: {  	s3 =	sadd.s32 $0x88, s3;
	s6 =	simm.s32 @!p1 $0x1082;
	[sflag:s4] =	ssyncset.s32 $0xFFFFF086  }
0x25: {  	[simem:s6], [sflag:s4] =	dma.local [hbm:s3], $0xF7A  }
0x26: {  	[smem:$0x3F95] =	sst s1;
	(tag) =	ssettag s2;
	_ =	strace s9  }
0x27: {  	s1 =	sld [smem:$0x3FA5]  }
0x28: {  	s2 =	sld [smem:$0x3FA6]  }
0x29: {  	s4 =	sld [smem:$0x3FA8]  }
0x2a: {  	p0 =	seq.s32 s5, $0x0;
	s5 =	sld [smem:$0x3FA9]  }
0x2b: {  	s6 =	sld [smem:$0x3FAA]  }
0x2c: {  	s7 =	sld [smem:$0x3FAB]  }
0x2d: {  	s3 =	simm.s32 $0x108;
	s8 =	sld [smem:$0x3FAC]  }
0x2e: {  	s3 =	simm.s32 @!p0 $0x1082;
	s9 =	sld [smem:$0x3FAD]  }
0x2f: {  	lr =	sadd.s32 s0, s3;
	s0 =	sld [smem:$0x3FA4]  }
0x30: {  	s3 =	sld [smem:$0x3FA7]  }
0x31: {  	[smem:$0x3FB0] =	sst s10  }
0x32: {  	s10 =	sld [smem:$0x3FAE];
	_ =	sdelay $0x3  }
0x33: {  	p0 =	seq.s32 s10, $0x1;
	s10 =	sld [smem:$0x3FB0];
	_ =	sdelay $0x3  }
0x34: {  	[smem:$0x3FB0] =	sst s10  }
0x35: {  	s10 =	sld [smem:$0x3FAF];
	_ =	sdelay $0x3  }
0x36: {  	p1 =	seq.s32 s10, $0x1;
	s10 =	sld [smem:$0x3FB0];
	_ =	sdelay $0x3  }
0x37: {  	[smem:$0x3FB0] =	sst s10  }
0x38: {  	s10 =	sld [smem:$0x3FB1]  }
0x39: {  	_ = 	snop;
	(pc) =	sbr.ind lr, $3  }
0x3a: {  	_ = 	snop  }
0x3b: {  	_ = 	snop  }
0x3c: {  	p2 =	seq.s32 s10, $0x1;
	s10 =	sld [smem:$0x3FB0]  }
0x3d: {  	_ =	shalt  }
0x3e: {  	_ =	shalt  }
0x3f: {  	_ =	shalt  }
0x40: {  	_ =	shalt  }
0x41: {  	_ =	shalt  }
0x42: {  	_ =	shalt  }
0x43: {  	_ =	shalt  }
0x44: {  	_ =	shalt  }
0x45: {  	_ =	shalt  }
0x46: {  	_ =	shalt  }
0x47: {  	_ =	shalt  }
0x48: {  	_ =	shalt  }
0x49: {  	_ =	shalt  }
0x4a: {  	_ =	shalt  }
0x4b: {  	_ =	shalt  }
0x4c: {  	_ =	shalt  }
0x4d: {  	_ =	shalt  }
0x4e: {  	_ =	shalt  }
0x4f: {  	_ =	shalt  }
0x50: {  	_ =	shalt  }
0x51: {  	_ =	shalt  }
0x52: {  	_ =	shalt  }
0x53: {  	_ =	shalt  }
0x54: {  	_ =	shalt  }
0x55: {  	_ =	shalt  }
0x56: {  	_ =	shalt  }
0x57: {  	_ =	shalt  }
0x58: {  	_ =	shalt  }
0x59: {  	_ =	shalt  }
0x5a: {  	_ =	shalt  }
0x5b: {  	_ =	shalt  }
0x5c: {  	_ =	shalt  }
0x5d: {  	_ =	shalt  }
0x5e: {  	_ =	shalt  }
0x5f: {  	_ =	shalt  }
0x60: {  	_ =	shalt  }
0x61: {  	_ =	shalt  }
0x62: {  	_ =	shalt  }
0x63: {  	_ =	shalt  }
0x64: {  	_ =	shalt  }
0x65: {  	_ =	shalt  }
0x66: {  	_ =	shalt  }
0x67: {  	_ =	shalt  }
0x68: {  	_ =	shalt  }
0x69: {  	_ =	shalt  }
0x6a: {  	_ =	shalt  }
0x6b: {  	_ =	shalt  }
0x6c: {  	_ =	shalt  }
0x6d: {  	_ =	shalt  }
0x6e: {  	_ =	shalt  }
0x6f: {  	_ =	shalt  }
0x70: {  	_ =	shalt  }
0x71: {  	_ =	shalt  }
0x72: {  	_ =	shalt  }
0x73: {  	_ =	shalt  }
0x74: {  	_ =	shalt  }
0x75: {  	_ =	shalt  }
0x76: {  	_ =	shalt  }
0x77: {  	_ =	shalt  }
0x78: {  	_ =	shalt  }
0x79: {  	_ =	shalt  }
0x7a: {  	_ =	shalt  }
0x7b: {  	_ =	shalt  }
0x7c: {  	_ =	shalt  }
0x7d: {  	_ =	shalt  }
0x7e: {  	_ =	shalt  }
0x7f: {  	_ =	shalt  }
0x80: {  	_ =	shalt  }
0x81: {  	_ =	shalt  }
0x82: {  	_ =	shalt  }
0x83: {  	_ =	shalt  }
0x84: {  	_ =	shalt  }
0x85: {  	_ =	shalt  }
0x86: {  	_ =	shalt  }
0x87: {  	_ =	shalt  }
.Lfunc_end0:
.L_simem_size_0:
called_computation_lowered:
.L_overlay_start_0:
0x88: {  	s2 =	sld [smem:$0x3FD9]  }
0x89: {  	s3 =	sld [smem:$0x3FFE];
	_ =	sdelay $0x1  }
0x8a: {  	s1 =	srdreg.scid  }
0x8b: {  	s0 =	sand.u32 $0x1, s1  }
0x8c: {  	s16 =	sshll.u32 s0, $0xA;
	s2 =	sadd.s32 s3, s2  }
0x8d: {  	s2 =	sadd.s32 s2, s16  }
0x8e: {  	[smem:$0x3FBC] =	sst s2  }
0x8f: {  	_ = 	snop  }
0x90: {  	(tm) =	ssettm $0x1  }
0x91: {  	s17 =	sld [smem:$0x3FFB];
	_ =	sdelay $0x3  }
0x92: {  	_ =	strace s17  }
0x93: {  	s2 =	sld [smem:$0x3FFC];
	_ =	sdelay $0x3  }
0x94: {  	_ =	strace s2  }
0x95: {  	s2 =	sld [smem:$0x3FFD];
	_ =	sdelay $0x3  }
0x96: {  	_ =	strace s2  }
0x97: {  	_ =	strace $0x8FFFFFFF  }
0x98: {  	s18 =	sld [smem:$0x3FDB];
	_ =	sdelay $0x1  }
0x99: {  	s19 =	simm.s32 $_scs_section_size  }
0x9a: {  	s4 =	simm.s32 $_size__tile_overlayer_lowered;
	s5 =	simm.s32 $_tile_overlayer_lowered  }
0x9b: {  	s22 =	simm.s32 $0x1BFF;
	s21 =	sshll.u32 s5, $0x1;
	s2 =	sadd.s32 s19, s18  }
0x9c: {  	s6 =	simm.s32 $0x0;
	s20 =	sshll.u32 s4, $0x1;
	s4 =	sadd.s32 s21, s2  }
0x9d: {  	[timem:s6], [sflag:s22] =	dma.local [hbm:s4], s20  }
0x9e: {  	_ =	swait.ge [sflag:s22], s20  }
0x9f: {  	s3 =	ssub.s32 $0x0, s20;
	[sflag:s22] =	ssyncset.done $0x0  }
0xa0: {  	[sflag:s22] =	ssyncadd.s32 s3;
	_ =	sdelay $0x1  }
0xa1: {  	s23 =	simm.s32 $0x1B8B  }
0xa2: {  	_ =	swait.ge [sflag:s23], $0x1  }
0xa3: {  	[sflag:s23] =	ssyncset.done $0x0  }
0xa4: {  	s25 =	simm.s32 $0x1B8E;
	s24 =	sld [smem:$0x3FFE];
	[sflag:s23] =	ssyncadd.s32 $0xFFFFFFFF  }
0xa5: {  	s26 =	simm.s32 $execute0_lowered;
	[smem:$0x3FD2] =	sst s25  }
0xa6: {  	s4 =	sshll.u32 s26, $0x1;
	_ =	strace $0x80000046;
	[dreg:$0x1] =	wrdreg $0xFFFFFFFF  }
0xa7: {  	s28 =	simm.s32 $_size_execute0_lowered;
	s2 =	sadd.s32 s2, s4;
	[dreg:$0x0] =	wrdreg $0x0  }
0xa8: {  	s4 =	sshll.u32 s28, $0x1;
	[dreg:$0x2] =	wrdreg s2  }
0xa9: {  	[dreg:$0x3] =	wrdreg s4  }
0xaa: {  	[dreg:$0x4] =	wrdreg $0xC0  }
0xab: {  	_ =	task [dreg:s6], $0x5FFFF  }
0xac: {  	[dreg:$0x1] =	wrdreg $0xFFFFFFFF  }
0xad: {  	[dreg:$0x0] =	wrdreg $0x60  }
0xae: {  	[dreg:$0x2] =	wrdreg s24  }
0xaf: {  	[dreg:$0x3] =	wrdreg $0x9  }
0xb0: {  	_ =	task.clear_ibuf [dreg:s6], $0x4FFFF;
	_ =	strace $0x90000046  }
0xb1: {  	s29 =	simm.s32 $0x9;
	_ =	strace $0x80000048  }
0xb2: {  	_ =	swait.ge [sflag:s29], $0x1  }
0xb3: {  	[sflag:s29] =	ssyncadd.s32 $0xFFFFFFFF  }
0xb4: {  	_ =	strace $0x90000048  }
0xb5: {  	_ =	sfence  }
0xb6: {  	s30 =	sld [smem:$0x0];
	_ =	sdelay $0x2  }
0xb7: {  	s31 =	sshll.u32 s1, $0xD;
	s1 =	sshrl.u32 s1, $0x2  }
0xb8: {  	s3 =	sand.u32 $0x4000, s31;
	s1 =	sadd.s32 s1, s30  }
0xb9: {  	s0 =	sor.u32 s3, s0;
	s1 =	sshll.u32 s1, $0x11  }
0xba: {  	s0 =	sor.u32 s1, s0  }
0xbb: {  	s0 =	sadd.s32 $0x8F2B, s0  }
0xbc: {  	[sflag:s0] =	ssyncadd.remote.s32 $0x1  }
0xbd: {  	_ =	sfence.sel $0xFFFF  }
0xbe: {  	[dreg:$0x0] =	wrdreg $0xFFFFFFFF;
	(pc) =	sbr.abs _section_cstart, $3  }
0xbf: {  	[dreg:$0x1] =	wrdreg $0xFFFFFFFF  }
0xc0: {  	_ =	task.clear_ibuf [dreg:s6], $0x2FFFF;
	_ =	strace $0x9FFFFFFF  }
0xc1: {  	(tm) =	ssettm $0x7FFFFFFF  }
tec
execute0_lowered:
.L_overlay_start_1:
0x0: {  	(tag) =	ssettag $0x1  }
0x1: {  	s0 =	rddreg [dreg:$0x0];
	s1 =	simm.s32 $0x0  }
0x2: {  	s4 =	srdreg.scid;
	s5 =	stileid.u32;
	s31 =	simm.s32 $0x1B300  }
0x3: {  	[smem:$0x7FF] =	sst s1;
	s3 =	sadd.s32 $0x1C00, s0;
	s2 =	sadd.s32 $0x101C00, s0  }
0x4: {  	s6 =	sadd.s32 $0x103400, s0;
	s4 =	sand.u32 $0x1, s4;
	s5 =	sshll.u32 s5, $0xA  }
0x5: {  	s13 =	sadd.s32 $0x1D00, s0;
	s7 =	ssub.s32 $0x2, s4;
	s8 =	sshll.u32 s4, $0x9  }
0x6: {  	_ =	strace $0x80000047;
	s9 =	sshrl.u32 s7, $0x1;
	s5 =	sor.u32 s8, s5  }
0x7: {  	s4 =	sadd.s32 $0x1C3400, s0;
	s7 =	ssub.s32 s7, s9;
	s8 =	sshrl.u32 s5, $0x3  }
0x8: {  	s15 =	sshll.u32 s5, $0x4;
	s17 =	sor.u32 $0x4000, s5;
	s10 =	sor.u32 $0x8000, s5  }
0x9: {  	s11 =	sor.u32 $0x100, s5;
	s23 =	sor.u32 $0x4100, s5;
	s25 =	sor.u32 $0x8100, s5  }
0xa: {  	s8 =	sadd.s32 s2, s8;
	s16 =	sadd.s32 s6, s15;
	s18 =	sshrl.u32 s17, $0x3  }
0xb: {  	s19 =	sshrl.u32 s10, $0x3;
	s20 =	sshll.u32 s10, $0x4;
	s21 =	sshrl.u32 s11, $0x3  }
0xc: {  	s22 =	sshll.u32 s11, $0x4;
	s24 =	sshrl.u32 s23, $0x3;
	s26 =	sshll.u32 s23, $0x4  }
0xd: {  	s28 =	sshrl.u32 s25, $0x3;
	s30 =	sshll.u32 s25, $0x4;
	[dreg:$0x2] =	wrdreg s8  }
0xe: {  	s23 =	simm.s32 $0x1E300;
	[dreg:$0x3] =	wrdreg s16;
	s9 =	sadd.s32 s2, s18  }
0xf: {  	s8 =	sshll.u32 s17, $0x4;
	s0 =	sadd.s32 s2, s21;
	[dreg:$0x4] =	wrdreg s9  }
0x10: {  	s29 =	sadd.s32 s2, s28;
	s21 =	simm.s32 $0x3;
	[dreg:$0x8] =	wrdreg s0  }
0x11: {  	s18 =	simm.s32 $0x100;
	s8 =	sadd.s32 s6, s8;
	[dreg:$0xc] =	wrdreg s29  }
0x12: {  	s0 =	sadd.s32 s6, s22;
	s22 =	simm.s32 $0x1DB00;
	[dreg:$0x5] =	wrdreg s8  }
0x13: {  	s9 =	simm.s32 $0x2;
	s8 =	sadd.s32 s2, s19;
	[dreg:$0x9] =	wrdreg s0  }
0x14: {  	s0 =	sadd.s32 s2, s24;
	s19 =	sadd.s32 s6, s30;
	s2 =	simm.s32 $0x1C300  }
0x15: {  	s24 =	simm.s32 $0x0;
	[dreg:$0x6] =	wrdreg s8;
	s8 =	sadd.s32 s6, s20  }
0x16: {  	v0 =	vlaneseq.u32;
	[dreg:$0xa] =	wrdreg s0;
	s0 =	sadd.s32 s6, s26;
	s20 =	smax.u32 s7, $0x1  }
0x17: {  	v1 =	vshrl.u32 v0, $0x3;
	s6 =	simm.s32 $0x1CB00;
	s7 =	simm.s32 $0x1D300;
	[dreg:$0x7] =	wrdreg s8  }
0x18: {  	vm0 =	vmmov $0xffff;
	v0 =	vand.u32 $0x7, v0;
	v1 =	vmul.u32 $0x8, v1;
	[dreg:$0xb] =	wrdreg s0;
	s0 =	simm.s32 $0x1BB00;
	s8 =	simm.s32 $0x1  }
.LBB2_1:
0x19: {  	s10 =	rddreg [dreg:$0x2]  }
0x1a: {  	[tilespmem:s1], [sflag:$0x3] =	stream.linear.gather [hbm4b:s10+s1], $0x100, $0x38;
	[tilespmem:$0x1F300] =	vst v63  }
0x1b: {  	_ =	swait.ge [sflag:s21], $0x100  }
0x1c: {  	[sflag:s21] =	ssyncset.done $0x0  }
0x1d: {  	s25 =	simm.s32 $0x300;
	s16 =	rddreg [dreg:$0x3];
	[sflag:s21] =	ssyncadd.s32 $0xFFFFFF00  }
0x1e: {  	[tilespmem:s25], [sflag:$0x3] =	stream.linear.gather [hbm4b:s16+s1], $0x8000, $0x38;
	[tilespmem:$0x1F300] =	vst v63  }
0x1f: {  	_ =	swait.ge [sflag:s21], $0x8000  }
0x20: {  	[sflag:s21] =	ssyncset.done $0x0  }
0x21: {  	s17 =	rddreg [dreg:$0x4];
	[sflag:s21] =	ssyncadd.s32 $0xFFFF8000  }
0x22: {  	[tilespmem:s18], [sflag:$0x3] =	stream.linear.gather [hbm4b:s17+s1], $0x100, $0x38;
	[tilespmem:$0x1F300] =	vst v63  }
0x23: {  	_ =	swait.ge [sflag:s21], $0x100  }
0x24: {  	[sflag:s21] =	ssyncset.done $0x0  }
0x25: {  	s10 =	simm.s32 $0x8300;
	s12 =	rddreg [dreg:$0x5];
	[sflag:s21] =	ssyncadd.s32 $0xFFFFFF00  }
0x26: {  	[tilespmem:s10], [sflag:$0x3] =	stream.linear.gather [hbm4b:s12+s1], $0x8000, $0x38;
	[tilespmem:$0x1F300] =	vst v63  }
0x27: {  	_ =	swait.ge [sflag:s21], $0x8000  }
0x28: {  	[sflag:s21] =	ssyncset.done $0x0  }
0x29: {  	s14 =	simm.s32 $0x200;
	s26 =	rddreg [dreg:$0x6];
	[sflag:s21] =	ssyncadd.s32 $0xFFFF8000  }
0x2a: {  	[tilespmem:s14], [sflag:$0x3] =	stream.linear.gather [hbm4b:s26+s1], $0x100, $0x38;
	[tilespmem:$0x1F300] =	vst v63  }
0x2b: {  	_ =	swait.ge [sflag:s21], $0x100  }
0x2c: {  	[sflag:s21] =	ssyncset.done $0x0  }
0x2d: {  	s26 =	simm.s32 $0x10300;
	s15 =	rddreg [dreg:$0x7];
	[sflag:s21] =	ssyncadd.s32 $0xFFFFFF00  }
0x2e: {  	[tilespmem:s26], [sflag:$0x3] =	stream.linear.gather [hbm4b:s15+s1], $0x8000, $0x38;
	[tilespmem:$0x1F300] =	vst v63  }
0x2f: {  	_ =	swait.ge [sflag:s21], $0x8000  }
0x30: {  	[sflag:s21] =	ssyncset.done $0x0  }
0x31: {  	[sflag:s21] =	ssyncadd.s32 $0xFFFF8000  }
0x32: {  	v2 =	vld.msk [tilespmem:$0x0], $0xff;
	_ =	sdelay $0x4  }
0x33: {  	v3 =	vshll.u32 v2, $0x2  }
0x34: {  	v2 =	vand.u32 $0x7, v2;
	v3 =	vand.u32 $0xFFFFFFE0, v3  }
0x35: {  	v2 =	vor.u32 v2, v3  }
0x36: {  	v2 =	vperm.xlane v2, v0;
	_ =	sdelay $0x1  }
0x37: {  	v2 =	vadd.s32 v1, v2;
	_ =	sdelay $0x3  }
0x38: {  	s16 =	simm.s32 $0x18300  }
0x39: {  	[tilespmem:s16], [sflag:$0x1] =	stream.indirect_vreg.gather [hbm4b:s3+s1], $0x80, v2, vm0, $0xb8;
	[tilespmem:$0x1F300] =	vst v63  }
0x3a: {  	s17 =	simm.s32 $0x18B00  }
0x3b: {  	[tilespmem:s17], [sflag:$0x1] =	stream.indirect_vreg.gather [hbm4b:s13+s1], $0x80, v2, vm0, $0xb8;
	[tilespmem:$0x1F300] =	vst v63  }
0x3c: {  	v2 =	vld.msk [tilespmem:$0x100], $0xff;
	_ =	sdelay $0x4  }
0x3d: {  	v3 =	vshll.u32 v2, $0x2  }
0x3e: {  	v2 =	vand.u32 $0x7, v2;
	v3 =	vand.u32 $0xFFFFFFE0, v3  }
0x3f: {  	v2 =	vor.u32 v2, v3  }
0x40: {  	v2 =	vperm.xlane v2, v0;
	_ =	sdelay $0x1  }
0x41: {  	v2 =	vadd.s32 v1, v2;
	_ =	sdelay $0x3  }
0x42: {  	s14 =	simm.s32 $0x19300  }
0x43: {  	[tilespmem:s14], [sflag:$0x1] =	stream.indirect_vreg.gather [hbm4b:s3+s1], $0x80, v2, vm0, $0xb8;
	[tilespmem:$0x1F300] =	vst v63  }
0x44: {  	s15 =	simm.s32 $0x19B00  }
0x45: {  	[tilespmem:s15], [sflag:$0x1] =	stream.indirect_vreg.gather [hbm4b:s13+s1], $0x80, v2, vm0, $0xb8;
	[tilespmem:$0x1F300] =	vst v63  }
0x46: {  	v2 =	vld.msk [tilespmem:$0x200], $0xff;
	_ =	sdelay $0x4  }
0x47: {  	v3 =	vshll.u32 v2, $0x2  }
0x48: {  	v2 =	vand.u32 $0x7, v2;
	v3 =	vand.u32 $0xFFFFFFE0, v3  }
0x49: {  	v2 =	vor.u32 v2, v3  }
0x4a: {  	v2 =	vperm.xlane v2, v0;
	_ =	sdelay $0x1  }
0x4b: {  	v2 =	vadd.s32 v1, v2;
	_ =	sdelay $0x3  }
0x4c: {  	s28 =	simm.s32 $0x10700;
	s29 =	simm.s32 $0x8700;
	s16 =	simm.s32 $0x1A300  }
0x4d: {  	[tilespmem:s16], [sflag:$0x1] =	stream.indirect_vreg.gather [hbm4b:s3+s1], $0x80, v2, vm0, $0xb8;
	[tilespmem:$0x1F300] =	vst v63  }
0x4e: {  	s30 =	simm.s32 $0x0;
	s12 =	simm.s32 $0x700;
	s17 =	simm.s32 $0x1AB00  }
0x4f: {  	[tilespmem:s17], [sflag:$0x1] =	stream.indirect_vreg.gather [hbm4b:s13+s1], $0x80, v2, vm0, $0xb8;
	[tilespmem:$0x1F300] =	vst v63  }
.LBB2_2:
0x50: {  	s15 =	sshll.u32 s30, $0x4  }
0x51: {  	s14 =	sor.u32 $0x8, s15  }
0x52: {  	v2 =	vld.msk [tilespmem:s14+$0x0], $0xff;
	_ =	sdelay $0x4  }
0x53: {  	v3 =	vshll.u32 v2, $0x2  }
0x54: {  	v2 =	vand.u32 $0x7, v2;
	v3 =	vand.u32 $0xFFFFFFE0, v3  }
0x55: {  	v2 =	vor.u32 v2, v3  }
0x56: {  	v2 =	vperm.xlane v2, v0;
	_ =	sdelay $0x1  }
0x57: {  	v2 =	vadd.s32 v1, v2;
	_ =	sdelay $0x3  }
0x58: {  	s16 =	simm.s32 $0x0  }
0x59: {  	[tilespmem:s31], [sflag:$0x2] =	stream.indirect_vreg.gather [hbm4b:s3+s16], $0x80, v2, vm0, $0xb8;
	[tilespmem:$0x1F300] =	vst v63  }
0x5a: {  	_ = 	snop  }
0x5b: {  	[tilespmem:s0], [sflag:$0x2] =	stream.indirect_vreg.gather [hbm4b:s13+s16], $0x80, v2, vm0, $0xb8;
	[tilespmem:$0x1F300] =	vst v63  }
0x5c: {  	v2 =	vld.msk [tilespmem:s15+$0x108], $0xff;
	_ =	sdelay $0x4  }
0x5d: {  	v3 =	vshll.u32 v2, $0x2  }
0x5e: {  	v2 =	vand.u32 $0x7, v2;
	v3 =	vand.u32 $0xFFFFFFE0, v3  }
0x5f: {  	v2 =	vor.u32 v2, v3  }
0x60: {  	v2 =	vperm.xlane v2, v0;
	_ =	sdelay $0x1  }
0x61: {  	v2 =	vadd.s32 v1, v2;
	_ =	sdelay $0x4  }
0x62: {  	[tilespmem:s2], [sflag:$0x2] =	stream.indirect_vreg.gather [hbm4b:s3+s16], $0x80, v2, vm0, $0xb8;
	[tilespmem:$0x1F300] =	vst v63  }
0x63: {  	_ = 	snop  }
0x64: {  	[tilespmem:s6], [sflag:$0x2] =	stream.indirect_vreg.gather [hbm4b:s13+s16], $0x80, v2, vm0, $0xb8;
	[tilespmem:$0x1F300] =	vst v63  }
0x65: {  	v2 =	vld.msk [tilespmem:s15+$0x208], $0xff;
	_ =	sdelay $0x4  }
0x66: {  	v3 =	vshll.u32 v2, $0x2  }
0x67: {  	v2 =	vand.u32 $0x7, v2;
	v3 =	vand.u32 $0xFFFFFFE0, v3  }
0x68: {  	v2 =	vor.u32 v2, v3  }
0x69: {  	v2 =	vperm.xlane v2, v0;
	_ =	sdelay $0x1  }
0x6a: {  	v2 =	vadd.s32 v1, v2;
	_ =	sdelay $0x4  }
0x6b: {  	[tilespmem:s7], [sflag:$0x2] =	stream.indirect_vreg.gather [hbm4b:s3+s16], $0x80, v2, vm0, $0xb8;
	[tilespmem:$0x1F300] =	vst v63  }
0x6c: {  	_ = 	snop  }
0x6d: {  	[tilespmem:s22], [sflag:$0x2] =	stream.indirect_vreg.gather [hbm4b:s13+s16], $0x80, v2, vm0, $0xb8;
	[tilespmem:$0x1F300] =	vst v63  }
0x6e: {  	_ =	swait.ge [sflag:s8], $0x1000  }
0x6f: {  	[sflag:s8] =	ssyncset.done $0x0  }
0x70: {  	[sflag:s8] =	ssyncadd.s32 $0xFFFFF000  }
0x71: {  	_ =	swait.ge [sflag:s8], $0x1000  }
0x72: {  	[sflag:s8] =	ssyncset.done $0x0  }
0x73: {  	v2 =	vmov s25;
	[sflag:s8] =	ssyncadd.s32 $0xFFFFF000  }
0x74: {  	v3 =	vmov s10;
	_ =	swait.ge [sflag:s8], $0x1000  }
0x75: {  	v4 =	vmov s26;
	[sflag:s8] =	ssyncset.done $0x0  }
0x76: {  	[sflag:s8] =	ssyncadd.s32 $0xFFFFF000  }
.LBB2_3:
0x77: {  	s17 =	sshra.s32 s16, $0x2  }
0x78: {  	v7 =	vld.idx.msk [tilespmem:v2+s17+$0x0 ss:$0x1], $0xffff  }
0x79: {  	v6 =	vld.idx.msk [tilespmem:v3+s17+$0x0 ss:$0x1], $0xffff  }
0x7a: {  	v5 =	vld.idx.msk [tilespmem:v4+s17+$0x0 ss:$0x1], $0xffff  }
0x7b: {  	v8 =	vld [tilespmem:s17+$0x18300]  }
0x7c: {  	v9 =	vld [tilespmem:s17+$0x19300]  }
0x7d: {  	v10 =	vld [tilespmem:s17+$0x1A300]  }
0x7e: {  	v11 =	vld [tilespmem:s17+$0x18310]  }
0x7f: {  	v12 =	vld [tilespmem:s17+$0x19310]  }
0x80: {  	v13 =	vld [tilespmem:s17+$0x1A310]  }
0x81: {  	v14 =	vld [tilespmem:s17+$0x18320]  }
0x82: {  	v15 =	vld [tilespmem:s17+$0x19320]  }
0x83: {  	v16 =	vld [tilespmem:s17+$0x1A320]  }
0x84: {  	v17 =	vld [tilespmem:s17+$0x18330]  }
0x85: {  	v18 =	vld [tilespmem:s17+$0x19330]  }
0x86: {  	v19 =	vld [tilespmem:s17+$0x1A330]  }
0x87: {  	v20 =	vld [tilespmem:s17+$0x18340]  }
0x88: {  	v21 =	vld [tilespmem:s17+$0x19340]  }
0x89: {  	v22 =	vld [tilespmem:s17+$0x1A340]  }
0x8a: {  	v23 =	vld [tilespmem:s17+$0x18350]  }
0x8b: {  	v24 =	vld [tilespmem:s17+$0x19350]  }
0x8c: {  	v25 =	vld [tilespmem:s17+$0x1A350]  }
0x8d: {  	v26 =	vld [tilespmem:s17+$0x18360]  }
0x8e: {  	v27 =	vld [tilespmem:s17+$0x19360]  }
0x8f: {  	v28 =	vld [tilespmem:s17+$0x1A360]  }
0x90: {  	v29 =	vld [tilespmem:s17+$0x18370]  }
0x91: {  	v30 =	vld [tilespmem:s17+$0x19370]  }
0x92: {  	v31 =	vld [tilespmem:s17+$0x1A370]  }
0x93: {  	v32 =	vld [tilespmem:s17+$0x18700]  }
0x94: {  	v33 =	vld [tilespmem:s17+$0x19700]  }
0x95: {  	v34 =	vld [tilespmem:s17+$0x1A700]  }
0x96: {  	v35 =	vld [tilespmem:s17+$0x18710]  }
0x97: {  	v36 =	vld [tilespmem:s17+$0x19710]  }
0x98: {  	v37 =	vld [tilespmem:s17+$0x1A710]  }
0x99: {  	v38 =	vld [tilespmem:s17+$0x18720]  }
0x9a: {  	v39 =	vld [tilespmem:s17+$0x19720]  }
0x9b: {  	v40 =	vld [tilespmem:s17+$0x1A720]  }
0x9c: {  	v41 =	vld [tilespmem:s17+$0x18730]  }
0x9d: {  	v42 =	vld [tilespmem:s17+$0x19730]  }
0x9e: {  	v43 =	vld [tilespmem:s17+$0x1A730]  }
0x9f: {  	v44 =	vld [tilespmem:s17+$0x18740]  }
0xa0: {  	v45 =	vld [tilespmem:s17+$0x19740]  }
0xa1: {  	v46 =	vld [tilespmem:s17+$0x1A740]  }
0xa2: {  	v47 =	vld [tilespmem:s17+$0x18750]  }
0xa3: {  	v48 =	vld [tilespmem:s17+$0x19750]  }
0xa4: {  	v49 =	vld [tilespmem:s17+$0x1A750]  }
0xa5: {  	v50 =	vld [tilespmem:s17+$0x18760]  }
0xa6: {  	v51 =	vld [tilespmem:s17+$0x19760]  }
0xa7: {  	v52 =	vld [tilespmem:s17+$0x1A760]  }
0xa8: {  	v53 =	vld [tilespmem:s17+$0x18770];
	v8 =	vmul.f32 v8, v7;
	v9 =	vmul.f32 v9, v6  }
0xa9: {  	v54 =	vld [tilespmem:s17+$0x19770];
	v11 =	vmul.f32 v11, v7;
	v12 =	vmul.f32 v12, v6  }
0xaa: {  	v55 =	vld [tilespmem:s17+$0x1A770];
	v57 =	vmul.f32 v10, v5;
	v58 =	vmul.f32 v13, v5  }
0xab: {  	v56 =	vld [tilespmem:s17+$0x18B00];
	v59 =	vmul.f32 v14, v7;
	v60 =	vmul.f32 v15, v6  }
0xac: {  	v10 =	vld [tilespmem:s17+$0x19B00];
	v61 =	vmul.f32 v17, v7;
	v62 =	vmul.f32 v18, v6  }
0xad: {  	v13 =	vld [tilespmem:s17+$0x1AB00];
	v63 =	vmul.f32 v16, v5;
	v14 =	vmul.f32 v22, v5;
	v8 =	vadd.f32 v9, v8  }
0xae: {  	v15 =	vld [tilespmem:s17+$0x18B10];
	v52 =	vmul.f32 v52, v5;
	v11 =	vadd.f32 v12, v11;
	v9 =	vadd.f32 v60, v59  }
0xaf: {  	v18 =	vld [tilespmem:s17+$0x19B10];
	v12 =	vadd.f32 v62, v61;
	v59 =	vmul.f32 v21, v6;
	v60 =	vmul.f32 v23, v7  }
0xb0: {  	v21 =	vld [tilespmem:s17+$0x18B20];
	v61 =	vmul.f32 v24, v6;
	v62 =	vmul.f32 v25, v5;
	v8 =	vadd.f32 v57, v8  }
0xb1: {  	v25 =	vld [tilespmem:s17+$0x1AB20];
	v11 =	vadd.f32 v58, v11;
	v57 =	vmul.f32 v19, v5;
	v58 =	vmul.f32 v20, v7  }
0xb2: {  	v23 =	vld [tilespmem:s17+$0x19B20];
	v9 =	vadd.f32 v63, v9;
	v63 =	vmul.f32 v26, v7;
	v16 =	vadd.f32 v61, v60  }
0xb3: {  	v19 =	vld [tilespmem:s17+$0x1AB10];
	v61 =	vmul.f32 v28, v5;
	v10 =	vmul.f32 v10, v6;
	v12 =	vadd.f32 v57, v12  }
0xb4: {  	v26 =	vld [tilespmem:s17+$0x1AB30];
	v17 =	vadd.f32 v59, v58;
	v57 =	vmul.f32 v27, v6;
	v58 =	vmul.f32 v29, v7  }
0xb5: {  	v28 =	vld [tilespmem:s17+$0x18B40];
	v59 =	vmul.f32 v30, v6;
	v16 =	vadd.f32 v62, v16;
	v62 =	vmul.f32 v31, v5  }
0xb6: {  	v27 =	vld [tilespmem:s17+$0x18B30];
	v29 =	vmul.f32 v40, v5;
	v25 =	vmul.f32 v25, v5  }
0xb7: {  	v30 =	vld [tilespmem:s17+$0x19B30];
	v14 =	vadd.f32 v14, v17;
	v60 =	vadd.f32 v57, v63;
	v63 =	vmul.f32 v32, v7  }
0xb8: {  	v31 =	vld [tilespmem:s17+$0x19B40];
	v22 =	vadd.f32 v59, v58;
	v57 =	vmul.f32 v33, v6;
	v58 =	vmul.f32 v35, v7  }
0xb9: {  	v59 =	vmul.f32 v36, v6;
	v33 =	vld [tilespmem:s17+$0x1AB40];
	v26 =	vmul.f32 v26, v5;
	v17 =	vadd.f32 v61, v60  }
0xba: {  	v35 =	vld [tilespmem:s17+$0x18B50];
	v22 =	vadd.f32 v62, v22;
	v60 =	vmul.f32 v34, v5;
	v61 =	vmul.f32 v37, v5  }
0xbb: {  	v20 =	vadd.f32 v57, v63;
	v62 =	vmul.f32 v38, v7;
	v63 =	vmul.f32 v39, v6;
	v37 =	vld [tilespmem:s17+$0x19B50]  }
0xbc: {  	v24 =	vadd.f32 v59, v58;
	v57 =	vmul.f32 v41, v7;
	v39 =	vld [tilespmem:s17+$0x1AB50];
	v58 =	vmul.f32 v42, v6  }
0xbd: {  	v59 =	vmul.f32 v43, v5;
	v41 =	vld [tilespmem:s17+$0x18B60];
	v31 =	vmul.f32 v31, v6  }
0xbe: {  	v43 =	vld [tilespmem:s17+$0x19B60];
	v20 =	vadd.f32 v60, v20;
	v24 =	vadd.f32 v61, v24;
	v60 =	vmul.f32 v44, v7  }
0xbf: {  	v42 =	vld [tilespmem:s17+$0x18B70];
	v32 =	vadd.f32 v63, v62;
	v61 =	vmul.f32 v45, v6;
	v62 =	vmul.f32 v47, v7  }
0xc0: {  	v34 =	vadd.f32 v58, v57;
	v63 =	vmul.f32 v48, v6;
	v45 =	vld [tilespmem:s17+$0x1AB60];
	v57 =	vmul.f32 v46, v5  }
0xc1: {  	v58 =	vmul.f32 v49, v5;
	v44 =	vld [tilespmem:s17+$0x19B70];
	v35 =	vmul.f32 v35, v7;
	v48 =	vadd.f32 v61, v60  }
0xc2: {  	v47 =	vld [tilespmem:s17+$0x1AB70];
	v34 =	vadd.f32 v59, v34;
	v59 =	vmul.f32 v50, v7;
	v60 =	vmul.f32 v51, v6  }
0xc3: {  	v49 =	vld [tilespmem:s17+$0x18F00];
	v38 =	vadd.f32 v63, v62;
	v61 =	vmul.f32 v53, v7;
	v62 =	vmul.f32 v54, v6  }
0xc4: {  	[tilespmem:s17+$0x1E360] =	vst v17;
	v17 =	vld [tilespmem:s17+$0x19F20];
	v53 =	vmul.f32 v55, v5;
	v55 =	vmul.f32 v56, v7  }
0xc5: {  	[tilespmem:s17+$0x1E300] =	vst v8;
	v50 =	vld [tilespmem:s17+$0x19F00];
	v56 =	vmul.f32 v13, v5;
	v36 =	vmul.f32 v37, v6  }
0xc6: {  	v29 =	vadd.f32 v29, v32;
	[tilespmem:s17+$0x1E710] =	vst v24;
	v24 =	vld [tilespmem:s17+$0x19F30];
	v37 =	vmul.f32 v33, v5;
	v40 =	vmul.f32 v39, v5  }
0xc7: {  	[tilespmem:s17+$0x1E310] =	vst v11;
	v46 =	vmul.f32 v41, v7;
	v51 =	vmul.f32 v43, v6;
	v33 =	vld [tilespmem:s17+$0x1AF40];
	v32 =	vadd.f32 v57, v48  }
0xc8: {  	[tilespmem:s17+$0x1E320] =	vst v9;
	v39 =	vld [tilespmem:s17+$0x18F60];
	v38 =	vadd.f32 v58, v38;
	v63 =	vadd.f32 v60, v59;
	v57 =	vmul.f32 v15, v7  }
0xc9: {  	[tilespmem:s17+$0x1E330] =	vst v12;
	v41 =	vld [tilespmem:s17+$0x18F70];
	v54 =	vadd.f32 v62, v61;
	v58 =	vmul.f32 v18, v6;
	v59 =	vmul.f32 v19, v5  }
0xca: {  	[tilespmem:s17+$0x1E350] =	vst v16;
	v48 =	vld [tilespmem:s17+$0x1AF00];
	v10 =	vadd.f32 v10, v55;
	v60 =	vmul.f32 v21, v7;
	v61 =	vmul.f32 v23, v6  }
0xcb: {  	[tilespmem:s17+$0x1E340] =	vst v14;
	v15 =	vld [tilespmem:s17+$0x18F10];
	v62 =	vmul.f32 v27, v7;
	v16 =	vadd.f32 v36, v35;
	v8 =	vadd.f32 v52, v63  }
0xcc: {  	[tilespmem:s17+$0x1E370] =	vst v22;
	v19 =	vld [tilespmem:s17+$0x19F10];
	v17 =	vmul.f32 v17, v6;
	v11 =	vadd.f32 v53, v54;
	v12 =	vadd.f32 v58, v57  }
0xcd: {  	[tilespmem:s17+$0x1E700] =	vst v20;
	v23 =	vld [tilespmem:s17+$0x1AF10];
	v63 =	vmul.f32 v30, v6;
	v9 =	vadd.f32 v56, v10;
	v30 =	vmul.f32 v28, v7  }
0xce: {  	v27 =	vld [tilespmem:s17+$0x18F20];
	[tilespmem:s17+$0x1E720] =	vst v29;
	v21 =	vadd.f32 v61, v60;
	v53 =	vmul.f32 v45, v5;
	v54 =	vmul.f32 v42, v7  }
0xcf: {  	v18 =	vld [tilespmem:s17+$0x1AF20];
	[tilespmem:s17+$0x1E730] =	vst v34;
	v56 =	vmul.f32 v44, v6;
	v57 =	vmul.f32 v47, v5;
	v58 =	vadd.f32 v51, v46  }
0xd0: {  	v55 =	vld [tilespmem:s17+$0x19F40];
	[tilespmem:s17+$0x1E740] =	vst v32;
	v16 =	vadd.f32 v40, v16;
	v60 =	vmul.f32 v50, v6;
	v12 =	vadd.f32 v59, v12  }
0xd1: {  	v52 =	vld [tilespmem:s17+$0x18F40];
	[tilespmem:s17+$0x1E750] =	vst v38;
	v43 =	vmul.f32 v24, v6;
	v13 =	vadd.f32 v63, v62;
	v10 =	vadd.f32 v25, v21  }
0xd2: {  	v61 =	vld [tilespmem:s17+$0x18F50];
	[tilespmem:s17+$0x1E760] =	vst v8;
	v59 =	vmul.f32 v49, v7;
	v8 =	vadd.f32 v53, v58;
	v53 =	vmul.f32 v39, v7  }
0xd3: {  	v44 =	vld [tilespmem:s17+$0x19F60];
	v14 =	vadd.f32 v31, v30;
	[tilespmem:s17+$0x1E770] =	vst v11;
	v58 =	vmul.f32 v33, v5;
	v15 =	vmul.f32 v15, v7  }
0xd4: {  	v47 =	vld [tilespmem:s17+$0x19F70];
	v62 =	vadd.f32 v56, v54;
	[tilespmem:s17+$0x1EB00] =	vst v9;
	v19 =	vmul.f32 v19, v6;
	v35 =	vmul.f32 v48, v5  }
0xd5: {  	v21 =	vld [tilespmem:s17+$0x18F30];
	v38 =	vmul.f32 v23, v5;
	v40 =	vmul.f32 v27, v7;
	[tilespmem:s17+$0x1EB50] =	vst v16;
	v13 =	vadd.f32 v26, v13  }
0xd6: {  	v63 =	vld [tilespmem:s17+$0x19F50];
	v45 =	vmul.f32 v18, v5;
	v14 =	vadd.f32 v37, v14;
	v30 =	vadd.f32 v60, v59;
	[tilespmem:s17+$0x1EB10] =	vst v12  }
0xd7: {  	v50 =	vld [tilespmem:s17+$0x1AF60];
	v49 =	vmul.f32 v55, v6;
	v11 =	vadd.f32 v57, v62;
	[tilespmem:s17+$0x1EB20] =	vst v10;
	v37 =	vadd.f32 v19, v15  }
0xd8: {  	v26 =	vld [tilespmem:s17+$0x1AF30];
	[tilespmem:s17+$0x1EB60] =	vst v8;
	v10 =	vadd.f32 v17, v40;
	v48 =	vmul.f32 v52, v7;
	v52 =	vmul.f32 v61, v7  }
0xd9: {  	v36 =	vld [tilespmem:s17+$0x1AF50];
	v59 =	vmul.f32 v44, v6;
	v9 =	vadd.f32 v35, v30;
	[tilespmem:s17+$0x1EB30] =	vst v13;
	v12 =	vadd.f32 v38, v37  }
0xda: {  	v54 =	vld [tilespmem:s17+$0x1AF70];
	[tilespmem:s17+$0x1EB40] =	vst v14;
	v42 =	vmul.f32 v21, v7;
	v51 =	vadd.f32 v45, v10;
	v7 =	vmul.f32 v41, v7  }
0xdb: {  	[tilespmem:s17+$0x1EB70] =	vst v11;
	v56 =	vmul.f32 v63, v6;
	v57 =	vadd.f32 v49, v48;
	v6 =	vmul.f32 v47, v6  }
0xdc: {  	v62 =	vadd.f32 v59, v53;
	v63 =	vmul.f32 v50, v5;
	[tilespmem:s17+$0x1EF00] =	vst v9;
	v13 =	vadd.f32 v43, v42  }
0xdd: {  	v46 =	vmul.f32 v26, v5;
	[tilespmem:s17+$0x1EF10] =	vst v12;
	v10 =	vadd.f32 v56, v52;
	v61 =	vadd.f32 v58, v57  }
0xde: {  	p0 =	sne.s32 s16, $0xE00;
	v60 =	vmul.f32 v36, v5;
	[tilespmem:s17+$0x1EF20] =	vst v51;
	v6 =	vadd.f32 v6, v7;
	v7 =	vadd.f32 v63, v62  }
.Ltmp0:
0xdf: {  	v5 =	vmul.f32 v54, v5;
	v55 =	vadd.f32 v46, v13;
	[tilespmem:s17+$0x1EF40] =	vst v61;
	(pc) =	sbr.rel @p0 .LBB2_3-.Ltmp0, $4  }
0xe0: {  	v10 =	vadd.f32 v60, v10;
	[tilespmem:s17+$0x1EF60] =	vst v7  }
0xe1: {  	v5 =	vadd.f32 v5, v6;
	[tilespmem:s17+$0x1EF30] =	vst v55  }
0xe2: {  	[tilespmem:s17+$0x1EF50] =	vst v10  }
0xe3: {  	s16 =	sadd.s32 $0x200, s16;
	[tilespmem:s17+$0x1EF70] =	vst v5  }
0xe4: {  	s16 =	sadd.s32 s5, s15  }
0xe5: {  	s16 =	sshll.u32 s16, $0x6  }
0xe6: {  	s16 =	sadd.s32 s4, s16  }
0xe7: {  	[hbm4b:s16+s1] =	stream.linear.scatter [tilespmem:s23], [sflag:$0x3], $0x1000, $0x38;
	[tilespmem:$0x1F300] =	vst v63  }
0xe8: {  	_ =	swait.ge [sflag:s21], $0x1000  }
0xe9: {  	[sflag:s21] =	ssyncset.done $0x0  }
0xea: {  	p0 =	seq.s32 s30, $0xF;
	[sflag:s21] =	ssyncadd.s32 $0xFFFFF000  }
0xeb: {  	v2 =	vld.msk @!p0 [tilespmem:s15+$0x10], $0xff;
	_ =	sdelay $0x4  }
0xec: {  	v3 =	vshll.u32 @!p0 v2, $0x2  }
0xed: {  	v4 =	vlaneseq.u32 @!p0;
	v2 =	vand.u32 @!p0 $0x7, v2;
	v3 =	vand.u32 @!p0 $0xFFFFFFE0, v3  }
0xee: {  	v2 =	vor.u32 @!p0 v2, v3;
	v3 =	vand.u32 @!p0 $0x7, v4;
	v4 =	vshrl.u32 @!p0 v4, $0x3  }
0xef: {  	v2 =	vperm.xlane @!p0 v2, v3;
	v4 =	vmul.u32 @!p0 $0x8, v4;
	_ =	sdelay $0x1  }
0xf0: {  	v2 =	vadd.s32 @!p0 v4, v2;
	_ =	sdelay $0x3  }
0xf1: {  	vm1 =	vmmov @!p0 $0xffff;
	s17 =	simm.s32 @!p0 $0x18300;
	s16 =	simm.s32 @!p0 $0x0  }
0xf2: {  	[tilespmem:s17], [sflag:$0x1] =	stream.indirect_vreg.gather @!p0 [hbm4b:s3+s16], $0x80, v2, vm1, $0xb8;
	[tilespmem:$0x1F300] =	vst v63  }
0xf3: {  	s17 =	simm.s32 @!p0 $0x18B00  }
0xf4: {  	[tilespmem:s17], [sflag:$0x1] =	stream.indirect_vreg.gather @!p0 [hbm4b:s13+s16], $0x80, v2, vm1, $0xb8;
	[tilespmem:$0x1F300] =	vst v63  }
0xf5: {  	v2 =	vld.msk @!p0 [tilespmem:s15+$0x110], $0xff;
	_ =	sdelay $0x4  }
0xf6: {  	v5 =	vshll.u32 @!p0 v2, $0x2  }
0xf7: {  	v2 =	vand.u32 @!p0 $0x7, v2;
	v5 =	vand.u32 @!p0 $0xFFFFFFE0, v5  }
0xf8: {  	v2 =	vor.u32 @!p0 v2, v5  }
0xf9: {  	v2 =	vperm.xlane @!p0 v2, v3;
	_ =	sdelay $0x1  }
0xfa: {  	v2 =	vadd.s32 @!p0 v4, v2;
	_ =	sdelay $0x3  }
0xfb: {  	s17 =	simm.s32 @!p0 $0x19300  }
0xfc: {  	[tilespmem:s17], [sflag:$0x1] =	stream.indirect_vreg.gather @!p0 [hbm4b:s3+s16], $0x80, v2, vm1, $0xb8;
	[tilespmem:$0x1F300] =	vst v63  }
0xfd: {  	s17 =	simm.s32 @!p0 $0x19B00  }
0xfe: {  	[tilespmem:s17], [sflag:$0x1] =	stream.indirect_vreg.gather @!p0 [hbm4b:s13+s16], $0x80, v2, vm1, $0xb8;
	[tilespmem:$0x1F300] =	vst v63  }
0xff: {  	v2 =	vld.msk @!p0 [tilespmem:s15+$0x210], $0xff;
	_ =	sdelay $0x4  }
0x100: {  	v5 =	vshll.u32 @!p0 v2, $0x2  }
0x101: {  	v2 =	vand.u32 @!p0 $0x7, v2;
	v5 =	vand.u32 @!p0 $0xFFFFFFE0, v5  }
0x102: {  	v2 =	vor.u32 @!p0 v2, v5  }
0x103: {  	v2 =	vperm.xlane @!p0 v2, v3;
	_ =	sdelay $0x1  }
0x104: {  	v2 =	vadd.s32 @!p0 v4, v2;
	_ =	sdelay $0x3  }
0x105: {  	s15 =	simm.s32 @!p0 $0x1A300  }
0x106: {  	[tilespmem:s15], [sflag:$0x1] =	stream.indirect_vreg.gather @!p0 [hbm4b:s3+s16], $0x80, v2, vm1, $0xb8;
	[tilespmem:$0x1F300] =	vst v63  }
0x107: {  	s15 =	simm.s32 @!p0 $0x1AB00  }
0x108: {  	[tilespmem:s15], [sflag:$0x1] =	stream.indirect_vreg.gather @!p0 [hbm4b:s13+s16], $0x80, v2, vm1, $0xb8;
	[tilespmem:$0x1F300] =	vst v63  }
0x109: {  	_ =	swait.ge [sflag:s9], $0x1000  }
0x10a: {  	[sflag:s9] =	ssyncset.done $0x0  }
0x10b: {  	[sflag:s9] =	ssyncadd.s32 $0xFFFFF000  }
0x10c: {  	_ =	swait.ge [sflag:s9], $0x1000  }
0x10d: {  	[sflag:s9] =	ssyncset.done $0x0  }
0x10e: {  	v2 =	vmov s12;
	[sflag:s9] =	ssyncadd.s32 $0xFFFFF000  }
0x10f: {  	v3 =	vmov s29;
	_ =	swait.ge [sflag:s9], $0x1000  }
0x110: {  	v4 =	vmov s28;
	[sflag:s9] =	ssyncset.done $0x0  }
0x111: {  	s15 =	simm.s32 $0x0;
	[sflag:s9] =	ssyncadd.s32 $0xFFFFF000  }
.LBB2_5:
0x112: {  	s16 =	sshra.s32 s15, $0x2  }
0x113: {  	v7 =	vld.idx.msk [tilespmem:v2+s16+$0x0 ss:$0x1], $0xffff  }
0x114: {  	v6 =	vld.idx.msk [tilespmem:v3+s16+$0x0 ss:$0x1], $0xffff  }
0x115: {  	v5 =	vld.idx.msk [tilespmem:v4+s16+$0x0 ss:$0x1], $0xffff  }
0x116: {  	v8 =	vld [tilespmem:s16+$0x1B300]  }
0x117: {  	v9 =	vld [tilespmem:s16+$0x1C300]  }
0x118: {  	v10 =	vld [tilespmem:s16+$0x1D300]  }
0x119: {  	v11 =	vld [tilespmem:s16+$0x1B310]  }
0x11a: {  	v12 =	vld [tilespmem:s16+$0x1C310]  }
0x11b: {  	v13 =	vld [tilespmem:s16+$0x1D310]  }
0x11c: {  	v14 =	vld [tilespmem:s16+$0x1B320]  }
0x11d: {  	v15 =	vld [tilespmem:s16+$0x1C320]  }
0x11e: {  	v16 =	vld [tilespmem:s16+$0x1D320]  }
0x11f: {  	v17 =	vld [tilespmem:s16+$0x1B330]  }
0x120: {  	v18 =	vld [tilespmem:s16+$0x1C330]  }
0x121: {  	v19 =	vld [tilespmem:s16+$0x1D330]  }
0x122: {  	v20 =	vld [tilespmem:s16+$0x1B340]  }
0x123: {  	v21 =	vld [tilespmem:s16+$0x1C340]  }
0x124: {  	v22 =	vld [tilespmem:s16+$0x1D340]  }
0x125: {  	v23 =	vld [tilespmem:s16+$0x1B350]  }
0x126: {  	v24 =	vld [tilespmem:s16+$0x1C350]  }
0x127: {  	v25 =	vld [tilespmem:s16+$0x1D350]  }
0x128: {  	v26 =	vld [tilespmem:s16+$0x1B360]  }
0x129: {  	v27 =	vld [tilespmem:s16+$0x1C360]  }
0x12a: {  	v28 =	vld [tilespmem:s16+$0x1D360]  }
0x12b: {  	v29 =	vld [tilespmem:s16+$0x1B370]  }
0x12c: {  	v30 =	vld [tilespmem:s16+$0x1C370]  }
0x12d: {  	v31 =	vld [tilespmem:s16+$0x1D370]  }
0x12e: {  	v32 =	vld [tilespmem:s16+$0x1B700]  }
0x12f: {  	v33 =	vld [tilespmem:s16+$0x1C700]  }
0x130: {  	v34 =	vld [tilespmem:s16+$0x1D700]  }
0x131: {  	v35 =	vld [tilespmem:s16+$0x1B710]  }
0x132: {  	v36 =	vld [tilespmem:s16+$0x1C710]  }
0x133: {  	v37 =	vld [tilespmem:s16+$0x1D710]  }
0x134: {  	v38 =	vld [tilespmem:s16+$0x1B720]  }
0x135: {  	v39 =	vld [tilespmem:s16+$0x1C720]  }
0x136: {  	v40 =	vld [tilespmem:s16+$0x1D720]  }
0x137: {  	v41 =	vld [tilespmem:s16+$0x1B730]  }
0x138: {  	v42 =	vld [tilespmem:s16+$0x1C730]  }
0x139: {  	v43 =	vld [tilespmem:s16+$0x1D730]  }
0x13a: {  	v44 =	vld [tilespmem:s16+$0x1B740]  }
0x13b: {  	v45 =	vld [tilespmem:s16+$0x1C740]  }
0x13c: {  	v46 =	vld [tilespmem:s16+$0x1D740]  }
0x13d: {  	v47 =	vld [tilespmem:s16+$0x1B750]  }
0x13e: {  	v48 =	vld [tilespmem:s16+$0x1C750]  }
0x13f: {  	v49 =	vld [tilespmem:s16+$0x1D750]  }
0x140: {  	v50 =	vld [tilespmem:s16+$0x1B760]  }
0x141: {  	v51 =	vld [tilespmem:s16+$0x1C760]  }
0x142: {  	v52 =	vld [tilespmem:s16+$0x1D760]  }
0x143: {  	v53 =	vld [tilespmem:s16+$0x1B770];
	v8 =	vmul.f32 v8, v7;
	v9 =	vmul.f32 v9, v6  }
0x144: {  	v54 =	vld [tilespmem:s16+$0x1C770];
	v11 =	vmul.f32 v11, v7;
	v12 =	vmul.f32 v12, v6  }
0x145: {  	v55 =	vld [tilespmem:s16+$0x1D770];
	v57 =	vmul.f32 v10, v5;
	v58 =	vmul.f32 v13, v5  }
0x146: {  	v56 =	vld [tilespmem:s16+$0x1BB00];
	v59 =	vmul.f32 v14, v7;
	v60 =	vmul.f32 v15, v6  }
0x147: {  	v10 =	vld [tilespmem:s16+$0x1CB00];
	v61 =	vmul.f32 v17, v7;
	v62 =	vmul.f32 v18, v6  }
0x148: {  	v13 =	vld [tilespmem:s16+$0x1DB00];
	v63 =	vmul.f32 v16, v5;
	v14 =	vmul.f32 v22, v5;
	v8 =	vadd.f32 v9, v8  }
0x149: {  	v15 =	vld [tilespmem:s16+$0x1BB10];
	v52 =	vmul.f32 v52, v5;
	v11 =	vadd.f32 v12, v11;
	v9 =	vadd.f32 v60, v59  }
0x14a: {  	v18 =	vld [tilespmem:s16+$0x1CB10];
	v12 =	vadd.f32 v62, v61;
	v59 =	vmul.f32 v21, v6;
	v60 =	vmul.f32 v23, v7  }
0x14b: {  	v21 =	vld [tilespmem:s16+$0x1BB20];
	v61 =	vmul.f32 v24, v6;
	v62 =	vmul.f32 v25, v5;
	v8 =	vadd.f32 v57, v8  }
0x14c: {  	v25 =	vld [tilespmem:s16+$0x1DB20];
	v11 =	vadd.f32 v58, v11;
	v57 =	vmul.f32 v19, v5;
	v58 =	vmul.f32 v20, v7  }
0x14d: {  	v23 =	vld [tilespmem:s16+$0x1CB20];
	v9 =	vadd.f32 v63, v9;
	v63 =	vmul.f32 v26, v7;
	v16 =	vadd.f32 v61, v60  }
0x14e: {  	v19 =	vld [tilespmem:s16+$0x1DB10];
	v61 =	vmul.f32 v28, v5;
	v10 =	vmul.f32 v10, v6;
	v12 =	vadd.f32 v57, v12  }
0x14f: {  	v26 =	vld [tilespmem:s16+$0x1DB30];
	v17 =	vadd.f32 v59, v58;
	v57 =	vmul.f32 v27, v6;
	v58 =	vmul.f32 v29, v7  }
0x150: {  	v28 =	vld [tilespmem:s16+$0x1BB40];
	v59 =	vmul.f32 v30, v6;
	v16 =	vadd.f32 v62, v16;
	v62 =	vmul.f32 v31, v5  }
0x151: {  	v27 =	vld [tilespmem:s16+$0x1BB30];
	v29 =	vmul.f32 v40, v5;
	v25 =	vmul.f32 v25, v5  }
0x152: {  	v30 =	vld [tilespmem:s16+$0x1CB30];
	v14 =	vadd.f32 v14, v17;
	v60 =	vadd.f32 v57, v63;
	v63 =	vmul.f32 v32, v7  }
0x153: {  	v31 =	vld [tilespmem:s16+$0x1CB40];
	v22 =	vadd.f32 v59, v58;
	v57 =	vmul.f32 v33, v6;
	v58 =	vmul.f32 v35, v7  }
0x154: {  	v59 =	vmul.f32 v36, v6;
	v33 =	vld [tilespmem:s16+$0x1DB40];
	v26 =	vmul.f32 v26, v5;
	v17 =	vadd.f32 v61, v60  }
0x155: {  	v35 =	vld [tilespmem:s16+$0x1BB50];
	v22 =	vadd.f32 v62, v22;
	v60 =	vmul.f32 v34, v5;
	v61 =	vmul.f32 v37, v5  }
0x156: {  	v20 =	vadd.f32 v57, v63;
	v62 =	vmul.f32 v38, v7;
	v63 =	vmul.f32 v39, v6;
	v37 =	vld [tilespmem:s16+$0x1CB50]  }
0x157: {  	v24 =	vadd.f32 v59, v58;
	v57 =	vmul.f32 v41, v7;
	v39 =	vld [tilespmem:s16+$0x1DB50];
	v58 =	vmul.f32 v42, v6  }
0x158: {  	v59 =	vmul.f32 v43, v5;
	v41 =	vld [tilespmem:s16+$0x1BB60];
	v31 =	vmul.f32 v31, v6  }
0x159: {  	v43 =	vld [tilespmem:s16+$0x1CB60];
	v20 =	vadd.f32 v60, v20;
	v24 =	vadd.f32 v61, v24;
	v60 =	vmul.f32 v44, v7  }
0x15a: {  	v42 =	vld [tilespmem:s16+$0x1BB70];
	v32 =	vadd.f32 v63, v62;
	v61 =	vmul.f32 v45, v6;
	v62 =	vmul.f32 v47, v7  }
0x15b: {  	v34 =	vadd.f32 v58, v57;
	v63 =	vmul.f32 v48, v6;
	v45 =	vld [tilespmem:s16+$0x1DB60];
	v57 =	vmul.f32 v46, v5  }
0x15c: {  	v58 =	vmul.f32 v49, v5;
	v44 =	vld [tilespmem:s16+$0x1CB70];
	v35 =	vmul.f32 v35, v7;
	v48 =	vadd.f32 v61, v60  }
0x15d: {  	v47 =	vld [tilespmem:s16+$0x1DB70];
	v34 =	vadd.f32 v59, v34;
	v59 =	vmul.f32 v50, v7;
	v60 =	vmul.f32 v51, v6  }
0x15e: {  	v49 =	vld [tilespmem:s16+$0x1BF00];
	v38 =	vadd.f32 v63, v62;
	v61 =	vmul.f32 v53, v7;
	v62 =	vmul.f32 v54, v6  }
0x15f: {  	[tilespmem:s16+$0x1E360] =	vst v17;
	v17 =	vld [tilespmem:s16+$0x1CF20];
	v53 =	vmul.f32 v55, v5;
	v55 =	vmul.f32 v56, v7  }
0x160: {  	[tilespmem:s16+$0x1E300] =	vst v8;
	v50 =	vld [tilespmem:s16+$0x1CF00];
	v56 =	vmul.f32 v13, v5;
	v36 =	vmul.f32 v37, v6  }
0x161: {  	v29 =	vadd.f32 v29, v32;
	[tilespmem:s16+$0x1E710] =	vst v24;
	v24 =	vld [tilespmem:s16+$0x1CF30];
	v37 =	vmul.f32 v33, v5;
	v40 =	vmul.f32 v39, v5  }
0x162: {  	[tilespmem:s16+$0x1E310] =	vst v11;
	v46 =	vmul.f32 v41, v7;
	v51 =	vmul.f32 v43, v6;
	v33 =	vld [tilespmem:s16+$0x1DF40];
	v32 =	vadd.f32 v57, v48  }
0x163: {  	[tilespmem:s16+$0x1E320] =	vst v9;
	v39 =	vld [tilespmem:s16+$0x1BF60];
	v38 =	vadd.f32 v58, v38;
	v63 =	vadd.f32 v60, v59;
	v57 =	vmul.f32 v15, v7  }
0x164: {  	[tilespmem:s16+$0x1E330] =	vst v12;
	v41 =	vld [tilespmem:s16+$0x1BF70];
	v54 =	vadd.f32 v62, v61;
	v58 =	vmul.f32 v18, v6;
	v59 =	vmul.f32 v19, v5  }
0x165: {  	[tilespmem:s16+$0x1E350] =	vst v16;
	v48 =	vld [tilespmem:s16+$0x1DF00];
	v10 =	vadd.f32 v10, v55;
	v60 =	vmul.f32 v21, v7;
	v61 =	vmul.f32 v23, v6  }
0x166: {  	[tilespmem:s16+$0x1E340] =	vst v14;
	v15 =	vld [tilespmem:s16+$0x1BF10];
	v62 =	vmul.f32 v27, v7;
	v16 =	vadd.f32 v36, v35;
	v8 =	vadd.f32 v52, v63  }
0x167: {  	[tilespmem:s16+$0x1E370] =	vst v22;
	v19 =	vld [tilespmem:s16+$0x1CF10];
	v17 =	vmul.f32 v17, v6;
	v11 =	vadd.f32 v53, v54;
	v12 =	vadd.f32 v58, v57  }
0x168: {  	[tilespmem:s16+$0x1E700] =	vst v20;
	v23 =	vld [tilespmem:s16+$0x1DF10];
	v63 =	vmul.f32 v30, v6;
	v9 =	vadd.f32 v56, v10;
	v30 =	vmul.f32 v28, v7  }
0x169: {  	v27 =	vld [tilespmem:s16+$0x1BF20];
	[tilespmem:s16+$0x1E720] =	vst v29;
	v21 =	vadd.f32 v61, v60;
	v53 =	vmul.f32 v45, v5;
	v54 =	vmul.f32 v42, v7  }
0x16a: {  	v18 =	vld [tilespmem:s16+$0x1DF20];
	[tilespmem:s16+$0x1E730] =	vst v34;
	v56 =	vmul.f32 v44, v6;
	v57 =	vmul.f32 v47, v5;
	v58 =	vadd.f32 v51, v46  }
0x16b: {  	v55 =	vld [tilespmem:s16+$0x1CF40];
	[tilespmem:s16+$0x1E740] =	vst v32;
	v16 =	vadd.f32 v40, v16;
	v60 =	vmul.f32 v50, v6;
	v12 =	vadd.f32 v59, v12  }
0x16c: {  	v52 =	vld [tilespmem:s16+$0x1BF40];
	[tilespmem:s16+$0x1E750] =	vst v38;
	v43 =	vmul.f32 v24, v6;
	v13 =	vadd.f32 v63, v62;
	v10 =	vadd.f32 v25, v21  }
0x16d: {  	v61 =	vld [tilespmem:s16+$0x1BF50];
	[tilespmem:s16+$0x1E760] =	vst v8;
	v59 =	vmul.f32 v49, v7;
	v8 =	vadd.f32 v53, v58;
	v53 =	vmul.f32 v39, v7  }
0x16e: {  	v44 =	vld [tilespmem:s16+$0x1CF60];
	v14 =	vadd.f32 v31, v30;
	[tilespmem:s16+$0x1E770] =	vst v11;
	v58 =	vmul.f32 v33, v5;
	v15 =	vmul.f32 v15, v7  }
0x16f: {  	v47 =	vld [tilespmem:s16+$0x1CF70];
	v62 =	vadd.f32 v56, v54;
	[tilespmem:s16+$0x1EB00] =	vst v9;
	v19 =	vmul.f32 v19, v6;
	v35 =	vmul.f32 v48, v5  }
0x170: {  	v21 =	vld [tilespmem:s16+$0x1BF30];
	v38 =	vmul.f32 v23, v5;
	v40 =	vmul.f32 v27, v7;
	[tilespmem:s16+$0x1EB50] =	vst v16;
	v13 =	vadd.f32 v26, v13  }
0x171: {  	v63 =	vld [tilespmem:s16+$0x1CF50];
	v45 =	vmul.f32 v18, v5;
	v14 =	vadd.f32 v37, v14;
	v30 =	vadd.f32 v60, v59;
	[tilespmem:s16+$0x1EB10] =	vst v12  }
0x172: {  	v50 =	vld [tilespmem:s16+$0x1DF60];
	v49 =	vmul.f32 v55, v6;
	v11 =	vadd.f32 v57, v62;
	[tilespmem:s16+$0x1EB20] =	vst v10;
	v37 =	vadd.f32 v19, v15  }
0x173: {  	v26 =	vld [tilespmem:s16+$0x1DF30];
	[tilespmem:s16+$0x1EB60] =	vst v8;
	v10 =	vadd.f32 v17, v40;
	v48 =	vmul.f32 v52, v7;
	v52 =	vmul.f32 v61, v7  }
0x174: {  	v36 =	vld [tilespmem:s16+$0x1DF50];
	v59 =	vmul.f32 v44, v6;
	v9 =	vadd.f32 v35, v30;
	[tilespmem:s16+$0x1EB30] =	vst v13;
	v12 =	vadd.f32 v38, v37  }
0x175: {  	v54 =	vld [tilespmem:s16+$0x1DF70];
	[tilespmem:s16+$0x1EB40] =	vst v14;
	v42 =	vmul.f32 v21, v7;
	v51 =	vadd.f32 v45, v10;
	v7 =	vmul.f32 v41, v7  }
0x176: {  	[tilespmem:s16+$0x1EB70] =	vst v11;
	v56 =	vmul.f32 v63, v6;
	v57 =	vadd.f32 v49, v48;
	v6 =	vmul.f32 v47, v6  }
0x177: {  	v62 =	vadd.f32 v59, v53;
	v63 =	vmul.f32 v50, v5;
	[tilespmem:s16+$0x1EF00] =	vst v9;
	v13 =	vadd.f32 v43, v42  }
0x178: {  	v46 =	vmul.f32 v26, v5;
	[tilespmem:s16+$0x1EF10] =	vst v12;
	v10 =	vadd.f32 v56, v52;
	v61 =	vadd.f32 v58, v57  }
0x179: {  	p0 =	sne.s32 s15, $0xE00;
	v60 =	vmul.f32 v36, v5;
	[tilespmem:s16+$0x1EF20] =	vst v51;
	v6 =	vadd.f32 v6, v7;
	v7 =	vadd.f32 v63, v62  }
.Ltmp1:
0x17a: {  	v5 =	vmul.f32 v54, v5;
	v55 =	vadd.f32 v46, v13;
	[tilespmem:s16+$0x1EF40] =	vst v61;
	(pc) =	sbr.rel @p0 .LBB2_5-.Ltmp1, $4  }
0x17b: {  	v10 =	vadd.f32 v60, v10;
	[tilespmem:s16+$0x1EF60] =	vst v7  }
0x17c: {  	v5 =	vadd.f32 v5, v6;
	[tilespmem:s16+$0x1EF30] =	vst v55  }
0x17d: {  	[tilespmem:s16+$0x1EF50] =	vst v10  }
0x17e: {  	s15 =	sadd.s32 $0x200, s15;
	[tilespmem:s16+$0x1EF70] =	vst v5  }
0x17f: {  	s14 =	sadd.s32 s5, s14;
	s30 =	sadd.s32 $0x1, s30  }
0x180: {  	s14 =	sshll.u32 s14, $0x6;
	p0 =	sne.s32 s30, $0x10  }
.Ltmp2:
0x181: {  	s14 =	sadd.s32 s4, s14;
	(pc) =	sbr.rel @p0 .LBB2_2-.Ltmp2, $4  }
0x182: {  	[hbm4b:s14+s1] =	stream.linear.scatter [tilespmem:s23], [sflag:$0x3], $0x1000, $0x38;
	[tilespmem:$0x1F300] =	vst v63  }
0x183: {  	s26 =	sadd.s32 $0x800, s26;
	s10 =	sadd.s32 $0x800, s10;
	_ =	swait.ge [sflag:s21], $0x1000  }
0x184: {  	s25 =	sadd.s32 $0x800, s25;
	s28 =	sadd.s32 $0x800, s28;
	[sflag:s21] =	ssyncset.done $0x0  }
0x185: {  	s29 =	sadd.s32 $0x800, s29;
	s12 =	sadd.s32 $0x800, s12;
	[sflag:s21] =	ssyncadd.s32 $0xFFFFF000  }
0x186: {  	s25 =	simm.s32 $0x0;
	s10 =	rddreg [dreg:$0x8]  }
0x187: {  	[tilespmem:s25], [sflag:$0x3] =	stream.linear.gather [hbm4b:s10+s25], $0x100, $0x38;
	[tilespmem:$0x1F300] =	vst v63  }
0x188: {  	_ =	swait.ge [sflag:s21], $0x100  }
0x189: {  	[sflag:s21] =	ssyncset.done $0x0  }
0x18a: {  	s10 =	simm.s32 $0x300;
	s12 =	rddreg [dreg:$0x9];
	[sflag:s21] =	ssyncadd.s32 $0xFFFFFF00  }
0x18b: {  	[tilespmem:s10], [sflag:$0x3] =	stream.linear.gather [hbm4b:s12+s25], $0x8000, $0x38;
	[tilespmem:$0x1F300] =	vst v63  }
0x18c: {  	_ =	swait.ge [sflag:s21], $0x8000  }
0x18d: {  	[sflag:s21] =	ssyncset.done $0x0  }
0x18e: {  	s15 =	rddreg [dreg:$0xa];
	[sflag:s21] =	ssyncadd.s32 $0xFFFF8000  }
0x18f: {  	[tilespmem:s18], [sflag:$0x3] =	stream.linear.gather [hbm4b:s15+s25], $0x100, $0x38;
	[tilespmem:$0x1F300] =	vst v63  }
0x190: {  	_ =	swait.ge [sflag:s21], $0x100  }
0x191: {  	[sflag:s21] =	ssyncset.done $0x0  }
0x192: {  	s26 =	simm.s32 $0x8300;
	s16 =	rddreg [dreg:$0xb];
	[sflag:s21] =	ssyncadd.s32 $0xFFFFFF00  }
0x193: {  	[tilespmem:s26], [sflag:$0x3] =	stream.linear.gather [hbm4b:s16+s25], $0x8000, $0x38;
	[tilespmem:$0x1F300] =	vst v63  }
0x194: {  	_ =	swait.ge [sflag:s21], $0x8000  }
0x195: {  	[sflag:s21] =	ssyncset.done $0x0  }
0x196: {  	s14 =	simm.s32 $0x200;
	s17 =	rddreg [dreg:$0xc];
	[sflag:s21] =	ssyncadd.s32 $0xFFFF8000  }
0x197: {  	[tilespmem:s14], [sflag:$0x3] =	stream.linear.gather [hbm4b:s17+s25], $0x100, $0x38;
	[tilespmem:$0x1F300] =	vst v63  }
0x198: {  	_ =	swait.ge [sflag:s21], $0x100  }
0x199: {  	[sflag:s21] =	ssyncset.done $0x0  }
0x19a: {  	s28 =	simm.s32 $0x10300;
	[sflag:s21] =	ssyncadd.s32 $0xFFFFFF00  }
0x19b: {  	[tilespmem:s28], [sflag:$0x3] =	stream.linear.gather [hbm4b:s19+s25], $0x8000, $0x38;
	[tilespmem:$0x1F300] =	vst v63  }
0x19c: {  	_ =	swait.ge [sflag:s21], $0x8000  }
0x19d: {  	[sflag:s21] =	ssyncset.done $0x0  }
0x19e: {  	[sflag:s21] =	ssyncadd.s32 $0xFFFF8000  }
0x19f: {  	v2 =	vld.msk [tilespmem:$0x0], $0xff;
	_ =	sdelay $0x4  }
0x1a0: {  	v3 =	vshll.u32 v2, $0x2  }
0x1a1: {  	v2 =	vand.u32 $0x7, v2;
	v3 =	vand.u32 $0xFFFFFFE0, v3  }
0x1a2: {  	v2 =	vor.u32 v2, v3  }
0x1a3: {  	v2 =	vperm.xlane v2, v0;
	_ =	sdelay $0x1  }
0x1a4: {  	v2 =	vadd.s32 v1, v2;
	_ =	sdelay $0x3  }
0x1a5: {  	s18 =	simm.s32 $0x18300  }
0x1a6: {  	[tilespmem:s18], [sflag:$0x1] =	stream.indirect_vreg.gather [hbm4b:s3+s25], $0x80, v2, vm0, $0xb8;
	[tilespmem:$0x1F300] =	vst v63  }
0x1a7: {  	s14 =	simm.s32 $0x18B00  }
0x1a8: {  	[tilespmem:s14], [sflag:$0x1] =	stream.indirect_vreg.gather [hbm4b:s13+s25], $0x80, v2, vm0, $0xb8;
	[tilespmem:$0x1F300] =	vst v63  }
0x1a9: {  	v2 =	vld.msk [tilespmem:$0x100], $0xff;
	_ =	sdelay $0x4  }
0x1aa: {  	v3 =	vshll.u32 v2, $0x2  }
0x1ab: {  	v2 =	vand.u32 $0x7, v2;
	v3 =	vand.u32 $0xFFFFFFE0, v3  }
0x1ac: {  	v2 =	vor.u32 v2, v3  }
0x1ad: {  	v2 =	vperm.xlane v2, v0;
	_ =	sdelay $0x1  }
0x1ae: {  	v2 =	vadd.s32 v1, v2;
	_ =	sdelay $0x3  }
0x1af: {  	s15 =	simm.s32 $0x19300  }
0x1b0: {  	[tilespmem:s15], [sflag:$0x1] =	stream.indirect_vreg.gather [hbm4b:s3+s25], $0x80, v2, vm0, $0xb8;
	[tilespmem:$0x1F300] =	vst v63  }
0x1b1: {  	s16 =	simm.s32 $0x19B00  }
0x1b2: {  	[tilespmem:s16], [sflag:$0x1] =	stream.indirect_vreg.gather [hbm4b:s13+s25], $0x80, v2, vm0, $0xb8;
	[tilespmem:$0x1F300] =	vst v63  }
0x1b3: {  	v2 =	vld.msk [tilespmem:$0x200], $0xff;
	_ =	sdelay $0x4  }
0x1b4: {  	v3 =	vshll.u32 v2, $0x2  }
0x1b5: {  	v2 =	vand.u32 $0x7, v2;
	v3 =	vand.u32 $0xFFFFFFE0, v3  }
0x1b6: {  	v2 =	vor.u32 v2, v3  }
0x1b7: {  	v2 =	vperm.xlane v2, v0;
	_ =	sdelay $0x1  }
0x1b8: {  	v2 =	vadd.s32 v1, v2;
	_ =	sdelay $0x3  }
0x1b9: {  	s29 =	simm.s32 $0x10700;
	s30 =	simm.s32 $0x700;
	s17 =	simm.s32 $0x1A300  }
0x1ba: {  	[tilespmem:s17], [sflag:$0x1] =	stream.indirect_vreg.gather [hbm4b:s3+s25], $0x80, v2, vm0, $0xb8;
	[tilespmem:$0x1F300] =	vst v63  }
0x1bb: {  	s12 =	simm.s32 $0x8700;
	s18 =	simm.s32 $0x1AB00;
	s14 =	simm.s32 $0x0  }
0x1bc: {  	[tilespmem:s18], [sflag:$0x1] =	stream.indirect_vreg.gather [hbm4b:s13+s25], $0x80, v2, vm0, $0xb8;
	[tilespmem:$0x1F300] =	vst v63  }
.LBB2_8:
0x1bd: {  	s16 =	sshll.u32 s14, $0x4  }
0x1be: {  	s15 =	sor.u32 $0x8, s16  }
0x1bf: {  	v2 =	vld.msk [tilespmem:s15+$0x0], $0xff;
	_ =	sdelay $0x4  }
0x1c0: {  	v3 =	vshll.u32 v2, $0x2  }
0x1c1: {  	v2 =	vand.u32 $0x7, v2;
	v3 =	vand.u32 $0xFFFFFFE0, v3  }
0x1c2: {  	v2 =	vor.u32 v2, v3  }
0x1c3: {  	v2 =	vperm.xlane v2, v0;
	_ =	sdelay $0x1  }
0x1c4: {  	v2 =	vadd.s32 v1, v2;
	_ =	sdelay $0x4  }
0x1c5: {  	[tilespmem:s31], [sflag:$0x2] =	stream.indirect_vreg.gather [hbm4b:s3+s25], $0x80, v2, vm0, $0xb8;
	[tilespmem:$0x1F300] =	vst v63  }
0x1c6: {  	_ = 	snop  }
0x1c7: {  	[tilespmem:s0], [sflag:$0x2] =	stream.indirect_vreg.gather [hbm4b:s13+s25], $0x80, v2, vm0, $0xb8;
	[tilespmem:$0x1F300] =	vst v63  }
0x1c8: {  	v2 =	vld.msk [tilespmem:s16+$0x108], $0xff;
	_ =	sdelay $0x4  }
0x1c9: {  	v3 =	vshll.u32 v2, $0x2  }
0x1ca: {  	v2 =	vand.u32 $0x7, v2;
	v3 =	vand.u32 $0xFFFFFFE0, v3  }
0x1cb: {  	v2 =	vor.u32 v2, v3  }
0x1cc: {  	v2 =	vperm.xlane v2, v0;
	_ =	sdelay $0x1  }
0x1cd: {  	v2 =	vadd.s32 v1, v2;
	_ =	sdelay $0x4  }
0x1ce: {  	[tilespmem:s2], [sflag:$0x2] =	stream.indirect_vreg.gather [hbm4b:s3+s25], $0x80, v2, vm0, $0xb8;
	[tilespmem:$0x1F300] =	vst v63  }
0x1cf: {  	_ = 	snop  }
0x1d0: {  	[tilespmem:s6], [sflag:$0x2] =	stream.indirect_vreg.gather [hbm4b:s13+s25], $0x80, v2, vm0, $0xb8;
	[tilespmem:$0x1F300] =	vst v63  }
0x1d1: {  	v2 =	vld.msk [tilespmem:s16+$0x208], $0xff;
	_ =	sdelay $0x4  }
0x1d2: {  	v3 =	vshll.u32 v2, $0x2  }
0x1d3: {  	v2 =	vand.u32 $0x7, v2;
	v3 =	vand.u32 $0xFFFFFFE0, v3  }
0x1d4: {  	v2 =	vor.u32 v2, v3  }
0x1d5: {  	v2 =	vperm.xlane v2, v0;
	_ =	sdelay $0x1  }
0x1d6: {  	v2 =	vadd.s32 v1, v2;
	_ =	sdelay $0x4  }
0x1d7: {  	[tilespmem:s7], [sflag:$0x2] =	stream.indirect_vreg.gather [hbm4b:s3+s25], $0x80, v2, vm0, $0xb8;
	[tilespmem:$0x1F300] =	vst v63  }
0x1d8: {  	_ = 	snop  }
0x1d9: {  	[tilespmem:s22], [sflag:$0x2] =	stream.indirect_vreg.gather [hbm4b:s13+s25], $0x80, v2, vm0, $0xb8;
	[tilespmem:$0x1F300] =	vst v63  }
0x1da: {  	_ =	swait.ge [sflag:s8], $0x1000  }
0x1db: {  	[sflag:s8] =	ssyncset.done $0x0  }
0x1dc: {  	[sflag:s8] =	ssyncadd.s32 $0xFFFFF000  }
0x1dd: {  	_ =	swait.ge [sflag:s8], $0x1000  }
0x1de: {  	[sflag:s8] =	ssyncset.done $0x0  }
0x1df: {  	v2 =	vmov s10;
	[sflag:s8] =	ssyncadd.s32 $0xFFFFF000  }
0x1e0: {  	v3 =	vmov s26;
	_ =	swait.ge [sflag:s8], $0x1000  }
0x1e1: {  	v4 =	vmov s28;
	[sflag:s8] =	ssyncset.done $0x0  }
0x1e2: {  	s17 =	simm.s32 $0x0;
	[sflag:s8] =	ssyncadd.s32 $0xFFFFF000  }
.LBB2_9:
0x1e3: {  	s18 =	sshra.s32 s17, $0x2  }
0x1e4: {  	v7 =	vld.idx.msk [tilespmem:v2+s18+$0x0 ss:$0x1], $0xffff  }
0x1e5: {  	v6 =	vld.idx.msk [tilespmem:v3+s18+$0x0 ss:$0x1], $0xffff  }
0x1e6: {  	v5 =	vld.idx.msk [tilespmem:v4+s18+$0x0 ss:$0x1], $0xffff  }
0x1e7: {  	v8 =	vld [tilespmem:s18+$0x18300]  }
0x1e8: {  	v9 =	vld [tilespmem:s18+$0x19300]  }
0x1e9: {  	v10 =	vld [tilespmem:s18+$0x1A300]  }
0x1ea: {  	v11 =	vld [tilespmem:s18+$0x18310]  }
0x1eb: {  	v12 =	vld [tilespmem:s18+$0x19310]  }
0x1ec: {  	v13 =	vld [tilespmem:s18+$0x1A310]  }
0x1ed: {  	v14 =	vld [tilespmem:s18+$0x18320]  }
0x1ee: {  	v15 =	vld [tilespmem:s18+$0x19320]  }
0x1ef: {  	v16 =	vld [tilespmem:s18+$0x1A320]  }
0x1f0: {  	v17 =	vld [tilespmem:s18+$0x18330]  }
0x1f1: {  	v18 =	vld [tilespmem:s18+$0x19330]  }
0x1f2: {  	v19 =	vld [tilespmem:s18+$0x1A330]  }
0x1f3: {  	v20 =	vld [tilespmem:s18+$0x18340]  }
0x1f4: {  	v21 =	vld [tilespmem:s18+$0x19340]  }
0x1f5: {  	v22 =	vld [tilespmem:s18+$0x1A340]  }
0x1f6: {  	v23 =	vld [tilespmem:s18+$0x18350]  }
0x1f7: {  	v24 =	vld [tilespmem:s18+$0x19350]  }
0x1f8: {  	v25 =	vld [tilespmem:s18+$0x1A350]  }
0x1f9: {  	v26 =	vld [tilespmem:s18+$0x18360]  }
0x1fa: {  	v27 =	vld [tilespmem:s18+$0x19360]  }
0x1fb: {  	v28 =	vld [tilespmem:s18+$0x1A360]  }
0x1fc: {  	v29 =	vld [tilespmem:s18+$0x18370]  }
0x1fd: {  	v30 =	vld [tilespmem:s18+$0x19370]  }
0x1fe: {  	v31 =	vld [tilespmem:s18+$0x1A370]  }
0x1ff: {  	v32 =	vld [tilespmem:s18+$0x18700]  }
0x200: {  	v33 =	vld [tilespmem:s18+$0x19700]  }
0x201: {  	v34 =	vld [tilespmem:s18+$0x1A700]  }
0x202: {  	v35 =	vld [tilespmem:s18+$0x18710]  }
0x203: {  	v36 =	vld [tilespmem:s18+$0x19710]  }
0x204: {  	v37 =	vld [tilespmem:s18+$0x1A710]  }
0x205: {  	v38 =	vld [tilespmem:s18+$0x18720]  }
0x206: {  	v39 =	vld [tilespmem:s18+$0x19720]  }
0x207: {  	v40 =	vld [tilespmem:s18+$0x1A720]  }
0x208: {  	v41 =	vld [tilespmem:s18+$0x18730]  }
0x209: {  	v42 =	vld [tilespmem:s18+$0x19730]  }
0x20a: {  	v43 =	vld [tilespmem:s18+$0x1A730]  }
0x20b: {  	v44 =	vld [tilespmem:s18+$0x18740]  }
0x20c: {  	v45 =	vld [tilespmem:s18+$0x19740]  }
0x20d: {  	v46 =	vld [tilespmem:s18+$0x1A740]  }
0x20e: {  	v47 =	vld [tilespmem:s18+$0x18750]  }
0x20f: {  	v48 =	vld [tilespmem:s18+$0x19750]  }
0x210: {  	v49 =	vld [tilespmem:s18+$0x1A750]  }
0x211: {  	v50 =	vld [tilespmem:s18+$0x18760]  }
0x212: {  	v51 =	vld [tilespmem:s18+$0x19760]  }
0x213: {  	v52 =	vld [tilespmem:s18+$0x1A760]  }
0x214: {  	v53 =	vld [tilespmem:s18+$0x18770];
	v8 =	vmul.f32 v8, v7;
	v9 =	vmul.f32 v9, v6  }
0x215: {  	v54 =	vld [tilespmem:s18+$0x19770];
	v11 =	vmul.f32 v11, v7;
	v12 =	vmul.f32 v12, v6  }
0x216: {  	v55 =	vld [tilespmem:s18+$0x1A770];
	v57 =	vmul.f32 v10, v5;
	v58 =	vmul.f32 v13, v5  }
0x217: {  	v56 =	vld [tilespmem:s18+$0x18B00];
	v59 =	vmul.f32 v14, v7;
	v60 =	vmul.f32 v15, v6  }
0x218: {  	v10 =	vld [tilespmem:s18+$0x19B00];
	v61 =	vmul.f32 v17, v7;
	v62 =	vmul.f32 v18, v6  }
0x219: {  	v13 =	vld [tilespmem:s18+$0x1AB00];
	v63 =	vmul.f32 v16, v5;
	v14 =	vmul.f32 v22, v5;
	v8 =	vadd.f32 v9, v8  }
0x21a: {  	v15 =	vld [tilespmem:s18+$0x18B10];
	v52 =	vmul.f32 v52, v5;
	v11 =	vadd.f32 v12, v11;
	v9 =	vadd.f32 v60, v59  }
0x21b: {  	v18 =	vld [tilespmem:s18+$0x19B10];
	v12 =	vadd.f32 v62, v61;
	v59 =	vmul.f32 v21, v6;
	v60 =	vmul.f32 v23, v7  }
0x21c: {  	v21 =	vld [tilespmem:s18+$0x18B20];
	v61 =	vmul.f32 v24, v6;
	v62 =	vmul.f32 v25, v5;
	v8 =	vadd.f32 v57, v8  }
0x21d: {  	v25 =	vld [tilespmem:s18+$0x1AB20];
	v11 =	vadd.f32 v58, v11;
	v57 =	vmul.f32 v19, v5;
	v58 =	vmul.f32 v20, v7  }
0x21e: {  	v23 =	vld [tilespmem:s18+$0x19B20];
	v9 =	vadd.f32 v63, v9;
	v63 =	vmul.f32 v26, v7;
	v16 =	vadd.f32 v61, v60  }
0x21f: {  	v19 =	vld [tilespmem:s18+$0x1AB10];
	v61 =	vmul.f32 v28, v5;
	v10 =	vmul.f32 v10, v6;
	v12 =	vadd.f32 v57, v12  }
0x220: {  	v26 =	vld [tilespmem:s18+$0x1AB30];
	v17 =	vadd.f32 v59, v58;
	v57 =	vmul.f32 v27, v6;
	v58 =	vmul.f32 v29, v7  }
0x221: {  	v28 =	vld [tilespmem:s18+$0x18B40];
	v59 =	vmul.f32 v30, v6;
	v16 =	vadd.f32 v62, v16;
	v62 =	vmul.f32 v31, v5  }
0x222: {  	v27 =	vld [tilespmem:s18+$0x18B30];
	v29 =	vmul.f32 v40, v5;
	v25 =	vmul.f32 v25, v5  }
0x223: {  	v30 =	vld [tilespmem:s18+$0x19B30];
	v14 =	vadd.f32 v14, v17;
	v60 =	vadd.f32 v57, v63;
	v63 =	vmul.f32 v32, v7  }
0x224: {  	v31 =	vld [tilespmem:s18+$0x19B40];
	v22 =	vadd.f32 v59, v58;
	v57 =	vmul.f32 v33, v6;
	v58 =	vmul.f32 v35, v7  }
0x225: {  	v59 =	vmul.f32 v36, v6;
	v33 =	vld [tilespmem:s18+$0x1AB40];
	v26 =	vmul.f32 v26, v5;
	v17 =	vadd.f32 v61, v60  }
0x226: {  	v35 =	vld [tilespmem:s18+$0x18B50];
	v22 =	vadd.f32 v62, v22;
	v60 =	vmul.f32 v34, v5;
	v61 =	vmul.f32 v37, v5  }
0x227: {  	v20 =	vadd.f32 v57, v63;
	v62 =	vmul.f32 v38, v7;
	v63 =	vmul.f32 v39, v6;
	v37 =	vld [tilespmem:s18+$0x19B50]  }
0x228: {  	v24 =	vadd.f32 v59, v58;
	v57 =	vmul.f32 v41, v7;
	v39 =	vld [tilespmem:s18+$0x1AB50];
	v58 =	vmul.f32 v42, v6  }
0x229: {  	v59 =	vmul.f32 v43, v5;
	v41 =	vld [tilespmem:s18+$0x18B60];
	v31 =	vmul.f32 v31, v6  }
0x22a: {  	v43 =	vld [tilespmem:s18+$0x19B60];
	v20 =	vadd.f32 v60, v20;
	v24 =	vadd.f32 v61, v24;
	v60 =	vmul.f32 v44, v7  }
0x22b: {  	v42 =	vld [tilespmem:s18+$0x18B70];
	v32 =	vadd.f32 v63, v62;
	v61 =	vmul.f32 v45, v6;
	v62 =	vmul.f32 v47, v7  }
0x22c: {  	v34 =	vadd.f32 v58, v57;
	v63 =	vmul.f32 v48, v6;
	v45 =	vld [tilespmem:s18+$0x1AB60];
	v57 =	vmul.f32 v46, v5  }
0x22d: {  	v58 =	vmul.f32 v49, v5;
	v44 =	vld [tilespmem:s18+$0x19B70];
	v35 =	vmul.f32 v35, v7;
	v48 =	vadd.f32 v61, v60  }
0x22e: {  	v47 =	vld [tilespmem:s18+$0x1AB70];
	v34 =	vadd.f32 v59, v34;
	v59 =	vmul.f32 v50, v7;
	v60 =	vmul.f32 v51, v6  }
0x22f: {  	v49 =	vld [tilespmem:s18+$0x18F00];
	v38 =	vadd.f32 v63, v62;
	v61 =	vmul.f32 v53, v7;
	v62 =	vmul.f32 v54, v6  }
0x230: {  	[tilespmem:s18+$0x1E360] =	vst v17;
	v17 =	vld [tilespmem:s18+$0x19F20];
	v53 =	vmul.f32 v55, v5;
	v55 =	vmul.f32 v56, v7  }
0x231: {  	[tilespmem:s18+$0x1E300] =	vst v8;
	v50 =	vld [tilespmem:s18+$0x19F00];
	v56 =	vmul.f32 v13, v5;
	v36 =	vmul.f32 v37, v6  }
0x232: {  	v29 =	vadd.f32 v29, v32;
	[tilespmem:s18+$0x1E710] =	vst v24;
	v24 =	vld [tilespmem:s18+$0x19F30];
	v37 =	vmul.f32 v33, v5;
	v40 =	vmul.f32 v39, v5  }
0x233: {  	[tilespmem:s18+$0x1E310] =	vst v11;
	v46 =	vmul.f32 v41, v7;
	v51 =	vmul.f32 v43, v6;
	v33 =	vld [tilespmem:s18+$0x1AF40];
	v32 =	vadd.f32 v57, v48  }
0x234: {  	[tilespmem:s18+$0x1E320] =	vst v9;
	v39 =	vld [tilespmem:s18+$0x18F60];
	v38 =	vadd.f32 v58, v38;
	v63 =	vadd.f32 v60, v59;
	v57 =	vmul.f32 v15, v7  }
0x235: {  	[tilespmem:s18+$0x1E330] =	vst v12;
	v41 =	vld [tilespmem:s18+$0x18F70];
	v54 =	vadd.f32 v62, v61;
	v58 =	vmul.f32 v18, v6;
	v59 =	vmul.f32 v19, v5  }
0x236: {  	[tilespmem:s18+$0x1E350] =	vst v16;
	v48 =	vld [tilespmem:s18+$0x1AF00];
	v10 =	vadd.f32 v10, v55;
	v60 =	vmul.f32 v21, v7;
	v61 =	vmul.f32 v23, v6  }
0x237: {  	[tilespmem:s18+$0x1E340] =	vst v14;
	v15 =	vld [tilespmem:s18+$0x18F10];
	v62 =	vmul.f32 v27, v7;
	v16 =	vadd.f32 v36, v35;
	v8 =	vadd.f32 v52, v63  }
0x238: {  	[tilespmem:s18+$0x1E370] =	vst v22;
	v19 =	vld [tilespmem:s18+$0x19F10];
	v17 =	vmul.f32 v17, v6;
	v11 =	vadd.f32 v53, v54;
	v12 =	vadd.f32 v58, v57  }
0x239: {  	[tilespmem:s18+$0x1E700] =	vst v20;
	v23 =	vld [tilespmem:s18+$0x1AF10];
	v63 =	vmul.f32 v30, v6;
	v9 =	vadd.f32 v56, v10;
	v30 =	vmul.f32 v28, v7  }
0x23a: {  	v27 =	vld [tilespmem:s18+$0x18F20];
	[tilespmem:s18+$0x1E720] =	vst v29;
	v21 =	vadd.f32 v61, v60;
	v53 =	vmul.f32 v45, v5;
	v54 =	vmul.f32 v42, v7  }
0x23b: {  	v18 =	vld [tilespmem:s18+$0x1AF20];
	[tilespmem:s18+$0x1E730] =	vst v34;
	v56 =	vmul.f32 v44, v6;
	v57 =	vmul.f32 v47, v5;
	v58 =	vadd.f32 v51, v46  }
0x23c: {  	v55 =	vld [tilespmem:s18+$0x19F40];
	[tilespmem:s18+$0x1E740] =	vst v32;
	v16 =	vadd.f32 v40, v16;
	v60 =	vmul.f32 v50, v6;
	v12 =	vadd.f32 v59, v12  }
0x23d: {  	v52 =	vld [tilespmem:s18+$0x18F40];
	[tilespmem:s18+$0x1E750] =	vst v38;
	v43 =	vmul.f32 v24, v6;
	v13 =	vadd.f32 v63, v62;
	v10 =	vadd.f32 v25, v21  }
0x23e: {  	v61 =	vld [tilespmem:s18+$0x18F50];
	[tilespmem:s18+$0x1E760] =	vst v8;
	v59 =	vmul.f32 v49, v7;
	v8 =	vadd.f32 v53, v58;
	v53 =	vmul.f32 v39, v7  }
0x23f: {  	v44 =	vld [tilespmem:s18+$0x19F60];
	v14 =	vadd.f32 v31, v30;
	[tilespmem:s18+$0x1E770] =	vst v11;
	v58 =	vmul.f32 v33, v5;
	v15 =	vmul.f32 v15, v7  }
0x240: {  	v47 =	vld [tilespmem:s18+$0x19F70];
	v62 =	vadd.f32 v56, v54;
	[tilespmem:s18+$0x1EB00] =	vst v9;
	v19 =	vmul.f32 v19, v6;
	v35 =	vmul.f32 v48, v5  }
0x241: {  	v21 =	vld [tilespmem:s18+$0x18F30];
	v38 =	vmul.f32 v23, v5;
	v40 =	vmul.f32 v27, v7;
	[tilespmem:s18+$0x1EB50] =	vst v16;
	v13 =	vadd.f32 v26, v13  }
0x242: {  	v63 =	vld [tilespmem:s18+$0x19F50];
	v45 =	vmul.f32 v18, v5;
	v14 =	vadd.f32 v37, v14;
	v30 =	vadd.f32 v60, v59;
	[tilespmem:s18+$0x1EB10] =	vst v12  }
0x243: {  	v50 =	vld [tilespmem:s18+$0x1AF60];
	v49 =	vmul.f32 v55, v6;
	v11 =	vadd.f32 v57, v62;
	[tilespmem:s18+$0x1EB20] =	vst v10;
	v37 =	vadd.f32 v19, v15  }
0x244: {  	v26 =	vld [tilespmem:s18+$0x1AF30];
	[tilespmem:s18+$0x1EB60] =	vst v8;
	v10 =	vadd.f32 v17, v40;
	v48 =	vmul.f32 v52, v7;
	v52 =	vmul.f32 v61, v7  }
0x245: {  	v36 =	vld [tilespmem:s18+$0x1AF50];
	v59 =	vmul.f32 v44, v6;
	v9 =	vadd.f32 v35, v30;
	[tilespmem:s18+$0x1EB30] =	vst v13;
	v12 =	vadd.f32 v38, v37  }
0x246: {  	v54 =	vld [tilespmem:s18+$0x1AF70];
	[tilespmem:s18+$0x1EB40] =	vst v14;
	v42 =	vmul.f32 v21, v7;
	v51 =	vadd.f32 v45, v10;
	v7 =	vmul.f32 v41, v7  }
0x247: {  	[tilespmem:s18+$0x1EB70] =	vst v11;
	v56 =	vmul.f32 v63, v6;
	v57 =	vadd.f32 v49, v48;
	v6 =	vmul.f32 v47, v6  }
0x248: {  	v62 =	vadd.f32 v59, v53;
	v63 =	vmul.f32 v50, v5;
	[tilespmem:s18+$0x1EF00] =	vst v9;
	v13 =	vadd.f32 v43, v42  }
0x249: {  	v46 =	vmul.f32 v26, v5;
	[tilespmem:s18+$0x1EF10] =	vst v12;
	v10 =	vadd.f32 v56, v52;
	v61 =	vadd.f32 v58, v57  }
0x24a: {  	p0 =	sne.s32 s17, $0xE00;
	v60 =	vmul.f32 v36, v5;
	[tilespmem:s18+$0x1EF20] =	vst v51;
	v6 =	vadd.f32 v6, v7;
	v7 =	vadd.f32 v63, v62  }
.Ltmp3:
0x24b: {  	v5 =	vmul.f32 v54, v5;
	v55 =	vadd.f32 v46, v13;
	[tilespmem:s18+$0x1EF40] =	vst v61;
	(pc) =	sbr.rel @p0 .LBB2_9-.Ltmp3, $4  }
0x24c: {  	v10 =	vadd.f32 v60, v10;
	[tilespmem:s18+$0x1EF60] =	vst v7  }
0x24d: {  	v5 =	vadd.f32 v5, v6;
	[tilespmem:s18+$0x1EF30] =	vst v55  }
0x24e: {  	[tilespmem:s18+$0x1EF50] =	vst v10  }
0x24f: {  	s17 =	sadd.s32 $0x200, s17;
	[tilespmem:s18+$0x1EF70] =	vst v5  }
0x250: {  	s17 =	sadd.s32 s11, s16  }
0x251: {  	s17 =	sshll.u32 s17, $0x6  }
0x252: {  	s17 =	sadd.s32 s4, s17  }
0x253: {  	[hbm4b:s17+s1] =	stream.linear.scatter [tilespmem:s23], [sflag:$0x3], $0x1000, $0x38;
	[tilespmem:$0x1F300] =	vst v63  }
0x254: {  	_ =	swait.ge [sflag:s21], $0x1000  }
0x255: {  	[sflag:s21] =	ssyncset.done $0x0  }
0x256: {  	p0 =	seq.s32 s14, $0xF;
	[sflag:s21] =	ssyncadd.s32 $0xFFFFF000  }
0x257: {  	v2 =	vld.msk @!p0 [tilespmem:s16+$0x10], $0xff;
	_ =	sdelay $0x4  }
0x258: {  	v3 =	vshll.u32 @!p0 v2, $0x2  }
0x259: {  	v4 =	vlaneseq.u32 @!p0;
	v2 =	vand.u32 @!p0 $0x7, v2;
	v3 =	vand.u32 @!p0 $0xFFFFFFE0, v3  }
0x25a: {  	v2 =	vor.u32 @!p0 v2, v3;
	v3 =	vand.u32 @!p0 $0x7, v4;
	v4 =	vshrl.u32 @!p0 v4, $0x3  }
0x25b: {  	v2 =	vperm.xlane @!p0 v2, v3;
	v4 =	vmul.u32 @!p0 $0x8, v4;
	_ =	sdelay $0x1  }
0x25c: {  	v2 =	vadd.s32 @!p0 v4, v2;
	_ =	sdelay $0x3  }
0x25d: {  	vm1 =	vmmov @!p0 $0xffff;
	s18 =	simm.s32 @!p0 $0x18300;
	s17 =	simm.s32 @!p0 $0x0  }
0x25e: {  	[tilespmem:s18], [sflag:$0x1] =	stream.indirect_vreg.gather @!p0 [hbm4b:s3+s17], $0x80, v2, vm1, $0xb8;
	[tilespmem:$0x1F300] =	vst v63  }
0x25f: {  	s18 =	simm.s32 @!p0 $0x18B00  }
0x260: {  	[tilespmem:s18], [sflag:$0x1] =	stream.indirect_vreg.gather @!p0 [hbm4b:s13+s17], $0x80, v2, vm1, $0xb8;
	[tilespmem:$0x1F300] =	vst v63  }
0x261: {  	v2 =	vld.msk @!p0 [tilespmem:s16+$0x110], $0xff;
	_ =	sdelay $0x4  }
0x262: {  	v5 =	vshll.u32 @!p0 v2, $0x2  }
0x263: {  	v2 =	vand.u32 @!p0 $0x7, v2;
	v5 =	vand.u32 @!p0 $0xFFFFFFE0, v5  }
0x264: {  	v2 =	vor.u32 @!p0 v2, v5  }
0x265: {  	v2 =	vperm.xlane @!p0 v2, v3;
	_ =	sdelay $0x1  }
0x266: {  	v2 =	vadd.s32 @!p0 v4, v2;
	_ =	sdelay $0x3  }
0x267: {  	s18 =	simm.s32 @!p0 $0x19300  }
0x268: {  	[tilespmem:s18], [sflag:$0x1] =	stream.indirect_vreg.gather @!p0 [hbm4b:s3+s17], $0x80, v2, vm1, $0xb8;
	[tilespmem:$0x1F300] =	vst v63  }
0x269: {  	s18 =	simm.s32 @!p0 $0x19B00  }
0x26a: {  	[tilespmem:s18], [sflag:$0x1] =	stream.indirect_vreg.gather @!p0 [hbm4b:s13+s17], $0x80, v2, vm1, $0xb8;
	[tilespmem:$0x1F300] =	vst v63  }
0x26b: {  	v2 =	vld.msk @!p0 [tilespmem:s16+$0x210], $0xff;
	_ =	sdelay $0x4  }
0x26c: {  	v5 =	vshll.u32 @!p0 v2, $0x2  }
0x26d: {  	v2 =	vand.u32 @!p0 $0x7, v2;
	v5 =	vand.u32 @!p0 $0xFFFFFFE0, v5  }
0x26e: {  	v2 =	vor.u32 @!p0 v2, v5  }
0x26f: {  	v2 =	vperm.xlane @!p0 v2, v3;
	_ =	sdelay $0x1  }
0x270: {  	v2 =	vadd.s32 @!p0 v4, v2;
	_ =	sdelay $0x3  }
0x271: {  	s16 =	simm.s32 @!p0 $0x1A300  }
0x272: {  	[tilespmem:s16], [sflag:$0x1] =	stream.indirect_vreg.gather @!p0 [hbm4b:s3+s17], $0x80, v2, vm1, $0xb8;
	[tilespmem:$0x1F300] =	vst v63  }
0x273: {  	s16 =	simm.s32 @!p0 $0x1AB00  }
0x274: {  	[tilespmem:s16], [sflag:$0x1] =	stream.indirect_vreg.gather @!p0 [hbm4b:s13+s17], $0x80, v2, vm1, $0xb8;
	[tilespmem:$0x1F300] =	vst v63  }
0x275: {  	_ =	swait.ge [sflag:s9], $0x1000  }
0x276: {  	[sflag:s9] =	ssyncset.done $0x0  }
0x277: {  	[sflag:s9] =	ssyncadd.s32 $0xFFFFF000  }
0x278: {  	_ =	swait.ge [sflag:s9], $0x1000  }
0x279: {  	[sflag:s9] =	ssyncset.done $0x0  }
0x27a: {  	v2 =	vmov s30;
	[sflag:s9] =	ssyncadd.s32 $0xFFFFF000  }
0x27b: {  	v3 =	vmov s12;
	_ =	swait.ge [sflag:s9], $0x1000  }
0x27c: {  	v4 =	vmov s29;
	[sflag:s9] =	ssyncset.done $0x0  }
0x27d: {  	s16 =	simm.s32 $0x0;
	[sflag:s9] =	ssyncadd.s32 $0xFFFFF000  }
.LBB2_11:
0x27e: {  	s17 =	sshra.s32 s16, $0x2  }
0x27f: {  	v7 =	vld.idx.msk [tilespmem:v2+s17+$0x0 ss:$0x1], $0xffff  }
0x280: {  	v6 =	vld.idx.msk [tilespmem:v3+s17+$0x0 ss:$0x1], $0xffff  }
0x281: {  	v5 =	vld.idx.msk [tilespmem:v4+s17+$0x0 ss:$0x1], $0xffff  }
0x282: {  	v8 =	vld [tilespmem:s17+$0x1B300]  }
0x283: {  	v9 =	vld [tilespmem:s17+$0x1C300]  }
0x284: {  	v10 =	vld [tilespmem:s17+$0x1D300]  }
0x285: {  	v11 =	vld [tilespmem:s17+$0x1B310]  }
0x286: {  	v12 =	vld [tilespmem:s17+$0x1C310]  }
0x287: {  	v13 =	vld [tilespmem:s17+$0x1D310]  }
0x288: {  	v14 =	vld [tilespmem:s17+$0x1B320]  }
0x289: {  	v15 =	vld [tilespmem:s17+$0x1C320]  }
0x28a: {  	v16 =	vld [tilespmem:s17+$0x1D320]  }
0x28b: {  	v17 =	vld [tilespmem:s17+$0x1B330]  }
0x28c: {  	v18 =	vld [tilespmem:s17+$0x1C330]  }
0x28d: {  	v19 =	vld [tilespmem:s17+$0x1D330]  }
0x28e: {  	v20 =	vld [tilespmem:s17+$0x1B340]  }
0x28f: {  	v21 =	vld [tilespmem:s17+$0x1C340]  }
0x290: {  	v22 =	vld [tilespmem:s17+$0x1D340]  }
0x291: {  	v23 =	vld [tilespmem:s17+$0x1B350]  }
0x292: {  	v24 =	vld [tilespmem:s17+$0x1C350]  }
0x293: {  	v25 =	vld [tilespmem:s17+$0x1D350]  }
0x294: {  	v26 =	vld [tilespmem:s17+$0x1B360]  }
0x295: {  	v27 =	vld [tilespmem:s17+$0x1C360]  }
0x296: {  	v28 =	vld [tilespmem:s17+$0x1D360]  }
0x297: {  	v29 =	vld [tilespmem:s17+$0x1B370]  }
0x298: {  	v30 =	vld [tilespmem:s17+$0x1C370]  }
0x299: {  	v31 =	vld [tilespmem:s17+$0x1D370]  }
0x29a: {  	v32 =	vld [tilespmem:s17+$0x1B700]  }
0x29b: {  	v33 =	vld [tilespmem:s17+$0x1C700]  }
0x29c: {  	v34 =	vld [tilespmem:s17+$0x1D700]  }
0x29d: {  	v35 =	vld [tilespmem:s17+$0x1B710]  }
0x29e: {  	v36 =	vld [tilespmem:s17+$0x1C710]  }
0x29f: {  	v37 =	vld [tilespmem:s17+$0x1D710]  }
0x2a0: {  	v38 =	vld [tilespmem:s17+$0x1B720]  }
0x2a1: {  	v39 =	vld [tilespmem:s17+$0x1C720]  }
0x2a2: {  	v40 =	vld [tilespmem:s17+$0x1D720]  }
0x2a3: {  	v41 =	vld [tilespmem:s17+$0x1B730]  }
0x2a4: {  	v42 =	vld [tilespmem:s17+$0x1C730]  }
0x2a5: {  	v43 =	vld [tilespmem:s17+$0x1D730]  }
0x2a6: {  	v44 =	vld [tilespmem:s17+$0x1B740]  }
0x2a7: {  	v45 =	vld [tilespmem:s17+$0x1C740]  }
0x2a8: {  	v46 =	vld [tilespmem:s17+$0x1D740]  }
0x2a9: {  	v47 =	vld [tilespmem:s17+$0x1B750]  }
0x2aa: {  	v48 =	vld [tilespmem:s17+$0x1C750]  }
0x2ab: {  	v49 =	vld [tilespmem:s17+$0x1D750]  }
0x2ac: {  	v50 =	vld [tilespmem:s17+$0x1B760]  }
0x2ad: {  	v51 =	vld [tilespmem:s17+$0x1C760]  }
0x2ae: {  	v52 =	vld [tilespmem:s17+$0x1D760]  }
0x2af: {  	v53 =	vld [tilespmem:s17+$0x1B770];
	v8 =	vmul.f32 v8, v7;
	v9 =	vmul.f32 v9, v6  }
0x2b0: {  	v54 =	vld [tilespmem:s17+$0x1C770];
	v11 =	vmul.f32 v11, v7;
	v12 =	vmul.f32 v12, v6  }
0x2b1: {  	v55 =	vld [tilespmem:s17+$0x1D770];
	v57 =	vmul.f32 v10, v5;
	v58 =	vmul.f32 v13, v5  }
0x2b2: {  	v56 =	vld [tilespmem:s17+$0x1BB00];
	v59 =	vmul.f32 v14, v7;
	v60 =	vmul.f32 v15, v6  }
0x2b3: {  	v10 =	vld [tilespmem:s17+$0x1CB00];
	v61 =	vmul.f32 v17, v7;
	v62 =	vmul.f32 v18, v6  }
0x2b4: {  	v13 =	vld [tilespmem:s17+$0x1DB00];
	v63 =	vmul.f32 v16, v5;
	v14 =	vmul.f32 v22, v5;
	v8 =	vadd.f32 v9, v8  }
0x2b5: {  	v15 =	vld [tilespmem:s17+$0x1BB10];
	v52 =	vmul.f32 v52, v5;
	v11 =	vadd.f32 v12, v11;
	v9 =	vadd.f32 v60, v59  }
0x2b6: {  	v18 =	vld [tilespmem:s17+$0x1CB10];
	v12 =	vadd.f32 v62, v61;
	v59 =	vmul.f32 v21, v6;
	v60 =	vmul.f32 v23, v7  }
0x2b7: {  	v21 =	vld [tilespmem:s17+$0x1BB20];
	v61 =	vmul.f32 v24, v6;
	v62 =	vmul.f32 v25, v5;
	v8 =	vadd.f32 v57, v8  }
0x2b8: {  	v25 =	vld [tilespmem:s17+$0x1DB20];
	v11 =	vadd.f32 v58, v11;
	v57 =	vmul.f32 v19, v5;
	v58 =	vmul.f32 v20, v7  }
0x2b9: {  	v23 =	vld [tilespmem:s17+$0x1CB20];
	v9 =	vadd.f32 v63, v9;
	v63 =	vmul.f32 v26, v7;
	v16 =	vadd.f32 v61, v60  }
0x2ba: {  	v19 =	vld [tilespmem:s17+$0x1DB10];
	v61 =	vmul.f32 v28, v5;
	v10 =	vmul.f32 v10, v6;
	v12 =	vadd.f32 v57, v12  }
0x2bb: {  	v26 =	vld [tilespmem:s17+$0x1DB30];
	v17 =	vadd.f32 v59, v58;
	v57 =	vmul.f32 v27, v6;
	v58 =	vmul.f32 v29, v7  }
0x2bc: {  	v28 =	vld [tilespmem:s17+$0x1BB40];
	v59 =	vmul.f32 v30, v6;
	v16 =	vadd.f32 v62, v16;
	v62 =	vmul.f32 v31, v5  }
0x2bd: {  	v27 =	vld [tilespmem:s17+$0x1BB30];
	v29 =	vmul.f32 v40, v5;
	v25 =	vmul.f32 v25, v5  }
0x2be: {  	v30 =	vld [tilespmem:s17+$0x1CB30];
	v14 =	vadd.f32 v14, v17;
	v60 =	vadd.f32 v57, v63;
	v63 =	vmul.f32 v32, v7  }
0x2bf: {  	v31 =	vld [tilespmem:s17+$0x1CB40];
	v22 =	vadd.f32 v59, v58;
	v57 =	vmul.f32 v33, v6;
	v58 =	vmul.f32 v35, v7  }
0x2c0: {  	v59 =	vmul.f32 v36, v6;
	v33 =	vld [tilespmem:s17+$0x1DB40];
	v26 =	vmul.f32 v26, v5;
	v17 =	vadd.f32 v61, v60  }
0x2c1: {  	v35 =	vld [tilespmem:s17+$0x1BB50];
	v22 =	vadd.f32 v62, v22;
	v60 =	vmul.f32 v34, v5;
	v61 =	vmul.f32 v37, v5  }
0x2c2: {  	v20 =	vadd.f32 v57, v63;
	v62 =	vmul.f32 v38, v7;
	v63 =	vmul.f32 v39, v6;
	v37 =	vld [tilespmem:s17+$0x1CB50]  }
0x2c3: {  	v24 =	vadd.f32 v59, v58;
	v57 =	vmul.f32 v41, v7;
	v39 =	vld [tilespmem:s17+$0x1DB50];
	v58 =	vmul.f32 v42, v6  }
0x2c4: {  	v59 =	vmul.f32 v43, v5;
	v41 =	vld [tilespmem:s17+$0x1BB60];
	v31 =	vmul.f32 v31, v6  }
0x2c5: {  	v43 =	vld [tilespmem:s17+$0x1CB60];
	v20 =	vadd.f32 v60, v20;
	v24 =	vadd.f32 v61, v24;
	v60 =	vmul.f32 v44, v7  }
0x2c6: {  	v42 =	vld [tilespmem:s17+$0x1BB70];
	v32 =	vadd.f32 v63, v62;
	v61 =	vmul.f32 v45, v6;
	v62 =	vmul.f32 v47, v7  }
0x2c7: {  	v34 =	vadd.f32 v58, v57;
	v63 =	vmul.f32 v48, v6;
	v45 =	vld [tilespmem:s17+$0x1DB60];
	v57 =	vmul.f32 v46, v5  }
0x2c8: {  	v58 =	vmul.f32 v49, v5;
	v44 =	vld [tilespmem:s17+$0x1CB70];
	v35 =	vmul.f32 v35, v7;
	v48 =	vadd.f32 v61, v60  }
0x2c9: {  	v47 =	vld [tilespmem:s17+$0x1DB70];
	v34 =	vadd.f32 v59, v34;
	v59 =	vmul.f32 v50, v7;
	v60 =	vmul.f32 v51, v6  }
0x2ca: {  	v49 =	vld [tilespmem:s17+$0x1BF00];
	v38 =	vadd.f32 v63, v62;
	v61 =	vmul.f32 v53, v7;
	v62 =	vmul.f32 v54, v6  }
0x2cb: {  	[tilespmem:s17+$0x1E360] =	vst v17;
	v17 =	vld [tilespmem:s17+$0x1CF20];
	v53 =	vmul.f32 v55, v5;
	v55 =	vmul.f32 v56, v7  }
0x2cc: {  	[tilespmem:s17+$0x1E300] =	vst v8;
	v50 =	vld [tilespmem:s17+$0x1CF00];
	v56 =	vmul.f32 v13, v5;
	v36 =	vmul.f32 v37, v6  }
0x2cd: {  	v29 =	vadd.f32 v29, v32;
	[tilespmem:s17+$0x1E710] =	vst v24;
	v24 =	vld [tilespmem:s17+$0x1CF30];
	v37 =	vmul.f32 v33, v5;
	v40 =	vmul.f32 v39, v5  }
0x2ce: {  	[tilespmem:s17+$0x1E310] =	vst v11;
	v46 =	vmul.f32 v41, v7;
	v51 =	vmul.f32 v43, v6;
	v33 =	vld [tilespmem:s17+$0x1DF40];
	v32 =	vadd.f32 v57, v48  }
0x2cf: {  	[tilespmem:s17+$0x1E320] =	vst v9;
	v39 =	vld [tilespmem:s17+$0x1BF60];
	v38 =	vadd.f32 v58, v38;
	v63 =	vadd.f32 v60, v59;
	v57 =	vmul.f32 v15, v7  }
0x2d0: {  	[tilespmem:s17+$0x1E330] =	vst v12;
	v41 =	vld [tilespmem:s17+$0x1BF70];
	v54 =	vadd.f32 v62, v61;
	v58 =	vmul.f32 v18, v6;
	v59 =	vmul.f32 v19, v5  }
0x2d1: {  	[tilespmem:s17+$0x1E350] =	vst v16;
	v48 =	vld [tilespmem:s17+$0x1DF00];
	v10 =	vadd.f32 v10, v55;
	v60 =	vmul.f32 v21, v7;
	v61 =	vmul.f32 v23, v6  }
0x2d2: {  	[tilespmem:s17+$0x1E340] =	vst v14;
	v15 =	vld [tilespmem:s17+$0x1BF10];
	v62 =	vmul.f32 v27, v7;
	v16 =	vadd.f32 v36, v35;
	v8 =	vadd.f32 v52, v63  }
0x2d3: {  	[tilespmem:s17+$0x1E370] =	vst v22;
	v19 =	vld [tilespmem:s17+$0x1CF10];
	v17 =	vmul.f32 v17, v6;
	v11 =	vadd.f32 v53, v54;
	v12 =	vadd.f32 v58, v57  }
0x2d4: {  	[tilespmem:s17+$0x1E700] =	vst v20;
	v23 =	vld [tilespmem:s17+$0x1DF10];
	v63 =	vmul.f32 v30, v6;
	v9 =	vadd.f32 v56, v10;
	v30 =	vmul.f32 v28, v7  }
0x2d5: {  	v27 =	vld [tilespmem:s17+$0x1BF20];
	[tilespmem:s17+$0x1E720] =	vst v29;
	v21 =	vadd.f32 v61, v60;
	v53 =	vmul.f32 v45, v5;
	v54 =	vmul.f32 v42, v7  }
0x2d6: {  	v18 =	vld [tilespmem:s17+$0x1DF20];
	[tilespmem:s17+$0x1E730] =	vst v34;
	v56 =	vmul.f32 v44, v6;
	v57 =	vmul.f32 v47, v5;
	v58 =	vadd.f32 v51, v46  }
0x2d7: {  	v55 =	vld [tilespmem:s17+$0x1CF40];
	[tilespmem:s17+$0x1E740] =	vst v32;
	v16 =	vadd.f32 v40, v16;
	v60 =	vmul.f32 v50, v6;
	v12 =	vadd.f32 v59, v12  }
0x2d8: {  	v52 =	vld [tilespmem:s17+$0x1BF40];
	[tilespmem:s17+$0x1E750] =	vst v38;
	v43 =	vmul.f32 v24, v6;
	v13 =	vadd.f32 v63, v62;
	v10 =	vadd.f32 v25, v21  }
0x2d9: {  	v61 =	vld [tilespmem:s17+$0x1BF50];
	[tilespmem:s17+$0x1E760] =	vst v8;
	v59 =	vmul.f32 v49, v7;
	v8 =	vadd.f32 v53, v58;
	v53 =	vmul.f32 v39, v7  }
0x2da: {  	v44 =	vld [tilespmem:s17+$0x1CF60];
	v14 =	vadd.f32 v31, v30;
	[tilespmem:s17+$0x1E770] =	vst v11;
	v58 =	vmul.f32 v33, v5;
	v15 =	vmul.f32 v15, v7  }
0x2db: {  	v47 =	vld [tilespmem:s17+$0x1CF70];
	v62 =	vadd.f32 v56, v54;
	[tilespmem:s17+$0x1EB00] =	vst v9;
	v19 =	vmul.f32 v19, v6;
	v35 =	vmul.f32 v48, v5  }
0x2dc: {  	v21 =	vld [tilespmem:s17+$0x1BF30];
	v38 =	vmul.f32 v23, v5;
	v40 =	vmul.f32 v27, v7;
	[tilespmem:s17+$0x1EB50] =	vst v16;
	v13 =	vadd.f32 v26, v13  }
0x2dd: {  	v63 =	vld [tilespmem:s17+$0x1CF50];
	v45 =	vmul.f32 v18, v5;
	v14 =	vadd.f32 v37, v14;
	v30 =	vadd.f32 v60, v59;
	[tilespmem:s17+$0x1EB10] =	vst v12  }
0x2de: {  	v50 =	vld [tilespmem:s17+$0x1DF60];
	v49 =	vmul.f32 v55, v6;
	v11 =	vadd.f32 v57, v62;
	[tilespmem:s17+$0x1EB20] =	vst v10;
	v37 =	vadd.f32 v19, v15  }
0x2df: {  	v26 =	vld [tilespmem:s17+$0x1DF30];
	[tilespmem:s17+$0x1EB60] =	vst v8;
	v10 =	vadd.f32 v17, v40;
	v48 =	vmul.f32 v52, v7;
	v52 =	vmul.f32 v61, v7  }
0x2e0: {  	v36 =	vld [tilespmem:s17+$0x1DF50];
	v59 =	vmul.f32 v44, v6;
	v9 =	vadd.f32 v35, v30;
	[tilespmem:s17+$0x1EB30] =	vst v13;
	v12 =	vadd.f32 v38, v37  }
0x2e1: {  	v54 =	vld [tilespmem:s17+$0x1DF70];
	[tilespmem:s17+$0x1EB40] =	vst v14;
	v42 =	vmul.f32 v21, v7;
	v51 =	vadd.f32 v45, v10;
	v7 =	vmul.f32 v41, v7  }
0x2e2: {  	[tilespmem:s17+$0x1EB70] =	vst v11;
	v56 =	vmul.f32 v63, v6;
	v57 =	vadd.f32 v49, v48;
	v6 =	vmul.f32 v47, v6  }
0x2e3: {  	v62 =	vadd.f32 v59, v53;
	v63 =	vmul.f32 v50, v5;
	[tilespmem:s17+$0x1EF00] =	vst v9;
	v13 =	vadd.f32 v43, v42  }
0x2e4: {  	v46 =	vmul.f32 v26, v5;
	[tilespmem:s17+$0x1EF10] =	vst v12;
	v10 =	vadd.f32 v56, v52;
	v61 =	vadd.f32 v58, v57  }
0x2e5: {  	p0 =	sne.s32 s16, $0xE00;
	v60 =	vmul.f32 v36, v5;
	[tilespmem:s17+$0x1EF20] =	vst v51;
	v6 =	vadd.f32 v6, v7;
	v7 =	vadd.f32 v63, v62  }
.Ltmp4:
0x2e6: {  	v5 =	vmul.f32 v54, v5;
	v55 =	vadd.f32 v46, v13;
	[tilespmem:s17+$0x1EF40] =	vst v61;
	(pc) =	sbr.rel @p0 .LBB2_11-.Ltmp4, $4  }
0x2e7: {  	v10 =	vadd.f32 v60, v10;
	[tilespmem:s17+$0x1EF60] =	vst v7  }
0x2e8: {  	v5 =	vadd.f32 v5, v6;
	[tilespmem:s17+$0x1EF30] =	vst v55  }
0x2e9: {  	[tilespmem:s17+$0x1EF50] =	vst v10  }
0x2ea: {  	s16 =	sadd.s32 $0x200, s16;
	[tilespmem:s17+$0x1EF70] =	vst v5  }
0x2eb: {  	s15 =	sadd.s32 s11, s15;
	s14 =	sadd.s32 $0x1, s14  }
0x2ec: {  	s15 =	sshll.u32 s15, $0x6;
	p0 =	sne.s32 s14, $0x10  }
.Ltmp5:
0x2ed: {  	s15 =	sadd.s32 s4, s15;
	(pc) =	sbr.rel @p0 .LBB2_8-.Ltmp5, $4  }
0x2ee: {  	[hbm4b:s15+s1] =	stream.linear.scatter [tilespmem:s23], [sflag:$0x3], $0x1000, $0x38;
	[tilespmem:$0x1F300] =	vst v63  }
0x2ef: {  	s28 =	sadd.s32 $0x800, s28;
	s26 =	sadd.s32 $0x800, s26;
	_ =	swait.ge [sflag:s21], $0x1000  }
0x2f0: {  	s10 =	sadd.s32 $0x800, s10;
	s29 =	sadd.s32 $0x800, s29;
	[sflag:s21] =	ssyncset.done $0x0  }
0x2f1: {  	s12 =	sadd.s32 $0x800, s12;
	s30 =	sadd.s32 $0x800, s30;
	[sflag:s21] =	ssyncadd.s32 $0xFFFFF000  }
0x2f2: {  	s24 =	sadd.s32 $0x1, s24  }
0x2f3: {  	p0 =	sne.s32 s24, s20  }
.Ltmp6:
0x2f4: {  	_ = 	snop;
	(pc) =	sbr.rel @p0 .LBB2_1-.Ltmp6, $2  }
0x2f5: {  	_ =	sdelay $0x2  }
0x2f6: {  	s18 =	simm.s32 $0x100  }
0x2f7: {  	_ =	sfence.sel $0x180000  }
0x2f8: {  	[bflag:$0x0] =	sbarrier.arrive $0xFFFF  }
0x2f9: {  	_ =	strace $0x90000047  }
0x2fa: {  	s0 =	stileid.u32;
	[bflag:$0x2] =	sbarrier.arrive $0xFFFF  }
0x2fb: {  	p0 =	sne.s32 s0, $0x0;
	s0 =	rddreg [dreg:$0x1]  }
0x2fc: {  	s0 =	sadd.s32 @!p0 $0x100000, s0  }
0x2fd: {  	[sflag:s0] =	ssyncadd.tile.s32 @!p0 $0x1;
	_ =	shalt  }
.Lfunc_end2:
_tile_overlayer_lowered:
.L_overlay_start_2:
0x2fe: {  	(tag) =	ssettag $0x2  }
0x2ff: {  	s0 =	rddreg [dreg:$0x0];
	s2 =	stileid.u32  }
0x300: {  	s1 =	rddreg [dreg:$0x1];
	p0 =	sne.s32 s2, $0x0  }
0x301: {  	s3 =	rddreg [dreg:$0x2];
	[bflag:$0x3] =	sbarrier.arrive $0xFFFF;
	s2 =	simm.s32 @!p0 $0x1C03  }
0x302: {  	[timem:s3], [sflag:s2] =	dma.local @!p0 [hbm:s0], s1  }
0x303: {  	s0 =	simm.s32 @!p0 $0x3  }
0x304: {  	_ =	swait.ge @!p0 [sflag:s0], s1  }
0x305: {  	s1 =	ssub.s32 @!p0 $0x0, s1;
	[sflag:s0] =	ssyncset.done @!p0 $0x0  }
0x306: {  	[sflag:s0] =	ssyncadd.s32 @!p0 s1  }
0x307: {  	[bflag:$0x3] =	sbarrier.arrive $0xFFFF  }
0x308: {  	_ =	shalt  }

</sc_bundles>
